<compile_context>
chip_gen: v7x
topology: tpu7x:2x2x1
jax: 0.10.2.dev20260603
libtpu: 0.0.44.dev20260713+nightly
codegen_flags: <defaults>
</compile_context>

<pallas_src>
import functools

import jax
import jax.numpy as jnp
from jax import lax
from jax.experimental import pallas as pl
from jax.experimental.pallas import tpu as pltpu
from jax.experimental.pallas import tpu_sc as plsc

_F32 = jnp.float32
_NW = 32
_K = 128
_NBUF = 3


def _w(shape):
    nd = len(shape)
    return pl.BlockSpec(shape, lambda i, _nd=nd: (0,) * nd)


def _row(blk, d):
    return pl.BlockSpec((blk, d), lambda i: (i, 0))


def _tc_edge_enc(ea, V0, vb0, G0, g0, G1, g1):
    E = ea.shape[0]
    BLK = 2000
    def body(ear, V0r, vb0r, G0r, g0r, G1r, g1r, c0r, c1r):
        z = jnp.dot(ear[...], V0r[...], preferred_element_type=_F32) + vb0r[...]
        z = z * jax.nn.sigmoid(z)
        c0r[...] = jnp.dot(z, G0r[...], preferred_element_type=_F32) + g0r[...]
        c1r[...] = jnp.dot(z, G1r[...], preferred_element_type=_F32) + g1r[...]
    return pl.pallas_call(
        body,
        grid=(E // BLK,),
        in_specs=[_row(BLK, 4), _w((4, 32)), _w((1, 32)), _w((32, 32)),
                  _w((1, 32)), _w((32, 32)), _w((1, 32))],
        out_specs=[_row(BLK, 32), _row(BLK, 32)],
        out_shape=[jax.ShapeDtypeStruct((E, 32), _F32)] * 2,
    )(ea, V0, vb0, G0, g0, G1, g1)


def _tc_node_enc(x2, W0, b0, W1, b1, As, Ad):
    Nn = x2.shape[0]
    BLK = 2000
    def body(xr, W0r, b0r, W1r, b1r, Asr, Adr, hr, hsr, hdr):
        z = jnp.dot(xr[...], W0r[...], preferred_element_type=_F32) + b0r[...]
        z = z * jax.nn.sigmoid(z)
        h = jnp.dot(z, W1r[...], preferred_element_type=_F32) + b1r[...]
        hr[...] = h
        hsr[...] = jnp.dot(h, Asr[...], preferred_element_type=_F32)
        hdr[...] = jnp.dot(h, Adr[...], preferred_element_type=_F32)
    return pl.pallas_call(
        body,
        grid=(Nn // BLK,),
        in_specs=[_row(BLK, 16), _w((16, 32)), _w((1, 32)), _w((32, 32)),
                  _w((1, 32)), _w((32, 32)), _w((32, 32))],
        out_specs=[_row(BLK, 32)] * 3,
        out_shape=[jax.ShapeDtypeStruct((Nn, 32), _F32)] * 3,
    )(x2, W0, b0, W1, b1, As, Ad)


def _tc_cupdate(c1, t0, M):
    E = c1.shape[0]
    BLK = 2000
    def body(c1r, t0r, Mr, outr):
        outr[...] = c1r[...] + jnp.dot(t0r[...], Mr[...], preferred_element_type=_F32)
    return pl.pallas_call(
        body,
        grid=(E // BLK,),
        in_specs=[_row(BLK, 32), _row(BLK, 32), _w((32, 32))],
        out_specs=_row(BLK, 32),
        out_shape=jax.ShapeDtypeStruct((E, 32), _F32),
    )(c1, t0, M)


def _tc_node_update(h, Sa, Sb, dga, dgb, B, d, Ph, Pa, p, Q, q, As, Ad):
    Nn = h.shape[0]
    BLK = 2000
    def body(hr, Sar, Sbr, dgar, dgbr, Br, dr, Phr, Par, pr, Qr, qr, Asr, Adr,
             h1r, hsr, hdr):
        deg = dgar[:, 0:1] + dgbr[:, 0:1]
        agg = jnp.dot(Sar[...] + Sbr[...], Br[...], preferred_element_type=_F32) \
            + deg * dr[...]
        u = jnp.dot(hr[...], Phr[...], preferred_element_type=_F32) \
            + jnp.dot(agg, Par[...], preferred_element_type=_F32) + pr[...]
        u = u * jax.nn.sigmoid(u)
        h1 = hr[...] + jnp.dot(u, Qr[...], preferred_element_type=_F32) + qr[...]
        h1r[...] = h1
        hsr[...] = jnp.dot(h1, Asr[...], preferred_element_type=_F32)
        hdr[...] = jnp.dot(h1, Adr[...], preferred_element_type=_F32)
    return pl.pallas_call(
        body,
        grid=(Nn // BLK,),
        in_specs=[_row(BLK, 32), _row(BLK, 32), _row(BLK, 32), _row(BLK, 4),
                  _row(BLK, 4), _w((32, 32)), _w((1, 32)), _w((32, 32)),
                  _w((32, 32)), _w((1, 32)), _w((32, 32)), _w((1, 32)),
                  _w((32, 32)), _w((32, 32))],
        out_specs=[_row(BLK, 32)] * 3,
        out_shape=[jax.ShapeDtypeStruct((Nn, 32), _F32)] * 3,
    )(h, Sa, Sb, dga, dgb, B, d, Ph, Pa, p, Q, q, As, Ad)


def _tc_node_dec(h, Sa, Sb, dga, dgb, B, d, Ph, Pa, p, Q, q, D0, e0, D1, e1):
    Nn = h.shape[0]
    BLK = 2000
    def body(hr, Sar, Sbr, dgar, dgbr, Br, dr, Phr, Par, pr, Qr, qr,
             D0r, e0r, D1r, e1r, yr):
        deg = dgar[:, 0:1] + dgbr[:, 0:1]
        agg = jnp.dot(Sar[...] + Sbr[...], Br[...], preferred_element_type=_F32) \
            + deg * dr[...]
        u = jnp.dot(hr[...], Phr[...], preferred_element_type=_F32) \
            + jnp.dot(agg, Par[...], preferred_element_type=_F32) + pr[...]
        u = u * jax.nn.sigmoid(u)
        h2 = hr[...] + jnp.dot(u, Qr[...], preferred_element_type=_F32) + qr[...]
        z = jnp.dot(h2, D0r[...], preferred_element_type=_F32) + e0r[...]
        z = z * jax.nn.sigmoid(z)
        yr[...] = jnp.dot(z, D1r[...], preferred_element_type=_F32) + e1r[...]
    return pl.pallas_call(
        body,
        grid=(Nn // BLK,),
        in_specs=[_row(BLK, 32), _row(BLK, 32), _row(BLK, 32), _row(BLK, 4),
                  _row(BLK, 4), _w((32, 32)), _w((1, 32)), _w((32, 32)),
                  _w((32, 32)), _w((1, 32)), _w((32, 32)), _w((1, 32)),
                  _w((32, 32)), _w((1, 32)), _w((32, 16)), _w((1, 16))],
        out_specs=_row(BLK, 16),
        out_shape=jax.ShapeDtypeStruct((Nn, 16), _F32),
    )(h, Sa, Sb, dga, dgb, B, d, Ph, Pa, p, Q, q, D0, e0, D1, e1)


def _sc_gather_silu(hs, hd, src2, dst2, c):
    E = c.shape[0]
    KB = src2.shape[1]
    NB = E // KB
    NBT = src2.shape[0] // _NW
    mesh = plsc.VectorSubcoreMesh(core_axis_name="c", subcore_axis_name="s")

    @functools.partial(
        pl.kernel,
        mesh=mesh,
        compiler_params=pltpu.CompilerParams(use_tc_tiling_on_sc=False),
        out_type=jax.ShapeDtypeStruct((E, 32), _F32),
        scratch_types=(
            [pltpu.VMEM((NBT, KB), jnp.int32)] * 2
            + [pltpu.VMEM((KB, 32), _F32)] * (4 * _NBUF)
            + [pltpu.SemaphoreType.DMA] * (2 * _NBUF)
        ),
    )
    def k(hs_hbm, hd_hbm, src_hbm, dst_hbm, c_hbm, t_hbm, siAll, diAll, *rs):
        bS = rs[0:_NBUF]
        bD = rs[_NBUF:2 * _NBUF]
        bC = rs[2 * _NBUF:3 * _NBUF]
        bT = rs[3 * _NBUF:4 * _NBUF]
        gsem = rs[4 * _NBUF:5 * _NBUF]
        osem = rs[5 * _NBUF:6 * _NBUF]
        wid = lax.axis_index("s") * 2 + lax.axis_index("c")
        nb = jnp.minimum(NBT, NB - wid * NBT)
        ebase = wid * (NBT * KB)
        pltpu.sync_copy(src_hbm.at[pl.ds(wid * NBT, NBT)], siAll)
        pltpu.sync_copy(dst_hbm.at[pl.ds(wid * NBT, NBT)], diAll)

        def issue(j, s):
            @pl.when(j < nb)
            def _():
                pltpu.async_copy(hs_hbm.at[siAll.at[j]], bS[s], gsem[s])
                pltpu.async_copy(hd_hbm.at[diAll.at[j]], bD[s], gsem[s])
                pltpu.async_copy(c_hbm.at[pl.ds(ebase + j * KB, KB)], bC[s], gsem[s])

        def step(j, s):
            @pl.when(j < nb)
            def _():
                @pl.when(j >= _NBUF)
                def _w():
                    pltpu.make_async_copy(c_hbm.at[pl.ds(0, KB)], bT[s], osem[s]).wait()
                for dstb in (bS[s], bD[s], bC[s]):
                    pltpu.make_async_copy(c_hbm.at[pl.ds(0, KB)], dstb, gsem[s]).wait()

                def row(r, carry2):
                    for half in range(2):
                        sl = pl.ds(half * 16, 16)
                        v = bC[s][r, sl] + bS[s][r, sl] + bD[s][r, sl]
                        bT[s][r, sl] = v / (1.0 + jnp.exp(-v))
                    return carry2

                lax.fori_loop(0, KB, row, 0, unroll=4)
                pltpu.async_copy(bT[s], t_hbm.at[pl.ds(ebase + j * KB, KB)], osem[s])
                issue(j + _NBUF, s)

        for s in range(_NBUF):
            issue(s, s)

        def outer(g, carry):
            for s in range(_NBUF):
                step(g * _NBUF + s, s)
            return carry

        lax.fori_loop(0, -(-NBT // _NBUF), outer, 0)
        for s in range(_NBUF):
            pltpu.make_async_copy(c_hbm.at[pl.ds(0, KB)], bT[s], osem[s]).wait()

    return k(hs, hd, src2, dst2, c)


def _sc_scatter(t, dst2, z32):
    E = t.shape[0]
    Nn = z32.shape[0]
    KB = dst2.shape[1]
    NB = E // KB
    NBT = dst2.shape[0] // _NW
    mesh = plsc.VectorSubcoreMesh(core_axis_name="c", subcore_axis_name="s")

    @functools.partial(
        pl.kernel,
        mesh=mesh,
        compiler_params=pltpu.CompilerParams(use_tc_tiling_on_sc=False),
        out_type=jax.ShapeDtypeStruct((2, Nn, 32), _F32),
        scratch_types=(
            [pltpu.VMEM((KB,), jnp.int32)] * _NBUF
            + [pltpu.VMEM((KB, 32), _F32)] * _NBUF
            + [pltpu.VMEM_SHARED((Nn, 32), _F32)]
            + [pltpu.SemaphoreType.DMA] * _NBUF
        ),
    )
    def k(t_hbm, dst_hbm, z32_hbm, S_hbm, *rs):
        bI = rs[0:_NBUF]
        bT = rs[_NBUF:2 * _NBUF]
        table = rs[2 * _NBUF]
        tsem = rs[2 * _NBUF + 1:3 * _NBUF + 1]
        cid = lax.axis_index("c")
        sid = lax.axis_index("s")
        wid = sid * 2 + cid
        nb = jnp.minimum(NBT, NB - wid * NBT)
        ebase = wid * (NBT * KB)

        @pl.when(sid == 0)
        def _init():
            pltpu.sync_copy(z32_hbm, table)

        plsc.subcore_barrier()

        def issue(j, s):
            @pl.when(j < nb)
            def _():
                pltpu.async_copy(dst_hbm.at[wid * NBT + j], bI[s], tsem[s])
                pltpu.async_copy(t_hbm.at[pl.ds(ebase + j * KB, KB)], bT[s], tsem[s])

        def step(j, s):
            @pl.when(j < nb)
            def _():
                pltpu.make_async_copy(dst_hbm.at[0], bI[s], tsem[s]).wait()
                pltpu.make_async_copy(t_hbm.at[pl.ds(0, KB)], bT[s], tsem[s]).wait()
                pltpu.sync_copy(bT[s], table.at[bI[s]], add=True)
                issue(j + _NBUF, s)

        for s in range(_NBUF):
            issue(s, s)

        def outer(g, carry):
            for s in range(_NBUF):
                step(g * _NBUF + s, s)
            return carry

        lax.fori_loop(0, -(-NBT // _NBUF), outer, 0)
        plsc.subcore_barrier()

        @pl.when(sid == 0)
        def _out():
            pltpu.sync_copy(table, S_hbm.at[cid])

    return k(t, dst2, z32)


def _sc_degree(dst2, z4, o4, E):
    Nn = z4.shape[0]
    KB = dst2.shape[1]
    NB = E // KB
    NBT = dst2.shape[0] // _NW
    mesh = plsc.VectorSubcoreMesh(core_axis_name="c", subcore_axis_name="s")

    @functools.partial(
        pl.kernel,
        mesh=mesh,
        compiler_params=pltpu.CompilerParams(use_tc_tiling_on_sc=False),
        out_type=jax.ShapeDtypeStruct((2, Nn, 4), _F32),
        scratch_types=[
            pltpu.VMEM((NBT, KB), jnp.int32),
            pltpu.VMEM((KB, 4), _F32),
            pltpu.VMEM_SHARED((Nn, 4), _F32),
        ],
    )
    def k(dst_hbm, z4_hbm, o4_hbm, D_hbm, diAll, onev, degt):
        cid = lax.axis_index("c")
        sid = lax.axis_index("s")
        wid = sid * 2 + cid
        nb = jnp.minimum(NBT, NB - wid * NBT)

        @pl.when(sid == 0)
        def _init():
            pltpu.sync_copy(z4_hbm, degt)

        pltpu.sync_copy(o4_hbm, onev)
        pltpu.sync_copy(dst_hbm.at[pl.ds(wid * NBT, NBT)], diAll)
        plsc.subcore_barrier()

        def blk(j, carry):
            pltpu.sync_copy(onev, degt.at[diAll.at[j]], add=True)
            return carry

        lax.fori_loop(0, nb, blk, 0)
        plsc.subcore_barrier()

        @pl.when(sid == 0)
        def _out():
            pltpu.sync_copy(degt, D_hbm.at[cid])

    return k(dst2, z4, o4)


def kernel(x, edge_index, edge_attr, params):
    x2 = x[0]
    ea2 = edge_attr[0]
    src = edge_index[0]
    dst = edge_index[1]
    Nn = x2.shape[0]

    (W0, b0), (W1, b1) = params["enc_node"]
    (V0, vb0), (V1, vb1) = params["enc_edge"]
    (D0, e0), (D1, e1) = params["dec"]
    st = []
    for s in range(2):
        (A1, a1), (B1, d1) = params["steps"][s]["edge"]
        (P1, p1), (Q1, q1) = params["steps"][s]["node"]
        st.append(dict(Ae=A1[0:32], As=A1[32:64], Ad=A1[64:96], a=a1, B=B1,
                       d=d1, Ph=P1[0:32], Pa=P1[32:64], p=p1, Q=Q1, q=q1))

    r1 = lambda v: v.reshape(1, -1)
    mm = functools.partial(jnp.matmul)
    G0 = mm(V1, st[0]["Ae"])
    g0 = mm(vb1, st[0]["Ae"]) + st[0]["a"]
    G1 = mm(V1, st[1]["Ae"])
    g1 = mm(vb1 + st[0]["d"], st[1]["Ae"]) + st[1]["a"]
    M = mm(st[0]["B"], st[1]["Ae"])

    c0, c1 = _tc_edge_enc(ea2, V0, r1(vb0), G0, r1(g0), G1, r1(g1))
    h0, hs0, hd0 = _tc_node_enc(x2, W0, r1(b0), W1, r1(b1), st[0]["As"], st[0]["Ad"])

    z32 = jnp.zeros((Nn, 32), _F32)
    z4 = jnp.zeros((Nn, 4), _F32)

    KB = 128
    E = src.shape[0]
    NB = E // KB
    NBT = -(-NB // _NW)
    padlen = _NW * NBT * KB - E
    zpad = jnp.zeros((padlen,), jnp.int32)
    src2 = jnp.concatenate([src, zpad]).reshape(_NW * NBT, KB)
    dst2 = jnp.concatenate([dst, zpad]).reshape(_NW * NBT, KB)
    o4 = jnp.ones((KB, 4), _F32)

    Dp0 = _sc_degree(dst2, z4, o4, E)
    t0 = _sc_gather_silu(hs0, hd0, src2, dst2, c0)
    Sp0 = _sc_scatter(t0, dst2, z32)
    c1p = _tc_cupdate(c1, t0, M)
    h1, hs1, hd1 = _tc_node_update(
        h0, Sp0[0], Sp0[1], Dp0[0], Dp0[1], st[0]["B"], r1(st[0]["d"]),
        st[0]["Ph"], st[0]["Pa"], r1(st[0]["p"]), st[0]["Q"], r1(st[0]["q"]),
        st[1]["As"], st[1]["Ad"])

    t1 = _sc_gather_silu(hs1, hd1, src2, dst2, c1p)
    Sp1 = _sc_scatter(t1, dst2, z32)
    y = _tc_node_dec(
        h1, Sp1[0], Sp1[1], Dp0[0], Dp0[1], st[1]["B"], r1(st[1]["d"]),
        st[1]["Ph"], st[1]["Pa"], r1(st[1]["p"]), st[1]["Q"], r1(st[1]["q"]),
        D0, r1(e0), D1, r1(e1))
    return y[None]

# --- scband reference (transcript-rebuilt; emitter-appended) ---
"""Pipeline reference for scband-gnn-67697274520247 (READ-ONLY COPY).

The authoritative reference and input builder live on the scoring server;
editing this copy changes nothing except your own understanding.
"""

import jax, jax.numpy as jnp
import numpy as np

B = 1
N = 50000
E = 800000
IN_NODE = 16
IN_EDGE = 4
H = 32
OUT = 16
MLP_LAYERS = 2
MP_STEPS = 2


def _mlp_dims(num_layers, c_in, c_hidden, c_out):
    return [c_in] + [c_hidden] * (num_layers - 1) + [c_out]


def _init_mlp(key, dims):
    params = []
    keys = jax.random.split(key, len(dims) - 1)
    for k, fi, fo in zip(keys, dims[:-1], dims[1:]):
        W = jax.random.normal(k, (fi, fo), dtype=jnp.float32) * (1.0 / np.sqrt(fi))
        b = jnp.zeros((fo,), dtype=jnp.float32)
        params.append((W, b))
    return params


def _mlp_apply(params, x):
    n = len(params)
    for i, (W, b) in enumerate(params):
        x = x @ W + b
        if i < n - 1:
            x = jax.nn.silu(x)
    return x


def setup_inputs(seed: int = 0) -> dict:
    key = jax.random.key(seed)
    ks = jax.random.split(key, 6 + 2 * MP_STEPS)
    x = jax.random.normal(ks[0], (B, N, IN_NODE), dtype=jnp.float32)
    edge_index = jax.random.randint(ks[1], (2, E), 0, N, dtype=jnp.int32)
    edge_attr = jax.random.normal(ks[2], (B, E, IN_EDGE), dtype=jnp.float32)
    params = {
        "enc_node": _init_mlp(ks[3], _mlp_dims(MLP_LAYERS, IN_NODE, H, H)),
        "enc_edge": _init_mlp(ks[4], _mlp_dims(MLP_LAYERS, IN_EDGE, H, H)),
        "steps": [
            {
                "edge": _init_mlp(ks[6 + 2 * s], _mlp_dims(MLP_LAYERS, 3 * H, H, H)),
                "node": _init_mlp(ks[6 + 2 * s + 1], _mlp_dims(MLP_LAYERS, 2 * H, H, H)),
            }
            for s in range(MP_STEPS)
        ],
        "dec": _init_mlp(ks[5], _mlp_dims(MLP_LAYERS, H, H, OUT)),
    }
    return {"x": x, "edge_index": edge_index, "edge_attr": edge_attr, "params": params}


def reference(x, edge_index, edge_attr, params):
    h = _mlp_apply(params["enc_node"], x)
    ea = _mlp_apply(params["enc_edge"], edge_attr)
    src = edge_index[0]
    dst = edge_index[1]
    n_nodes = h.shape[1]
    for step in params["steps"]:
        # EdgeModel: cat([edge_attr, src_feat, dst_feat]) -> MLP
        e_in = jnp.concatenate([ea, h[:, src], h[:, dst]], axis=2)
        ea_res = _mlp_apply(step["edge"], e_in)
        # NodeModel: scatter_add over dst, cat([x, agg]) -> MLP
        agg = jax.vmap(lambda e: jax.ops.segment_sum(e, dst, num_segments=n_nodes))(ea_res)
        n_in = jnp.concatenate([h, agg], axis=2)
        h_res = _mlp_apply(step["node"], n_in)
        h = h + h_res
        ea = ea + ea_res
    return _mlp_apply(params["dec"], h)

if __name__ == "__main__":
    import jax
    _d = setup_inputs()
    print(jax.jit(kernel)(*tuple(_d.values())))

</pallas_src>

<mosaic_0001>
#map = affine_map<(d0, d1) -> (0, 0)>
module attributes {stable_mosaic.version = 14 : i64} {
  func.func @k(%arg0: i32, %arg1: i32, %arg2: memref<50000x32xf32, #tpu.memory_space<hbm>>, %arg3: memref<50000x32xf32, #tpu.memory_space<hbm>>, %arg4: memref<6272x128xi32, #tpu.memory_space<hbm>>, %arg5: memref<6272x128xi32, #tpu.memory_space<hbm>>, %arg6: memref<800000x32xf32, #tpu.memory_space<hbm>>, %arg7: memref<800000x32xf32, #tpu.memory_space<hbm>>, %arg8: memref<196x128xi32, #tpu.memory_space<vmem>>, %arg9: memref<196x128xi32, #tpu.memory_space<vmem>>, %arg10: memref<128x32xf32, #tpu.memory_space<vmem>>, %arg11: memref<128x32xf32, #tpu.memory_space<vmem>>, %arg12: memref<128x32xf32, #tpu.memory_space<vmem>>, %arg13: memref<128x32xf32, #tpu.memory_space<vmem>>, %arg14: memref<128x32xf32, #tpu.memory_space<vmem>>, %arg15: memref<128x32xf32, #tpu.memory_space<vmem>>, %arg16: memref<128x32xf32, #tpu.memory_space<vmem>>, %arg17: memref<128x32xf32, #tpu.memory_space<vmem>>, %arg18: memref<128x32xf32, #tpu.memory_space<vmem>>, %arg19: memref<128x32xf32, #tpu.memory_space<vmem>>, %arg20: memref<128x32xf32, #tpu.memory_space<vmem>>, %arg21: memref<128x32xf32, #tpu.memory_space<vmem>>, %arg22: memref<!tpu.dma_semaphore, #tpu.memory_space<semaphore_mem>>, %arg23: memref<!tpu.dma_semaphore, #tpu.memory_space<semaphore_mem>>, %arg24: memref<!tpu.dma_semaphore, #tpu.memory_space<semaphore_mem>>, %arg25: memref<!tpu.dma_semaphore, #tpu.memory_space<semaphore_mem>>, %arg26: memref<!tpu.dma_semaphore, #tpu.memory_space<semaphore_mem>>, %arg27: memref<!tpu.dma_semaphore, #tpu.memory_space<semaphore_mem>>) attributes {dimension_semantics = [#tpu.dimension_semantics<core_parallel>, #tpu.dimension_semantics<subcore_parallel>], iteration_bounds = array<i64: 2, 16>, scalar_prefetch = 0 : i64, scratch_operands = 20 : i64, tpu.core_type = #tpu.core_type<sc_vector_subcore>, window_params = [{transform_indices = #map}, {transform_indices = #map}, {transform_indices = #map}, {transform_indices = #map}, {transform_indices = #map}, {transform_indices = #map}]} {
    %mul3A = arith.constant 2 : i32
    %mul3A_0 = arith.muli %arg1, %mul3A : i32
    %add3A = arith.addi %mul3A_0, %arg0 : i32
    %mul3A_1 = arith.constant 196 : i32
    %mul3A_2 = arith.muli %add3A, %mul3A_1 : i32
    %sub3A = arith.constant 6250 : i32
    %sub3A_3 = arith.subi %sub3A, %mul3A_2 : i32
    %min3A = arith.constant 196 : i32
    %min3A_4 = arith.minsi %min3A, %sub3A_3 : i32
    %mul3A_5 = arith.constant 25088 : i32
    %mul3A_6 = arith.muli %add3A, %mul3A_5 : i32
    %mul3A_7 = arith.constant 196 : i32
    %mul3A_8 = arith.muli %add3A, %mul3A_7 : i32
    "tpu.region"() ({
      %run_scoped3A = tpu.sem_alloc : memref<!tpu.dma_semaphore, #tpu.memory_space<semaphore_mem>>
      %dma_start3A = arith.constant 0 : i32
      %dma_start3A_45 = tpu.memref_slice %arg4[%mul3A_8, %dma_start3A] : memref<6272x128xi32, #tpu.memory_space<hbm>> -> memref<196x128xi32, #tpu.memory_space<hbm>>
      %dma_start3A_46 = arith.constant 0 : i32
      %dma_start3A_47 = tpu.memref_slice %arg4[%mul3A_8, %dma_start3A_46] : memref<6272x128xi32, #tpu.memory_space<hbm>> -> memref<196x128xi32, #tpu.memory_space<hbm>>
      tpu.enqueue_dma source(%dma_start3A_47 : memref<196x128xi32, #tpu.memory_space<hbm>>) target(%arg8 : memref<196x128xi32, #tpu.memory_space<vmem>>) target_semaphore(%run_scoped3A : memref<!tpu.dma_semaphore, #tpu.memory_space<semaphore_mem>>)
      %dma_wait3A_48 = arith.constant 0 : i32
      %dma_wait3A_49 = tpu.memref_slice %arg4[%mul3A_8, %dma_wait3A_48] : memref<6272x128xi32, #tpu.memory_space<hbm>> -> memref<196x128xi32, #tpu.memory_space<hbm>>
      %dma_wait3A_50 = arith.constant 0 : i32
      %dma_wait3A_51 = tpu.memref_slice %arg4[%mul3A_8, %dma_wait3A_50] : memref<6272x128xi32, #tpu.memory_space<hbm>> -> memref<196x128xi32, #tpu.memory_space<hbm>>
      tpu.wait_dma2 semaphore(%run_scoped3A : memref<!tpu.dma_semaphore, #tpu.memory_space<semaphore_mem>>) src(%dma_wait3A_51 : memref<196x128xi32, #tpu.memory_space<hbm>>) dst(%arg8 : memref<196x128xi32, #tpu.memory_space<vmem>>)
      tpu.yield
    }) : () -> ()
    %mul3A_9 = arith.constant 196 : i32
    %mul3A_10 = arith.muli %add3A, %mul3A_9 : i32
    "tpu.region"() ({
      %run_scoped3A = tpu.sem_alloc : memref<!tpu.dma_semaphore, #tpu.memory_space<semaphore_mem>>
      %dma_start3A = arith.constant 0 : i32
      %dma_start3A_45 = tpu.memref_slice %arg5[%mul3A_10, %dma_start3A] : memref<6272x128xi32, #tpu.memory_space<hbm>> -> memref<196x128xi32, #tpu.memory_space<hbm>>
      %dma_start3A_46 = arith.constant 0 : i32
      %dma_start3A_47 = tpu.memref_slice %arg5[%mul3A_10, %dma_start3A_46] : memref<6272x128xi32, #tpu.memory_space<hbm>> -> memref<196x128xi32, #tpu.memory_space<hbm>>
      tpu.enqueue_dma source(%dma_start3A_47 : memref<196x128xi32, #tpu.memory_space<hbm>>) target(%arg9 : memref<196x128xi32, #tpu.memory_space<vmem>>) target_semaphore(%run_scoped3A : memref<!tpu.dma_semaphore, #tpu.memory_space<semaphore_mem>>)
      %dma_wait3A_48 = arith.constant 0 : i32
      %dma_wait3A_49 = tpu.memref_slice %arg5[%mul3A_10, %dma_wait3A_48] : memref<6272x128xi32, #tpu.memory_space<hbm>> -> memref<196x128xi32, #tpu.memory_space<hbm>>
      %dma_wait3A_50 = arith.constant 0 : i32
      %dma_wait3A_51 = tpu.memref_slice %arg5[%mul3A_10, %dma_wait3A_50] : memref<6272x128xi32, #tpu.memory_space<hbm>> -> memref<196x128xi32, #tpu.memory_space<hbm>>
      tpu.wait_dma2 semaphore(%run_scoped3A : memref<!tpu.dma_semaphore, #tpu.memory_space<semaphore_mem>>) src(%dma_wait3A_51 : memref<196x128xi32, #tpu.memory_space<hbm>>) dst(%arg9 : memref<196x128xi32, #tpu.memory_space<vmem>>)
      tpu.yield
    }) : () -> ()
    %gt3A = arith.constant 0 : i32
    %gt3A_11 = arith.cmpi sgt, %min3A_4, %gt3A : i32
    %convert_element_type3A = arith.extui %gt3A_11 : i1 to i32
    %cond3A = arith.constant 0 : i32
    %cond3A_12 = arith.cmpi ne, %convert_element_type3A, %cond3A : i32
    scf.if %cond3A_12 {
      %dma_start3A = arith.constant 0 : i32
      %dma_start3A_45 = arith.constant 0 : i32
      %dma_start3A_46 = tpu.memref_slice %arg8[%dma_start3A, %dma_start3A_45] : memref<196x128xi32, #tpu.memory_space<vmem>> -> memref<1x128xi32, #tpu.memory_space<vmem>>
      %dma_start3A_47 = tpu.memref_squeeze %dma_start3A_46 : memref<1x128xi32, #tpu.memory_space<vmem>> -> memref<128xi32, #tpu.memory_space<vmem>>
      %dma_start3A_48 = arith.constant 0 : i32
      %dma_start3A_49 = arith.constant 0 : i32
      %dma_start3A_50 = tpu.memref_slice %arg2[%dma_start3A_48, %dma_start3A_49] : memref<50000x32xf32, #tpu.memory_space<hbm>> -> memref<50000x32xf32, #tpu.memory_space<hbm>>
      tpu.enqueue_indirect_dma source(%dma_start3A_50 : memref<50000x32xf32, #tpu.memory_space<hbm>>) target(%arg10 : memref<128x32xf32, #tpu.memory_space<vmem>>) offsets(%dma_start3A_47 : memref<128xi32, #tpu.memory_space<vmem>>) semaphore(%arg22 : memref<!tpu.dma_semaphore, #tpu.memory_space<semaphore_mem>>)
      %dma_start3A_51 = arith.constant 0 : i32
      %dma_start3A_52 = arith.constant 0 : i32
      %dma_start3A_53 = tpu.memref_slice %arg9[%dma_start3A_51, %dma_start3A_52] : memref<196x128xi32, #tpu.memory_space<vmem>> -> memref<1x128xi32, #tpu.memory_space<vmem>>
      %dma_start3A_54 = tpu.memref_squeeze %dma_start3A_53 : memref<1x128xi32, #tpu.memory_space<vmem>> -> memref<128xi32, #tpu.memory_space<vmem>>
      %dma_start3A_55 = arith.constant 0 : i32
      %dma_start3A_56 = arith.constant 0 : i32
      %dma_start3A_57 = tpu.memref_slice %arg3[%dma_start3A_55, %dma_start3A_56] : memref<50000x32xf32, #tpu.memory_space<hbm>> -> memref<50000x32xf32, #tpu.memory_space<hbm>>
      tpu.enqueue_indirect_dma source(%dma_start3A_57 : memref<50000x32xf32, #tpu.memory_space<hbm>>) target(%arg13 : memref<128x32xf32, #tpu.memory_space<vmem>>) offsets(%dma_start3A_54 : memref<128xi32, #tpu.memory_space<vmem>>) semaphore(%arg22 : memref<!tpu.dma_semaphore, #tpu.memory_space<semaphore_mem>>)
      %add3A_58 = arith.constant 0 : i32
      %add3A_59 = arith.addi %mul3A_6, %add3A_58 : i32
      %dma_start3A_60 = arith.constant 0 : i32
      %dma_start3A_61 = tpu.memref_slice %arg6[%add3A_59, %dma_start3A_60] : memref<800000x32xf32, #tpu.memory_space<hbm>> -> memref<128x32xf32, #tpu.memory_space<hbm>>
      %dma_start3A_62 = arith.constant 0 : i32
      %dma_start3A_63 = tpu.memref_slice %arg6[%add3A_59, %dma_start3A_62] : memref<800000x32xf32, #tpu.memory_space<hbm>> -> memref<128x32xf32, #tpu.memory_space<hbm>>
      tpu.enqueue_dma source(%dma_start3A_63 : memref<128x32xf32, #tpu.memory_space<hbm>>) target(%arg16 : memref<128x32xf32, #tpu.memory_space<vmem>>) target_semaphore(%arg22 : memref<!tpu.dma_semaphore, #tpu.memory_space<semaphore_mem>>)
    } else {
    }
    %gt3A_13 = arith.constant 1 : i32
    %gt3A_14 = arith.cmpi sgt, %min3A_4, %gt3A_13 : i32
    %convert_element_type3A_15 = arith.extui %gt3A_14 : i1 to i32
    %cond3A_16 = arith.constant 0 : i32
    %cond3A_17 = arith.cmpi ne, %convert_element_type3A_15, %cond3A_16 : i32
    scf.if %cond3A_17 {
      %dma_start3A = arith.constant 1 : i32
      %dma_start3A_45 = arith.constant 0 : i32
      %dma_start3A_46 = tpu.memref_slice %arg8[%dma_start3A, %dma_start3A_45] : memref<196x128xi32, #tpu.memory_space<vmem>> -> memref<1x128xi32, #tpu.memory_space<vmem>>
      %dma_start3A_47 = tpu.memref_squeeze %dma_start3A_46 : memref<1x128xi32, #tpu.memory_space<vmem>> -> memref<128xi32, #tpu.memory_space<vmem>>
      %dma_start3A_48 = arith.constant 0 : i32
      %dma_start3A_49 = arith.constant 0 : i32
      %dma_start3A_50 = tpu.memref_slice %arg2[%dma_start3A_48, %dma_start3A_49] : memref<50000x32xf32, #tpu.memory_space<hbm>> -> memref<50000x32xf32, #tpu.memory_space<hbm>>
      tpu.enqueue_indirect_dma source(%dma_start3A_50 : memref<50000x32xf32, #tpu.memory_space<hbm>>) target(%arg11 : memref<128x32xf32, #tpu.memory_space<vmem>>) offsets(%dma_start3A_47 : memref<128xi32, #tpu.memory_space<vmem>>) semaphore(%arg23 : memref<!tpu.dma_semaphore, #tpu.memory_space<semaphore_mem>>)
      %dma_start3A_51 = arith.constant 1 : i32
      %dma_start3A_52 = arith.constant 0 : i32
      %dma_start3A_53 = tpu.memref_slice %arg9[%dma_start3A_51, %dma_start3A_52] : memref<196x128xi32, #tpu.memory_space<vmem>> -> memref<1x128xi32, #tpu.memory_space<vmem>>
      %dma_start3A_54 = tpu.memref_squeeze %dma_start3A_53 : memref<1x128xi32, #tpu.memory_space<vmem>> -> memref<128xi32, #tpu.memory_space<vmem>>
      %dma_start3A_55 = arith.constant 0 : i32
      %dma_start3A_56 = arith.constant 0 : i32
      %dma_start3A_57 = tpu.memref_slice %arg3[%dma_start3A_55, %dma_start3A_56] : memref<50000x32xf32, #tpu.memory_space<hbm>> -> memref<50000x32xf32, #tpu.memory_space<hbm>>
      tpu.enqueue_indirect_dma source(%dma_start3A_57 : memref<50000x32xf32, #tpu.memory_space<hbm>>) target(%arg14 : memref<128x32xf32, #tpu.memory_space<vmem>>) offsets(%dma_start3A_54 : memref<128xi32, #tpu.memory_space<vmem>>) semaphore(%arg23 : memref<!tpu.dma_semaphore, #tpu.memory_space<semaphore_mem>>)
      %add3A_58 = arith.constant 128 : i32
      %add3A_59 = arith.addi %mul3A_6, %add3A_58 : i32
      %dma_start3A_60 = arith.constant 0 : i32
      %dma_start3A_61 = tpu.memref_slice %arg6[%add3A_59, %dma_start3A_60] : memref<800000x32xf32, #tpu.memory_space<hbm>> -> memref<128x32xf32, #tpu.memory_space<hbm>>
      %dma_start3A_62 = arith.constant 0 : i32
      %dma_start3A_63 = tpu.memref_slice %arg6[%add3A_59, %dma_start3A_62] : memref<800000x32xf32, #tpu.memory_space<hbm>> -> memref<128x32xf32, #tpu.memory_space<hbm>>
      tpu.enqueue_dma source(%dma_start3A_63 : memref<128x32xf32, #tpu.memory_space<hbm>>) target(%arg17 : memref<128x32xf32, #tpu.memory_space<vmem>>) target_semaphore(%arg23 : memref<!tpu.dma_semaphore, #tpu.memory_space<semaphore_mem>>)
    } else {
    }
    %gt3A_18 = arith.constant 2 : i32
    %gt3A_19 = arith.cmpi sgt, %min3A_4, %gt3A_18 : i32
    %convert_element_type3A_20 = arith.extui %gt3A_19 : i1 to i32
    %cond3A_21 = arith.constant 0 : i32
    %cond3A_22 = arith.cmpi ne, %convert_element_type3A_20, %cond3A_21 : i32
    scf.if %cond3A_22 {
      %dma_start3A = arith.constant 2 : i32
      %dma_start3A_45 = arith.constant 0 : i32
      %dma_start3A_46 = tpu.memref_slice %arg8[%dma_start3A, %dma_start3A_45] : memref<196x128xi32, #tpu.memory_space<vmem>> -> memref<1x128xi32, #tpu.memory_space<vmem>>
      %dma_start3A_47 = tpu.memref_squeeze %dma_start3A_46 : memref<1x128xi32, #tpu.memory_space<vmem>> -> memref<128xi32, #tpu.memory_space<vmem>>
      %dma_start3A_48 = arith.constant 0 : i32
      %dma_start3A_49 = arith.constant 0 : i32
      %dma_start3A_50 = tpu.memref_slice %arg2[%dma_start3A_48, %dma_start3A_49] : memref<50000x32xf32, #tpu.memory_space<hbm>> -> memref<50000x32xf32, #tpu.memory_space<hbm>>
      tpu.enqueue_indirect_dma source(%dma_start3A_50 : memref<50000x32xf32, #tpu.memory_space<hbm>>) target(%arg12 : memref<128x32xf32, #tpu.memory_space<vmem>>) offsets(%dma_start3A_47 : memref<128xi32, #tpu.memory_space<vmem>>) semaphore(%arg24 : memref<!tpu.dma_semaphore, #tpu.memory_space<semaphore_mem>>)
      %dma_start3A_51 = arith.constant 2 : i32
      %dma_start3A_52 = arith.constant 0 : i32
      %dma_start3A_53 = tpu.memref_slice %arg9[%dma_start3A_51, %dma_start3A_52] : memref<196x128xi32, #tpu.memory_space<vmem>> -> memref<1x128xi32, #tpu.memory_space<vmem>>
      %dma_start3A_54 = tpu.memref_squeeze %dma_start3A_53 : memref<1x128xi32, #tpu.memory_space<vmem>> -> memref<128xi32, #tpu.memory_space<vmem>>
      %dma_start3A_55 = arith.constant 0 : i32
      %dma_start3A_56 = arith.constant 0 : i32
      %dma_start3A_57 = tpu.memref_slice %arg3[%dma_start3A_55, %dma_start3A_56] : memref<50000x32xf32, #tpu.memory_space<hbm>> -> memref<50000x32xf32, #tpu.memory_space<hbm>>
      tpu.enqueue_indirect_dma source(%dma_start3A_57 : memref<50000x32xf32, #tpu.memory_space<hbm>>) target(%arg15 : memref<128x32xf32, #tpu.memory_space<vmem>>) offsets(%dma_start3A_54 : memref<128xi32, #tpu.memory_space<vmem>>) semaphore(%arg24 : memref<!tpu.dma_semaphore, #tpu.memory_space<semaphore_mem>>)
      %add3A_58 = arith.constant 256 : i32
      %add3A_59 = arith.addi %mul3A_6, %add3A_58 : i32
      %dma_start3A_60 = arith.constant 0 : i32
      %dma_start3A_61 = tpu.memref_slice %arg6[%add3A_59, %dma_start3A_60] : memref<800000x32xf32, #tpu.memory_space<hbm>> -> memref<128x32xf32, #tpu.memory_space<hbm>>
      %dma_start3A_62 = arith.constant 0 : i32
      %dma_start3A_63 = tpu.memref_slice %arg6[%add3A_59, %dma_start3A_62] : memref<800000x32xf32, #tpu.memory_space<hbm>> -> memref<128x32xf32, #tpu.memory_space<hbm>>
      tpu.enqueue_dma source(%dma_start3A_63 : memref<128x32xf32, #tpu.memory_space<hbm>>) target(%arg18 : memref<128x32xf32, #tpu.memory_space<vmem>>) target_semaphore(%arg24 : memref<!tpu.dma_semaphore, #tpu.memory_space<semaphore_mem>>)
    } else {
    }
    %scan3A = arith.constant 0 : i32
    %scan3A_23 = arith.constant 0 : i32
    %scan3A_24 = arith.constant 66 : i32
    %scan3A_25 = arith.addi %scan3A_23, %scan3A_24 : i32
    %scan3A_26 = arith.constant 1 : i32
    scf.for %scan3A_45 = %scan3A_23 to %scan3A_25 step %scan3A_26  : i32 {
      %mul3A_46 = arith.constant 3 : i32
      %mul3A_47 = arith.muli %scan3A_45, %mul3A_46 : i32
      %add3A_48 = arith.constant 0 : i32
      %add3A_49 = arith.addi %mul3A_47, %add3A_48 : i32
      %lt3A = arith.cmpi slt, %add3A_49, %min3A_4 : i32
      %convert_element_type3A_50 = arith.extui %lt3A : i1 to i32
      %cond3A_51 = arith.constant 0 : i32
      %cond3A_52 = arith.cmpi ne, %convert_element_type3A_50, %cond3A_51 : i32
      scf.if %cond3A_52 {
        %ge3A = arith.constant 3 : i32
        %ge3A_69 = arith.cmpi sge, %add3A_49, %ge3A : i32
        %convert_element_type3A_70 = arith.extui %ge3A_69 : i1 to i32
        %cond3A_71 = arith.constant 0 : i32
        %cond3A_72 = arith.cmpi ne, %convert_element_type3A_70, %cond3A_71 : i32
        scf.if %cond3A_72 {
          %dma_wait3A_109 = arith.constant 0 : i32
          %dma_wait3A_110 = arith.constant 0 : i32
          %dma_wait3A_111 = tpu.memref_slice %arg6[%dma_wait3A_109, %dma_wait3A_110] : memref<800000x32xf32, #tpu.memory_space<hbm>> -> memref<128x32xf32, #tpu.memory_space<hbm>>
          %dma_wait3A_112 = arith.constant 0 : i32
          %dma_wait3A_113 = arith.constant 0 : i32
          %dma_wait3A_114 = tpu.memref_slice %arg6[%dma_wait3A_112, %dma_wait3A_113] : memref<800000x32xf32, #tpu.memory_space<hbm>> -> memref<128x32xf32, #tpu.memory_space<hbm>>
          tpu.wait_dma2 semaphore(%arg25 : memref<!tpu.dma_semaphore, #tpu.memory_space<semaphore_mem>>) src(%dma_wait3A_114 : memref<128x32xf32, #tpu.memory_space<hbm>>) dst(%arg19 : memref<128x32xf32, #tpu.memory_space<vmem>>)
        } else {
        }
        %dma_wait3A_73 = arith.constant 0 : i32
        %dma_wait3A_74 = arith.constant 0 : i32
        %dma_wait3A_75 = tpu.memref_slice %arg6[%dma_wait3A_73, %dma_wait3A_74] : memref<800000x32xf32, #tpu.memory_space<hbm>> -> memref<128x32xf32, #tpu.memory_space<hbm>>
        %dma_wait3A_76 = arith.constant 0 : i32
        %dma_wait3A_77 = arith.constant 0 : i32
        %dma_wait3A_78 = tpu.memref_slice %arg6[%dma_wait3A_76, %dma_wait3A_77] : memref<800000x32xf32, #tpu.memory_space<hbm>> -> memref<128x32xf32, #tpu.memory_space<hbm>>
        tpu.wait_dma2 semaphore(%arg22 : memref<!tpu.dma_semaphore, #tpu.memory_space<semaphore_mem>>) src(%dma_wait3A_78 : memref<128x32xf32, #tpu.memory_space<hbm>>) dst(%arg10 : memref<128x32xf32, #tpu.memory_space<vmem>>)
        %dma_wait3A_79 = arith.constant 0 : i32
        %dma_wait3A_80 = arith.constant 0 : i32
        %dma_wait3A_81 = tpu.memref_slice %arg6[%dma_wait3A_79, %dma_wait3A_80] : memref<800000x32xf32, #tpu.memory_space<hbm>> -> memref<128x32xf32, #tpu.memory_space<hbm>>
        %dma_wait3A_82 = arith.constant 0 : i32
        %dma_wait3A_83 = arith.constant 0 : i32
        %dma_wait3A_84 = tpu.memref_slice %arg6[%dma_wait3A_82, %dma_wait3A_83] : memref<800000x32xf32, #tpu.memory_space<hbm>> -> memref<128x32xf32, #tpu.memory_space<hbm>>
        tpu.wait_dma2 semaphore(%arg22 : memref<!tpu.dma_semaphore, #tpu.memory_space<semaphore_mem>>) src(%dma_wait3A_84 : memref<128x32xf32, #tpu.memory_space<hbm>>) dst(%arg13 : memref<128x32xf32, #tpu.memory_space<vmem>>)
        %dma_wait3A_85 = arith.constant 0 : i32
        %dma_wait3A_86 = arith.constant 0 : i32
        %dma_wait3A_87 = tpu.memref_slice %arg6[%dma_wait3A_85, %dma_wait3A_86] : memref<800000x32xf32, #tpu.memory_space<hbm>> -> memref<128x32xf32, #tpu.memory_space<hbm>>
        %dma_wait3A_88 = arith.constant 0 : i32
        %dma_wait3A_89 = arith.constant 0 : i32
        %dma_wait3A_90 = tpu.memref_slice %arg6[%dma_wait3A_88, %dma_wait3A_89] : memref<800000x32xf32, #tpu.memory_space<hbm>> -> memref<128x32xf32, #tpu.memory_space<hbm>>
        tpu.wait_dma2 semaphore(%arg22 : memref<!tpu.dma_semaphore, #tpu.memory_space<semaphore_mem>>) src(%dma_wait3A_90 : memref<128x32xf32, #tpu.memory_space<hbm>>) dst(%arg16 : memref<128x32xf32, #tpu.memory_space<vmem>>)
        %scan3A_91 = arith.constant 0 : i32
        %scan3A_92 = arith.constant 0 : i32
        %scan3A_93 = arith.constant 128 : i32
        %scan3A_94 = arith.addi %scan3A_92, %scan3A_93 : i32
        %scan3A_95 = arith.constant 4 : i32
        scf.for %scan3A_109 = %scan3A_92 to %scan3A_94 step %scan3A_95  : i32 {
          %get3A = arith.index_cast %scan3A_109 : i32 to index
          %get3A_110 = arith.constant 0 : index
          %get3A_111 = tpu.vector_load %arg16[%get3A, %get3A_110] {strides = array<i32>} : memref<128x32xf32, #tpu.memory_space<vmem>>, vector<1x16xf32>,
          %get3A_112 = vector.shape_cast %get3A_111 : vector<1x16xf32> to vector<16xf32>
          %get3A_113 = arith.index_cast %scan3A_109 : i32 to index
          %get3A_114 = arith.constant 0 : index
          %get3A_115 = tpu.vector_load %arg10[%get3A_113, %get3A_114] {strides = array<i32>} : memref<128x32xf32, #tpu.memory_space<vmem>>, vector<1x16xf32>,
          %get3A_116 = vector.shape_cast %get3A_115 : vector<1x16xf32> to vector<16xf32>
          %add3A_117 = arith.addf %get3A_112, %get3A_116 : vector<16xf32>
          %get3A_118 = arith.index_cast %scan3A_109 : i32 to index
          %get3A_119 = arith.constant 0 : index
          %get3A_120 = tpu.vector_load %arg13[%get3A_118, %get3A_119] {strides = array<i32>} : memref<128x32xf32, #tpu.memory_space<vmem>>, vector<1x16xf32>,
          %get3A_121 = vector.shape_cast %get3A_120 : vector<1x16xf32> to vector<16xf32>
          %add3A_122 = arith.addf %add3A_117, %get3A_121 : vector<16xf32>
          %neg3A = arith.constant 0.000000e+00 : f32
          %neg3A_123 = vector.broadcast %neg3A : f32 to vector<16xf32>
          %neg3A_124 = arith.subf %neg3A_123, %add3A_122 : vector<16xf32>
          %exp3A = math.exp %neg3A_124 : vector<16xf32>
          %add3A_125 = arith.constant 1.000000e+00 : f32
          %add3A_126 = vector.broadcast %add3A_125 : f32 to vector<16xf32>
          %add3A_127 = arith.addf %add3A_126, %exp3A : vector<16xf32>
          %div3A = arith.divf %add3A_122, %add3A_127 : vector<16xf32>
          %swap3A = arith.index_cast %scan3A_109 : i32 to index
          %swap3A_128 = arith.constant 0 : index
          %swap3A_129 = tpu.vector_load %arg19[%swap3A, %swap3A_128] {strides = array<i32>} : memref<128x32xf32, #tpu.memory_space<vmem>>, vector<1x16xf32>,
          %swap3A_130 = vector.shape_cast %swap3A_129 : vector<1x16xf32> to vector<16xf32>
          %swap3A_131 = vector.shape_cast %div3A : vector<16xf32> to vector<1x16xf32>
          tpu.vector_store %arg19[%swap3A, %swap3A_128], %swap3A_131 {strides = array<i32>} : memref<128x32xf32, #tpu.memory_space<vmem>>, vector<1x16xf32>,
          %get3A_132 = arith.index_cast %scan3A_109 : i32 to index
          %get3A_133 = arith.constant 16 : index
          %get3A_134 = tpu.vector_load %arg16[%get3A_132, %get3A_133] {strides = array<i32>} : memref<128x32xf32, #tpu.memory_space<vmem>>, vector<1x16xf32>,
          %get3A_135 = vector.shape_cast %get3A_134 : vector<1x16xf32> to vector<16xf32>
          %get3A_136 = arith.index_cast %scan3A_109 : i32 to index
          %get3A_137 = arith.constant 16 : index
          %get3A_138 = tpu.vector_load %arg10[%get3A_136, %get3A_137] {strides = array<i32>} : memref<128x32xf32, #tpu.memory_space<vmem>>, vector<1x16xf32>,
          %get3A_139 = vector.shape_cast %get3A_138 : vector<1x16xf32> to vector<16xf32>
          %add3A_140 = arith.addf %get3A_135, %get3A_139 : vector<16xf32>
          %get3A_141 = arith.index_cast %scan3A_109 : i32 to index
          %get3A_142 = arith.constant 16 : index
          %get3A_143 = tpu.vector_load %arg13[%get3A_141, %get3A_142] {strides = array<i32>} : memref<128x32xf32, #tpu.memory_space<vmem>>, vector<1x16xf32>,
          %get3A_144 = vector.shape_cast %get3A_143 : vector<1x16xf32> to vector<16xf32>
          %add3A_145 = arith.addf %add3A_140, %get3A_144 : vector<16xf32>
          %neg3A_146 = arith.constant 0.000000e+00 : f32
          %neg3A_147 = vector.broadcast %neg3A_146 : f32 to vector<16xf32>
          %neg3A_148 = arith.subf %neg3A_147, %add3A_145 : vector<16xf32>
          %exp3A_149 = math.exp %neg3A_148 : vector<16xf32>
          %add3A_150 = arith.constant 1.000000e+00 : f32
          %add3A_151 = vector.broadcast %add3A_150 : f32 to vector<16xf32>
          %add3A_152 = arith.addf %add3A_151, %exp3A_149 : vector<16xf32>
          %div3A_153 = arith.divf %add3A_145, %add3A_152 : vector<16xf32>
          %swap3A_154 = arith.index_cast %scan3A_109 : i32 to index
          %swap3A_155 = arith.constant 16 : index
          %swap3A_156 = tpu.vector_load %arg19[%swap3A_154, %swap3A_155] {strides = array<i32>} : memref<128x32xf32, #tpu.memory_space<vmem>>, vector<1x16xf32>,
          %swap3A_157 = vector.shape_cast %swap3A_156 : vector<1x16xf32> to vector<16xf32>
          %swap3A_158 = vector.shape_cast %div3A_153 : vector<16xf32> to vector<1x16xf32>
          tpu.vector_store %arg19[%swap3A_154, %swap3A_155], %swap3A_158 {strides = array<i32>} : memref<128x32xf32, #tpu.memory_space<vmem>>, vector<1x16xf32>,
          %scan3A_159 = arith.constant 1 : i32
          %scan3A_160 = arith.addi %scan3A_109, %scan3A_159 : i32
          %get3A_161 = arith.index_cast %scan3A_160 : i32 to index
          %get3A_162 = arith.constant 0 : index
          %get3A_163 = tpu.vector_load %arg16[%get3A_161, %get3A_162] {strides = array<i32>} : memref<128x32xf32, #tpu.memory_space<vmem>>, vector<1x16xf32>,
          %get3A_164 = vector.shape_cast %get3A_163 : vector<1x16xf32> to vector<16xf32>
          %get3A_165 = arith.index_cast %scan3A_160 : i32 to index
          %get3A_166 = arith.constant 0 : index
          %get3A_167 = tpu.vector_load %arg10[%get3A_165, %get3A_166] {strides = array<i32>} : memref<128x32xf32, #tpu.memory_space<vmem>>, vector<1x16xf32>,
          %get3A_168 = vector.shape_cast %get3A_167 : vector<1x16xf32> to vector<16xf32>
          %add3A_169 = arith.addf %get3A_164, %get3A_168 : vector<16xf32>
          %get3A_170 = arith.index_cast %scan3A_160 : i32 to index
          %get3A_171 = arith.constant 0 : index
          %get3A_172 = tpu.vector_load %arg13[%get3A_170, %get3A_171] {strides = array<i32>} : memref<128x32xf32, #tpu.memory_space<vmem>>, vector<1x16xf32>,
          %get3A_173 = vector.shape_cast %get3A_172 : vector<1x16xf32> to vector<16xf32>
          %add3A_174 = arith.addf %add3A_169, %get3A_173 : vector<16xf32>
          %neg3A_175 = arith.constant 0.000000e+00 : f32
          %neg3A_176 = vector.broadcast %neg3A_175 : f32 to vector<16xf32>
          %neg3A_177 = arith.subf %neg3A_176, %add3A_174 : vector<16xf32>
          %exp3A_178 = math.exp %neg3A_177 : vector<16xf32>
          %add3A_179 = arith.constant 1.000000e+00 : f32
          %add3A_180 = vector.broadcast %add3A_179 : f32 to vector<16xf32>
          %add3A_181 = arith.addf %add3A_180, %exp3A_178 : vector<16xf32>
          %div3A_182 = arith.divf %add3A_174, %add3A_181 : vector<16xf32>
          %swap3A_183 = arith.index_cast %scan3A_160 : i32 to index
          %swap3A_184 = arith.constant 0 : index
          %swap3A_185 = tpu.vector_load %arg19[%swap3A_183, %swap3A_184] {strides = array<i32>} : memref<128x32xf32, #tpu.memory_space<vmem>>, vector<1x16xf32>,
          %swap3A_186 = vector.shape_cast %swap3A_185 : vector<1x16xf32> to vector<16xf32>
          %swap3A_187 = vector.shape_cast %div3A_182 : vector<16xf32> to vector<1x16xf32>
          tpu.vector_store %arg19[%swap3A_183, %swap3A_184], %swap3A_187 {strides = array<i32>} : memref<128x32xf32, #tpu.memory_space<vmem>>, vector<1x16xf32>,
          %get3A_188 = arith.index_cast %scan3A_160 : i32 to index
          %get3A_189 = arith.constant 16 : index
          %get3A_190 = tpu.vector_load %arg16[%get3A_188, %get3A_189] {strides = array<i32>} : memref<128x32xf32, #tpu.memory_space<vmem>>, vector<1x16xf32>,
          %get3A_191 = vector.shape_cast %get3A_190 : vector<1x16xf32> to vector<16xf32>
          %get3A_192 = arith.index_cast %scan3A_160 : i32 to index
          %get3A_193 = arith.constant 16 : index
          %get3A_194 = tpu.vector_load %arg10[%get3A_192, %get3A_193] {strides = array<i32>} : memref<128x32xf32, #tpu.memory_space<vmem>>, vector<1x16xf32>,
          %get3A_195 = vector.shape_cast %get3A_194 : vector<1x16xf32> to vector<16xf32>
          %add3A_196 = arith.addf %get3A_191, %get3A_195 : vector<16xf32>
          %get3A_197 = arith.index_cast %scan3A_160 : i32 to index
          %get3A_198 = arith.constant 16 : index
          %get3A_199 = tpu.vector_load %arg13[%get3A_197, %get3A_198] {strides = array<i32>} : memref<128x32xf32, #tpu.memory_space<vmem>>, vector<1x16xf32>,
          %get3A_200 = vector.shape_cast %get3A_199 : vector<1x16xf32> to vector<16xf32>
          %add3A_201 = arith.addf %add3A_196, %get3A_200 : vector<16xf32>
          %neg3A_202 = arith.constant 0.000000e+00 : f32
          %neg3A_203 = vector.broadcast %neg3A_202 : f32 to vector<16xf32>
          %neg3A_204 = arith.subf %neg3A_203, %add3A_201 : vector<16xf32>
          %exp3A_205 = math.exp %neg3A_204 : vector<16xf32>
          %add3A_206 = arith.constant 1.000000e+00 : f32
          %add3A_207 = vector.broadcast %add3A_206 : f32 to vector<16xf32>
          %add3A_208 = arith.addf %add3A_207, %exp3A_205 : vector<16xf32>
          %div3A_209 = arith.divf %add3A_201, %add3A_208 : vector<16xf32>
          %swap3A_210 = arith.index_cast %scan3A_160 : i32 to index
          %swap3A_211 = arith.constant 16 : index
          %swap3A_212 = tpu.vector_load %arg19[%swap3A_210, %swap3A_211] {strides = array<i32>} : memref<128x32xf32, #tpu.memory_space<vmem>>, vector<1x16xf32>,
          %swap3A_213 = vector.shape_cast %swap3A_212 : vector<1x16xf32> to vector<16xf32>
          %swap3A_214 = vector.shape_cast %div3A_209 : vector<16xf32> to vector<1x16xf32>
          tpu.vector_store %arg19[%swap3A_210, %swap3A_211], %swap3A_214 {strides = array<i32>} : memref<128x32xf32, #tpu.memory_space<vmem>>, vector<1x16xf32>,
          %scan3A_215 = arith.constant 2 : i32
          %scan3A_216 = arith.addi %scan3A_109, %scan3A_215 : i32
          %get3A_217 = arith.index_cast %scan3A_216 : i32 to index
          %get3A_218 = arith.constant 0 : index
          %get3A_219 = tpu.vector_load %arg16[%get3A_217, %get3A_218] {strides = array<i32>} : memref<128x32xf32, #tpu.memory_space<vmem>>, vector<1x16xf32>,
          %get3A_220 = vector.shape_cast %get3A_219 : vector<1x16xf32> to vector<16xf32>
          %get3A_221 = arith.index_cast %scan3A_216 : i32 to index
          %get3A_222 = arith.constant 0 : index
          %get3A_223 = tpu.vector_load %arg10[%get3A_221, %get3A_222] {strides = array<i32>} : memref<128x32xf32, #tpu.memory_space<vmem>>, vector<1x16xf32>,
          %get3A_224 = vector.shape_cast %get3A_223 : vector<1x16xf32> to vector<16xf32>
          %add3A_225 = arith.addf %get3A_220, %get3A_224 : vector<16xf32>
          %get3A_226 = arith.index_cast %scan3A_216 : i32 to index
          %get3A_227 = arith.constant 0 : index
          %get3A_228 = tpu.vector_load %arg13[%get3A_226, %get3A_227] {strides = array<i32>} : memref<128x32xf32, #tpu.memory_space<vmem>>, vector<1x16xf32>,
          %get3A_229 = vector.shape_cast %get3A_228 : vector<1x16xf32> to vector<16xf32>
          %add3A_230 = arith.addf %add3A_225, %get3A_229 : vector<16xf32>
          %neg3A_231 = arith.constant 0.000000e+00 : f32
          %neg3A_232 = vector.broadcast %neg3A_231 : f32 to vector<16xf32>
          %neg3A_233 = arith.subf %neg3A_232, %add3A_230 : vector<16xf32>
          %exp3A_234 = math.exp %neg3A_233 : vector<16xf32>
          %add3A_235 = arith.constant 1.000000e+00 : f32
          %add3A_236 = vector.broadcast %add3A_235 : f32 to vector<16xf32>
          %add3A_237 = arith.addf %add3A_236, %exp3A_234 : vector<16xf32>
          %div3A_238 = arith.divf %add3A_230, %add3A_237 : vector<16xf32>
          %swap3A_239 = arith.index_cast %scan3A_216 : i32 to index
          %swap3A_240 = arith.constant 0 : index
          %swap3A_241 = tpu.vector_load %arg19[%swap3A_239, %swap3A_240] {strides = array<i32>} : memref<128x32xf32, #tpu.memory_space<vmem>>, vector<1x16xf32>,
          %swap3A_242 = vector.shape_cast %swap3A_241 : vector<1x16xf32> to vector<16xf32>
          %swap3A_243 = vector.shape_cast %div3A_238 : vector<16xf32> to vector<1x16xf32>
          tpu.vector_store %arg19[%swap3A_239, %swap3A_240], %swap3A_243 {strides = array<i32>} : memref<128x32xf32, #tpu.memory_space<vmem>>, vector<1x16xf32>,
          %get3A_244 = arith.index_cast %scan3A_216 : i32 to index
          %get3A_245 = arith.constant 16 : index
          %get3A_246 = tpu.vector_load %arg16[%get3A_244, %get3A_245] {strides = array<i32>} : memref<128x32xf32, #tpu.memory_space<vmem>>, vector<1x16xf32>,
          %get3A_247 = vector.shape_cast %get3A_246 : vector<1x16xf32> to vector<16xf32>
          %get3A_248 = arith.index_cast %scan3A_216 : i32 to index
          %get3A_249 = arith.constant 16 : index
          %get3A_250 = tpu.vector_load %arg10[%get3A_248, %get3A_249] {strides = array<i32>} : memref<128x32xf32, #tpu.memory_space<vmem>>, vector<1x16xf32>,
          %get3A_251 = vector.shape_cast %get3A_250 : vector<1x16xf32> to vector<16xf32>
          %add3A_252 = arith.addf %get3A_247, %get3A_251 : vector<16xf32>
          %get3A_253 = arith.index_cast %scan3A_216 : i32 to index
          %get3A_254 = arith.constant 16 : index
          %get3A_255 = tpu.vector_load %arg13[%get3A_253, %get3A_254] {strides = array<i32>} : memref<128x32xf32, #tpu.memory_space<vmem>>, vector<1x16xf32>,
          %get3A_256 = vector.shape_cast %get3A_255 : vector<1x16xf32> to vector<16xf32>
          %add3A_257 = arith.addf %add3A_252, %get3A_256 : vector<16xf32>
          %neg3A_258 = arith.constant 0.000000e+00 : f32
          %neg3A_259 = vector.broadcast %neg3A_258 : f32 to vector<16xf32>
          %neg3A_260 = arith.subf %neg3A_259, %add3A_257 : vector<16xf32>
          %exp3A_261 = math.exp %neg3A_260 : vector<16xf32>
          %add3A_262 = arith.constant 1.000000e+00 : f32
          %add3A_263 = vector.broadcast %add3A_262 : f32 to vector<16xf32>
          %add3A_264 = arith.addf %add3A_263, %exp3A_261 : vector<16xf32>
          %div3A_265 = arith.divf %add3A_257, %add3A_264 : vector<16xf32>
          %swap3A_266 = arith.index_cast %scan3A_216 : i32 to index
          %swap3A_267 = arith.constant 16 : index
          %swap3A_268 = tpu.vector_load %arg19[%swap3A_266, %swap3A_267] {strides = array<i32>} : memref<128x32xf32, #tpu.memory_space<vmem>>, vector<1x16xf32>,
          %swap3A_269 = vector.shape_cast %swap3A_268 : vector<1x16xf32> to vector<16xf32>
          %swap3A_270 = vector.shape_cast %div3A_265 : vector<16xf32> to vector<1x16xf32>
          tpu.vector_store %arg19[%swap3A_266, %swap3A_267], %swap3A_270 {strides = array<i32>} : memref<128x32xf32, #tpu.memory_space<vmem>>, vector<1x16xf32>,
          %scan3A_271 = arith.constant 3 : i32
          %scan3A_272 = arith.addi %scan3A_109, %scan3A_271 : i32
          %get3A_273 = arith.index_cast %scan3A_272 : i32 to index
          %get3A_274 = arith.constant 0 : index
          %get3A_275 = tpu.vector_load %arg16[%get3A_273, %get3A_274] {strides = array<i32>} : memref<128x32xf32, #tpu.memory_space<vmem>>, vector<1x16xf32>,
          %get3A_276 = vector.shape_cast %get3A_275 : vector<1x16xf32> to vector<16xf32>
          %get3A_277 = arith.index_cast %scan3A_272 : i32 to index
          %get3A_278 = arith.constant 0 : index
          %get3A_279 = tpu.vector_load %arg10[%get3A_277, %get3A_278] {strides = array<i32>} : memref<128x32xf32, #tpu.memory_space<vmem>>, vector<1x16xf32>,
          %get3A_280 = vector.shape_cast %get3A_279 : vector<1x16xf32> to vector<16xf32>
          %add3A_281 = arith.addf %get3A_276, %get3A_280 : vector<16xf32>
          %get3A_282 = arith.index_cast %scan3A_272 : i32 to index
          %get3A_283 = arith.constant 0 : index
          %get3A_284 = tpu.vector_load %arg13[%get3A_282, %get3A_283] {strides = array<i32>} : memref<128x32xf32, #tpu.memory_space<vmem>>, vector<1x16xf32>,
          %get3A_285 = vector.shape_cast %get3A_284 : vector<1x16xf32> to vector<16xf32>
          %add3A_286 = arith.addf %add3A_281, %get3A_285 : vector<16xf32>
          %neg3A_287 = arith.constant 0.000000e+00 : f32
          %neg3A_288 = vector.broadcast %neg3A_287 : f32 to vector<16xf32>
          %neg3A_289 = arith.subf %neg3A_288, %add3A_286 : vector<16xf32>
          %exp3A_290 = math.exp %neg3A_289 : vector<16xf32>
          %add3A_291 = arith.constant 1.000000e+00 : f32
          %add3A_292 = vector.broadcast %add3A_291 : f32 to vector<16xf32>
          %add3A_293 = arith.addf %add3A_292, %exp3A_290 : vector<16xf32>
          %div3A_294 = arith.divf %add3A_286, %add3A_293 : vector<16xf32>
          %swap3A_295 = arith.index_cast %scan3A_272 : i32 to index
          %swap3A_296 = arith.constant 0 : index
          %swap3A_297 = tpu.vector_load %arg19[%swap3A_295, %swap3A_296] {strides = array<i32>} : memref<128x32xf32, #tpu.memory_space<vmem>>, vector<1x16xf32>,
          %swap3A_298 = vector.shape_cast %swap3A_297 : vector<1x16xf32> to vector<16xf32>
          %swap3A_299 = vector.shape_cast %div3A_294 : vector<16xf32> to vector<1x16xf32>
          tpu.vector_store %arg19[%swap3A_295, %swap3A_296], %swap3A_299 {strides = array<i32>} : memref<128x32xf32, #tpu.memory_space<vmem>>, vector<1x16xf32>,
          %get3A_300 = arith.index_cast %scan3A_272 : i32 to index
          %get3A_301 = arith.constant 16 : index
          %get3A_302 = tpu.vector_load %arg16[%get3A_300, %get3A_301] {strides = array<i32>} : memref<128x32xf32, #tpu.memory_space<vmem>>, vector<1x16xf32>,
          %get3A_303 = vector.shape_cast %get3A_302 : vector<1x16xf32> to vector<16xf32>
          %get3A_304 = arith.index_cast %scan3A_272 : i32 to index
          %get3A_305 = arith.constant 16 : index
          %get3A_306 = tpu.vector_load %arg10[%get3A_304, %get3A_305] {strides = array<i32>} : memref<128x32xf32, #tpu.memory_space<vmem>>, vector<1x16xf32>,
          %get3A_307 = vector.shape_cast %get3A_306 : vector<1x16xf32> to vector<16xf32>
          %add3A_308 = arith.addf %get3A_303, %get3A_307 : vector<16xf32>
          %get3A_309 = arith.index_cast %scan3A_272 : i32 to index
          %get3A_310 = arith.constant 16 : index
          %get3A_311 = tpu.vector_load %arg13[%get3A_309, %get3A_310] {strides = array<i32>} : memref<128x32xf32, #tpu.memory_space<vmem>>, vector<1x16xf32>,
          %get3A_312 = vector.shape_cast %get3A_311 : vector<1x16xf32> to vector<16xf32>
          %add3A_313 = arith.addf %add3A_308, %get3A_312 : vector<16xf32>
          %neg3A_314 = arith.constant 0.000000e+00 : f32
          %neg3A_315 = vector.broadcast %neg3A_314 : f32 to vector<16xf32>
          %neg3A_316 = arith.subf %neg3A_315, %add3A_313 : vector<16xf32>
          %exp3A_317 = math.exp %neg3A_316 : vector<16xf32>
          %add3A_318 = arith.constant 1.000000e+00 : f32
          %add3A_319 = vector.broadcast %add3A_318 : f32 to vector<16xf32>
          %add3A_320 = arith.addf %add3A_319, %exp3A_317 : vector<16xf32>
          %div3A_321 = arith.divf %add3A_313, %add3A_320 : vector<16xf32>
          %swap3A_322 = arith.index_cast %scan3A_272 : i32 to index
          %swap3A_323 = arith.constant 16 : index
          %swap3A_324 = tpu.vector_load %arg19[%swap3A_322, %swap3A_323] {strides = array<i32>} : memref<128x32xf32, #tpu.memory_space<vmem>>, vector<1x16xf32>,
          %swap3A_325 = vector.shape_cast %swap3A_324 : vector<1x16xf32> to vector<16xf32>
          %swap3A_326 = vector.shape_cast %div3A_321 : vector<16xf32> to vector<1x16xf32>
          tpu.vector_store %arg19[%swap3A_322, %swap3A_323], %swap3A_326 {strides = array<i32>} : memref<128x32xf32, #tpu.memory_space<vmem>>, vector<1x16xf32>,
        }
        %scan3A_96 = arith.constant 128 : i32
        %mul3A_97 = arith.constant 128 : i32
        %mul3A_98 = arith.muli %add3A_49, %mul3A_97 : i32
        %add3A_99 = arith.addi %mul3A_6, %mul3A_98 : i32
        %dma_start3A = arith.constant 0 : i32
        %dma_start3A_100 = tpu.memref_slice %arg7[%add3A_99, %dma_start3A] : memref<800000x32xf32, #tpu.memory_space<hbm>> -> memref<128x32xf32, #tpu.memory_space<hbm>>
        %dma_start3A_101 = arith.constant 0 : i32
        %dma_start3A_102 = tpu.memref_slice %arg7[%add3A_99, %dma_start3A_101] : memref<800000x32xf32, #tpu.memory_space<hbm>> -> memref<128x32xf32, #tpu.memory_space<hbm>>
        tpu.enqueue_dma source(%arg19 : memref<128x32xf32, #tpu.memory_space<vmem>>) target(%dma_start3A_102 : memref<128x32xf32, #tpu.memory_space<hbm>>) target_semaphore(%arg25 : memref<!tpu.dma_semaphore, #tpu.memory_space<semaphore_mem>>)
        %add3A_103 = arith.constant 3 : i32
        %add3A_104 = arith.addi %add3A_49, %add3A_103 : i32
        %lt3A_105 = arith.cmpi slt, %add3A_104, %min3A_4 : i32
        %convert_element_type3A_106 = arith.extui %lt3A_105 : i1 to i32
        %cond3A_107 = arith.constant 0 : i32
        %cond3A_108 = arith.cmpi ne, %convert_element_type3A_106, %cond3A_107 : i32
        scf.if %cond3A_108 {
          %dma_start3A_109 = arith.constant 0 : i32
          %dma_start3A_110 = tpu.memref_slice %arg8[%add3A_104, %dma_start3A_109] : memref<196x128xi32, #tpu.memory_space<vmem>> -> memref<1x128xi32, #tpu.memory_space<vmem>>
          %dma_start3A_111 = tpu.memref_squeeze %dma_start3A_110 : memref<1x128xi32, #tpu.memory_space<vmem>> -> memref<128xi32, #tpu.memory_space<vmem>>
          %dma_start3A_112 = arith.constant 0 : i32
          %dma_start3A_113 = arith.constant 0 : i32
          %dma_start3A_114 = tpu.memref_slice %arg2[%dma_start3A_112, %dma_start3A_113] : memref<50000x32xf32, #tpu.memory_space<hbm>> -> memref<50000x32xf32, #tpu.memory_space<hbm>>
          tpu.enqueue_indirect_dma source(%dma_start3A_114 : memref<50000x32xf32, #tpu.memory_space<hbm>>) target(%arg10 : memref<128x32xf32, #tpu.memory_space<vmem>>) offsets(%dma_start3A_111 : memref<128xi32, #tpu.memory_space<vmem>>) semaphore(%arg22 : memref<!tpu.dma_semaphore, #tpu.memory_space<semaphore_mem>>)
          %dma_start3A_115 = arith.constant 0 : i32
          %dma_start3A_116 = tpu.memref_slice %arg9[%add3A_104, %dma_start3A_115] : memref<196x128xi32, #tpu.memory_space<vmem>> -> memref<1x128xi32, #tpu.memory_space<vmem>>
          %dma_start3A_117 = tpu.memref_squeeze %dma_start3A_116 : memref<1x128xi32, #tpu.memory_space<vmem>> -> memref<128xi32, #tpu.memory_space<vmem>>
          %dma_start3A_118 = arith.constant 0 : i32
          %dma_start3A_119 = arith.constant 0 : i32
          %dma_start3A_120 = tpu.memref_slice %arg3[%dma_start3A_118, %dma_start3A_119] : memref<50000x32xf32, #tpu.memory_space<hbm>> -> memref<50000x32xf32, #tpu.memory_space<hbm>>
          tpu.enqueue_indirect_dma source(%dma_start3A_120 : memref<50000x32xf32, #tpu.memory_space<hbm>>) target(%arg13 : memref<128x32xf32, #tpu.memory_space<vmem>>) offsets(%dma_start3A_117 : memref<128xi32, #tpu.memory_space<vmem>>) semaphore(%arg22 : memref<!tpu.dma_semaphore, #tpu.memory_space<semaphore_mem>>)
          %mul3A_121 = arith.constant 128 : i32
          %mul3A_122 = arith.muli %add3A_104, %mul3A_121 : i32
          %add3A_123 = arith.addi %mul3A_6, %mul3A_122 : i32
          %dma_start3A_124 = arith.constant 0 : i32
          %dma_start3A_125 = tpu.memref_slice %arg6[%add3A_123, %dma_start3A_124] : memref<800000x32xf32, #tpu.memory_space<hbm>> -> memref<128x32xf32, #tpu.memory_space<hbm>>
          %dma_start3A_126 = arith.constant 0 : i32
          %dma_start3A_127 = tpu.memref_slice %arg6[%add3A_123, %dma_start3A_126] : memref<800000x32xf32, #tpu.memory_space<hbm>> -> memref<128x32xf32, #tpu.memory_space<hbm>>
          tpu.enqueue_dma source(%dma_start3A_127 : memref<128x32xf32, #tpu.memory_space<hbm>>) target(%arg16 : memref<128x32xf32, #tpu.memory_space<vmem>>) target_semaphore(%arg22 : memref<!tpu.dma_semaphore, #tpu.memory_space<semaphore_mem>>)
        } else {
        }
      } else {
      }
      %mul3A_53 = arith.constant 3 : i32
      %mul3A_54 = arith.muli %scan3A_45, %mul3A_53 : i32
      %add3A_55 = arith.constant 1 : i32
      %add3A_56 = arith.addi %mul3A_54, %add3A_55 : i32
      %lt3A_57 = arith.cmpi slt, %add3A_56, %min3A_4 : i32
      %convert_element_type3A_58 = arith.extui %lt3A_57 : i1 to i32
      %cond3A_59 = arith.constant 0 : i32
      %cond3A_60 = arith.cmpi ne, %convert_element_type3A_58, %cond3A_59 : i32
      scf.if %cond3A_60 {
        %ge3A = arith.constant 3 : i32
        %ge3A_69 = arith.cmpi sge, %add3A_56, %ge3A : i32
        %convert_element_type3A_70 = arith.extui %ge3A_69 : i1 to i32
        %cond3A_71 = arith.constant 0 : i32
        %cond3A_72 = arith.cmpi ne, %convert_element_type3A_70, %cond3A_71 : i32
        scf.if %cond3A_72 {
          %dma_wait3A_109 = arith.constant 0 : i32
          %dma_wait3A_110 = arith.constant 0 : i32
          %dma_wait3A_111 = tpu.memref_slice %arg6[%dma_wait3A_109, %dma_wait3A_110] : memref<800000x32xf32, #tpu.memory_space<hbm>> -> memref<128x32xf32, #tpu.memory_space<hbm>>
          %dma_wait3A_112 = arith.constant 0 : i32
          %dma_wait3A_113 = arith.constant 0 : i32
          %dma_wait3A_114 = tpu.memref_slice %arg6[%dma_wait3A_112, %dma_wait3A_113] : memref<800000x32xf32, #tpu.memory_space<hbm>> -> memref<128x32xf32, #tpu.memory_space<hbm>>
          tpu.wait_dma2 semaphore(%arg26 : memref<!tpu.dma_semaphore, #tpu.memory_space<semaphore_mem>>) src(%dma_wait3A_114 : memref<128x32xf32, #tpu.memory_space<hbm>>) dst(%arg20 : memref<128x32xf32, #tpu.memory_space<vmem>>)
        } else {
        }
        %dma_wait3A_73 = arith.constant 0 : i32
        %dma_wait3A_74 = arith.constant 0 : i32
        %dma_wait3A_75 = tpu.memref_slice %arg6[%dma_wait3A_73, %dma_wait3A_74] : memref<800000x32xf32, #tpu.memory_space<hbm>> -> memref<128x32xf32, #tpu.memory_space<hbm>>
        %dma_wait3A_76 = arith.constant 0 : i32
        %dma_wait3A_77 = arith.constant 0 : i32
        %dma_wait3A_78 = tpu.memref_slice %arg6[%dma_wait3A_76, %dma_wait3A_77] : memref<800000x32xf32, #tpu.memory_space<hbm>> -> memref<128x32xf32, #tpu.memory_space<hbm>>
        tpu.wait_dma2 semaphore(%arg23 : memref<!tpu.dma_semaphore, #tpu.memory_space<semaphore_mem>>) src(%dma_wait3A_78 : memref<128x32xf32, #tpu.memory_space<hbm>>) dst(%arg11 : memref<128x32xf32, #tpu.memory_space<vmem>>)
        %dma_wait3A_79 = arith.constant 0 : i32
        %dma_wait3A_80 = arith.constant 0 : i32
        %dma_wait3A_81 = tpu.memref_slice %arg6[%dma_wait3A_79, %dma_wait3A_80] : memref<800000x32xf32, #tpu.memory_space<hbm>> -> memref<128x32xf32, #tpu.memory_space<hbm>>
        %dma_wait3A_82 = arith.constant 0 : i32
        %dma_wait3A_83 = arith.constant 0 : i32
        %dma_wait3A_84 = tpu.memref_slice %arg6[%dma_wait3A_82, %dma_wait3A_83] : memref<800000x32xf32, #tpu.memory_space<hbm>> -> memref<128x32xf32, #tpu.memory_space<hbm>>
        tpu.wait_dma2 semaphore(%arg23 : memref<!tpu.dma_semaphore, #tpu.memory_space<semaphore_mem>>) src(%dma_wait3A_84 : memref<128x32xf32, #tpu.memory_space<hbm>>) dst(%arg14 : memref<128x32xf32, #tpu.memory_space<vmem>>)
        %dma_wait3A_85 = arith.constant 0 : i32
        %dma_wait3A_86 = arith.constant 0 : i32
        %dma_wait3A_87 = tpu.memref_slice %arg6[%dma_wait3A_85, %dma_wait3A_86] : memref<800000x32xf32, #tpu.memory_space<hbm>> -> memref<128x32xf32, #tpu.memory_space<hbm>>
        %dma_wait3A_88 = arith.constant 0 : i32
        %dma_wait3A_89 = arith.constant 0 : i32
        %dma_wait3A_90 = tpu.memref_slice %arg6[%dma_wait3A_88, %dma_wait3A_89] : memref<800000x32xf32, #tpu.memory_space<hbm>> -> memref<128x32xf32, #tpu.memory_space<hbm>>
        tpu.wait_dma2 semaphore(%arg23 : memref<!tpu.dma_semaphore, #tpu.memory_space<semaphore_mem>>) src(%dma_wait3A_90 : memref<128x32xf32, #tpu.memory_space<hbm>>) dst(%arg17 : memref<128x32xf32, #tpu.memory_space<vmem>>)
        %scan3A_91 = arith.constant 0 : i32
        %scan3A_92 = arith.constant 0 : i32
        %scan3A_93 = arith.constant 128 : i32
        %scan3A_94 = arith.addi %scan3A_92, %scan3A_93 : i32
        %scan3A_95 = arith.constant 4 : i32
        scf.for %scan3A_109 = %scan3A_92 to %scan3A_94 step %scan3A_95  : i32 {
          %get3A = arith.index_cast %scan3A_109 : i32 to index
          %get3A_110 = arith.constant 0 : index
          %get3A_111 = tpu.vector_load %arg17[%get3A, %get3A_110] {strides = array<i32>} : memref<128x32xf32, #tpu.memory_space<vmem>>, vector<1x16xf32>,
          %get3A_112 = vector.shape_cast %get3A_111 : vector<1x16xf32> to vector<16xf32>
          %get3A_113 = arith.index_cast %scan3A_109 : i32 to index
          %get3A_114 = arith.constant 0 : index
          %get3A_115 = tpu.vector_load %arg11[%get3A_113, %get3A_114] {strides = array<i32>} : memref<128x32xf32, #tpu.memory_space<vmem>>, vector<1x16xf32>,
          %get3A_116 = vector.shape_cast %get3A_115 : vector<1x16xf32> to vector<16xf32>
          %add3A_117 = arith.addf %get3A_112, %get3A_116 : vector<16xf32>
          %get3A_118 = arith.index_cast %scan3A_109 : i32 to index
          %get3A_119 = arith.constant 0 : index
          %get3A_120 = tpu.vector_load %arg14[%get3A_118, %get3A_119] {strides = array<i32>} : memref<128x32xf32, #tpu.memory_space<vmem>>, vector<1x16xf32>,
          %get3A_121 = vector.shape_cast %get3A_120 : vector<1x16xf32> to vector<16xf32>
          %add3A_122 = arith.addf %add3A_117, %get3A_121 : vector<16xf32>
          %neg3A = arith.constant 0.000000e+00 : f32
          %neg3A_123 = vector.broadcast %neg3A : f32 to vector<16xf32>
          %neg3A_124 = arith.subf %neg3A_123, %add3A_122 : vector<16xf32>
          %exp3A = math.exp %neg3A_124 : vector<16xf32>
          %add3A_125 = arith.constant 1.000000e+00 : f32
          %add3A_126 = vector.broadcast %add3A_125 : f32 to vector<16xf32>
          %add3A_127 = arith.addf %add3A_126, %exp3A : vector<16xf32>
          %div3A = arith.divf %add3A_122, %add3A_127 : vector<16xf32>
          %swap3A = arith.index_cast %scan3A_109 : i32 to index
          %swap3A_128 = arith.constant 0 : index
          %swap3A_129 = tpu.vector_load %arg20[%swap3A, %swap3A_128] {strides = array<i32>} : memref<128x32xf32, #tpu.memory_space<vmem>>, vector<1x16xf32>,
          %swap3A_130 = vector.shape_cast %swap3A_129 : vector<1x16xf32> to vector<16xf32>
          %swap3A_131 = vector.shape_cast %div3A : vector<16xf32> to vector<1x16xf32>
          tpu.vector_store %arg20[%swap3A, %swap3A_128], %swap3A_131 {strides = array<i32>} : memref<128x32xf32, #tpu.memory_space<vmem>>, vector<1x16xf32>,
          %get3A_132 = arith.index_cast %scan3A_109 : i32 to index
          %get3A_133 = arith.constant 16 : index
          %get3A_134 = tpu.vector_load %arg17[%get3A_132, %get3A_133] {strides = array<i32>} : memref<128x32xf32, #tpu.memory_space<vmem>>, vector<1x16xf32>,
          %get3A_135 = vector.shape_cast %get3A_134 : vector<1x16xf32> to vector<16xf32>
          %get3A_136 = arith.index_cast %scan3A_109 : i32 to index
          %get3A_137 = arith.constant 16 : index
          %get3A_138 = tpu.vector_load %arg11[%get3A_136, %get3A_137] {strides = array<i32>} : memref<128x32xf32, #tpu.memory_space<vmem>>, vector<1x16xf32>,
          %get3A_139 = vector.shape_cast %get3A_138 : vector<1x16xf32> to vector<16xf32>
          %add3A_140 = arith.addf %get3A_135, %get3A_139 : vector<16xf32>
          %get3A_141 = arith.index_cast %scan3A_109 : i32 to index
          %get3A_142 = arith.constant 16 : index
          %get3A_143 = tpu.vector_load %arg14[%get3A_141, %get3A_142] {strides = array<i32>} : memref<128x32xf32, #tpu.memory_space<vmem>>, vector<1x16xf32>,
          %get3A_144 = vector.shape_cast %get3A_143 : vector<1x16xf32> to vector<16xf32>
          %add3A_145 = arith.addf %add3A_140, %get3A_144 : vector<16xf32>
          %neg3A_146 = arith.constant 0.000000e+00 : f32
          %neg3A_147 = vector.broadcast %neg3A_146 : f32 to vector<16xf32>
          %neg3A_148 = arith.subf %neg3A_147, %add3A_145 : vector<16xf32>
          %exp3A_149 = math.exp %neg3A_148 : vector<16xf32>
          %add3A_150 = arith.constant 1.000000e+00 : f32
          %add3A_151 = vector.broadcast %add3A_150 : f32 to vector<16xf32>
          %add3A_152 = arith.addf %add3A_151, %exp3A_149 : vector<16xf32>
          %div3A_153 = arith.divf %add3A_145, %add3A_152 : vector<16xf32>
          %swap3A_154 = arith.index_cast %scan3A_109 : i32 to index
          %swap3A_155 = arith.constant 16 : index
          %swap3A_156 = tpu.vector_load %arg20[%swap3A_154, %swap3A_155] {strides = array<i32>} : memref<128x32xf32, #tpu.memory_space<vmem>>, vector<1x16xf32>,
          %swap3A_157 = vector.shape_cast %swap3A_156 : vector<1x16xf32> to vector<16xf32>
          %swap3A_158 = vector.shape_cast %div3A_153 : vector<16xf32> to vector<1x16xf32>
          tpu.vector_store %arg20[%swap3A_154, %swap3A_155], %swap3A_158 {strides = array<i32>} : memref<128x32xf32, #tpu.memory_space<vmem>>, vector<1x16xf32>,
          %scan3A_159 = arith.constant 1 : i32
          %scan3A_160 = arith.addi %scan3A_109, %scan3A_159 : i32
          %get3A_161 = arith.index_cast %scan3A_160 : i32 to index
          %get3A_162 = arith.constant 0 : index
          %get3A_163 = tpu.vector_load %arg17[%get3A_161, %get3A_162] {strides = array<i32>} : memref<128x32xf32, #tpu.memory_space<vmem>>, vector<1x16xf32>,
          %get3A_164 = vector.shape_cast %get3A_163 : vector<1x16xf32> to vector<16xf32>
          %get3A_165 = arith.index_cast %scan3A_160 : i32 to index
          %get3A_166 = arith.constant 0 : index
          %get3A_167 = tpu.vector_load %arg11[%get3A_165, %get3A_166] {strides = array<i32>} : memref<128x32xf32, #tpu.memory_space<vmem>>, vector<1x16xf32>,
          %get3A_168 = vector.shape_cast %get3A_167 : vector<1x16xf32> to vector<16xf32>
          %add3A_169 = arith.addf %get3A_164, %get3A_168 : vector<16xf32>
          %get3A_170 = arith.index_cast %scan3A_160 : i32 to index
          %get3A_171 = arith.constant 0 : index
          %get3A_172 = tpu.vector_load %arg14[%get3A_170, %get3A_171] {strides = array<i32>} : memref<128x32xf32, #tpu.memory_space<vmem>>, vector<1x16xf32>,
          %get3A_173 = vector.shape_cast %get3A_172 : vector<1x16xf32> to vector<16xf32>
          %add3A_174 = arith.addf %add3A_169, %get3A_173 : vector<16xf32>
          %neg3A_175 = arith.constant 0.000000e+00 : f32
          %neg3A_176 = vector.broadcast %neg3A_175 : f32 to vector<16xf32>
          %neg3A_177 = arith.subf %neg3A_176, %add3A_174 : vector<16xf32>
          %exp3A_178 = math.exp %neg3A_177 : vector<16xf32>
          %add3A_179 = arith.constant 1.000000e+00 : f32
          %add3A_180 = vector.broadcast %add3A_179 : f32 to vector<16xf32>
          %add3A_181 = arith.addf %add3A_180, %exp3A_178 : vector<16xf32>
          %div3A_182 = arith.divf %add3A_174, %add3A_181 : vector<16xf32>
          %swap3A_183 = arith.index_cast %scan3A_160 : i32 to index
          %swap3A_184 = arith.constant 0 : index
          %swap3A_185 = tpu.vector_load %arg20[%swap3A_183, %swap3A_184] {strides = array<i32>} : memref<128x32xf32, #tpu.memory_space<vmem>>, vector<1x16xf32>,
          %swap3A_186 = vector.shape_cast %swap3A_185 : vector<1x16xf32> to vector<16xf32>
          %swap3A_187 = vector.shape_cast %div3A_182 : vector<16xf32> to vector<1x16xf32>
          tpu.vector_store %arg20[%swap3A_183, %swap3A_184], %swap3A_187 {strides = array<i32>} : memref<128x32xf32, #tpu.memory_space<vmem>>, vector<1x16xf32>,
          %get3A_188 = arith.index_cast %scan3A_160 : i32 to index
          %get3A_189 = arith.constant 16 : index
          %get3A_190 = tpu.vector_load %arg17[%get3A_188, %get3A_189] {strides = array<i32>} : memref<128x32xf32, #tpu.memory_space<vmem>>, vector<1x16xf32>,
          %get3A_191 = vector.shape_cast %get3A_190 : vector<1x16xf32> to vector<16xf32>
          %get3A_192 = arith.index_cast %scan3A_160 : i32 to index
          %get3A_193 = arith.constant 16 : index
          %get3A_194 = tpu.vector_load %arg11[%get3A_192, %get3A_193] {strides = array<i32>} : memref<128x32xf32, #tpu.memory_space<vmem>>, vector<1x16xf32>,
          %get3A_195 = vector.shape_cast %get3A_194 : vector<1x16xf32> to vector<16xf32>
          %add3A_196 = arith.addf %get3A_191, %get3A_195 : vector<16xf32>
          %get3A_197 = arith.index_cast %scan3A_160 : i32 to index
          %get3A_198 = arith.constant 16 : index
          %get3A_199 = tpu.vector_load %arg14[%get3A_197, %get3A_198] {strides = array<i32>} : memref<128x32xf32, #tpu.memory_space<vmem>>, vector<1x16xf32>,
          %get3A_200 = vector.shape_cast %get3A_199 : vector<1x16xf32> to vector<16xf32>
          %add3A_201 = arith.addf %add3A_196, %get3A_200 : vector<16xf32>
          %neg3A_202 = arith.constant 0.000000e+00 : f32
          %neg3A_203 = vector.broadcast %neg3A_202 : f32 to vector<16xf32>
          %neg3A_204 = arith.subf %neg3A_203, %add3A_201 : vector<16xf32>
          %exp3A_205 = math.exp %neg3A_204 : vector<16xf32>
          %add3A_206 = arith.constant 1.000000e+00 : f32
          %add3A_207 = vector.broadcast %add3A_206 : f32 to vector<16xf32>
          %add3A_208 = arith.addf %add3A_207, %exp3A_205 : vector<16xf32>
          %div3A_209 = arith.divf %add3A_201, %add3A_208 : vector<16xf32>
          %swap3A_210 = arith.index_cast %scan3A_160 : i32 to index
          %swap3A_211 = arith.constant 16 : index
          %swap3A_212 = tpu.vector_load %arg20[%swap3A_210, %swap3A_211] {strides = array<i32>} : memref<128x32xf32, #tpu.memory_space<vmem>>, vector<1x16xf32>,
          %swap3A_213 = vector.shape_cast %swap3A_212 : vector<1x16xf32> to vector<16xf32>
          %swap3A_214 = vector.shape_cast %div3A_209 : vector<16xf32> to vector<1x16xf32>
          tpu.vector_store %arg20[%swap3A_210, %swap3A_211], %swap3A_214 {strides = array<i32>} : memref<128x32xf32, #tpu.memory_space<vmem>>, vector<1x16xf32>,
          %scan3A_215 = arith.constant 2 : i32
          %scan3A_216 = arith.addi %scan3A_109, %scan3A_215 : i32
          %get3A_217 = arith.index_cast %scan3A_216 : i32 to index
          %get3A_218 = arith.constant 0 : index
          %get3A_219 = tpu.vector_load %arg17[%get3A_217, %get3A_218] {strides = array<i32>} : memref<128x32xf32, #tpu.memory_space<vmem>>, vector<1x16xf32>,
          %get3A_220 = vector.shape_cast %get3A_219 : vector<1x16xf32> to vector<16xf32>
          %get3A_221 = arith.index_cast %scan3A_216 : i32 to index
          %get3A_222 = arith.constant 0 : index
          %get3A_223 = tpu.vector_load %arg11[%get3A_221, %get3A_222] {strides = array<i32>} : memref<128x32xf32, #tpu.memory_space<vmem>>, vector<1x16xf32>,
          %get3A_224 = vector.shape_cast %get3A_223 : vector<1x16xf32> to vector<16xf32>
          %add3A_225 = arith.addf %get3A_220, %get3A_224 : vector<16xf32>
          %get3A_226 = arith.index_cast %scan3A_216 : i32 to index
          %get3A_227 = arith.constant 0 : index
          %get3A_228 = tpu.vector_load %arg14[%get3A_226, %get3A_227] {strides = array<i32>} : memref<128x32xf32, #tpu.memory_space<vmem>>, vector<1x16xf32>,
          %get3A_229 = vector.shape_cast %get3A_228 : vector<1x16xf32> to vector<16xf32>
          %add3A_230 = arith.addf %add3A_225, %get3A_229 : vector<16xf32>
          %neg3A_231 = arith.constant 0.000000e+00 : f32
          %neg3A_232 = vector.broadcast %neg3A_231 : f32 to vector<16xf32>
          %neg3A_233 = arith.subf %neg3A_232, %add3A_230 : vector<16xf32>
          %exp3A_234 = math.exp %neg3A_233 : vector<16xf32>
          %add3A_235 = arith.constant 1.000000e+00 : f32
          %add3A_236 = vector.broadcast %add3A_235 : f32 to vector<16xf32>
          %add3A_237 = arith.addf %add3A_236, %exp3A_234 : vector<16xf32>
          %div3A_238 = arith.divf %add3A_230, %add3A_237 : vector<16xf32>
          %swap3A_239 = arith.index_cast %scan3A_216 : i32 to index
          %swap3A_240 = arith.constant 0 : index
          %swap3A_241 = tpu.vector_load %arg20[%swap3A_239, %swap3A_240] {strides = array<i32>} : memref<128x32xf32, #tpu.memory_space<vmem>>, vector<1x16xf32>,
          %swap3A_242 = vector.shape_cast %swap3A_241 : vector<1x16xf32> to vector<16xf32>
          %swap3A_243 = vector.shape_cast %div3A_238 : vector<16xf32> to vector<1x16xf32>
          tpu.vector_store %arg20[%swap3A_239, %swap3A_240], %swap3A_243 {strides = array<i32>} : memref<128x32xf32, #tpu.memory_space<vmem>>, vector<1x16xf32>,
          %get3A_244 = arith.index_cast %scan3A_216 : i32 to index
          %get3A_245 = arith.constant 16 : index
          %get3A_246 = tpu.vector_load %arg17[%get3A_244, %get3A_245] {strides = array<i32>} : memref<128x32xf32, #tpu.memory_space<vmem>>, vector<1x16xf32>,
          %get3A_247 = vector.shape_cast %get3A_246 : vector<1x16xf32> to vector<16xf32>
          %get3A_248 = arith.index_cast %scan3A_216 : i32 to index
          %get3A_249 = arith.constant 16 : index
          %get3A_250 = tpu.vector_load %arg11[%get3A_248, %get3A_249] {strides = array<i32>} : memref<128x32xf32, #tpu.memory_space<vmem>>, vector<1x16xf32>,
          %get3A_251 = vector.shape_cast %get3A_250 : vector<1x16xf32> to vector<16xf32>
          %add3A_252 = arith.addf %get3A_247, %get3A_251 : vector<16xf32>
          %get3A_253 = arith.index_cast %scan3A_216 : i32 to index
          %get3A_254 = arith.constant 16 : index
          %get3A_255 = tpu.vector_load %arg14[%get3A_253, %get3A_254] {strides = array<i32>} : memref<128x32xf32, #tpu.memory_space<vmem>>, vector<1x16xf32>,
          %get3A_256 = vector.shape_cast %get3A_255 : vector<1x16xf32> to vector<16xf32>
          %add3A_257 = arith.addf %add3A_252, %get3A_256 : vector<16xf32>
          %neg3A_258 = arith.constant 0.000000e+00 : f32
          %neg3A_259 = vector.broadcast %neg3A_258 : f32 to vector<16xf32>
          %neg3A_260 = arith.subf %neg3A_259, %add3A_257 : vector<16xf32>
          %exp3A_261 = math.exp %neg3A_260 : vector<16xf32>
          %add3A_262 = arith.constant 1.000000e+00 : f32
          %add3A_263 = vector.broadcast %add3A_262 : f32 to vector<16xf32>
          %add3A_264 = arith.addf %add3A_263, %exp3A_261 : vector<16xf32>
          %div3A_265 = arith.divf %add3A_257, %add3A_264 : vector<16xf32>
          %swap3A_266 = arith.index_cast %scan3A_216 : i32 to index
          %swap3A_267 = arith.constant 16 : index
          %swap3A_268 = tpu.vector_load %arg20[%swap3A_266, %swap3A_267] {strides = array<i32>} : memref<128x32xf32, #tpu.memory_space<vmem>>, vector<1x16xf32>,
          %swap3A_269 = vector.shape_cast %swap3A_268 : vector<1x16xf32> to vector<16xf32>
          %swap3A_270 = vector.shape_cast %div3A_265 : vector<16xf32> to vector<1x16xf32>
          tpu.vector_store %arg20[%swap3A_266, %swap3A_267], %swap3A_270 {strides = array<i32>} : memref<128x32xf32, #tpu.memory_space<vmem>>, vector<1x16xf32>,
          %scan3A_271 = arith.constant 3 : i32
          %scan3A_272 = arith.addi %scan3A_109, %scan3A_271 : i32
          %get3A_273 = arith.index_cast %scan3A_272 : i32 to index
          %get3A_274 = arith.constant 0 : index
          %get3A_275 = tpu.vector_load %arg17[%get3A_273, %get3A_274] {strides = array<i32>} : memref<128x32xf32, #tpu.memory_space<vmem>>, vector<1x16xf32>,
          %get3A_276 = vector.shape_cast %get3A_275 : vector<1x16xf32> to vector<16xf32>
          %get3A_277 = arith.index_cast %scan3A_272 : i32 to index
          %get3A_278 = arith.constant 0 : index
          %get3A_279 = tpu.vector_load %arg11[%get3A_277, %get3A_278] {strides = array<i32>} : memref<128x32xf32, #tpu.memory_space<vmem>>, vector<1x16xf32>,
          %get3A_280 = vector.shape_cast %get3A_279 : vector<1x16xf32> to vector<16xf32>
          %add3A_281 = arith.addf %get3A_276, %get3A_280 : vector<16xf32>
          %get3A_282 = arith.index_cast %scan3A_272 : i32 to index
          %get3A_283 = arith.constant 0 : index
          %get3A_284 = tpu.vector_load %arg14[%get3A_282, %get3A_283] {strides = array<i32>} : memref<128x32xf32, #tpu.memory_space<vmem>>, vector<1x16xf32>,
          %get3A_285 = vector.shape_cast %get3A_284 : vector<1x16xf32> to vector<16xf32>
          %add3A_286 = arith.addf %add3A_281, %get3A_285 : vector<16xf32>
          %neg3A_287 = arith.constant 0.000000e+00 : f32
          %neg3A_288 = vector.broadcast %neg3A_287 : f32 to vector<16xf32>
          %neg3A_289 = arith.subf %neg3A_288, %add3A_286 : vector<16xf32>
          %exp3A_290 = math.exp %neg3A_289 : vector<16xf32>
          %add3A_291 = arith.constant 1.000000e+00 : f32
          %add3A_292 = vector.broadcast %add3A_291 : f32 to vector<16xf32>
          %add3A_293 = arith.addf %add3A_292, %exp3A_290 : vector<16xf32>
          %div3A_294 = arith.divf %add3A_286, %add3A_293 : vector<16xf32>
          %swap3A_295 = arith.index_cast %scan3A_272 : i32 to index
          %swap3A_296 = arith.constant 0 : index
          %swap3A_297 = tpu.vector_load %arg20[%swap3A_295, %swap3A_296] {strides = array<i32>} : memref<128x32xf32, #tpu.memory_space<vmem>>, vector<1x16xf32>,
          %swap3A_298 = vector.shape_cast %swap3A_297 : vector<1x16xf32> to vector<16xf32>
          %swap3A_299 = vector.shape_cast %div3A_294 : vector<16xf32> to vector<1x16xf32>
          tpu.vector_store %arg20[%swap3A_295, %swap3A_296], %swap3A_299 {strides = array<i32>} : memref<128x32xf32, #tpu.memory_space<vmem>>, vector<1x16xf32>,
          %get3A_300 = arith.index_cast %scan3A_272 : i32 to index
          %get3A_301 = arith.constant 16 : index
          %get3A_302 = tpu.vector_load %arg17[%get3A_300, %get3A_301] {strides = array<i32>} : memref<128x32xf32, #tpu.memory_space<vmem>>, vector<1x16xf32>,
          %get3A_303 = vector.shape_cast %get3A_302 : vector<1x16xf32> to vector<16xf32>
          %get3A_304 = arith.index_cast %scan3A_272 : i32 to index
          %get3A_305 = arith.constant 16 : index
          %get3A_306 = tpu.vector_load %arg11[%get3A_304, %get3A_305] {strides = array<i32>} : memref<128x32xf32, #tpu.memory_space<vmem>>, vector<1x16xf32>,
          %get3A_307 = vector.shape_cast %get3A_306 : vector<1x16xf32> to vector<16xf32>
          %add3A_308 = arith.addf %get3A_303, %get3A_307 : vector<16xf32>
          %get3A_309 = arith.index_cast %scan3A_272 : i32 to index
          %get3A_310 = arith.constant 16 : index
          %get3A_311 = tpu.vector_load %arg14[%get3A_309, %get3A_310] {strides = array<i32>} : memref<128x32xf32, #tpu.memory_space<vmem>>, vector<1x16xf32>,
          %get3A_312 = vector.shape_cast %get3A_311 : vector<1x16xf32> to vector<16xf32>
          %add3A_313 = arith.addf %add3A_308, %get3A_312 : vector<16xf32>
          %neg3A_314 = arith.constant 0.000000e+00 : f32
          %neg3A_315 = vector.broadcast %neg3A_314 : f32 to vector<16xf32>
          %neg3A_316 = arith.subf %neg3A_315, %add3A_313 : vector<16xf32>
          %exp3A_317 = math.exp %neg3A_316 : vector<16xf32>
          %add3A_318 = arith.constant 1.000000e+00 : f32
          %add3A_319 = vector.broadcast %add3A_318 : f32 to vector<16xf32>
          %add3A_320 = arith.addf %add3A_319, %exp3A_317 : vector<16xf32>
          %div3A_321 = arith.divf %add3A_313, %add3A_320 : vector<16xf32>
          %swap3A_322 = arith.index_cast %scan3A_272 : i32 to index
          %swap3A_323 = arith.constant 16 : index
          %swap3A_324 = tpu.vector_load %arg20[%swap3A_322, %swap3A_323] {strides = array<i32>} : memref<128x32xf32, #tpu.memory_space<vmem>>, vector<1x16xf32>,
          %swap3A_325 = vector.shape_cast %swap3A_324 : vector<1x16xf32> to vector<16xf32>
          %swap3A_326 = vector.shape_cast %div3A_321 : vector<16xf32> to vector<1x16xf32>
          tpu.vector_store %arg20[%swap3A_322, %swap3A_323], %swap3A_326 {strides = array<i32>} : memref<128x32xf32, #tpu.memory_space<vmem>>, vector<1x16xf32>,
        }
        %scan3A_96 = arith.constant 128 : i32
        %mul3A_97 = arith.constant 128 : i32
        %mul3A_98 = arith.muli %add3A_56, %mul3A_97 : i32
        %add3A_99 = arith.addi %mul3A_6, %mul3A_98 : i32
        %dma_start3A = arith.constant 0 : i32
        %dma_start3A_100 = tpu.memref_slice %arg7[%add3A_99, %dma_start3A] : memref<800000x32xf32, #tpu.memory_space<hbm>> -> memref<128x32xf32, #tpu.memory_space<hbm>>
        %dma_start3A_101 = arith.constant 0 : i32
        %dma_start3A_102 = tpu.memref_slice %arg7[%add3A_99, %dma_start3A_101] : memref<800000x32xf32, #tpu.memory_space<hbm>> -> memref<128x32xf32, #tpu.memory_space<hbm>>
        tpu.enqueue_dma source(%arg20 : memref<128x32xf32, #tpu.memory_space<vmem>>) target(%dma_start3A_102 : memref<128x32xf32, #tpu.memory_space<hbm>>) target_semaphore(%arg26 : memref<!tpu.dma_semaphore, #tpu.memory_space<semaphore_mem>>)
        %add3A_103 = arith.constant 3 : i32
        %add3A_104 = arith.addi %add3A_56, %add3A_103 : i32
        %lt3A_105 = arith.cmpi slt, %add3A_104, %min3A_4 : i32
        %convert_element_type3A_106 = arith.extui %lt3A_105 : i1 to i32
        %cond3A_107 = arith.constant 0 : i32
        %cond3A_108 = arith.cmpi ne, %convert_element_type3A_106, %cond3A_107 : i32
        scf.if %cond3A_108 {
          %dma_start3A_109 = arith.constant 0 : i32
          %dma_start3A_110 = tpu.memref_slice %arg8[%add3A_104, %dma_start3A_109] : memref<196x128xi32, #tpu.memory_space<vmem>> -> memref<1x128xi32, #tpu.memory_space<vmem>>
          %dma_start3A_111 = tpu.memref_squeeze %dma_start3A_110 : memref<1x128xi32, #tpu.memory_space<vmem>> -> memref<128xi32, #tpu.memory_space<vmem>>
          %dma_start3A_112 = arith.constant 0 : i32
          %dma_start3A_113 = arith.constant 0 : i32
          %dma_start3A_114 = tpu.memref_slice %arg2[%dma_start3A_112, %dma_start3A_113] : memref<50000x32xf32, #tpu.memory_space<hbm>> -> memref<50000x32xf32, #tpu.memory_space<hbm>>
          tpu.enqueue_indirect_dma source(%dma_start3A_114 : memref<50000x32xf32, #tpu.memory_space<hbm>>) target(%arg11 : memref<128x32xf32, #tpu.memory_space<vmem>>) offsets(%dma_start3A_111 : memref<128xi32, #tpu.memory_space<vmem>>) semaphore(%arg23 : memref<!tpu.dma_semaphore, #tpu.memory_space<semaphore_mem>>)
          %dma_start3A_115 = arith.constant 0 : i32
          %dma_start3A_116 = tpu.memref_slice %arg9[%add3A_104, %dma_start3A_115] : memref<196x128xi32, #tpu.memory_space<vmem>> -> memref<1x128xi32, #tpu.memory_space<vmem>>
          %dma_start3A_117 = tpu.memref_squeeze %dma_start3A_116 : memref<1x128xi32, #tpu.memory_space<vmem>> -> memref<128xi32, #tpu.memory_space<vmem>>
          %dma_start3A_118 = arith.constant 0 : i32
          %dma_start3A_119 = arith.constant 0 : i32
          %dma_start3A_120 = tpu.memref_slice %arg3[%dma_start3A_118, %dma_start3A_119] : memref<50000x32xf32, #tpu.memory_space<hbm>> -> memref<50000x32xf32, #tpu.memory_space<hbm>>
          tpu.enqueue_indirect_dma source(%dma_start3A_120 : memref<50000x32xf32, #tpu.memory_space<hbm>>) target(%arg14 : memref<128x32xf32, #tpu.memory_space<vmem>>) offsets(%dma_start3A_117 : memref<128xi32, #tpu.memory_space<vmem>>) semaphore(%arg23 : memref<!tpu.dma_semaphore, #tpu.memory_space<semaphore_mem>>)
          %mul3A_121 = arith.constant 128 : i32
          %mul3A_122 = arith.muli %add3A_104, %mul3A_121 : i32
          %add3A_123 = arith.addi %mul3A_6, %mul3A_122 : i32
          %dma_start3A_124 = arith.constant 0 : i32
          %dma_start3A_125 = tpu.memref_slice %arg6[%add3A_123, %dma_start3A_124] : memref<800000x32xf32, #tpu.memory_space<hbm>> -> memref<128x32xf32, #tpu.memory_space<hbm>>
          %dma_start3A_126 = arith.constant 0 : i32
          %dma_start3A_127 = tpu.memref_slice %arg6[%add3A_123, %dma_start3A_126] : memref<800000x32xf32, #tpu.memory_space<hbm>> -> memref<128x32xf32, #tpu.memory_space<hbm>>
          tpu.enqueue_dma source(%dma_start3A_127 : memref<128x32xf32, #tpu.memory_space<hbm>>) target(%arg17 : memref<128x32xf32, #tpu.memory_space<vmem>>) target_semaphore(%arg23 : memref<!tpu.dma_semaphore, #tpu.memory_space<semaphore_mem>>)
        } else {
        }
      } else {
      }
      %mul3A_61 = arith.constant 3 : i32
      %mul3A_62 = arith.muli %scan3A_45, %mul3A_61 : i32
      %add3A_63 = arith.constant 2 : i32
      %add3A_64 = arith.addi %mul3A_62, %add3A_63 : i32
      %lt3A_65 = arith.cmpi slt, %add3A_64, %min3A_4 : i32
      %convert_element_type3A_66 = arith.extui %lt3A_65 : i1 to i32
      %cond3A_67 = arith.constant 0 : i32
      %cond3A_68 = arith.cmpi ne, %convert_element_type3A_66, %cond3A_67 : i32
      scf.if %cond3A_68 {
        %ge3A = arith.constant 3 : i32
        %ge3A_69 = arith.cmpi sge, %add3A_64, %ge3A : i32
        %convert_element_type3A_70 = arith.extui %ge3A_69 : i1 to i32
        %cond3A_71 = arith.constant 0 : i32
        %cond3A_72 = arith.cmpi ne, %convert_element_type3A_70, %cond3A_71 : i32
        scf.if %cond3A_72 {
          %dma_wait3A_109 = arith.constant 0 : i32
          %dma_wait3A_110 = arith.constant 0 : i32
          %dma_wait3A_111 = tpu.memref_slice %arg6[%dma_wait3A_109, %dma_wait3A_110] : memref<800000x32xf32, #tpu.memory_space<hbm>> -> memref<128x32xf32, #tpu.memory_space<hbm>>
          %dma_wait3A_112 = arith.constant 0 : i32
          %dma_wait3A_113 = arith.constant 0 : i32
          %dma_wait3A_114 = tpu.memref_slice %arg6[%dma_wait3A_112, %dma_wait3A_113] : memref<800000x32xf32, #tpu.memory_space<hbm>> -> memref<128x32xf32, #tpu.memory_space<hbm>>
          tpu.wait_dma2 semaphore(%arg27 : memref<!tpu.dma_semaphore, #tpu.memory_space<semaphore_mem>>) src(%dma_wait3A_114 : memref<128x32xf32, #tpu.memory_space<hbm>>) dst(%arg21 : memref<128x32xf32, #tpu.memory_space<vmem>>)
        } else {
        }
        %dma_wait3A_73 = arith.constant 0 : i32
        %dma_wait3A_74 = arith.constant 0 : i32
        %dma_wait3A_75 = tpu.memref_slice %arg6[%dma_wait3A_73, %dma_wait3A_74] : memref<800000x32xf32, #tpu.memory_space<hbm>> -> memref<128x32xf32, #tpu.memory_space<hbm>>
        %dma_wait3A_76 = arith.constant 0 : i32
        %dma_wait3A_77 = arith.constant 0 : i32
        %dma_wait3A_78 = tpu.memref_slice %arg6[%dma_wait3A_76, %dma_wait3A_77] : memref<800000x32xf32, #tpu.memory_space<hbm>> -> memref<128x32xf32, #tpu.memory_space<hbm>>
        tpu.wait_dma2 semaphore(%arg24 : memref<!tpu.dma_semaphore, #tpu.memory_space<semaphore_mem>>) src(%dma_wait3A_78 : memref<128x32xf32, #tpu.memory_space<hbm>>) dst(%arg12 : memref<128x32xf32, #tpu.memory_space<vmem>>)
        %dma_wait3A_79 = arith.constant 0 : i32
        %dma_wait3A_80 = arith.constant 0 : i32
        %dma_wait3A_81 = tpu.memref_slice %arg6[%dma_wait3A_79, %dma_wait3A_80] : memref<800000x32xf32, #tpu.memory_space<hbm>> -> memref<128x32xf32, #tpu.memory_space<hbm>>
        %dma_wait3A_82 = arith.constant 0 : i32
        %dma_wait3A_83 = arith.constant 0 : i32
        %dma_wait3A_84 = tpu.memref_slice %arg6[%dma_wait3A_82, %dma_wait3A_83] : memref<800000x32xf32, #tpu.memory_space<hbm>> -> memref<128x32xf32, #tpu.memory_space<hbm>>
        tpu.wait_dma2 semaphore(%arg24 : memref<!tpu.dma_semaphore, #tpu.memory_space<semaphore_mem>>) src(%dma_wait3A_84 : memref<128x32xf32, #tpu.memory_space<hbm>>) dst(%arg15 : memref<128x32xf32, #tpu.memory_space<vmem>>)
        %dma_wait3A_85 = arith.constant 0 : i32
        %dma_wait3A_86 = arith.constant 0 : i32
        %dma_wait3A_87 = tpu.memref_slice %arg6[%dma_wait3A_85, %dma_wait3A_86] : memref<800000x32xf32, #tpu.memory_space<hbm>> -> memref<128x32xf32, #tpu.memory_space<hbm>>
        %dma_wait3A_88 = arith.constant 0 : i32
        %dma_wait3A_89 = arith.constant 0 : i32
        %dma_wait3A_90 = tpu.memref_slice %arg6[%dma_wait3A_88, %dma_wait3A_89] : memref<800000x32xf32, #tpu.memory_space<hbm>> -> memref<128x32xf32, #tpu.memory_space<hbm>>
        tpu.wait_dma2 semaphore(%arg24 : memref<!tpu.dma_semaphore, #tpu.memory_space<semaphore_mem>>) src(%dma_wait3A_90 : memref<128x32xf32, #tpu.memory_space<hbm>>) dst(%arg18 : memref<128x32xf32, #tpu.memory_space<vmem>>)
        %scan3A_91 = arith.constant 0 : i32
        %scan3A_92 = arith.constant 0 : i32
        %scan3A_93 = arith.constant 128 : i32
        %scan3A_94 = arith.addi %scan3A_92, %scan3A_93 : i32
        %scan3A_95 = arith.constant 4 : i32
        scf.for %scan3A_109 = %scan3A_92 to %scan3A_94 step %scan3A_95  : i32 {
          %get3A = arith.index_cast %scan3A_109 : i32 to index
          %get3A_110 = arith.constant 0 : index
          %get3A_111 = tpu.vector_load %arg18[%get3A, %get3A_110] {strides = array<i32>} : memref<128x32xf32, #tpu.memory_space<vmem>>, vector<1x16xf32>,
          %get3A_112 = vector.shape_cast %get3A_111 : vector<1x16xf32> to vector<16xf32>
          %get3A_113 = arith.index_cast %scan3A_109 : i32 to index
          %get3A_114 = arith.constant 0 : index
          %get3A_115 = tpu.vector_load %arg12[%get3A_113, %get3A_114] {strides = array<i32>} : memref<128x32xf32, #tpu.memory_space<vmem>>, vector<1x16xf32>,
          %get3A_116 = vector.shape_cast %get3A_115 : vector<1x16xf32> to vector<16xf32>
          %add3A_117 = arith.addf %get3A_112, %get3A_116 : vector<16xf32>
          %get3A_118 = arith.index_cast %scan3A_109 : i32 to index
          %get3A_119 = arith.constant 0 : index
          %get3A_120 = tpu.vector_load %arg15[%get3A_118, %get3A_119] {strides = array<i32>} : memref<128x32xf32, #tpu.memory_space<vmem>>, vector<1x16xf32>,
          %get3A_121 = vector.shape_cast %get3A_120 : vector<1x16xf32> to vector<16xf32>
          %add3A_122 = arith.addf %add3A_117, %get3A_121 : vector<16xf32>
          %neg3A = arith.constant 0.000000e+00 : f32
          %neg3A_123 = vector.broadcast %neg3A : f32 to vector<16xf32>
          %neg3A_124 = arith.subf %neg3A_123, %add3A_122 : vector<16xf32>
          %exp3A = math.exp %neg3A_124 : vector<16xf32>
          %add3A_125 = arith.constant 1.000000e+00 : f32
          %add3A_126 = vector.broadcast %add3A_125 : f32 to vector<16xf32>
          %add3A_127 = arith.addf %add3A_126, %exp3A : vector<16xf32>
          %div3A = arith.divf %add3A_122, %add3A_127 : vector<16xf32>
          %swap3A = arith.index_cast %scan3A_109 : i32 to index
          %swap3A_128 = arith.constant 0 : index
          %swap3A_129 = tpu.vector_load %arg21[%swap3A, %swap3A_128] {strides = array<i32>} : memref<128x32xf32, #tpu.memory_space<vmem>>, vector<1x16xf32>,
          %swap3A_130 = vector.shape_cast %swap3A_129 : vector<1x16xf32> to vector<16xf32>
          %swap3A_131 = vector.shape_cast %div3A : vector<16xf32> to vector<1x16xf32>
          tpu.vector_store %arg21[%swap3A, %swap3A_128], %swap3A_131 {strides = array<i32>} : memref<128x32xf32, #tpu.memory_space<vmem>>, vector<1x16xf32>,
          %get3A_132 = arith.index_cast %scan3A_109 : i32 to index
          %get3A_133 = arith.constant 16 : index
          %get3A_134 = tpu.vector_load %arg18[%get3A_132, %get3A_133] {strides = array<i32>} : memref<128x32xf32, #tpu.memory_space<vmem>>, vector<1x16xf32>,
          %get3A_135 = vector.shape_cast %get3A_134 : vector<1x16xf32> to vector<16xf32>
          %get3A_136 = arith.index_cast %scan3A_109 : i32 to index
          %get3A_137 = arith.constant 16 : index
          %get3A_138 = tpu.vector_load %arg12[%get3A_136, %get3A_137] {strides = array<i32>} : memref<128x32xf32, #tpu.memory_space<vmem>>, vector<1x16xf32>,
          %get3A_139 = vector.shape_cast %get3A_138 : vector<1x16xf32> to vector<16xf32>
          %add3A_140 = arith.addf %get3A_135, %get3A_139 : vector<16xf32>
          %get3A_141 = arith.index_cast %scan3A_109 : i32 to index
          %get3A_142 = arith.constant 16 : index
          %get3A_143 = tpu.vector_load %arg15[%get3A_141, %get3A_142] {strides = array<i32>} : memref<128x32xf32, #tpu.memory_space<vmem>>, vector<1x16xf32>,
          %get3A_144 = vector.shape_cast %get3A_143 : vector<1x16xf32> to vector<16xf32>
          %add3A_145 = arith.addf %add3A_140, %get3A_144 : vector<16xf32>
          %neg3A_146 = arith.constant 0.000000e+00 : f32
          %neg3A_147 = vector.broadcast %neg3A_146 : f32 to vector<16xf32>
          %neg3A_148 = arith.subf %neg3A_147, %add3A_145 : vector<16xf32>
          %exp3A_149 = math.exp %neg3A_148 : vector<16xf32>
          %add3A_150 = arith.constant 1.000000e+00 : f32
          %add3A_151 = vector.broadcast %add3A_150 : f32 to vector<16xf32>
          %add3A_152 = arith.addf %add3A_151, %exp3A_149 : vector<16xf32>
          %div3A_153 = arith.divf %add3A_145, %add3A_152 : vector<16xf32>
          %swap3A_154 = arith.index_cast %scan3A_109 : i32 to index
          %swap3A_155 = arith.constant 16 : index
          %swap3A_156 = tpu.vector_load %arg21[%swap3A_154, %swap3A_155] {strides = array<i32>} : memref<128x32xf32, #tpu.memory_space<vmem>>, vector<1x16xf32>,
          %swap3A_157 = vector.shape_cast %swap3A_156 : vector<1x16xf32> to vector<16xf32>
          %swap3A_158 = vector.shape_cast %div3A_153 : vector<16xf32> to vector<1x16xf32>
          tpu.vector_store %arg21[%swap3A_154, %swap3A_155], %swap3A_158 {strides = array<i32>} : memref<128x32xf32, #tpu.memory_space<vmem>>, vector<1x16xf32>,
          %scan3A_159 = arith.constant 1 : i32
          %scan3A_160 = arith.addi %scan3A_109, %scan3A_159 : i32
          %get3A_161 = arith.index_cast %scan3A_160 : i32 to index
          %get3A_162 = arith.constant 0 : index
          %get3A_163 = tpu.vector_load %arg18[%get3A_161, %get3A_162] {strides = array<i32>} : memref<128x32xf32, #tpu.memory_space<vmem>>, vector<1x16xf32>,
          %get3A_164 = vector.shape_cast %get3A_163 : vector<1x16xf32> to vector<16xf32>
          %get3A_165 = arith.index_cast %scan3A_160 : i32 to index
          %get3A_166 = arith.constant 0 : index
          %get3A_167 = tpu.vector_load %arg12[%get3A_165, %get3A_166] {strides = array<i32>} : memref<128x32xf32, #tpu.memory_space<vmem>>, vector<1x16xf32>,
          %get3A_168 = vector.shape_cast %get3A_167 : vector<1x16xf32> to vector<16xf32>
          %add3A_169 = arith.addf %get3A_164, %get3A_168 : vector<16xf32>
          %get3A_170 = arith.index_cast %scan3A_160 : i32 to index
          %get3A_171 = arith.constant 0 : index
          %get3A_172 = tpu.vector_load %arg15[%get3A_170, %get3A_171] {strides = array<i32>} : memref<128x32xf32, #tpu.memory_space<vmem>>, vector<1x16xf32>,
          %get3A_173 = vector.shape_cast %get3A_172 : vector<1x16xf32> to vector<16xf32>
          %add3A_174 = arith.addf %add3A_169, %get3A_173 : vector<16xf32>
          %neg3A_175 = arith.constant 0.000000e+00 : f32
          %neg3A_176 = vector.broadcast %neg3A_175 : f32 to vector<16xf32>
          %neg3A_177 = arith.subf %neg3A_176, %add3A_174 : vector<16xf32>
          %exp3A_178 = math.exp %neg3A_177 : vector<16xf32>
          %add3A_179 = arith.constant 1.000000e+00 : f32
          %add3A_180 = vector.broadcast %add3A_179 : f32 to vector<16xf32>
          %add3A_181 = arith.addf %add3A_180, %exp3A_178 : vector<16xf32>
          %div3A_182 = arith.divf %add3A_174, %add3A_181 : vector<16xf32>
          %swap3A_183 = arith.index_cast %scan3A_160 : i32 to index
          %swap3A_184 = arith.constant 0 : index
          %swap3A_185 = tpu.vector_load %arg21[%swap3A_183, %swap3A_184] {strides = array<i32>} : memref<128x32xf32, #tpu.memory_space<vmem>>, vector<1x16xf32>,
          %swap3A_186 = vector.shape_cast %swap3A_185 : vector<1x16xf32> to vector<16xf32>
          %swap3A_187 = vector.shape_cast %div3A_182 : vector<16xf32> to vector<1x16xf32>
          tpu.vector_store %arg21[%swap3A_183, %swap3A_184], %swap3A_187 {strides = array<i32>} : memref<128x32xf32, #tpu.memory_space<vmem>>, vector<1x16xf32>,
          %get3A_188 = arith.index_cast %scan3A_160 : i32 to index
          %get3A_189 = arith.constant 16 : index
          %get3A_190 = tpu.vector_load %arg18[%get3A_188, %get3A_189] {strides = array<i32>} : memref<128x32xf32, #tpu.memory_space<vmem>>, vector<1x16xf32>,
          %get3A_191 = vector.shape_cast %get3A_190 : vector<1x16xf32> to vector<16xf32>
          %get3A_192 = arith.index_cast %scan3A_160 : i32 to index
          %get3A_193 = arith.constant 16 : index
          %get3A_194 = tpu.vector_load %arg12[%get3A_192, %get3A_193] {strides = array<i32>} : memref<128x32xf32, #tpu.memory_space<vmem>>, vector<1x16xf32>,
          %get3A_195 = vector.shape_cast %get3A_194 : vector<1x16xf32> to vector<16xf32>
          %add3A_196 = arith.addf %get3A_191, %get3A_195 : vector<16xf32>
          %get3A_197 = arith.index_cast %scan3A_160 : i32 to index
          %get3A_198 = arith.constant 16 : index
          %get3A_199 = tpu.vector_load %arg15[%get3A_197, %get3A_198] {strides = array<i32>} : memref<128x32xf32, #tpu.memory_space<vmem>>, vector<1x16xf32>,
          %get3A_200 = vector.shape_cast %get3A_199 : vector<1x16xf32> to vector<16xf32>
          %add3A_201 = arith.addf %add3A_196, %get3A_200 : vector<16xf32>
          %neg3A_202 = arith.constant 0.000000e+00 : f32
          %neg3A_203 = vector.broadcast %neg3A_202 : f32 to vector<16xf32>
          %neg3A_204 = arith.subf %neg3A_203, %add3A_201 : vector<16xf32>
          %exp3A_205 = math.exp %neg3A_204 : vector<16xf32>
          %add3A_206 = arith.constant 1.000000e+00 : f32
          %add3A_207 = vector.broadcast %add3A_206 : f32 to vector<16xf32>
          %add3A_208 = arith.addf %add3A_207, %exp3A_205 : vector<16xf32>
          %div3A_209 = arith.divf %add3A_201, %add3A_208 : vector<16xf32>
          %swap3A_210 = arith.index_cast %scan3A_160 : i32 to index
          %swap3A_211 = arith.constant 16 : index
          %swap3A_212 = tpu.vector_load %arg21[%swap3A_210, %swap3A_211] {strides = array<i32>} : memref<128x32xf32, #tpu.memory_space<vmem>>, vector<1x16xf32>,
          %swap3A_213 = vector.shape_cast %swap3A_212 : vector<1x16xf32> to vector<16xf32>
          %swap3A_214 = vector.shape_cast %div3A_209 : vector<16xf32> to vector<1x16xf32>
          tpu.vector_store %arg21[%swap3A_210, %swap3A_211], %swap3A_214 {strides = array<i32>} : memref<128x32xf32, #tpu.memory_space<vmem>>, vector<1x16xf32>,
          %scan3A_215 = arith.constant 2 : i32
          %scan3A_216 = arith.addi %scan3A_109, %scan3A_215 : i32
          %get3A_217 = arith.index_cast %scan3A_216 : i32 to index
          %get3A_218 = arith.constant 0 : index
          %get3A_219 = tpu.vector_load %arg18[%get3A_217, %get3A_218] {strides = array<i32>} : memref<128x32xf32, #tpu.memory_space<vmem>>, vector<1x16xf32>,
          %get3A_220 = vector.shape_cast %get3A_219 : vector<1x16xf32> to vector<16xf32>
          %get3A_221 = arith.index_cast %scan3A_216 : i32 to index
          %get3A_222 = arith.constant 0 : index
          %get3A_223 = tpu.vector_load %arg12[%get3A_221, %get3A_222] {strides = array<i32>} : memref<128x32xf32, #tpu.memory_space<vmem>>, vector<1x16xf32>,
          %get3A_224 = vector.shape_cast %get3A_223 : vector<1x16xf32> to vector<16xf32>
          %add3A_225 = arith.addf %get3A_220, %get3A_224 : vector<16xf32>
          %get3A_226 = arith.index_cast %scan3A_216 : i32 to index
          %get3A_227 = arith.constant 0 : index
          %get3A_228 = tpu.vector_load %arg15[%get3A_226, %get3A_227] {strides = array<i32>} : memref<128x32xf32, #tpu.memory_space<vmem>>, vector<1x16xf32>,
          %get3A_229 = vector.shape_cast %get3A_228 : vector<1x16xf32> to vector<16xf32>
          %add3A_230 = arith.addf %add3A_225, %get3A_229 : vector<16xf32>
          %neg3A_231 = arith.constant 0.000000e+00 : f32
          %neg3A_232 = vector.broadcast %neg3A_231 : f32 to vector<16xf32>
          %neg3A_233 = arith.subf %neg3A_232, %add3A_230 : vector<16xf32>
          %exp3A_234 = math.exp %neg3A_233 : vector<16xf32>
          %add3A_235 = arith.constant 1.000000e+00 : f32
          %add3A_236 = vector.broadcast %add3A_235 : f32 to vector<16xf32>
          %add3A_237 = arith.addf %add3A_236, %exp3A_234 : vector<16xf32>
          %div3A_238 = arith.divf %add3A_230, %add3A_237 : vector<16xf32>
          %swap3A_239 = arith.index_cast %scan3A_216 : i32 to index
          %swap3A_240 = arith.constant 0 : index
          %swap3A_241 = tpu.vector_load %arg21[%swap3A_239, %swap3A_240] {strides = array<i32>} : memref<128x32xf32, #tpu.memory_space<vmem>>, vector<1x16xf32>,
          %swap3A_242 = vector.shape_cast %swap3A_241 : vector<1x16xf32> to vector<16xf32>
          %swap3A_243 = vector.shape_cast %div3A_238 : vector<16xf32> to vector<1x16xf32>
          tpu.vector_store %arg21[%swap3A_239, %swap3A_240], %swap3A_243 {strides = array<i32>} : memref<128x32xf32, #tpu.memory_space<vmem>>, vector<1x16xf32>,
          %get3A_244 = arith.index_cast %scan3A_216 : i32 to index
          %get3A_245 = arith.constant 16 : index
          %get3A_246 = tpu.vector_load %arg18[%get3A_244, %get3A_245] {strides = array<i32>} : memref<128x32xf32, #tpu.memory_space<vmem>>, vector<1x16xf32>,
          %get3A_247 = vector.shape_cast %get3A_246 : vector<1x16xf32> to vector<16xf32>
          %get3A_248 = arith.index_cast %scan3A_216 : i32 to index
          %get3A_249 = arith.constant 16 : index
          %get3A_250 = tpu.vector_load %arg12[%get3A_248, %get3A_249] {strides = array<i32>} : memref<128x32xf32, #tpu.memory_space<vmem>>, vector<1x16xf32>,
          %get3A_251 = vector.shape_cast %get3A_250 : vector<1x16xf32> to vector<16xf32>
          %add3A_252 = arith.addf %get3A_247, %get3A_251 : vector<16xf32>
          %get3A_253 = arith.index_cast %scan3A_216 : i32 to index
          %get3A_254 = arith.constant 16 : index
          %get3A_255 = tpu.vector_load %arg15[%get3A_253, %get3A_254] {strides = array<i32>} : memref<128x32xf32, #tpu.memory_space<vmem>>, vector<1x16xf32>,
          %get3A_256 = vector.shape_cast %get3A_255 : vector<1x16xf32> to vector<16xf32>
          %add3A_257 = arith.addf %add3A_252, %get3A_256 : vector<16xf32>
          %neg3A_258 = arith.constant 0.000000e+00 : f32
          %neg3A_259 = vector.broadcast %neg3A_258 : f32 to vector<16xf32>
          %neg3A_260 = arith.subf %neg3A_259, %add3A_257 : vector<16xf32>
          %exp3A_261 = math.exp %neg3A_260 : vector<16xf32>
          %add3A_262 = arith.constant 1.000000e+00 : f32
          %add3A_263 = vector.broadcast %add3A_262 : f32 to vector<16xf32>
          %add3A_264 = arith.addf %add3A_263, %exp3A_261 : vector<16xf32>
          %div3A_265 = arith.divf %add3A_257, %add3A_264 : vector<16xf32>
          %swap3A_266 = arith.index_cast %scan3A_216 : i32 to index
          %swap3A_267 = arith.constant 16 : index
          %swap3A_268 = tpu.vector_load %arg21[%swap3A_266, %swap3A_267] {strides = array<i32>} : memref<128x32xf32, #tpu.memory_space<vmem>>, vector<1x16xf32>,
          %swap3A_269 = vector.shape_cast %swap3A_268 : vector<1x16xf32> to vector<16xf32>
          %swap3A_270 = vector.shape_cast %div3A_265 : vector<16xf32> to vector<1x16xf32>
          tpu.vector_store %arg21[%swap3A_266, %swap3A_267], %swap3A_270 {strides = array<i32>} : memref<128x32xf32, #tpu.memory_space<vmem>>, vector<1x16xf32>,
          %scan3A_271 = arith.constant 3 : i32
          %scan3A_272 = arith.addi %scan3A_109, %scan3A_271 : i32
          %get3A_273 = arith.index_cast %scan3A_272 : i32 to index
          %get3A_274 = arith.constant 0 : index
          %get3A_275 = tpu.vector_load %arg18[%get3A_273, %get3A_274] {strides = array<i32>} : memref<128x32xf32, #tpu.memory_space<vmem>>, vector<1x16xf32>,
          %get3A_276 = vector.shape_cast %get3A_275 : vector<1x16xf32> to vector<16xf32>
          %get3A_277 = arith.index_cast %scan3A_272 : i32 to index
          %get3A_278 = arith.constant 0 : index
          %get3A_279 = tpu.vector_load %arg12[%get3A_277, %get3A_278] {strides = array<i32>} : memref<128x32xf32, #tpu.memory_space<vmem>>, vector<1x16xf32>,
          %get3A_280 = vector.shape_cast %get3A_279 : vector<1x16xf32> to vector<16xf32>
          %add3A_281 = arith.addf %get3A_276, %get3A_280 : vector<16xf32>
          %get3A_282 = arith.index_cast %scan3A_272 : i32 to index
          %get3A_283 = arith.constant 0 : index
          %get3A_284 = tpu.vector_load %arg15[%get3A_282, %get3A_283] {strides = array<i32>} : memref<128x32xf32, #tpu.memory_space<vmem>>, vector<1x16xf32>,
          %get3A_285 = vector.shape_cast %get3A_284 : vector<1x16xf32> to vector<16xf32>
          %add3A_286 = arith.addf %add3A_281, %get3A_285 : vector<16xf32>
          %neg3A_287 = arith.constant 0.000000e+00 : f32
          %neg3A_288 = vector.broadcast %neg3A_287 : f32 to vector<16xf32>
          %neg3A_289 = arith.subf %neg3A_288, %add3A_286 : vector<16xf32>
          %exp3A_290 = math.exp %neg3A_289 : vector<16xf32>
          %add3A_291 = arith.constant 1.000000e+00 : f32
          %add3A_292 = vector.broadcast %add3A_291 : f32 to vector<16xf32>
          %add3A_293 = arith.addf %add3A_292, %exp3A_290 : vector<16xf32>
          %div3A_294 = arith.divf %add3A_286, %add3A_293 : vector<16xf32>
          %swap3A_295 = arith.index_cast %scan3A_272 : i32 to index
          %swap3A_296 = arith.constant 0 : index
          %swap3A_297 = tpu.vector_load %arg21[%swap3A_295, %swap3A_296] {strides = array<i32>} : memref<128x32xf32, #tpu.memory_space<vmem>>, vector<1x16xf32>,
          %swap3A_298 = vector.shape_cast %swap3A_297 : vector<1x16xf32> to vector<16xf32>
          %swap3A_299 = vector.shape_cast %div3A_294 : vector<16xf32> to vector<1x16xf32>
          tpu.vector_store %arg21[%swap3A_295, %swap3A_296], %swap3A_299 {strides = array<i32>} : memref<128x32xf32, #tpu.memory_space<vmem>>, vector<1x16xf32>,
          %get3A_300 = arith.index_cast %scan3A_272 : i32 to index
          %get3A_301 = arith.constant 16 : index
          %get3A_302 = tpu.vector_load %arg18[%get3A_300, %get3A_301] {strides = array<i32>} : memref<128x32xf32, #tpu.memory_space<vmem>>, vector<1x16xf32>,
          %get3A_303 = vector.shape_cast %get3A_302 : vector<1x16xf32> to vector<16xf32>
          %get3A_304 = arith.index_cast %scan3A_272 : i32 to index
          %get3A_305 = arith.constant 16 : index
          %get3A_306 = tpu.vector_load %arg12[%get3A_304, %get3A_305] {strides = array<i32>} : memref<128x32xf32, #tpu.memory_space<vmem>>, vector<1x16xf32>,
          %get3A_307 = vector.shape_cast %get3A_306 : vector<1x16xf32> to vector<16xf32>
          %add3A_308 = arith.addf %get3A_303, %get3A_307 : vector<16xf32>
          %get3A_309 = arith.index_cast %scan3A_272 : i32 to index
          %get3A_310 = arith.constant 16 : index
          %get3A_311 = tpu.vector_load %arg15[%get3A_309, %get3A_310] {strides = array<i32>} : memref<128x32xf32, #tpu.memory_space<vmem>>, vector<1x16xf32>,
          %get3A_312 = vector.shape_cast %get3A_311 : vector<1x16xf32> to vector<16xf32>
          %add3A_313 = arith.addf %add3A_308, %get3A_312 : vector<16xf32>
          %neg3A_314 = arith.constant 0.000000e+00 : f32
          %neg3A_315 = vector.broadcast %neg3A_314 : f32 to vector<16xf32>
          %neg3A_316 = arith.subf %neg3A_315, %add3A_313 : vector<16xf32>
          %exp3A_317 = math.exp %neg3A_316 : vector<16xf32>
          %add3A_318 = arith.constant 1.000000e+00 : f32
          %add3A_319 = vector.broadcast %add3A_318 : f32 to vector<16xf32>
          %add3A_320 = arith.addf %add3A_319, %exp3A_317 : vector<16xf32>
          %div3A_321 = arith.divf %add3A_313, %add3A_320 : vector<16xf32>
          %swap3A_322 = arith.index_cast %scan3A_272 : i32 to index
          %swap3A_323 = arith.constant 16 : index
          %swap3A_324 = tpu.vector_load %arg21[%swap3A_322, %swap3A_323] {strides = array<i32>} : memref<128x32xf32, #tpu.memory_space<vmem>>, vector<1x16xf32>,
          %swap3A_325 = vector.shape_cast %swap3A_324 : vector<1x16xf32> to vector<16xf32>
          %swap3A_326 = vector.shape_cast %div3A_321 : vector<16xf32> to vector<1x16xf32>
          tpu.vector_store %arg21[%swap3A_322, %swap3A_323], %swap3A_326 {strides = array<i32>} : memref<128x32xf32, #tpu.memory_space<vmem>>, vector<1x16xf32>,
        }
        %scan3A_96 = arith.constant 128 : i32
        %mul3A_97 = arith.constant 128 : i32
        %mul3A_98 = arith.muli %add3A_64, %mul3A_97 : i32
        %add3A_99 = arith.addi %mul3A_6, %mul3A_98 : i32
        %dma_start3A = arith.constant 0 : i32
        %dma_start3A_100 = tpu.memref_slice %arg7[%add3A_99, %dma_start3A] : memref<800000x32xf32, #tpu.memory_space<hbm>> -> memref<128x32xf32, #tpu.memory_space<hbm>>
        %dma_start3A_101 = arith.constant 0 : i32
        %dma_start3A_102 = tpu.memref_slice %arg7[%add3A_99, %dma_start3A_101] : memref<800000x32xf32, #tpu.memory_space<hbm>> -> memref<128x32xf32, #tpu.memory_space<hbm>>
        tpu.enqueue_dma source(%arg21 : memref<128x32xf32, #tpu.memory_space<vmem>>) target(%dma_start3A_102 : memref<128x32xf32, #tpu.memory_space<hbm>>) target_semaphore(%arg27 : memref<!tpu.dma_semaphore, #tpu.memory_space<semaphore_mem>>)
        %add3A_103 = arith.constant 3 : i32
        %add3A_104 = arith.addi %add3A_64, %add3A_103 : i32
        %lt3A_105 = arith.cmpi slt, %add3A_104, %min3A_4 : i32
        %convert_element_type3A_106 = arith.extui %lt3A_105 : i1 to i32
        %cond3A_107 = arith.constant 0 : i32
        %cond3A_108 = arith.cmpi ne, %convert_element_type3A_106, %cond3A_107 : i32
        scf.if %cond3A_108 {
          %dma_start3A_109 = arith.constant 0 : i32
          %dma_start3A_110 = tpu.memref_slice %arg8[%add3A_104, %dma_start3A_109] : memref<196x128xi32, #tpu.memory_space<vmem>> -> memref<1x128xi32, #tpu.memory_space<vmem>>
          %dma_start3A_111 = tpu.memref_squeeze %dma_start3A_110 : memref<1x128xi32, #tpu.memory_space<vmem>> -> memref<128xi32, #tpu.memory_space<vmem>>
          %dma_start3A_112 = arith.constant 0 : i32
          %dma_start3A_113 = arith.constant 0 : i32
          %dma_start3A_114 = tpu.memref_slice %arg2[%dma_start3A_112, %dma_start3A_113] : memref<50000x32xf32, #tpu.memory_space<hbm>> -> memref<50000x32xf32, #tpu.memory_space<hbm>>
          tpu.enqueue_indirect_dma source(%dma_start3A_114 : memref<50000x32xf32, #tpu.memory_space<hbm>>) target(%arg12 : memref<128x32xf32, #tpu.memory_space<vmem>>) offsets(%dma_start3A_111 : memref<128xi32, #tpu.memory_space<vmem>>) semaphore(%arg24 : memref<!tpu.dma_semaphore, #tpu.memory_space<semaphore_mem>>)
          %dma_start3A_115 = arith.constant 0 : i32
          %dma_start3A_116 = tpu.memref_slice %arg9[%add3A_104, %dma_start3A_115] : memref<196x128xi32, #tpu.memory_space<vmem>> -> memref<1x128xi32, #tpu.memory_space<vmem>>
          %dma_start3A_117 = tpu.memref_squeeze %dma_start3A_116 : memref<1x128xi32, #tpu.memory_space<vmem>> -> memref<128xi32, #tpu.memory_space<vmem>>
          %dma_start3A_118 = arith.constant 0 : i32
          %dma_start3A_119 = arith.constant 0 : i32
          %dma_start3A_120 = tpu.memref_slice %arg3[%dma_start3A_118, %dma_start3A_119] : memref<50000x32xf32, #tpu.memory_space<hbm>> -> memref<50000x32xf32, #tpu.memory_space<hbm>>
          tpu.enqueue_indirect_dma source(%dma_start3A_120 : memref<50000x32xf32, #tpu.memory_space<hbm>>) target(%arg15 : memref<128x32xf32, #tpu.memory_space<vmem>>) offsets(%dma_start3A_117 : memref<128xi32, #tpu.memory_space<vmem>>) semaphore(%arg24 : memref<!tpu.dma_semaphore, #tpu.memory_space<semaphore_mem>>)
          %mul3A_121 = arith.constant 128 : i32
          %mul3A_122 = arith.muli %add3A_104, %mul3A_121 : i32
          %add3A_123 = arith.addi %mul3A_6, %mul3A_122 : i32
          %dma_start3A_124 = arith.constant 0 : i32
          %dma_start3A_125 = tpu.memref_slice %arg6[%add3A_123, %dma_start3A_124] : memref<800000x32xf32, #tpu.memory_space<hbm>> -> memref<128x32xf32, #tpu.memory_space<hbm>>
          %dma_start3A_126 = arith.constant 0 : i32
          %dma_start3A_127 = tpu.memref_slice %arg6[%add3A_123, %dma_start3A_126] : memref<800000x32xf32, #tpu.memory_space<hbm>> -> memref<128x32xf32, #tpu.memory_space<hbm>>
          tpu.enqueue_dma source(%dma_start3A_127 : memref<128x32xf32, #tpu.memory_space<hbm>>) target(%arg18 : memref<128x32xf32, #tpu.memory_space<vmem>>) target_semaphore(%arg24 : memref<!tpu.dma_semaphore, #tpu.memory_space<semaphore_mem>>)
        } else {
        }
      } else {
      }
    }
    %scan3A_27 = arith.constant 66 : i32
    %dma_wait3A = arith.constant 0 : i32
    %dma_wait3A_28 = arith.constant 0 : i32
    %dma_wait3A_29 = tpu.memref_slice %arg6[%dma_wait3A, %dma_wait3A_28] : memref<800000x32xf32, #tpu.memory_space<hbm>> -> memref<128x32xf32, #tpu.memory_space<hbm>>
    %dma_wait3A_30 = arith.constant 0 : i32
    %dma_wait3A_31 = arith.constant 0 : i32
    %dma_wait3A_32 = tpu.memref_slice %arg6[%dma_wait3A_30, %dma_wait3A_31] : memref<800000x32xf32, #tpu.memory_space<hbm>> -> memref<128x32xf32, #tpu.memory_space<hbm>>
    tpu.wait_dma2 semaphore(%arg25 : memref<!tpu.dma_semaphore, #tpu.memory_space<semaphore_mem>>) src(%dma_wait3A_32 : memref<128x32xf32, #tpu.memory_space<hbm>>) dst(%arg19 : memref<128x32xf32, #tpu.memory_space<vmem>>)
    %dma_wait3A_33 = arith.constant 0 : i32
    %dma_wait3A_34 = arith.constant 0 : i32
    %dma_wait3A_35 = tpu.memref_slice %arg6[%dma_wait3A_33, %dma_wait3A_34] : memref<800000x32xf32, #tpu.memory_space<hbm>> -> memref<128x32xf32, #tpu.memory_space<hbm>>
    %dma_wait3A_36 = arith.constant 0 : i32
    %dma_wait3A_37 = arith.constant 0 : i32
    %dma_wait3A_38 = tpu.memref_slice %arg6[%dma_wait3A_36, %dma_wait3A_37] : memref<800000x32xf32, #tpu.memory_space<hbm>> -> memref<128x32xf32, #tpu.memory_space<hbm>>
    tpu.wait_dma2 semaphore(%arg26 : memref<!tpu.dma_semaphore, #tpu.memory_space<semaphore_mem>>) src(%dma_wait3A_38 : memref<128x32xf32, #tpu.memory_space<hbm>>) dst(%arg20 : memref<128x32xf32, #tpu.memory_space<vmem>>)
    %dma_wait3A_39 = arith.constant 0 : i32
    %dma_wait3A_40 = arith.constant 0 : i32
    %dma_wait3A_41 = tpu.memref_slice %arg6[%dma_wait3A_39, %dma_wait3A_40] : memref<800000x32xf32, #tpu.memory_space<hbm>> -> memref<128x32xf32, #tpu.memory_space<hbm>>
    %dma_wait3A_42 = arith.constant 0 : i32
    %dma_wait3A_43 = arith.constant 0 : i32
    %dma_wait3A_44 = tpu.memref_slice %arg6[%dma_wait3A_42, %dma_wait3A_43] : memref<800000x32xf32, #tpu.memory_space<hbm>> -> memref<128x32xf32, #tpu.memory_space<hbm>>
    tpu.wait_dma2 semaphore(%arg27 : memref<!tpu.dma_semaphore, #tpu.memory_space<semaphore_mem>>) src(%dma_wait3A_44 : memref<128x32xf32, #tpu.memory_space<hbm>>) dst(%arg21 : memref<128x32xf32, #tpu.memory_space<vmem>>)
    return
  }
}

#map = affine_map<(d0, d1) -> (0, 0)>
module attributes {stable_mosaic.version = 14 : i64} {
  func.func @k(%arg0: i32, %arg1: i32, %arg2: memref<50000x32xf32, #tpu.memory_space<hbm>>, %arg3: memref<50000x32xf32, #tpu.memory_space<hbm>>, %arg4: memref<6272x128xi32, #tpu.memory_space<hbm>>, %arg5: memref<6272x128xi32, #tpu.memory_space<hbm>>, %arg6: memref<800000x32xf32, #tpu.memory_space<hbm>>, %arg7: memref<800000x32xf32, #tpu.memory_space<hbm>>, %arg8: memref<196x128xi32, #tpu.memory_space<vmem>>, %arg9: memref<196x128xi32, #tpu.memory_space<vmem>>, %arg10: memref<128x32xf32, #tpu.memory_space<vmem>>, %arg11: memref<128x32xf32, #tpu.memory_space<vmem>>, %arg12: memref<128x32xf32, #tpu.memory_space<vmem>>, %arg13: memref<128x32xf32, #tpu.memory_space<vmem>>, %arg14: memref<128x32xf32, #tpu.memory_space<vmem>>, %arg15: memref<128x32xf32, #tpu.memory_space<vmem>>, %arg16: memref<128x32xf32, #tpu.memory_space<vmem>>, %arg17: memref<128x32xf32, #tpu.memory_space<vmem>>, %arg18: memref<128x32xf32, #tpu.memory_space<vmem>>, %arg19: memref<128x32xf32, #tpu.memory_space<vmem>>, %arg20: memref<128x32xf32, #tpu.memory_space<vmem>>, %arg21: memref<128x32xf32, #tpu.memory_space<vmem>>, %arg22: memref<!tpu.dma_semaphore, #tpu.memory_space<semaphore_mem>>, %arg23: memref<!tpu.dma_semaphore, #tpu.memory_space<semaphore_mem>>, %arg24: memref<!tpu.dma_semaphore, #tpu.memory_space<semaphore_mem>>, %arg25: memref<!tpu.dma_semaphore, #tpu.memory_space<semaphore_mem>>, %arg26: memref<!tpu.dma_semaphore, #tpu.memory_space<semaphore_mem>>, %arg27: memref<!tpu.dma_semaphore, #tpu.memory_space<semaphore_mem>>) attributes {dimension_semantics = [#tpu.dimension_semantics<core_parallel>, #tpu.dimension_semantics<subcore_parallel>], iteration_bounds = array<i64: 2, 16>, scalar_prefetch = 0 : i64, scratch_operands = 20 : i64, tpu.core_type = #tpu.core_type<sc_vector_subcore>, window_params = [{transform_indices = #map}, {transform_indices = #map}, {transform_indices = #map}, {transform_indices = #map}, {transform_indices = #map}, {transform_indices = #map}]} {
    %mul3A = arith.constant 2 : i32
    %mul3A_0 = arith.muli %arg1, %mul3A : i32
    %add3A = arith.addi %mul3A_0, %arg0 : i32
    %mul3A_1 = arith.constant 196 : i32
    %mul3A_2 = arith.muli %add3A, %mul3A_1 : i32
    %sub3A = arith.constant 6250 : i32
    %sub3A_3 = arith.subi %sub3A, %mul3A_2 : i32
    %min3A = arith.constant 196 : i32
    %min3A_4 = arith.minsi %min3A, %sub3A_3 : i32
    %mul3A_5 = arith.constant 25088 : i32
    %mul3A_6 = arith.muli %add3A, %mul3A_5 : i32
    %mul3A_7 = arith.constant 196 : i32
    %mul3A_8 = arith.muli %add3A, %mul3A_7 : i32
    "tpu.region"() ({
      %run_scoped3A = tpu.sem_alloc : memref<!tpu.dma_semaphore, #tpu.memory_space<semaphore_mem>>
      %dma_start3A = arith.constant 0 : i32
      %dma_start3A_45 = tpu.memref_slice %arg4[%mul3A_8, %dma_start3A] : memref<6272x128xi32, #tpu.memory_space<hbm>> -> memref<196x128xi32, #tpu.memory_space<hbm>>
      %dma_start3A_46 = arith.constant 0 : i32
      %dma_start3A_47 = tpu.memref_slice %arg4[%mul3A_8, %dma_start3A_46] : memref<6272x128xi32, #tpu.memory_space<hbm>> -> memref<196x128xi32, #tpu.memory_space<hbm>>
      tpu.enqueue_dma source(%dma_start3A_47 : memref<196x128xi32, #tpu.memory_space<hbm>>) target(%arg8 : memref<196x128xi32, #tpu.memory_space<vmem>>) target_semaphore(%run_scoped3A : memref<!tpu.dma_semaphore, #tpu.memory_space<semaphore_mem>>)
      %dma_wait3A_48 = arith.constant 0 : i32
      %dma_wait3A_49 = tpu.memref_slice %arg4[%mul3A_8, %dma_wait3A_48] : memref<6272x128xi32, #tpu.memory_space<hbm>> -> memref<196x128xi32, #tpu.memory_space<hbm>>
      %dma_wait3A_50 = arith.constant 0 : i32
      %dma_wait3A_51 = tpu.memref_slice %arg4[%mul3A_8, %dma_wait3A_50] : memref<6272x128xi32, #tpu.memory_space<hbm>> -> memref<196x128xi32, #tpu.memory_space<hbm>>
      tpu.wait_dma2 semaphore(%run_scoped3A : memref<!tpu.dma_semaphore, #tpu.memory_space<semaphore_mem>>) src(%dma_wait3A_51 : memref<196x128xi32, #tpu.memory_space<hbm>>) dst(%arg8 : memref<196x128xi32, #tpu.memory_space<vmem>>)
      tpu.yield
    }) : () -> ()
    %mul3A_9 = arith.constant 196 : i32
    %mul3A_10 = arith.muli %add3A, %mul3A_9 : i32
    "tpu.region"() ({
      %run_scoped3A = tpu.sem_alloc : memref<!tpu.dma_semaphore, #tpu.memory_space<semaphore_mem>>
      %dma_start3A = arith.constant 0 : i32
      %dma_start3A_45 = tpu.memref_slice %arg5[%mul3A_10, %dma_start3A] : memref<6272x128xi32, #tpu.memory_space<hbm>> -> memref<196x128xi32, #tpu.memory_space<hbm>>
      %dma_start3A_46 = arith.constant 0 : i32
      %dma_start3A_47 = tpu.memref_slice %arg5[%mul3A_10, %dma_start3A_46] : memref<6272x128xi32, #tpu.memory_space<hbm>> -> memref<196x128xi32, #tpu.memory_space<hbm>>
      tpu.enqueue_dma source(%dma_start3A_47 : memref<196x128xi32, #tpu.memory_space<hbm>>) target(%arg9 : memref<196x128xi32, #tpu.memory_space<vmem>>) target_semaphore(%run_scoped3A : memref<!tpu.dma_semaphore, #tpu.memory_space<semaphore_mem>>)
      %dma_wait3A_48 = arith.constant 0 : i32
      %dma_wait3A_49 = tpu.memref_slice %arg5[%mul3A_10, %dma_wait3A_48] : memref<6272x128xi32, #tpu.memory_space<hbm>> -> memref<196x128xi32, #tpu.memory_space<hbm>>
      %dma_wait3A_50 = arith.constant 0 : i32
      %dma_wait3A_51 = tpu.memref_slice %arg5[%mul3A_10, %dma_wait3A_50] : memref<6272x128xi32, #tpu.memory_space<hbm>> -> memref<196x128xi32, #tpu.memory_space<hbm>>
      tpu.wait_dma2 semaphore(%run_scoped3A : memref<!tpu.dma_semaphore, #tpu.memory_space<semaphore_mem>>) src(%dma_wait3A_51 : memref<196x128xi32, #tpu.memory_space<hbm>>) dst(%arg9 : memref<196x128xi32, #tpu.memory_space<vmem>>)
      tpu.yield
    }) : () -> ()
    %gt3A = arith.constant 0 : i32
    %gt3A_11 = arith.cmpi sgt, %min3A_4, %gt3A : i32
    %convert_element_type3A = arith.extui %gt3A_11 : i1 to i32
    %cond3A = arith.constant 0 : i32
    %cond3A_12 = arith.cmpi ne, %convert_element_type3A, %cond3A : i32
    scf.if %cond3A_12 {
      %dma_start3A = arith.constant 0 : i32
      %dma_start3A_45 = arith.constant 0 : i32
      %dma_start3A_46 = tpu.memref_slice %arg8[%dma_start3A, %dma_start3A_45] : memref<196x128xi32, #tpu.memory_space<vmem>> -> memref<1x128xi32, #tpu.memory_space<vmem>>
      %dma_start3A_47 = tpu.memref_squeeze %dma_start3A_46 : memref<1x128xi32, #tpu.memory_space<vmem>> -> memref<128xi32, #tpu.memory_space<vmem>>
      %dma_start3A_48 = arith.constant 0 : i32
      %dma_start3A_49 = arith.constant 0 : i32
      %dma_start3A_50 = tpu.memref_slice %arg2[%dma_start3A_48, %dma_start3A_49] : memref<50000x32xf32, #tpu.memory_space<hbm>> -> memref<50000x32xf32, #tpu.memory_space<hbm>>
      tpu.enqueue_indirect_dma source(%dma_start3A_50 : memref<50000x32xf32, #tpu.memory_space<hbm>>) target(%arg10 : memref<128x32xf32, #tpu.memory_space<vmem>>) offsets(%dma_start3A_47 : memref<128xi32, #tpu.memory_space<vmem>>) semaphore(%arg22 : memref<!tpu.dma_semaphore, #tpu.memory_space<semaphore_mem>>)
      %dma_start3A_51 = arith.constant 0 : i32
      %dma_start3A_52 = arith.constant 0 : i32
      %dma_start3A_53 = tpu.memref_slice %arg9[%dma_start3A_51, %dma_start3A_52] : memref<196x128xi32, #tpu.memory_space<vmem>> -> memref<1x128xi32, #tpu.memory_space<vmem>>
      %dma_start3A_54 = tpu.memref_squeeze %dma_start3A_53 : memref<1x128xi32, #tpu.memory_space<vmem>> -> memref<128xi32, #tpu.memory_space<vmem>>
      %dma_start3A_55 = arith.constant 0 : i32
      %dma_start3A_56 = arith.constant 0 : i32
      %dma_start3A_57 = tpu.memref_slice %arg3[%dma_start3A_55, %dma_start3A_56] : memref<50000x32xf32, #tpu.memory_space<hbm>> -> memref<50000x32xf32, #tpu.memory_space<hbm>>
      tpu.enqueue_indirect_dma source(%dma_start3A_57 : memref<50000x32xf32, #tpu.memory_space<hbm>>) target(%arg13 : memref<128x32xf32, #tpu.memory_space<vmem>>) offsets(%dma_start3A_54 : memref<128xi32, #tpu.memory_space<vmem>>) semaphore(%arg22 : memref<!tpu.dma_semaphore, #tpu.memory_space<semaphore_mem>>)
      %add3A_58 = arith.constant 0 : i32
      %add3A_59 = arith.addi %mul3A_6, %add3A_58 : i32
      %dma_start3A_60 = arith.constant 0 : i32
      %dma_start3A_61 = tpu.memref_slice %arg6[%add3A_59, %dma_start3A_60] : memref<800000x32xf32, #tpu.memory_space<hbm>> -> memref<128x32xf32, #tpu.memory_space<hbm>>
      %dma_start3A_62 = arith.constant 0 : i32
      %dma_start3A_63 = tpu.memref_slice %arg6[%add3A_59, %dma_start3A_62] : memref<800000x32xf32, #tpu.memory_space<hbm>> -> memref<128x32xf32, #tpu.memory_space<hbm>>
      tpu.enqueue_dma source(%dma_start3A_63 : memref<128x32xf32, #tpu.memory_space<hbm>>) target(%arg16 : memref<128x32xf32, #tpu.memory_space<vmem>>) target_semaphore(%arg22 : memref<!tpu.dma_semaphore, #tpu.memory_space<semaphore_mem>>)
    } else {
    }
    %gt3A_13 = arith.constant 1 : i32
    %gt3A_14 = arith.cmpi sgt, %min3A_4, %gt3A_13 : i32
    %convert_element_type3A_15 = arith.extui %gt3A_14 : i1 to i32
    %cond3A_16 = arith.constant 0 : i32
    %cond3A_17 = arith.cmpi ne, %convert_element_type3A_15, %cond3A_16 : i32
    scf.if %cond3A_17 {
      %dma_start3A = arith.constant 1 : i32
      %dma_start3A_45 = arith.constant 0 : i32
      %dma_start3A_46 = tpu.memref_slice %arg8[%dma_start3A, %dma_start3A_45] : memref<196x128xi32, #tpu.memory_space<vmem>> -> memref<1x128xi32, #tpu.memory_space<vmem>>
      %dma_start3A_47 = tpu.memref_squeeze %dma_start3A_46 : memref<1x128xi32, #tpu.memory_space<vmem>> -> memref<128xi32, #tpu.memory_space<vmem>>
      %dma_start3A_48 = arith.constant 0 : i32
      %dma_start3A_49 = arith.constant 0 : i32
      %dma_start3A_50 = tpu.memref_slice %arg2[%dma_start3A_48, %dma_start3A_49] : memref<50000x32xf32, #tpu.memory_space<hbm>> -> memref<50000x32xf32, #tpu.memory_space<hbm>>
      tpu.enqueue_indirect_dma source(%dma_start3A_50 : memref<50000x32xf32, #tpu.memory_space<hbm>>) target(%arg11 : memref<128x32xf32, #tpu.memory_space<vmem>>) offsets(%dma_start3A_47 : memref<128xi32, #tpu.memory_space<vmem>>) semaphore(%arg23 : memref<!tpu.dma_semaphore, #tpu.memory_space<semaphore_mem>>)
      %dma_start3A_51 = arith.constant 1 : i32
      %dma_start3A_52 = arith.constant 0 : i32
      %dma_start3A_53 = tpu.memref_slice %arg9[%dma_start3A_51, %dma_start3A_52] : memref<196x128xi32, #tpu.memory_space<vmem>> -> memref<1x128xi32, #tpu.memory_space<vmem>>
      %dma_start3A_54 = tpu.memref_squeeze %dma_start3A_53 : memref<1x128xi32, #tpu.memory_space<vmem>> -> memref<128xi32, #tpu.memory_space<vmem>>
      %dma_start3A_55 = arith.constant 0 : i32
      %dma_start3A_56 = arith.constant 0 : i32
      %dma_start3A_57 = tpu.memref_slice %arg3[%dma_start3A_55, %dma_start3A_56] : memref<50000x32xf32, #tpu.memory_space<hbm>> -> memref<50000x32xf32, #tpu.memory_space<hbm>>
      tpu.enqueue_indirect_dma source(%dma_start3A_57 : memref<50000x32xf32, #tpu.memory_space<hbm>>) target(%arg14 : memref<128x32xf32, #tpu.memory_space<vmem>>) offsets(%dma_start3A_54 : memref<128xi32, #tpu.memory_space<vmem>>) semaphore(%arg23 : memref<!tpu.dma_semaphore, #tpu.memory_space<semaphore_mem>>)
      %add3A_58 = arith.constant 128 : i32
      %add3A_59 = arith.addi %mul3A_6, %add3A_58 : i32
      %dma_start3A_60 = arith.constant 0 : i32
      %dma_start3A_61 = tpu.memref_slice %arg6[%add3A_59, %dma_start3A_60] : memref<800000x32xf32, #tpu.memory_space<hbm>> -> memref<128x32xf32, #tpu.memory_space<hbm>>
      %dma_start3A_62 = arith.constant 0 : i32
      %dma_start3A_63 = tpu.memref_slice %arg6[%add3A_59, %dma_start3A_62] : memref<800000x32xf32, #tpu.memory_space<hbm>> -> memref<128x32xf32, #tpu.memory_space<hbm>>
      tpu.enqueue_dma source(%dma_start3A_63 : memref<128x32xf32, #tpu.memory_space<hbm>>) target(%arg17 : memref<128x32xf32, #tpu.memory_space<vmem>>) target_semaphore(%arg23 : memref<!tpu.dma_semaphore, #tpu.memory_space<semaphore_mem>>)
    } else {
    }
    %gt3A_18 = arith.constant 2 : i32
    %gt3A_19 = arith.cmpi sgt, %min3A_4, %gt3A_18 : i32
    %convert_element_type3A_20 = arith.extui %gt3A_19 : i1 to i32
    %cond3A_21 = arith.constant 0 : i32
    %cond3A_22 = arith.cmpi ne, %convert_element_type3A_20, %cond3A_21 : i32
    scf.if %cond3A_22 {
      %dma_start3A = arith.constant 2 : i32
      %dma_start3A_45 = arith.constant 0 : i32
      %dma_start3A_46 = tpu.memref_slice %arg8[%dma_start3A, %dma_start3A_45] : memref<196x128xi32, #tpu.memory_space<vmem>> -> memref<1x128xi32, #tpu.memory_space<vmem>>
      %dma_start3A_47 = tpu.memref_squeeze %dma_start3A_46 : memref<1x128xi32, #tpu.memory_space<vmem>> -> memref<128xi32, #tpu.memory_space<vmem>>
      %dma_start3A_48 = arith.constant 0 : i32
      %dma_start3A_49 = arith.constant 0 : i32
      %dma_start3A_50 = tpu.memref_slice %arg2[%dma_start3A_48, %dma_start3A_49] : memref<50000x32xf32, #tpu.memory_space<hbm>> -> memref<50000x32xf32, #tpu.memory_space<hbm>>
      tpu.enqueue_indirect_dma source(%dma_start3A_50 : memref<50000x32xf32, #tpu.memory_space<hbm>>) target(%arg12 : memref<128x32xf32, #tpu.memory_space<vmem>>) offsets(%dma_start3A_47 : memref<128xi32, #tpu.memory_space<vmem>>) semaphore(%arg24 : memref<!tpu.dma_semaphore, #tpu.memory_space<semaphore_mem>>)
      %dma_start3A_51 = arith.constant 2 : i32
      %dma_start3A_52 = arith.constant 0 : i32
      %dma_start3A_53 = tpu.memref_slice %arg9[%dma_start3A_51, %dma_start3A_52] : memref<196x128xi32, #tpu.memory_space<vmem>> -> memref<1x128xi32, #tpu.memory_space<vmem>>
      %dma_start3A_54 = tpu.memref_squeeze %dma_start3A_53 : memref<1x128xi32, #tpu.memory_space<vmem>> -> memref<128xi32, #tpu.memory_space<vmem>>
      %dma_start3A_55 = arith.constant 0 : i32
      %dma_start3A_56 = arith.constant 0 : i32
      %dma_start3A_57 = tpu.memref_slice %arg3[%dma_start3A_55, %dma_start3A_56] : memref<50000x32xf32, #tpu.memory_space<hbm>> -> memref<50000x32xf32, #tpu.memory_space<hbm>>
      tpu.enqueue_indirect_dma source(%dma_start3A_57 : memref<50000x32xf32, #tpu.memory_space<hbm>>) target(%arg15 : memref<128x32xf32, #tpu.memory_space<vmem>>) offsets(%dma_start3A_54 : memref<128xi32, #tpu.memory_space<vmem>>) semaphore(%arg24 : memref<!tpu.dma_semaphore, #tpu.memory_space<semaphore_mem>>)
      %add3A_58 = arith.constant 256 : i32
      %add3A_59 = arith.addi %mul3A_6, %add3A_58 : i32
      %dma_start3A_60 = arith.constant 0 : i32
      %dma_start3A_61 = tpu.memref_slice %arg6[%add3A_59, %dma_start3A_60] : memref<800000x32xf32, #tpu.memory_space<hbm>> -> memref<128x32xf32, #tpu.memory_space<hbm>>
      %dma_start3A_62 = arith.constant 0 : i32
      %dma_start3A_63 = tpu.memref_slice %arg6[%add3A_59, %dma_start3A_62] : memref<800000x32xf32, #tpu.memory_space<hbm>> -> memref<128x32xf32, #tpu.memory_space<hbm>>
      tpu.enqueue_dma source(%dma_start3A_63 : memref<128x32xf32, #tpu.memory_space<hbm>>) target(%arg18 : memref<128x32xf32, #tpu.memory_space<vmem>>) target_semaphore(%arg24 : memref<!tpu.dma_semaphore, #tpu.memory_space<semaphore_mem>>)
    } else {
    }
    %scan3A = arith.constant 0 : i32
    %scan3A_23 = arith.constant 0 : i32
    %scan3A_24 = arith.constant 66 : i32
    %scan3A_25 = arith.addi %scan3A_23, %scan3A_24 : i32
    %scan3A_26 = arith.constant 1 : i32
    scf.for %scan3A_45 = %scan3A_23 to %scan3A_25 step %scan3A_26  : i32 {
      %mul3A_46 = arith.constant 3 : i32
      %mul3A_47 = arith.muli %scan3A_45, %mul3A_46 : i32
      %add3A_48 = arith.constant 0 : i32
      %add3A_49 = arith.addi %mul3A_47, %add3A_48 : i32
      %lt3A = arith.cmpi slt, %add3A_49, %min3A_4 : i32
      %convert_element_type3A_50 = arith.extui %lt3A : i1 to i32
      %cond3A_51 = arith.constant 0 : i32
      %cond3A_52 = arith.cmpi ne, %convert_element_type3A_50, %cond3A_51 : i32
      scf.if %cond3A_52 {
        %ge3A = arith.constant 3 : i32
        %ge3A_69 = arith.cmpi sge, %add3A_49, %ge3A : i32
        %convert_element_type3A_70 = arith.extui %ge3A_69 : i1 to i32
        %cond3A_71 = arith.constant 0 : i32
        %cond3A_72 = arith.cmpi ne, %convert_element_type3A_70, %cond3A_71 : i32
        scf.if %cond3A_72 {
          %dma_wait3A_109 = arith.constant 0 : i32
          %dma_wait3A_110 = arith.constant 0 : i32
          %dma_wait3A_111 = tpu.memref_slice %arg6[%dma_wait3A_109, %dma_wait3A_110] : memref<800000x32xf32, #tpu.memory_space<hbm>> -> memref<128x32xf32, #tpu.memory_space<hbm>>
          %dma_wait3A_112 = arith.constant 0 : i32
          %dma_wait3A_113 = arith.constant 0 : i32
          %dma_wait3A_114 = tpu.memref_slice %arg6[%dma_wait3A_112, %dma_wait3A_113] : memref<800000x32xf32, #tpu.memory_space<hbm>> -> memref<128x32xf32, #tpu.memory_space<hbm>>
          tpu.wait_dma2 semaphore(%arg25 : memref<!tpu.dma_semaphore, #tpu.memory_space<semaphore_mem>>) src(%dma_wait3A_114 : memref<128x32xf32, #tpu.memory_space<hbm>>) dst(%arg19 : memref<128x32xf32, #tpu.memory_space<vmem>>)
        } else {
        }
        %dma_wait3A_73 = arith.constant 0 : i32
        %dma_wait3A_74 = arith.constant 0 : i32
        %dma_wait3A_75 = tpu.memref_slice %arg6[%dma_wait3A_73, %dma_wait3A_74] : memref<800000x32xf32, #tpu.memory_space<hbm>> -> memref<128x32xf32, #tpu.memory_space<hbm>>
        %dma_wait3A_76 = arith.constant 0 : i32
        %dma_wait3A_77 = arith.constant 0 : i32
        %dma_wait3A_78 = tpu.memref_slice %arg6[%dma_wait3A_76, %dma_wait3A_77] : memref<800000x32xf32, #tpu.memory_space<hbm>> -> memref<128x32xf32, #tpu.memory_space<hbm>>
        tpu.wait_dma2 semaphore(%arg22 : memref<!tpu.dma_semaphore, #tpu.memory_space<semaphore_mem>>) src(%dma_wait3A_78 : memref<128x32xf32, #tpu.memory_space<hbm>>) dst(%arg10 : memref<128x32xf32, #tpu.memory_space<vmem>>)
        %dma_wait3A_79 = arith.constant 0 : i32
        %dma_wait3A_80 = arith.constant 0 : i32
        %dma_wait3A_81 = tpu.memref_slice %arg6[%dma_wait3A_79, %dma_wait3A_80] : memref<800000x32xf32, #tpu.memory_space<hbm>> -> memref<128x32xf32, #tpu.memory_space<hbm>>
        %dma_wait3A_82 = arith.constant 0 : i32
        %dma_wait3A_83 = arith.constant 0 : i32
        %dma_wait3A_84 = tpu.memref_slice %arg6[%dma_wait3A_82, %dma_wait3A_83] : memref<800000x32xf32, #tpu.memory_space<hbm>> -> memref<128x32xf32, #tpu.memory_space<hbm>>
        tpu.wait_dma2 semaphore(%arg22 : memref<!tpu.dma_semaphore, #tpu.memory_space<semaphore_mem>>) src(%dma_wait3A_84 : memref<128x32xf32, #tpu.memory_space<hbm>>) dst(%arg13 : memref<128x32xf32, #tpu.memory_space<vmem>>)
        %dma_wait3A_85 = arith.constant 0 : i32
        %dma_wait3A_86 = arith.constant 0 : i32
        %dma_wait3A_87 = tpu.memref_slice %arg6[%dma_wait3A_85, %dma_wait3A_86] : memref<800000x32xf32, #tpu.memory_space<hbm>> -> memref<128x32xf32, #tpu.memory_space<hbm>>
        %dma_wait3A_88 = arith.constant 0 : i32
        %dma_wait3A_89 = arith.constant 0 : i32
        %dma_wait3A_90 = tpu.memref_slice %arg6[%dma_wait3A_88, %dma_wait3A_89] : memref<800000x32xf32, #tpu.memory_space<hbm>> -> memref<128x32xf32, #tpu.memory_space<hbm>>
        tpu.wait_dma2 semaphore(%arg22 : memref<!tpu.dma_semaphore, #tpu.memory_space<semaphore_mem>>) src(%dma_wait3A_90 : memref<128x32xf32, #tpu.memory_space<hbm>>) dst(%arg16 : memref<128x32xf32, #tpu.memory_space<vmem>>)
        %scan3A_91 = arith.constant 0 : i32
        %scan3A_92 = arith.constant 0 : i32
        %scan3A_93 = arith.constant 128 : i32
        %scan3A_94 = arith.addi %scan3A_92, %scan3A_93 : i32
        %scan3A_95 = arith.constant 4 : i32
        scf.for %scan3A_109 = %scan3A_92 to %scan3A_94 step %scan3A_95  : i32 {
          %get3A = arith.index_cast %scan3A_109 : i32 to index
          %get3A_110 = arith.constant 0 : index
          %get3A_111 = tpu.vector_load %arg16[%get3A, %get3A_110] {strides = array<i32>} : memref<128x32xf32, #tpu.memory_space<vmem>>, vector<1x16xf32>,
          %get3A_112 = vector.shape_cast %get3A_111 : vector<1x16xf32> to vector<16xf32>
          %get3A_113 = arith.index_cast %scan3A_109 : i32 to index
          %get3A_114 = arith.constant 0 : index
          %get3A_115 = tpu.vector_load %arg10[%get3A_113, %get3A_114] {strides = array<i32>} : memref<128x32xf32, #tpu.memory_space<vmem>>, vector<1x16xf32>,
          %get3A_116 = vector.shape_cast %get3A_115 : vector<1x16xf32> to vector<16xf32>
          %add3A_117 = arith.addf %get3A_112, %get3A_116 : vector<16xf32>
          %get3A_118 = arith.index_cast %scan3A_109 : i32 to index
          %get3A_119 = arith.constant 0 : index
          %get3A_120 = tpu.vector_load %arg13[%get3A_118, %get3A_119] {strides = array<i32>} : memref<128x32xf32, #tpu.memory_space<vmem>>, vector<1x16xf32>,
          %get3A_121 = vector.shape_cast %get3A_120 : vector<1x16xf32> to vector<16xf32>
          %add3A_122 = arith.addf %add3A_117, %get3A_121 : vector<16xf32>
          %neg3A = arith.constant 0.000000e+00 : f32
          %neg3A_123 = vector.broadcast %neg3A : f32 to vector<16xf32>
          %neg3A_124 = arith.subf %neg3A_123, %add3A_122 : vector<16xf32>
          %exp3A = math.exp %neg3A_124 : vector<16xf32>
          %add3A_125 = arith.constant 1.000000e+00 : f32
          %add3A_126 = vector.broadcast %add3A_125 : f32 to vector<16xf32>
          %add3A_127 = arith.addf %add3A_126, %exp3A : vector<16xf32>
          %div3A = arith.divf %add3A_122, %add3A_127 : vector<16xf32>
          %swap3A = arith.index_cast %scan3A_109 : i32 to index
          %swap3A_128 = arith.constant 0 : index
          %swap3A_129 = tpu.vector_load %arg19[%swap3A, %swap3A_128] {strides = array<i32>} : memref<128x32xf32, #tpu.memory_space<vmem>>, vector<1x16xf32>,
          %swap3A_130 = vector.shape_cast %swap3A_129 : vector<1x16xf32> to vector<16xf32>
          %swap3A_131 = vector.shape_cast %div3A : vector<16xf32> to vector<1x16xf32>
          tpu.vector_store %arg19[%swap3A, %swap3A_128], %swap3A_131 {strides = array<i32>} : memref<128x32xf32, #tpu.memory_space<vmem>>, vector<1x16xf32>,
          %get3A_132 = arith.index_cast %scan3A_109 : i32 to index
          %get3A_133 = arith.constant 16 : index
          %get3A_134 = tpu.vector_load %arg16[%get3A_132, %get3A_133] {strides = array<i32>} : memref<128x32xf32, #tpu.memory_space<vmem>>, vector<1x16xf32>,
          %get3A_135 = vector.shape_cast %get3A_134 : vector<1x16xf32> to vector<16xf32>
          %get3A_136 = arith.index_cast %scan3A_109 : i32 to index
          %get3A_137 = arith.constant 16 : index
          %get3A_138 = tpu.vector_load %arg10[%get3A_136, %get3A_137] {strides = array<i32>} : memref<128x32xf32, #tpu.memory_space<vmem>>, vector<1x16xf32>,
          %get3A_139 = vector.shape_cast %get3A_138 : vector<1x16xf32> to vector<16xf32>
          %add3A_140 = arith.addf %get3A_135, %get3A_139 : vector<16xf32>
          %get3A_141 = arith.index_cast %scan3A_109 : i32 to index
          %get3A_142 = arith.constant 16 : index
          %get3A_143 = tpu.vector_load %arg13[%get3A_141, %get3A_142] {strides = array<i32>} : memref<128x32xf32, #tpu.memory_space<vmem>>, vector<1x16xf32>,
          %get3A_144 = vector.shape_cast %get3A_143 : vector<1x16xf32> to vector<16xf32>
          %add3A_145 = arith.addf %add3A_140, %get3A_144 : vector<16xf32>
          %neg3A_146 = arith.constant 0.000000e+00 : f32
          %neg3A_147 = vector.broadcast %neg3A_146 : f32 to vector<16xf32>
          %neg3A_148 = arith.subf %neg3A_147, %add3A_145 : vector<16xf32>
          %exp3A_149 = math.exp %neg3A_148 : vector<16xf32>
          %add3A_150 = arith.constant 1.000000e+00 : f32
          %add3A_151 = vector.broadcast %add3A_150 : f32 to vector<16xf32>
          %add3A_152 = arith.addf %add3A_151, %exp3A_149 : vector<16xf32>
          %div3A_153 = arith.divf %add3A_145, %add3A_152 : vector<16xf32>
          %swap3A_154 = arith.index_cast %scan3A_109 : i32 to index
          %swap3A_155 = arith.constant 16 : index
          %swap3A_156 = tpu.vector_load %arg19[%swap3A_154, %swap3A_155] {strides = array<i32>} : memref<128x32xf32, #tpu.memory_space<vmem>>, vector<1x16xf32>,
          %swap3A_157 = vector.shape_cast %swap3A_156 : vector<1x16xf32> to vector<16xf32>
          %swap3A_158 = vector.shape_cast %div3A_153 : vector<16xf32> to vector<1x16xf32>
          tpu.vector_store %arg19[%swap3A_154, %swap3A_155], %swap3A_158 {strides = array<i32>} : memref<128x32xf32, #tpu.memory_space<vmem>>, vector<1x16xf32>,
          %scan3A_159 = arith.constant 1 : i32
          %scan3A_160 = arith.addi %scan3A_109, %scan3A_159 : i32
          %get3A_161 = arith.index_cast %scan3A_160 : i32 to index
          %get3A_162 = arith.constant 0 : index
          %get3A_163 = tpu.vector_load %arg16[%get3A_161, %get3A_162] {strides = array<i32>} : memref<128x32xf32, #tpu.memory_space<vmem>>, vector<1x16xf32>,
          %get3A_164 = vector.shape_cast %get3A_163 : vector<1x16xf32> to vector<16xf32>
          %get3A_165 = arith.index_cast %scan3A_160 : i32 to index
          %get3A_166 = arith.constant 0 : index
          %get3A_167 = tpu.vector_load %arg10[%get3A_165, %get3A_166] {strides = array<i32>} : memref<128x32xf32, #tpu.memory_space<vmem>>, vector<1x16xf32>,
          %get3A_168 = vector.shape_cast %get3A_167 : vector<1x16xf32> to vector<16xf32>
          %add3A_169 = arith.addf %get3A_164, %get3A_168 : vector<16xf32>
          %get3A_170 = arith.index_cast %scan3A_160 : i32 to index
          %get3A_171 = arith.constant 0 : index
          %get3A_172 = tpu.vector_load %arg13[%get3A_170, %get3A_171] {strides = array<i32>} : memref<128x32xf32, #tpu.memory_space<vmem>>, vector<1x16xf32>,
          %get3A_173 = vector.shape_cast %get3A_172 : vector<1x16xf32> to vector<16xf32>
          %add3A_174 = arith.addf %add3A_169, %get3A_173 : vector<16xf32>
          %neg3A_175 = arith.constant 0.000000e+00 : f32
          %neg3A_176 = vector.broadcast %neg3A_175 : f32 to vector<16xf32>
          %neg3A_177 = arith.subf %neg3A_176, %add3A_174 : vector<16xf32>
          %exp3A_178 = math.exp %neg3A_177 : vector<16xf32>
          %add3A_179 = arith.constant 1.000000e+00 : f32
          %add3A_180 = vector.broadcast %add3A_179 : f32 to vector<16xf32>
          %add3A_181 = arith.addf %add3A_180, %exp3A_178 : vector<16xf32>
          %div3A_182 = arith.divf %add3A_174, %add3A_181 : vector<16xf32>
          %swap3A_183 = arith.index_cast %scan3A_160 : i32 to index
          %swap3A_184 = arith.constant 0 : index
          %swap3A_185 = tpu.vector_load %arg19[%swap3A_183, %swap3A_184] {strides = array<i32>} : memref<128x32xf32, #tpu.memory_space<vmem>>, vector<1x16xf32>,
          %swap3A_186 = vector.shape_cast %swap3A_185 : vector<1x16xf32> to vector<16xf32>
          %swap3A_187 = vector.shape_cast %div3A_182 : vector<16xf32> to vector<1x16xf32>
          tpu.vector_store %arg19[%swap3A_183, %swap3A_184], %swap3A_187 {strides = array<i32>} : memref<128x32xf32, #tpu.memory_space<vmem>>, vector<1x16xf32>,
          %get3A_188 = arith.index_cast %scan3A_160 : i32 to index
          %get3A_189 = arith.constant 16 : index
          %get3A_190 = tpu.vector_load %arg16[%get3A_188, %get3A_189] {strides = array<i32>} : memref<128x32xf32, #tpu.memory_space<vmem>>, vector<1x16xf32>,
          %get3A_191 = vector.shape_cast %get3A_190 : vector<1x16xf32> to vector<16xf32>
          %get3A_192 = arith.index_cast %scan3A_160 : i32 to index
          %get3A_193 = arith.constant 16 : index
          %get3A_194 = tpu.vector_load %arg10[%get3A_192, %get3A_193] {strides = array<i32>} : memref<128x32xf32, #tpu.memory_space<vmem>>, vector<1x16xf32>,
          %get3A_195 = vector.shape_cast %get3A_194 : vector<1x16xf32> to vector<16xf32>
          %add3A_196 = arith.addf %get3A_191, %get3A_195 : vector<16xf32>
          %get3A_197 = arith.index_cast %scan3A_160 : i32 to index
          %get3A_198 = arith.constant 16 : index
          %get3A_199 = tpu.vector_load %arg13[%get3A_197, %get3A_198] {strides = array<i32>} : memref<128x32xf32, #tpu.memory_space<vmem>>, vector<1x16xf32>,
          %get3A_200 = vector.shape_cast %get3A_199 : vector<1x16xf32> to vector<16xf32>
          %add3A_201 = arith.addf %add3A_196, %get3A_200 : vector<16xf32>
          %neg3A_202 = arith.constant 0.000000e+00 : f32
          %neg3A_203 = vector.broadcast %neg3A_202 : f32 to vector<16xf32>
          %neg3A_204 = arith.subf %neg3A_203, %add3A_201 : vector<16xf32>
          %exp3A_205 = math.exp %neg3A_204 : vector<16xf32>
          %add3A_206 = arith.constant 1.000000e+00 : f32
          %add3A_207 = vector.broadcast %add3A_206 : f32 to vector<16xf32>
          %add3A_208 = arith.addf %add3A_207, %exp3A_205 : vector<16xf32>
          %div3A_209 = arith.divf %add3A_201, %add3A_208 : vector<16xf32>
          %swap3A_210 = arith.index_cast %scan3A_160 : i32 to index
          %swap3A_211 = arith.constant 16 : index
          %swap3A_212 = tpu.vector_load %arg19[%swap3A_210, %swap3A_211] {strides = array<i32>} : memref<128x32xf32, #tpu.memory_space<vmem>>, vector<1x16xf32>,
          %swap3A_213 = vector.shape_cast %swap3A_212 : vector<1x16xf32> to vector<16xf32>
          %swap3A_214 = vector.shape_cast %div3A_209 : vector<16xf32> to vector<1x16xf32>
          tpu.vector_store %arg19[%swap3A_210, %swap3A_211], %swap3A_214 {strides = array<i32>} : memref<128x32xf32, #tpu.memory_space<vmem>>, vector<1x16xf32>,
          %scan3A_215 = arith.constant 2 : i32
          %scan3A_216 = arith.addi %scan3A_109, %scan3A_215 : i32
          %get3A_217 = arith.index_cast %scan3A_216 : i32 to index
          %get3A_218 = arith.constant 0 : index
          %get3A_219 = tpu.vector_load %arg16[%get3A_217, %get3A_218] {strides = array<i32>} : memref<128x32xf32, #tpu.memory_space<vmem>>, vector<1x16xf32>,
          %get3A_220 = vector.shape_cast %get3A_219 : vector<1x16xf32> to vector<16xf32>
          %get3A_221 = arith.index_cast %scan3A_216 : i32 to index
          %get3A_222 = arith.constant 0 : index
          %get3A_223 = tpu.vector_load %arg10[%get3A_221, %get3A_222] {strides = array<i32>} : memref<128x32xf32, #tpu.memory_space<vmem>>, vector<1x16xf32>,
          %get3A_224 = vector.shape_cast %get3A_223 : vector<1x16xf32> to vector<16xf32>
          %add3A_225 = arith.addf %get3A_220, %get3A_224 : vector<16xf32>
          %get3A_226 = arith.index_cast %scan3A_216 : i32 to index
          %get3A_227 = arith.constant 0 : index
          %get3A_228 = tpu.vector_load %arg13[%get3A_226, %get3A_227] {strides = array<i32>} : memref<128x32xf32, #tpu.memory_space<vmem>>, vector<1x16xf32>,
          %get3A_229 = vector.shape_cast %get3A_228 : vector<1x16xf32> to vector<16xf32>
          %add3A_230 = arith.addf %add3A_225, %get3A_229 : vector<16xf32>
          %neg3A_231 = arith.constant 0.000000e+00 : f32
          %neg3A_232 = vector.broadcast %neg3A_231 : f32 to vector<16xf32>
          %neg3A_233 = arith.subf %neg3A_232, %add3A_230 : vector<16xf32>
          %exp3A_234 = math.exp %neg3A_233 : vector<16xf32>
          %add3A_235 = arith.constant 1.000000e+00 : f32
          %add3A_236 = vector.broadcast %add3A_235 : f32 to vector<16xf32>
          %add3A_237 = arith.addf %add3A_236, %exp3A_234 : vector<16xf32>
          %div3A_238 = arith.divf %add3A_230, %add3A_237 : vector<16xf32>
          %swap3A_239 = arith.index_cast %scan3A_216 : i32 to index
          %swap3A_240 = arith.constant 0 : index
          %swap3A_241 = tpu.vector_load %arg19[%swap3A_239, %swap3A_240] {strides = array<i32>} : memref<128x32xf32, #tpu.memory_space<vmem>>, vector<1x16xf32>,
          %swap3A_242 = vector.shape_cast %swap3A_241 : vector<1x16xf32> to vector<16xf32>
          %swap3A_243 = vector.shape_cast %div3A_238 : vector<16xf32> to vector<1x16xf32>
          tpu.vector_store %arg19[%swap3A_239, %swap3A_240], %swap3A_243 {strides = array<i32>} : memref<128x32xf32, #tpu.memory_space<vmem>>, vector<1x16xf32>,
          %get3A_244 = arith.index_cast %scan3A_216 : i32 to index
          %get3A_245 = arith.constant 16 : index
          %get3A_246 = tpu.vector_load %arg16[%get3A_244, %get3A_245] {strides = array<i32>} : memref<128x32xf32, #tpu.memory_space<vmem>>, vector<1x16xf32>,
          %get3A_247 = vector.shape_cast %get3A_246 : vector<1x16xf32> to vector<16xf32>
          %get3A_248 = arith.index_cast %scan3A_216 : i32 to index
          %get3A_249 = arith.constant 16 : index
          %get3A_250 = tpu.vector_load %arg10[%get3A_248, %get3A_249] {strides = array<i32>} : memref<128x32xf32, #tpu.memory_space<vmem>>, vector<1x16xf32>,
          %get3A_251 = vector.shape_cast %get3A_250 : vector<1x16xf32> to vector<16xf32>
          %add3A_252 = arith.addf %get3A_247, %get3A_251 : vector<16xf32>
          %get3A_253 = arith.index_cast %scan3A_216 : i32 to index
          %get3A_254 = arith.constant 16 : index
          %get3A_255 = tpu.vector_load %arg13[%get3A_253, %get3A_254] {strides = array<i32>} : memref<128x32xf32, #tpu.memory_space<vmem>>, vector<1x16xf32>,
          %get3A_256 = vector.shape_cast %get3A_255 : vector<1x16xf32> to vector<16xf32>
          %add3A_257 = arith.addf %add3A_252, %get3A_256 : vector<16xf32>
          %neg3A_258 = arith.constant 0.000000e+00 : f32
          %neg3A_259 = vector.broadcast %neg3A_258 : f32 to vector<16xf32>
          %neg3A_260 = arith.subf %neg3A_259, %add3A_257 : vector<16xf32>
          %exp3A_261 = math.exp %neg3A_260 : vector<16xf32>
          %add3A_262 = arith.constant 1.000000e+00 : f32
          %add3A_263 = vector.broadcast %add3A_262 : f32 to vector<16xf32>
          %add3A_264 = arith.addf %add3A_263, %exp3A_261 : vector<16xf32>
          %div3A_265 = arith.divf %add3A_257, %add3A_264 : vector<16xf32>
          %swap3A_266 = arith.index_cast %scan3A_216 : i32 to index
          %swap3A_267 = arith.constant 16 : index
          %swap3A_268 = tpu.vector_load %arg19[%swap3A_266, %swap3A_267] {strides = array<i32>} : memref<128x32xf32, #tpu.memory_space<vmem>>, vector<1x16xf32>,
          %swap3A_269 = vector.shape_cast %swap3A_268 : vector<1x16xf32> to vector<16xf32>
          %swap3A_270 = vector.shape_cast %div3A_265 : vector<16xf32> to vector<1x16xf32>
          tpu.vector_store %arg19[%swap3A_266, %swap3A_267], %swap3A_270 {strides = array<i32>} : memref<128x32xf32, #tpu.memory_space<vmem>>, vector<1x16xf32>,
          %scan3A_271 = arith.constant 3 : i32
          %scan3A_272 = arith.addi %scan3A_109, %scan3A_271 : i32
          %get3A_273 = arith.index_cast %scan3A_272 : i32 to index
          %get3A_274 = arith.constant 0 : index
          %get3A_275 = tpu.vector_load %arg16[%get3A_273, %get3A_274] {strides = array<i32>} : memref<128x32xf32, #tpu.memory_space<vmem>>, vector<1x16xf32>,
          %get3A_276 = vector.shape_cast %get3A_275 : vector<1x16xf32> to vector<16xf32>
          %get3A_277 = arith.index_cast %scan3A_272 : i32 to index
          %get3A_278 = arith.constant 0 : index
          %get3A_279 = tpu.vector_load %arg10[%get3A_277, %get3A_278] {strides = array<i32>} : memref<128x32xf32, #tpu.memory_space<vmem>>, vector<1x16xf32>,
          %get3A_280 = vector.shape_cast %get3A_279 : vector<1x16xf32> to vector<16xf32>
          %add3A_281 = arith.addf %get3A_276, %get3A_280 : vector<16xf32>
          %get3A_282 = arith.index_cast %scan3A_272 : i32 to index
          %get3A_283 = arith.constant 0 : index
          %get3A_284 = tpu.vector_load %arg13[%get3A_282, %get3A_283] {strides = array<i32>} : memref<128x32xf32, #tpu.memory_space<vmem>>, vector<1x16xf32>,
          %get3A_285 = vector.shape_cast %get3A_284 : vector<1x16xf32> to vector<16xf32>
          %add3A_286 = arith.addf %add3A_281, %get3A_285 : vector<16xf32>
          %neg3A_287 = arith.constant 0.000000e+00 : f32
          %neg3A_288 = vector.broadcast %neg3A_287 : f32 to vector<16xf32>
          %neg3A_289 = arith.subf %neg3A_288, %add3A_286 : vector<16xf32>
          %exp3A_290 = math.exp %neg3A_289 : vector<16xf32>
          %add3A_291 = arith.constant 1.000000e+00 : f32
          %add3A_292 = vector.broadcast %add3A_291 : f32 to vector<16xf32>
          %add3A_293 = arith.addf %add3A_292, %exp3A_290 : vector<16xf32>
          %div3A_294 = arith.divf %add3A_286, %add3A_293 : vector<16xf32>
          %swap3A_295 = arith.index_cast %scan3A_272 : i32 to index
          %swap3A_296 = arith.constant 0 : index
          %swap3A_297 = tpu.vector_load %arg19[%swap3A_295, %swap3A_296] {strides = array<i32>} : memref<128x32xf32, #tpu.memory_space<vmem>>, vector<1x16xf32>,
          %swap3A_298 = vector.shape_cast %swap3A_297 : vector<1x16xf32> to vector<16xf32>
          %swap3A_299 = vector.shape_cast %div3A_294 : vector<16xf32> to vector<1x16xf32>
          tpu.vector_store %arg19[%swap3A_295, %swap3A_296], %swap3A_299 {strides = array<i32>} : memref<128x32xf32, #tpu.memory_space<vmem>>, vector<1x16xf32>,
          %get3A_300 = arith.index_cast %scan3A_272 : i32 to index
          %get3A_301 = arith.constant 16 : index
          %get3A_302 = tpu.vector_load %arg16[%get3A_300, %get3A_301] {strides = array<i32>} : memref<128x32xf32, #tpu.memory_space<vmem>>, vector<1x16xf32>,
          %get3A_303 = vector.shape_cast %get3A_302 : vector<1x16xf32> to vector<16xf32>
          %get3A_304 = arith.index_cast %scan3A_272 : i32 to index
          %get3A_305 = arith.constant 16 : index
          %get3A_306 = tpu.vector_load %arg10[%get3A_304, %get3A_305] {strides = array<i32>} : memref<128x32xf32, #tpu.memory_space<vmem>>, vector<1x16xf32>,
          %get3A_307 = vector.shape_cast %get3A_306 : vector<1x16xf32> to vector<16xf32>
          %add3A_308 = arith.addf %get3A_303, %get3A_307 : vector<16xf32>
          %get3A_309 = arith.index_cast %scan3A_272 : i32 to index
          %get3A_310 = arith.constant 16 : index
          %get3A_311 = tpu.vector_load %arg13[%get3A_309, %get3A_310] {strides = array<i32>} : memref<128x32xf32, #tpu.memory_space<vmem>>, vector<1x16xf32>,
          %get3A_312 = vector.shape_cast %get3A_311 : vector<1x16xf32> to vector<16xf32>
          %add3A_313 = arith.addf %add3A_308, %get3A_312 : vector<16xf32>
          %neg3A_314 = arith.constant 0.000000e+00 : f32
          %neg3A_315 = vector.broadcast %neg3A_314 : f32 to vector<16xf32>
          %neg3A_316 = arith.subf %neg3A_315, %add3A_313 : vector<16xf32>
          %exp3A_317 = math.exp %neg3A_316 : vector<16xf32>
          %add3A_318 = arith.constant 1.000000e+00 : f32
          %add3A_319 = vector.broadcast %add3A_318 : f32 to vector<16xf32>
          %add3A_320 = arith.addf %add3A_319, %exp3A_317 : vector<16xf32>
          %div3A_321 = arith.divf %add3A_313, %add3A_320 : vector<16xf32>
          %swap3A_322 = arith.index_cast %scan3A_272 : i32 to index
          %swap3A_323 = arith.constant 16 : index
          %swap3A_324 = tpu.vector_load %arg19[%swap3A_322, %swap3A_323] {strides = array<i32>} : memref<128x32xf32, #tpu.memory_space<vmem>>, vector<1x16xf32>,
          %swap3A_325 = vector.shape_cast %swap3A_324 : vector<1x16xf32> to vector<16xf32>
          %swap3A_326 = vector.shape_cast %div3A_321 : vector<16xf32> to vector<1x16xf32>
          tpu.vector_store %arg19[%swap3A_322, %swap3A_323], %swap3A_326 {strides = array<i32>} : memref<128x32xf32, #tpu.memory_space<vmem>>, vector<1x16xf32>,
        }
        %scan3A_96 = arith.constant 128 : i32
        %mul3A_97 = arith.constant 128 : i32
        %mul3A_98 = arith.muli %add3A_49, %mul3A_97 : i32
        %add3A_99 = arith.addi %mul3A_6, %mul3A_98 : i32
        %dma_start3A = arith.constant 0 : i32
        %dma_start3A_100 = tpu.memref_slice %arg7[%add3A_99, %dma_start3A] : memref<800000x32xf32, #tpu.memory_space<hbm>> -> memref<128x32xf32, #tpu.memory_space<hbm>>
        %dma_start3A_101 = arith.constant 0 : i32
        %dma_start3A_102 = tpu.memref_slice %arg7[%add3A_99, %dma_start3A_101] : memref<800000x32xf32, #tpu.memory_space<hbm>> -> memref<128x32xf32, #tpu.memory_space<hbm>>
        tpu.enqueue_dma source(%arg19 : memref<128x32xf32, #tpu.memory_space<vmem>>) target(%dma_start3A_102 : memref<128x32xf32, #tpu.memory_space<hbm>>) target_semaphore(%arg25 : memref<!tpu.dma_semaphore, #tpu.memory_space<semaphore_mem>>)
        %add3A_103 = arith.constant 3 : i32
        %add3A_104 = arith.addi %add3A_49, %add3A_103 : i32
        %lt3A_105 = arith.cmpi slt, %add3A_104, %min3A_4 : i32
        %convert_element_type3A_106 = arith.extui %lt3A_105 : i1 to i32
        %cond3A_107 = arith.constant 0 : i32
        %cond3A_108 = arith.cmpi ne, %convert_element_type3A_106, %cond3A_107 : i32
        scf.if %cond3A_108 {
          %dma_start3A_109 = arith.constant 0 : i32
          %dma_start3A_110 = tpu.memref_slice %arg8[%add3A_104, %dma_start3A_109] : memref<196x128xi32, #tpu.memory_space<vmem>> -> memref<1x128xi32, #tpu.memory_space<vmem>>
          %dma_start3A_111 = tpu.memref_squeeze %dma_start3A_110 : memref<1x128xi32, #tpu.memory_space<vmem>> -> memref<128xi32, #tpu.memory_space<vmem>>
          %dma_start3A_112 = arith.constant 0 : i32
          %dma_start3A_113 = arith.constant 0 : i32
          %dma_start3A_114 = tpu.memref_slice %arg2[%dma_start3A_112, %dma_start3A_113] : memref<50000x32xf32, #tpu.memory_space<hbm>> -> memref<50000x32xf32, #tpu.memory_space<hbm>>
          tpu.enqueue_indirect_dma source(%dma_start3A_114 : memref<50000x32xf32, #tpu.memory_space<hbm>>) target(%arg10 : memref<128x32xf32, #tpu.memory_space<vmem>>) offsets(%dma_start3A_111 : memref<128xi32, #tpu.memory_space<vmem>>) semaphore(%arg22 : memref<!tpu.dma_semaphore, #tpu.memory_space<semaphore_mem>>)
          %dma_start3A_115 = arith.constant 0 : i32
          %dma_start3A_116 = tpu.memref_slice %arg9[%add3A_104, %dma_start3A_115] : memref<196x128xi32, #tpu.memory_space<vmem>> -> memref<1x128xi32, #tpu.memory_space<vmem>>
          %dma_start3A_117 = tpu.memref_squeeze %dma_start3A_116 : memref<1x128xi32, #tpu.memory_space<vmem>> -> memref<128xi32, #tpu.memory_space<vmem>>
          %dma_start3A_118 = arith.constant 0 : i32
          %dma_start3A_119 = arith.constant 0 : i32
          %dma_start3A_120 = tpu.memref_slice %arg3[%dma_start3A_118, %dma_start3A_119] : memref<50000x32xf32, #tpu.memory_space<hbm>> -> memref<50000x32xf32, #tpu.memory_space<hbm>>
          tpu.enqueue_indirect_dma source(%dma_start3A_120 : memref<50000x32xf32, #tpu.memory_space<hbm>>) target(%arg13 : memref<128x32xf32, #tpu.memory_space<vmem>>) offsets(%dma_start3A_117 : memref<128xi32, #tpu.memory_space<vmem>>) semaphore(%arg22 : memref<!tpu.dma_semaphore, #tpu.memory_space<semaphore_mem>>)
          %mul3A_121 = arith.constant 128 : i32
          %mul3A_122 = arith.muli %add3A_104, %mul3A_121 : i32
          %add3A_123 = arith.addi %mul3A_6, %mul3A_122 : i32
          %dma_start3A_124 = arith.constant 0 : i32
          %dma_start3A_125 = tpu.memref_slice %arg6[%add3A_123, %dma_start3A_124] : memref<800000x32xf32, #tpu.memory_space<hbm>> -> memref<128x32xf32, #tpu.memory_space<hbm>>
          %dma_start3A_126 = arith.constant 0 : i32
          %dma_start3A_127 = tpu.memref_slice %arg6[%add3A_123, %dma_start3A_126] : memref<800000x32xf32, #tpu.memory_space<hbm>> -> memref<128x32xf32, #tpu.memory_space<hbm>>
          tpu.enqueue_dma source(%dma_start3A_127 : memref<128x32xf32, #tpu.memory_space<hbm>>) target(%arg16 : memref<128x32xf32, #tpu.memory_space<vmem>>) target_semaphore(%arg22 : memref<!tpu.dma_semaphore, #tpu.memory_space<semaphore_mem>>)
        } else {
        }
      } else {
      }
      %mul3A_53 = arith.constant 3 : i32
      %mul3A_54 = arith.muli %scan3A_45, %mul3A_53 : i32
      %add3A_55 = arith.constant 1 : i32
      %add3A_56 = arith.addi %mul3A_54, %add3A_55 : i32
      %lt3A_57 = arith.cmpi slt, %add3A_56, %min3A_4 : i32
      %convert_element_type3A_58 = arith.extui %lt3A_57 : i1 to i32
      %cond3A_59 = arith.constant 0 : i32
      %cond3A_60 = arith.cmpi ne, %convert_element_type3A_58, %cond3A_59 : i32
      scf.if %cond3A_60 {
        %ge3A = arith.constant 3 : i32
        %ge3A_69 = arith.cmpi sge, %add3A_56, %ge3A : i32
        %convert_element_type3A_70 = arith.extui %ge3A_69 : i1 to i32
        %cond3A_71 = arith.constant 0 : i32
        %cond3A_72 = arith.cmpi ne, %convert_element_type3A_70, %cond3A_71 : i32
        scf.if %cond3A_72 {
          %dma_wait3A_109 = arith.constant 0 : i32
          %dma_wait3A_110 = arith.constant 0 : i32
          %dma_wait3A_111 = tpu.memref_slice %arg6[%dma_wait3A_109, %dma_wait3A_110] : memref<800000x32xf32, #tpu.memory_space<hbm>> -> memref<128x32xf32, #tpu.memory_space<hbm>>
          %dma_wait3A_112 = arith.constant 0 : i32
          %dma_wait3A_113 = arith.constant 0 : i32
          %dma_wait3A_114 = tpu.memref_slice %arg6[%dma_wait3A_112, %dma_wait3A_113] : memref<800000x32xf32, #tpu.memory_space<hbm>> -> memref<128x32xf32, #tpu.memory_space<hbm>>
          tpu.wait_dma2 semaphore(%arg26 : memref<!tpu.dma_semaphore, #tpu.memory_space<semaphore_mem>>) src(%dma_wait3A_114 : memref<128x32xf32, #tpu.memory_space<hbm>>) dst(%arg20 : memref<128x32xf32, #tpu.memory_space<vmem>>)
        } else {
        }
        %dma_wait3A_73 = arith.constant 0 : i32
        %dma_wait3A_74 = arith.constant 0 : i32
        %dma_wait3A_75 = tpu.memref_slice %arg6[%dma_wait3A_73, %dma_wait3A_74] : memref<800000x32xf32, #tpu.memory_space<hbm>> -> memref<128x32xf32, #tpu.memory_space<hbm>>
        %dma_wait3A_76 = arith.constant 0 : i32
        %dma_wait3A_77 = arith.constant 0 : i32
        %dma_wait3A_78 = tpu.memref_slice %arg6[%dma_wait3A_76, %dma_wait3A_77] : memref<800000x32xf32, #tpu.memory_space<hbm>> -> memref<128x32xf32, #tpu.memory_space<hbm>>
        tpu.wait_dma2 semaphore(%arg23 : memref<!tpu.dma_semaphore, #tpu.memory_space<semaphore_mem>>) src(%dma_wait3A_78 : memref<128x32xf32, #tpu.memory_space<hbm>>) dst(%arg11 : memref<128x32xf32, #tpu.memory_space<vmem>>)
        %dma_wait3A_79 = arith.constant 0 : i32
        %dma_wait3A_80 = arith.constant 0 : i32
        %dma_wait3A_81 = tpu.memref_slice %arg6[%dma_wait3A_79, %dma_wait3A_80] : memref<800000x32xf32, #tpu.memory_space<hbm>> -> memref<128x32xf32, #tpu.memory_space<hbm>>
        %dma_wait3A_82 = arith.constant 0 : i32
        %dma_wait3A_83 = arith.constant 0 : i32
        %dma_wait3A_84 = tpu.memref_slice %arg6[%dma_wait3A_82, %dma_wait3A_83] : memref<800000x32xf32, #tpu.memory_space<hbm>> -> memref<128x32xf32, #tpu.memory_space<hbm>>
        tpu.wait_dma2 semaphore(%arg23 : memref<!tpu.dma_semaphore, #tpu.memory_space<semaphore_mem>>) src(%dma_wait3A_84 : memref<128x32xf32, #tpu.memory_space<hbm>>) dst(%arg14 : memref<128x32xf32, #tpu.memory_space<vmem>>)
        %dma_wait3A_85 = arith.constant 0 : i32
        %dma_wait3A_86 = arith.constant 0 : i32
        %dma_wait3A_87 = tpu.memref_slice %arg6[%dma_wait3A_85, %dma_wait3A_86] : memref<800000x32xf32, #tpu.memory_space<hbm>> -> memref<128x32xf32, #tpu.memory_space<hbm>>
        %dma_wait3A_88 = arith.constant 0 : i32
        %dma_wait3A_89 = arith.constant 0 : i32
        %dma_wait3A_90 = tpu.memref_slice %arg6[%dma_wait3A_88, %dma_wait3A_89] : memref<800000x32xf32, #tpu.memory_space<hbm>> -> memref<128x32xf32, #tpu.memory_space<hbm>>
        tpu.wait_dma2 semaphore(%arg23 : memref<!tpu.dma_semaphore, #tpu.memory_space<semaphore_mem>>) src(%dma_wait3A_90 : memref<128x32xf32, #tpu.memory_space<hbm>>) dst(%arg17 : memref<128x32xf32, #tpu.memory_space<vmem>>)
        %scan3A_91 = arith.constant 0 : i32
        %scan3A_92 = arith.constant 0 : i32
        %scan3A_93 = arith.constant 128 : i32
        %scan3A_94 = arith.addi %scan3A_92, %scan3A_93 : i32
        %scan3A_95 = arith.constant 4 : i32
        scf.for %scan3A_109 = %scan3A_92 to %scan3A_94 step %scan3A_95  : i32 {
          %get3A = arith.index_cast %scan3A_109 : i32 to index
          %get3A_110 = arith.constant 0 : index
          %get3A_111 = tpu.vector_load %arg17[%get3A, %get3A_110] {strides = array<i32>} : memref<128x32xf32, #tpu.memory_space<vmem>>, vector<1x16xf32>,
          %get3A_112 = vector.shape_cast %get3A_111 : vector<1x16xf32> to vector<16xf32>
          %get3A_113 = arith.index_cast %scan3A_109 : i32 to index
          %get3A_114 = arith.constant 0 : index
          %get3A_115 = tpu.vector_load %arg11[%get3A_113, %get3A_114] {strides = array<i32>} : memref<128x32xf32, #tpu.memory_space<vmem>>, vector<1x16xf32>,
          %get3A_116 = vector.shape_cast %get3A_115 : vector<1x16xf32> to vector<16xf32>
          %add3A_117 = arith.addf %get3A_112, %get3A_116 : vector<16xf32>
          %get3A_118 = arith.index_cast %scan3A_109 : i32 to index
          %get3A_119 = arith.constant 0 : index
          %get3A_120 = tpu.vector_load %arg14[%get3A_118, %get3A_119] {strides = array<i32>} : memref<128x32xf32, #tpu.memory_space<vmem>>, vector<1x16xf32>,
          %get3A_121 = vector.shape_cast %get3A_120 : vector<1x16xf32> to vector<16xf32>
          %add3A_122 = arith.addf %add3A_117, %get3A_121 : vector<16xf32>
          %neg3A = arith.constant 0.000000e+00 : f32
          %neg3A_123 = vector.broadcast %neg3A : f32 to vector<16xf32>
          %neg3A_124 = arith.subf %neg3A_123, %add3A_122 : vector<16xf32>
          %exp3A = math.exp %neg3A_124 : vector<16xf32>
          %add3A_125 = arith.constant 1.000000e+00 : f32
          %add3A_126 = vector.broadcast %add3A_125 : f32 to vector<16xf32>
          %add3A_127 = arith.addf %add3A_126, %exp3A : vector<16xf32>
          %div3A = arith.divf %add3A_122, %add3A_127 : vector<16xf32>
          %swap3A = arith.index_cast %scan3A_109 : i32 to index
          %swap3A_128 = arith.constant 0 : index
          %swap3A_129 = tpu.vector_load %arg20[%swap3A, %swap3A_128] {strides = array<i32>} : memref<128x32xf32, #tpu.memory_space<vmem>>, vector<1x16xf32>,
          %swap3A_130 = vector.shape_cast %swap3A_129 : vector<1x16xf32> to vector<16xf32>
          %swap3A_131 = vector.shape_cast %div3A : vector<16xf32> to vector<1x16xf32>
          tpu.vector_store %arg20[%swap3A, %swap3A_128], %swap3A_131 {strides = array<i32>} : memref<128x32xf32, #tpu.memory_space<vmem>>, vector<1x16xf32>,
          %get3A_132 = arith.index_cast %scan3A_109 : i32 to index
          %get3A_133 = arith.constant 16 : index
          %get3A_134 = tpu.vector_load %arg17[%get3A_132, %get3A_133] {strides = array<i32>} : memref<128x32xf32, #tpu.memory_space<vmem>>, vector<1x16xf32>,
          %get3A_135 = vector.shape_cast %get3A_134 : vector<1x16xf32> to vector<16xf32>
          %get3A_136 = arith.index_cast %scan3A_109 : i32 to index
          %get3A_137 = arith.constant 16 : index
          %get3A_138 = tpu.vector_load %arg11[%get3A_136, %get3A_137] {strides = array<i32>} : memref<128x32xf32, #tpu.memory_space<vmem>>, vector<1x16xf32>,
          %get3A_139 = vector.shape_cast %get3A_138 : vector<1x16xf32> to vector<16xf32>
          %add3A_140 = arith.addf %get3A_135, %get3A_139 : vector<16xf32>
          %get3A_141 = arith.index_cast %scan3A_109 : i32 to index
          %get3A_142 = arith.constant 16 : index
          %get3A_143 = tpu.vector_load %arg14[%get3A_141, %get3A_142] {strides = array<i32>} : memref<128x32xf32, #tpu.memory_space<vmem>>, vector<1x16xf32>,
          %get3A_144 = vector.shape_cast %get3A_143 : vector<1x16xf32> to vector<16xf32>
          %add3A_145 = arith.addf %add3A_140, %get3A_144 : vector<16xf32>
          %neg3A_146 = arith.constant 0.000000e+00 : f32
          %neg3A_147 = vector.broadcast %neg3A_146 : f32 to vector<16xf32>
          %neg3A_148 = arith.subf %neg3A_147, %add3A_145 : vector<16xf32>
          %exp3A_149 = math.exp %neg3A_148 : vector<16xf32>
          %add3A_150 = arith.constant 1.000000e+00 : f32
          %add3A_151 = vector.broadcast %add3A_150 : f32 to vector<16xf32>
          %add3A_152 = arith.addf %add3A_151, %exp3A_149 : vector<16xf32>
          %div3A_153 = arith.divf %add3A_145, %add3A_152 : vector<16xf32>
          %swap3A_154 = arith.index_cast %scan3A_109 : i32 to index
          %swap3A_155 = arith.constant 16 : index
          %swap3A_156 = tpu.vector_load %arg20[%swap3A_154, %swap3A_155] {strides = array<i32>} : memref<128x32xf32, #tpu.memory_space<vmem>>, vector<1x16xf32>,
          %swap3A_157 = vector.shape_cast %swap3A_156 : vector<1x16xf32> to vector<16xf32>
          %swap3A_158 = vector.shape_cast %div3A_153 : vector<16xf32> to vector<1x16xf32>
          tpu.vector_store %arg20[%swap3A_154, %swap3A_155], %swap3A_158 {strides = array<i32>} : memref<128x32xf32, #tpu.memory_space<vmem>>, vector<1x16xf32>,
          %scan3A_159 = arith.constant 1 : i32
          %scan3A_160 = arith.addi %scan3A_109, %scan3A_159 : i32
          %get3A_161 = arith.index_cast %scan3A_160 : i32 to index
          %get3A_162 = arith.constant 0 : index
          %get3A_163 = tpu.vector_load %arg17[%get3A_161, %get3A_162] {strides = array<i32>} : memref<128x32xf32, #tpu.memory_space<vmem>>, vector<1x16xf32>,
          %get3A_164 = vector.shape_cast %get3A_163 : vector<1x16xf32> to vector<16xf32>
          %get3A_165 = arith.index_cast %scan3A_160 : i32 to index
          %get3A_166 = arith.constant 0 : index
          %get3A_167 = tpu.vector_load %arg11[%get3A_165, %get3A_166] {strides = array<i32>} : memref<128x32xf32, #tpu.memory_space<vmem>>, vector<1x16xf32>,
          %get3A_168 = vector.shape_cast %get3A_167 : vector<1x16xf32> to vector<16xf32>
          %add3A_169 = arith.addf %get3A_164, %get3A_168 : vector<16xf32>
          %get3A_170 = arith.index_cast %scan3A_160 : i32 to index
          %get3A_171 = arith.constant 0 : index
          %get3A_172 = tpu.vector_load %arg14[%get3A_170, %get3A_171] {strides = array<i32>} : memref<128x32xf32, #tpu.memory_space<vmem>>, vector<1x16xf32>,
          %get3A_173 = vector.shape_cast %get3A_172 : vector<1x16xf32> to vector<16xf32>
          %add3A_174 = arith.addf %add3A_169, %get3A_173 : vector<16xf32>
          %neg3A_175 = arith.constant 0.000000e+00 : f32
          %neg3A_176 = vector.broadcast %neg3A_175 : f32 to vector<16xf32>
          %neg3A_177 = arith.subf %neg3A_176, %add3A_174 : vector<16xf32>
          %exp3A_178 = math.exp %neg3A_177 : vector<16xf32>
          %add3A_179 = arith.constant 1.000000e+00 : f32
          %add3A_180 = vector.broadcast %add3A_179 : f32 to vector<16xf32>
          %add3A_181 = arith.addf %add3A_180, %exp3A_178 : vector<16xf32>
          %div3A_182 = arith.divf %add3A_174, %add3A_181 : vector<16xf32>
          %swap3A_183 = arith.index_cast %scan3A_160 : i32 to index
          %swap3A_184 = arith.constant 0 : index
          %swap3A_185 = tpu.vector_load %arg20[%swap3A_183, %swap3A_184] {strides = array<i32>} : memref<128x32xf32, #tpu.memory_space<vmem>>, vector<1x16xf32>,
          %swap3A_186 = vector.shape_cast %swap3A_185 : vector<1x16xf32> to vector<16xf32>
          %swap3A_187 = vector.shape_cast %div3A_182 : vector<16xf32> to vector<1x16xf32>
          tpu.vector_store %arg20[%swap3A_183, %swap3A_184], %swap3A_187 {strides = array<i32>} : memref<128x32xf32, #tpu.memory_space<vmem>>, vector<1x16xf32>,
          %get3A_188 = arith.index_cast %scan3A_160 : i32 to index
          %get3A_189 = arith.constant 16 : index
          %get3A_190 = tpu.vector_load %arg17[%get3A_188, %get3A_189] {strides = array<i32>} : memref<128x32xf32, #tpu.memory_space<vmem>>, vector<1x16xf32>,
          %get3A_191 = vector.shape_cast %get3A_190 : vector<1x16xf32> to vector<16xf32>
          %get3A_192 = arith.index_cast %scan3A_160 : i32 to index
          %get3A_193 = arith.constant 16 : index
          %get3A_194 = tpu.vector_load %arg11[%get3A_192, %get3A_193] {strides = array<i32>} : memref<128x32xf32, #tpu.memory_space<vmem>>, vector<1x16xf32>,
          %get3A_195 = vector.shape_cast %get3A_194 : vector<1x16xf32> to vector<16xf32>
          %add3A_196 = arith.addf %get3A_191, %get3A_195 : vector<16xf32>
          %get3A_197 = arith.index_cast %scan3A_160 : i32 to index
          %get3A_198 = arith.constant 16 : index
          %get3A_199 = tpu.vector_load %arg14[%get3A_197, %get3A_198] {strides = array<i32>} : memref<128x32xf32, #tpu.memory_space<vmem>>, vector<1x16xf32>,
          %get3A_200 = vector.shape_cast %get3A_199 : vector<1x16xf32> to vector<16xf32>
          %add3A_201 = arith.addf %add3A_196, %get3A_200 : vector<16xf32>
          %neg3A_202 = arith.constant 0.000000e+00 : f32
          %neg3A_203 = vector.broadcast %neg3A_202 : f32 to vector<16xf32>
          %neg3A_204 = arith.subf %neg3A_203, %add3A_201 : vector<16xf32>
          %exp3A_205 = math.exp %neg3A_204 : vector<16xf32>
          %add3A_206 = arith.constant 1.000000e+00 : f32
          %add3A_207 = vector.broadcast %add3A_206 : f32 to vector<16xf32>
          %add3A_208 = arith.addf %add3A_207, %exp3A_205 : vector<16xf32>
          %div3A_209 = arith.divf %add3A_201, %add3A_208 : vector<16xf32>
          %swap3A_210 = arith.index_cast %scan3A_160 : i32 to index
          %swap3A_211 = arith.constant 16 : index
          %swap3A_212 = tpu.vector_load %arg20[%swap3A_210, %swap3A_211] {strides = array<i32>} : memref<128x32xf32, #tpu.memory_space<vmem>>, vector<1x16xf32>,
          %swap3A_213 = vector.shape_cast %swap3A_212 : vector<1x16xf32> to vector<16xf32>
          %swap3A_214 = vector.shape_cast %div3A_209 : vector<16xf32> to vector<1x16xf32>
          tpu.vector_store %arg20[%swap3A_210, %swap3A_211], %swap3A_214 {strides = array<i32>} : memref<128x32xf32, #tpu.memory_space<vmem>>, vector<1x16xf32>,
          %scan3A_215 = arith.constant 2 : i32
          %scan3A_216 = arith.addi %scan3A_109, %scan3A_215 : i32
          %get3A_217 = arith.index_cast %scan3A_216 : i32 to index
          %get3A_218 = arith.constant 0 : index
          %get3A_219 = tpu.vector_load %arg17[%get3A_217, %get3A_218] {strides = array<i32>} : memref<128x32xf32, #tpu.memory_space<vmem>>, vector<1x16xf32>,
          %get3A_220 = vector.shape_cast %get3A_219 : vector<1x16xf32> to vector<16xf32>
          %get3A_221 = arith.index_cast %scan3A_216 : i32 to index
          %get3A_222 = arith.constant 0 : index
          %get3A_223 = tpu.vector_load %arg11[%get3A_221, %get3A_222] {strides = array<i32>} : memref<128x32xf32, #tpu.memory_space<vmem>>, vector<1x16xf32>,
          %get3A_224 = vector.shape_cast %get3A_223 : vector<1x16xf32> to vector<16xf32>
          %add3A_225 = arith.addf %get3A_220, %get3A_224 : vector<16xf32>
          %get3A_226 = arith.index_cast %scan3A_216 : i32 to index
          %get3A_227 = arith.constant 0 : index
          %get3A_228 = tpu.vector_load %arg14[%get3A_226, %get3A_227] {strides = array<i32>} : memref<128x32xf32, #tpu.memory_space<vmem>>, vector<1x16xf32>,
          %get3A_229 = vector.shape_cast %get3A_228 : vector<1x16xf32> to vector<16xf32>
          %add3A_230 = arith.addf %add3A_225, %get3A_229 : vector<16xf32>
          %neg3A_231 = arith.constant 0.000000e+00 : f32
          %neg3A_232 = vector.broadcast %neg3A_231 : f32 to vector<16xf32>
          %neg3A_233 = arith.subf %neg3A_232, %add3A_230 : vector<16xf32>
          %exp3A_234 = math.exp %neg3A_233 : vector<16xf32>
          %add3A_235 = arith.constant 1.000000e+00 : f32
          %add3A_236 = vector.broadcast %add3A_235 : f32 to vector<16xf32>
          %add3A_237 = arith.addf %add3A_236, %exp3A_234 : vector<16xf32>
          %div3A_238 = arith.divf %add3A_230, %add3A_237 : vector<16xf32>
          %swap3A_239 = arith.index_cast %scan3A_216 : i32 to index
          %swap3A_240 = arith.constant 0 : index
          %swap3A_241 = tpu.vector_load %arg20[%swap3A_239, %swap3A_240] {strides = array<i32>} : memref<128x32xf32, #tpu.memory_space<vmem>>, vector<1x16xf32>,
          %swap3A_242 = vector.shape_cast %swap3A_241 : vector<1x16xf32> to vector<16xf32>
          %swap3A_243 = vector.shape_cast %div3A_238 : vector<16xf32> to vector<1x16xf32>
          tpu.vector_store %arg20[%swap3A_239, %swap3A_240], %swap3A_243 {strides = array<i32>} : memref<128x32xf32, #tpu.memory_space<vmem>>, vector<1x16xf32>,
          %get3A_244 = arith.index_cast %scan3A_216 : i32 to index
          %get3A_245 = arith.constant 16 : index
          %get3A_246 = tpu.vector_load %arg17[%get3A_244, %get3A_245] {strides = array<i32>} : memref<128x32xf32, #tpu.memory_space<vmem>>, vector<1x16xf32>,
          %get3A_247 = vector.shape_cast %get3A_246 : vector<1x16xf32> to vector<16xf32>
          %get3A_248 = arith.index_cast %scan3A_216 : i32 to index
          %get3A_249 = arith.constant 16 : index
          %get3A_250 = tpu.vector_load %arg11[%get3A_248, %get3A_249] {strides = array<i32>} : memref<128x32xf32, #tpu.memory_space<vmem>>, vector<1x16xf32>,
          %get3A_251 = vector.shape_cast %get3A_250 : vector<1x16xf32> to vector<16xf32>
          %add3A_252 = arith.addf %get3A_247, %get3A_251 : vector<16xf32>
          %get3A_253 = arith.index_cast %scan3A_216 : i32 to index
          %get3A_254 = arith.constant 16 : index
          %get3A_255 = tpu.vector_load %arg14[%get3A_253, %get3A_254] {strides = array<i32>} : memref<128x32xf32, #tpu.memory_space<vmem>>, vector<1x16xf32>,
          %get3A_256 = vector.shape_cast %get3A_255 : vector<1x16xf32> to vector<16xf32>
          %add3A_257 = arith.addf %add3A_252, %get3A_256 : vector<16xf32>
          %neg3A_258 = arith.constant 0.000000e+00 : f32
          %neg3A_259 = vector.broadcast %neg3A_258 : f32 to vector<16xf32>
          %neg3A_260 = arith.subf %neg3A_259, %add3A_257 : vector<16xf32>
          %exp3A_261 = math.exp %neg3A_260 : vector<16xf32>
          %add3A_262 = arith.constant 1.000000e+00 : f32
          %add3A_263 = vector.broadcast %add3A_262 : f32 to vector<16xf32>
          %add3A_264 = arith.addf %add3A_263, %exp3A_261 : vector<16xf32>
          %div3A_265 = arith.divf %add3A_257, %add3A_264 : vector<16xf32>
          %swap3A_266 = arith.index_cast %scan3A_216 : i32 to index
          %swap3A_267 = arith.constant 16 : index
          %swap3A_268 = tpu.vector_load %arg20[%swap3A_266, %swap3A_267] {strides = array<i32>} : memref<128x32xf32, #tpu.memory_space<vmem>>, vector<1x16xf32>,
          %swap3A_269 = vector.shape_cast %swap3A_268 : vector<1x16xf32> to vector<16xf32>
          %swap3A_270 = vector.shape_cast %div3A_265 : vector<16xf32> to vector<1x16xf32>
          tpu.vector_store %arg20[%swap3A_266, %swap3A_267], %swap3A_270 {strides = array<i32>} : memref<128x32xf32, #tpu.memory_space<vmem>>, vector<1x16xf32>,
          %scan3A_271 = arith.constant 3 : i32
          %scan3A_272 = arith.addi %scan3A_109, %scan3A_271 : i32
          %get3A_273 = arith.index_cast %scan3A_272 : i32 to index
          %get3A_274 = arith.constant 0 : index
          %get3A_275 = tpu.vector_load %arg17[%get3A_273, %get3A_274] {strides = array<i32>} : memref<128x32xf32, #tpu.memory_space<vmem>>, vector<1x16xf32>,
          %get3A_276 = vector.shape_cast %get3A_275 : vector<1x16xf32> to vector<16xf32>
          %get3A_277 = arith.index_cast %scan3A_272 : i32 to index
          %get3A_278 = arith.constant 0 : index
          %get3A_279 = tpu.vector_load %arg11[%get3A_277, %get3A_278] {strides = array<i32>} : memref<128x32xf32, #tpu.memory_space<vmem>>, vector<1x16xf32>,
          %get3A_280 = vector.shape_cast %get3A_279 : vector<1x16xf32> to vector<16xf32>
          %add3A_281 = arith.addf %get3A_276, %get3A_280 : vector<16xf32>
          %get3A_282 = arith.index_cast %scan3A_272 : i32 to index
          %get3A_283 = arith.constant 0 : index
          %get3A_284 = tpu.vector_load %arg14[%get3A_282, %get3A_283] {strides = array<i32>} : memref<128x32xf32, #tpu.memory_space<vmem>>, vector<1x16xf32>,
          %get3A_285 = vector.shape_cast %get3A_284 : vector<1x16xf32> to vector<16xf32>
          %add3A_286 = arith.addf %add3A_281, %get3A_285 : vector<16xf32>
          %neg3A_287 = arith.constant 0.000000e+00 : f32
          %neg3A_288 = vector.broadcast %neg3A_287 : f32 to vector<16xf32>
          %neg3A_289 = arith.subf %neg3A_288, %add3A_286 : vector<16xf32>
          %exp3A_290 = math.exp %neg3A_289 : vector<16xf32>
          %add3A_291 = arith.constant 1.000000e+00 : f32
          %add3A_292 = vector.broadcast %add3A_291 : f32 to vector<16xf32>
          %add3A_293 = arith.addf %add3A_292, %exp3A_290 : vector<16xf32>
          %div3A_294 = arith.divf %add3A_286, %add3A_293 : vector<16xf32>
          %swap3A_295 = arith.index_cast %scan3A_272 : i32 to index
          %swap3A_296 = arith.constant 0 : index
          %swap3A_297 = tpu.vector_load %arg20[%swap3A_295, %swap3A_296] {strides = array<i32>} : memref<128x32xf32, #tpu.memory_space<vmem>>, vector<1x16xf32>,
          %swap3A_298 = vector.shape_cast %swap3A_297 : vector<1x16xf32> to vector<16xf32>
          %swap3A_299 = vector.shape_cast %div3A_294 : vector<16xf32> to vector<1x16xf32>
          tpu.vector_store %arg20[%swap3A_295, %swap3A_296], %swap3A_299 {strides = array<i32>} : memref<128x32xf32, #tpu.memory_space<vmem>>, vector<1x16xf32>,
          %get3A_300 = arith.index_cast %scan3A_272 : i32 to index
          %get3A_301 = arith.constant 16 : index
          %get3A_302 = tpu.vector_load %arg17[%get3A_300, %get3A_301] {strides = array<i32>} : memref<128x32xf32, #tpu.memory_space<vmem>>, vector<1x16xf32>,
          %get3A_303 = vector.shape_cast %get3A_302 : vector<1x16xf32> to vector<16xf32>
          %get3A_304 = arith.index_cast %scan3A_272 : i32 to index
          %get3A_305 = arith.constant 16 : index
          %get3A_306 = tpu.vector_load %arg11[%get3A_304, %get3A_305] {strides = array<i32>} : memref<128x32xf32, #tpu.memory_space<vmem>>, vector<1x16xf32>,
          %get3A_307 = vector.shape_cast %get3A_306 : vector<1x16xf32> to vector<16xf32>
          %add3A_308 = arith.addf %get3A_303, %get3A_307 : vector<16xf32>
          %get3A_309 = arith.index_cast %scan3A_272 : i32 to index
          %get3A_310 = arith.constant 16 : index
          %get3A_311 = tpu.vector_load %arg14[%get3A_309, %get3A_310] {strides = array<i32>} : memref<128x32xf32, #tpu.memory_space<vmem>>, vector<1x16xf32>,
          %get3A_312 = vector.shape_cast %get3A_311 : vector<1x16xf32> to vector<16xf32>
          %add3A_313 = arith.addf %add3A_308, %get3A_312 : vector<16xf32>
          %neg3A_314 = arith.constant 0.000000e+00 : f32
          %neg3A_315 = vector.broadcast %neg3A_314 : f32 to vector<16xf32>
          %neg3A_316 = arith.subf %neg3A_315, %add3A_313 : vector<16xf32>
          %exp3A_317 = math.exp %neg3A_316 : vector<16xf32>
          %add3A_318 = arith.constant 1.000000e+00 : f32
          %add3A_319 = vector.broadcast %add3A_318 : f32 to vector<16xf32>
          %add3A_320 = arith.addf %add3A_319, %exp3A_317 : vector<16xf32>
          %div3A_321 = arith.divf %add3A_313, %add3A_320 : vector<16xf32>
          %swap3A_322 = arith.index_cast %scan3A_272 : i32 to index
          %swap3A_323 = arith.constant 16 : index
          %swap3A_324 = tpu.vector_load %arg20[%swap3A_322, %swap3A_323] {strides = array<i32>} : memref<128x32xf32, #tpu.memory_space<vmem>>, vector<1x16xf32>,
          %swap3A_325 = vector.shape_cast %swap3A_324 : vector<1x16xf32> to vector<16xf32>
          %swap3A_326 = vector.shape_cast %div3A_321 : vector<16xf32> to vector<1x16xf32>
          tpu.vector_store %arg20[%swap3A_322, %swap3A_323], %swap3A_326 {strides = array<i32>} : memref<128x32xf32, #tpu.memory_space<vmem>>, vector<1x16xf32>,
        }
        %scan3A_96 = arith.constant 128 : i32
        %mul3A_97 = arith.constant 128 : i32
        %mul3A_98 = arith.muli %add3A_56, %mul3A_97 : i32
        %add3A_99 = arith.addi %mul3A_6, %mul3A_98 : i32
        %dma_start3A = arith.constant 0 : i32
        %dma_start3A_100 = tpu.memref_slice %arg7[%add3A_99, %dma_start3A] : memref<800000x32xf32, #tpu.memory_space<hbm>> -> memref<128x32xf32, #tpu.memory_space<hbm>>
        %dma_start3A_101 = arith.constant 0 : i32
        %dma_start3A_102 = tpu.memref_slice %arg7[%add3A_99, %dma_start3A_101] : memref<800000x32xf32, #tpu.memory_space<hbm>> -> memref<128x32xf32, #tpu.memory_space<hbm>>
        tpu.enqueue_dma source(%arg20 : memref<128x32xf32, #tpu.memory_space<vmem>>) target(%dma_start3A_102 : memref<128x32xf32, #tpu.memory_space<hbm>>) target_semaphore(%arg26 : memref<!tpu.dma_semaphore, #tpu.memory_space<semaphore_mem>>)
        %add3A_103 = arith.constant 3 : i32
        %add3A_104 = arith.addi %add3A_56, %add3A_103 : i32
        %lt3A_105 = arith.cmpi slt, %add3A_104, %min3A_4 : i32
        %convert_element_type3A_106 = arith.extui %lt3A_105 : i1 to i32
        %cond3A_107 = arith.constant 0 : i32
        %cond3A_108 = arith.cmpi ne, %convert_element_type3A_106, %cond3A_107 : i32
        scf.if %cond3A_108 {
          %dma_start3A_109 = arith.constant 0 : i32
          %dma_start3A_110 = tpu.memref_slice %arg8[%add3A_104, %dma_start3A_109] : memref<196x128xi32, #tpu.memory_space<vmem>> -> memref<1x128xi32, #tpu.memory_space<vmem>>
          %dma_start3A_111 = tpu.memref_squeeze %dma_start3A_110 : memref<1x128xi32, #tpu.memory_space<vmem>> -> memref<128xi32, #tpu.memory_space<vmem>>
          %dma_start3A_112 = arith.constant 0 : i32
          %dma_start3A_113 = arith.constant 0 : i32
          %dma_start3A_114 = tpu.memref_slice %arg2[%dma_start3A_112, %dma_start3A_113] : memref<50000x32xf32, #tpu.memory_space<hbm>> -> memref<50000x32xf32, #tpu.memory_space<hbm>>
          tpu.enqueue_indirect_dma source(%dma_start3A_114 : memref<50000x32xf32, #tpu.memory_space<hbm>>) target(%arg11 : memref<128x32xf32, #tpu.memory_space<vmem>>) offsets(%dma_start3A_111 : memref<128xi32, #tpu.memory_space<vmem>>) semaphore(%arg23 : memref<!tpu.dma_semaphore, #tpu.memory_space<semaphore_mem>>)
          %dma_start3A_115 = arith.constant 0 : i32
          %dma_start3A_116 = tpu.memref_slice %arg9[%add3A_104, %dma_start3A_115] : memref<196x128xi32, #tpu.memory_space<vmem>> -> memref<1x128xi32, #tpu.memory_space<vmem>>
          %dma_start3A_117 = tpu.memref_squeeze %dma_start3A_116 : memref<1x128xi32, #tpu.memory_space<vmem>> -> memref<128xi32, #tpu.memory_space<vmem>>
          %dma_start3A_118 = arith.constant 0 : i32
          %dma_start3A_119 = arith.constant 0 : i32
          %dma_start3A_120 = tpu.memref_slice %arg3[%dma_start3A_118, %dma_start3A_119] : memref<50000x32xf32, #tpu.memory_space<hbm>> -> memref<50000x32xf32, #tpu.memory_space<hbm>>
          tpu.enqueue_indirect_dma source(%dma_start3A_120 : memref<50000x32xf32, #tpu.memory_space<hbm>>) target(%arg14 : memref<128x32xf32, #tpu.memory_space<vmem>>) offsets(%dma_start3A_117 : memref<128xi32, #tpu.memory_space<vmem>>) semaphore(%arg23 : memref<!tpu.dma_semaphore, #tpu.memory_space<semaphore_mem>>)
          %mul3A_121 = arith.constant 128 : i32
          %mul3A_122 = arith.muli %add3A_104, %mul3A_121 : i32
          %add3A_123 = arith.addi %mul3A_6, %mul3A_122 : i32
          %dma_start3A_124 = arith.constant 0 : i32
          %dma_start3A_125 = tpu.memref_slice %arg6[%add3A_123, %dma_start3A_124] : memref<800000x32xf32, #tpu.memory_space<hbm>> -> memref<128x32xf32, #tpu.memory_space<hbm>>
          %dma_start3A_126 = arith.constant 0 : i32
          %dma_start3A_127 = tpu.memref_slice %arg6[%add3A_123, %dma_start3A_126] : memref<800000x32xf32, #tpu.memory_space<hbm>> -> memref<128x32xf32, #tpu.memory_space<hbm>>
          tpu.enqueue_dma source(%dma_start3A_127 : memref<128x32xf32, #tpu.memory_space<hbm>>) target(%arg17 : memref<128x32xf32, #tpu.memory_space<vmem>>) target_semaphore(%arg23 : memref<!tpu.dma_semaphore, #tpu.memory_space<semaphore_mem>>)
        } else {
        }
      } else {
      }
      %mul3A_61 = arith.constant 3 : i32
      %mul3A_62 = arith.muli %scan3A_45, %mul3A_61 : i32
      %add3A_63 = arith.constant 2 : i32
      %add3A_64 = arith.addi %mul3A_62, %add3A_63 : i32
      %lt3A_65 = arith.cmpi slt, %add3A_64, %min3A_4 : i32
      %convert_element_type3A_66 = arith.extui %lt3A_65 : i1 to i32
      %cond3A_67 = arith.constant 0 : i32
      %cond3A_68 = arith.cmpi ne, %convert_element_type3A_66, %cond3A_67 : i32
      scf.if %cond3A_68 {
        %ge3A = arith.constant 3 : i32
        %ge3A_69 = arith.cmpi sge, %add3A_64, %ge3A : i32
        %convert_element_type3A_70 = arith.extui %ge3A_69 : i1 to i32
        %cond3A_71 = arith.constant 0 : i32
        %cond3A_72 = arith.cmpi ne, %convert_element_type3A_70, %cond3A_71 : i32
        scf.if %cond3A_72 {
          %dma_wait3A_109 = arith.constant 0 : i32
          %dma_wait3A_110 = arith.constant 0 : i32
          %dma_wait3A_111 = tpu.memref_slice %arg6[%dma_wait3A_109, %dma_wait3A_110] : memref<800000x32xf32, #tpu.memory_space<hbm>> -> memref<128x32xf32, #tpu.memory_space<hbm>>
          %dma_wait3A_112 = arith.constant 0 : i32
          %dma_wait3A_113 = arith.constant 0 : i32
          %dma_wait3A_114 = tpu.memref_slice %arg6[%dma_wait3A_112, %dma_wait3A_113] : memref<800000x32xf32, #tpu.memory_space<hbm>> -> memref<128x32xf32, #tpu.memory_space<hbm>>
          tpu.wait_dma2 semaphore(%arg27 : memref<!tpu.dma_semaphore, #tpu.memory_space<semaphore_mem>>) src(%dma_wait3A_114 : memref<128x32xf32, #tpu.memory_space<hbm>>) dst(%arg21 : memref<128x32xf32, #tpu.memory_space<vmem>>)
        } else {
        }
        %dma_wait3A_73 = arith.constant 0 : i32
        %dma_wait3A_74 = arith.constant 0 : i32
        %dma_wait3A_75 = tpu.memref_slice %arg6[%dma_wait3A_73, %dma_wait3A_74] : memref<800000x32xf32, #tpu.memory_space<hbm>> -> memref<128x32xf32, #tpu.memory_space<hbm>>
        %dma_wait3A_76 = arith.constant 0 : i32
        %dma_wait3A_77 = arith.constant 0 : i32
        %dma_wait3A_78 = tpu.memref_slice %arg6[%dma_wait3A_76, %dma_wait3A_77] : memref<800000x32xf32, #tpu.memory_space<hbm>> -> memref<128x32xf32, #tpu.memory_space<hbm>>
        tpu.wait_dma2 semaphore(%arg24 : memref<!tpu.dma_semaphore, #tpu.memory_space<semaphore_mem>>) src(%dma_wait3A_78 : memref<128x32xf32, #tpu.memory_space<hbm>>) dst(%arg12 : memref<128x32xf32, #tpu.memory_space<vmem>>)
        %dma_wait3A_79 = arith.constant 0 : i32
        %dma_wait3A_80 = arith.constant 0 : i32
        %dma_wait3A_81 = tpu.memref_slice %arg6[%dma_wait3A_79, %dma_wait3A_80] : memref<800000x32xf32, #tpu.memory_space<hbm>> -> memref<128x32xf32, #tpu.memory_space<hbm>>
        %dma_wait3A_82 = arith.constant 0 : i32
        %dma_wait3A_83 = arith.constant 0 : i32
        %dma_wait3A_84 = tpu.memref_slice %arg6[%dma_wait3A_82, %dma_wait3A_83] : memref<800000x32xf32, #tpu.memory_space<hbm>> -> memref<128x32xf32, #tpu.memory_space<hbm>>
        tpu.wait_dma2 semaphore(%arg24 : memref<!tpu.dma_semaphore, #tpu.memory_space<semaphore_mem>>) src(%dma_wait3A_84 : memref<128x32xf32, #tpu.memory_space<hbm>>) dst(%arg15 : memref<128x32xf32, #tpu.memory_space<vmem>>)
        %dma_wait3A_85 = arith.constant 0 : i32
        %dma_wait3A_86 = arith.constant 0 : i32
        %dma_wait3A_87 = tpu.memref_slice %arg6[%dma_wait3A_85, %dma_wait3A_86] : memref<800000x32xf32, #tpu.memory_space<hbm>> -> memref<128x32xf32, #tpu.memory_space<hbm>>
        %dma_wait3A_88 = arith.constant 0 : i32
        %dma_wait3A_89 = arith.constant 0 : i32
        %dma_wait3A_90 = tpu.memref_slice %arg6[%dma_wait3A_88, %dma_wait3A_89] : memref<800000x32xf32, #tpu.memory_space<hbm>> -> memref<128x32xf32, #tpu.memory_space<hbm>>
        tpu.wait_dma2 semaphore(%arg24 : memref<!tpu.dma_semaphore, #tpu.memory_space<semaphore_mem>>) src(%dma_wait3A_90 : memref<128x32xf32, #tpu.memory_space<hbm>>) dst(%arg18 : memref<128x32xf32, #tpu.memory_space<vmem>>)
        %scan3A_91 = arith.constant 0 : i32
        %scan3A_92 = arith.constant 0 : i32
        %scan3A_93 = arith.constant 128 : i32
        %scan3A_94 = arith.addi %scan3A_92, %scan3A_93 : i32
        %scan3A_95 = arith.constant 4 : i32
        scf.for %scan3A_109 = %scan3A_92 to %scan3A_94 step %scan3A_95  : i32 {
          %get3A = arith.index_cast %scan3A_109 : i32 to index
          %get3A_110 = arith.constant 0 : index
          %get3A_111 = tpu.vector_load %arg18[%get3A, %get3A_110] {strides = array<i32>} : memref<128x32xf32, #tpu.memory_space<vmem>>, vector<1x16xf32>,
          %get3A_112 = vector.shape_cast %get3A_111 : vector<1x16xf32> to vector<16xf32>
          %get3A_113 = arith.index_cast %scan3A_109 : i32 to index
          %get3A_114 = arith.constant 0 : index
          %get3A_115 = tpu.vector_load %arg12[%get3A_113, %get3A_114] {strides = array<i32>} : memref<128x32xf32, #tpu.memory_space<vmem>>, vector<1x16xf32>,
          %get3A_116 = vector.shape_cast %get3A_115 : vector<1x16xf32> to vector<16xf32>
          %add3A_117 = arith.addf %get3A_112, %get3A_116 : vector<16xf32>
          %get3A_118 = arith.index_cast %scan3A_109 : i32 to index
          %get3A_119 = arith.constant 0 : index
          %get3A_120 = tpu.vector_load %arg15[%get3A_118, %get3A_119] {strides = array<i32>} : memref<128x32xf32, #tpu.memory_space<vmem>>, vector<1x16xf32>,
          %get3A_121 = vector.shape_cast %get3A_120 : vector<1x16xf32> to vector<16xf32>
          %add3A_122 = arith.addf %add3A_117, %get3A_121 : vector<16xf32>
          %neg3A = arith.constant 0.000000e+00 : f32
          %neg3A_123 = vector.broadcast %neg3A : f32 to vector<16xf32>
          %neg3A_124 = arith.subf %neg3A_123, %add3A_122 : vector<16xf32>
          %exp3A = math.exp %neg3A_124 : vector<16xf32>
          %add3A_125 = arith.constant 1.000000e+00 : f32
          %add3A_126 = vector.broadcast %add3A_125 : f32 to vector<16xf32>
          %add3A_127 = arith.addf %add3A_126, %exp3A : vector<16xf32>
          %div3A = arith.divf %add3A_122, %add3A_127 : vector<16xf32>
          %swap3A = arith.index_cast %scan3A_109 : i32 to index
          %swap3A_128 = arith.constant 0 : index
          %swap3A_129 = tpu.vector_load %arg21[%swap3A, %swap3A_128] {strides = array<i32>} : memref<128x32xf32, #tpu.memory_space<vmem>>, vector<1x16xf32>,
          %swap3A_130 = vector.shape_cast %swap3A_129 : vector<1x16xf32> to vector<16xf32>
          %swap3A_131 = vector.shape_cast %div3A : vector<16xf32> to vector<1x16xf32>
          tpu.vector_store %arg21[%swap3A, %swap3A_128], %swap3A_131 {strides = array<i32>} : memref<128x32xf32, #tpu.memory_space<vmem>>, vector<1x16xf32>,
          %get3A_132 = arith.index_cast %scan3A_109 : i32 to index
          %get3A_133 = arith.constant 16 : index
          %get3A_134 = tpu.vector_load %arg18[%get3A_132, %get3A_133] {strides = array<i32>} : memref<128x32xf32, #tpu.memory_space<vmem>>, vector<1x16xf32>,
          %get3A_135 = vector.shape_cast %get3A_134 : vector<1x16xf32> to vector<16xf32>
          %get3A_136 = arith.index_cast %scan3A_109 : i32 to index
          %get3A_137 = arith.constant 16 : index
          %get3A_138 = tpu.vector_load %arg12[%get3A_136, %get3A_137] {strides = array<i32>} : memref<128x32xf32, #tpu.memory_space<vmem>>, vector<1x16xf32>,
          %get3A_139 = vector.shape_cast %get3A_138 : vector<1x16xf32> to vector<16xf32>
          %add3A_140 = arith.addf %get3A_135, %get3A_139 : vector<16xf32>
          %get3A_141 = arith.index_cast %scan3A_109 : i32 to index
          %get3A_142 = arith.constant 16 : index
          %get3A_143 = tpu.vector_load %arg15[%get3A_141, %get3A_142] {strides = array<i32>} : memref<128x32xf32, #tpu.memory_space<vmem>>, vector<1x16xf32>,
          %get3A_144 = vector.shape_cast %get3A_143 : vector<1x16xf32> to vector<16xf32>
          %add3A_145 = arith.addf %add3A_140, %get3A_144 : vector<16xf32>
          %neg3A_146 = arith.constant 0.000000e+00 : f32
          %neg3A_147 = vector.broadcast %neg3A_146 : f32 to vector<16xf32>
          %neg3A_148 = arith.subf %neg3A_147, %add3A_145 : vector<16xf32>
          %exp3A_149 = math.exp %neg3A_148 : vector<16xf32>
          %add3A_150 = arith.constant 1.000000e+00 : f32
          %add3A_151 = vector.broadcast %add3A_150 : f32 to vector<16xf32>
          %add3A_152 = arith.addf %add3A_151, %exp3A_149 : vector<16xf32>
          %div3A_153 = arith.divf %add3A_145, %add3A_152 : vector<16xf32>
          %swap3A_154 = arith.index_cast %scan3A_109 : i32 to index
          %swap3A_155 = arith.constant 16 : index
          %swap3A_156 = tpu.vector_load %arg21[%swap3A_154, %swap3A_155] {strides = array<i32>} : memref<128x32xf32, #tpu.memory_space<vmem>>, vector<1x16xf32>,
          %swap3A_157 = vector.shape_cast %swap3A_156 : vector<1x16xf32> to vector<16xf32>
          %swap3A_158 = vector.shape_cast %div3A_153 : vector<16xf32> to vector<1x16xf32>
          tpu.vector_store %arg21[%swap3A_154, %swap3A_155], %swap3A_158 {strides = array<i32>} : memref<128x32xf32, #tpu.memory_space<vmem>>, vector<1x16xf32>,
          %scan3A_159 = arith.constant 1 : i32
          %scan3A_160 = arith.addi %scan3A_109, %scan3A_159 : i32
          %get3A_161 = arith.index_cast %scan3A_160 : i32 to index
          %get3A_162 = arith.constant 0 : index
          %get3A_163 = tpu.vector_load %arg18[%get3A_161, %get3A_162] {strides = array<i32>} : memref<128x32xf32, #tpu.memory_space<vmem>>, vector<1x16xf32>,
          %get3A_164 = vector.shape_cast %get3A_163 : vector<1x16xf32> to vector<16xf32>
          %get3A_165 = arith.index_cast %scan3A_160 : i32 to index
          %get3A_166 = arith.constant 0 : index
          %get3A_167 = tpu.vector_load %arg12[%get3A_165, %get3A_166] {strides = array<i32>} : memref<128x32xf32, #tpu.memory_space<vmem>>, vector<1x16xf32>,
          %get3A_168 = vector.shape_cast %get3A_167 : vector<1x16xf32> to vector<16xf32>
          %add3A_169 = arith.addf %get3A_164, %get3A_168 : vector<16xf32>
          %get3A_170 = arith.index_cast %scan3A_160 : i32 to index
          %get3A_171 = arith.constant 0 : index
          %get3A_172 = tpu.vector_load %arg15[%get3A_170, %get3A_171] {strides = array<i32>} : memref<128x32xf32, #tpu.memory_space<vmem>>, vector<1x16xf32>,
          %get3A_173 = vector.shape_cast %get3A_172 : vector<1x16xf32> to vector<16xf32>
          %add3A_174 = arith.addf %add3A_169, %get3A_173 : vector<16xf32>
          %neg3A_175 = arith.constant 0.000000e+00 : f32
          %neg3A_176 = vector.broadcast %neg3A_175 : f32 to vector<16xf32>
          %neg3A_177 = arith.subf %neg3A_176, %add3A_174 : vector<16xf32>
          %exp3A_178 = math.exp %neg3A_177 : vector<16xf32>
          %add3A_179 = arith.constant 1.000000e+00 : f32
          %add3A_180 = vector.broadcast %add3A_179 : f32 to vector<16xf32>
          %add3A_181 = arith.addf %add3A_180, %exp3A_178 : vector<16xf32>
          %div3A_182 = arith.divf %add3A_174, %add3A_181 : vector<16xf32>
          %swap3A_183 = arith.index_cast %scan3A_160 : i32 to index
          %swap3A_184 = arith.constant 0 : index
          %swap3A_185 = tpu.vector_load %arg21[%swap3A_183, %swap3A_184] {strides = array<i32>} : memref<128x32xf32, #tpu.memory_space<vmem>>, vector<1x16xf32>,
          %swap3A_186 = vector.shape_cast %swap3A_185 : vector<1x16xf32> to vector<16xf32>
          %swap3A_187 = vector.shape_cast %div3A_182 : vector<16xf32> to vector<1x16xf32>
          tpu.vector_store %arg21[%swap3A_183, %swap3A_184], %swap3A_187 {strides = array<i32>} : memref<128x32xf32, #tpu.memory_space<vmem>>, vector<1x16xf32>,
          %get3A_188 = arith.index_cast %scan3A_160 : i32 to index
          %get3A_189 = arith.constant 16 : index
          %get3A_190 = tpu.vector_load %arg18[%get3A_188, %get3A_189] {strides = array<i32>} : memref<128x32xf32, #tpu.memory_space<vmem>>, vector<1x16xf32>,
          %get3A_191 = vector.shape_cast %get3A_190 : vector<1x16xf32> to vector<16xf32>
          %get3A_192 = arith.index_cast %scan3A_160 : i32 to index
          %get3A_193 = arith.constant 16 : index
          %get3A_194 = tpu.vector_load %arg12[%get3A_192, %get3A_193] {strides = array<i32>} : memref<128x32xf32, #tpu.memory_space<vmem>>, vector<1x16xf32>,
          %get3A_195 = vector.shape_cast %get3A_194 : vector<1x16xf32> to vector<16xf32>
          %add3A_196 = arith.addf %get3A_191, %get3A_195 : vector<16xf32>
          %get3A_197 = arith.index_cast %scan3A_160 : i32 to index
          %get3A_198 = arith.constant 16 : index
          %get3A_199 = tpu.vector_load %arg15[%get3A_197, %get3A_198] {strides = array<i32>} : memref<128x32xf32, #tpu.memory_space<vmem>>, vector<1x16xf32>,
          %get3A_200 = vector.shape_cast %get3A_199 : vector<1x16xf32> to vector<16xf32>
          %add3A_201 = arith.addf %add3A_196, %get3A_200 : vector<16xf32>
          %neg3A_202 = arith.constant 0.000000e+00 : f32
          %neg3A_203 = vector.broadcast %neg3A_202 : f32 to vector<16xf32>
          %neg3A_204 = arith.subf %neg3A_203, %add3A_201 : vector<16xf32>
          %exp3A_205 = math.exp %neg3A_204 : vector<16xf32>
          %add3A_206 = arith.constant 1.000000e+00 : f32
          %add3A_207 = vector.broadcast %add3A_206 : f32 to vector<16xf32>
          %add3A_208 = arith.addf %add3A_207, %exp3A_205 : vector<16xf32>
          %div3A_209 = arith.divf %add3A_201, %add3A_208 : vector<16xf32>
          %swap3A_210 = arith.index_cast %scan3A_160 : i32 to index
          %swap3A_211 = arith.constant 16 : index
          %swap3A_212 = tpu.vector_load %arg21[%swap3A_210, %swap3A_211] {strides = array<i32>} : memref<128x32xf32, #tpu.memory_space<vmem>>, vector<1x16xf32>,
          %swap3A_213 = vector.shape_cast %swap3A_212 : vector<1x16xf32> to vector<16xf32>
          %swap3A_214 = vector.shape_cast %div3A_209 : vector<16xf32> to vector<1x16xf32>
          tpu.vector_store %arg21[%swap3A_210, %swap3A_211], %swap3A_214 {strides = array<i32>} : memref<128x32xf32, #tpu.memory_space<vmem>>, vector<1x16xf32>,
          %scan3A_215 = arith.constant 2 : i32
          %scan3A_216 = arith.addi %scan3A_109, %scan3A_215 : i32
          %get3A_217 = arith.index_cast %scan3A_216 : i32 to index
          %get3A_218 = arith.constant 0 : index
          %get3A_219 = tpu.vector_load %arg18[%get3A_217, %get3A_218] {strides = array<i32>} : memref<128x32xf32, #tpu.memory_space<vmem>>, vector<1x16xf32>,
          %get3A_220 = vector.shape_cast %get3A_219 : vector<1x16xf32> to vector<16xf32>
          %get3A_221 = arith.index_cast %scan3A_216 : i32 to index
          %get3A_222 = arith.constant 0 : index
          %get3A_223 = tpu.vector_load %arg12[%get3A_221, %get3A_222] {strides = array<i32>} : memref<128x32xf32, #tpu.memory_space<vmem>>, vector<1x16xf32>,
          %get3A_224 = vector.shape_cast %get3A_223 : vector<1x16xf32> to vector<16xf32>
          %add3A_225 = arith.addf %get3A_220, %get3A_224 : vector<16xf32>
          %get3A_226 = arith.index_cast %scan3A_216 : i32 to index
          %get3A_227 = arith.constant 0 : index
          %get3A_228 = tpu.vector_load %arg15[%get3A_226, %get3A_227] {strides = array<i32>} : memref<128x32xf32, #tpu.memory_space<vmem>>, vector<1x16xf32>,
          %get3A_229 = vector.shape_cast %get3A_228 : vector<1x16xf32> to vector<16xf32>
          %add3A_230 = arith.addf %add3A_225, %get3A_229 : vector<16xf32>
          %neg3A_231 = arith.constant 0.000000e+00 : f32
          %neg3A_232 = vector.broadcast %neg3A_231 : f32 to vector<16xf32>
          %neg3A_233 = arith.subf %neg3A_232, %add3A_230 : vector<16xf32>
          %exp3A_234 = math.exp %neg3A_233 : vector<16xf32>
          %add3A_235 = arith.constant 1.000000e+00 : f32
          %add3A_236 = vector.broadcast %add3A_235 : f32 to vector<16xf32>
          %add3A_237 = arith.addf %add3A_236, %exp3A_234 : vector<16xf32>
          %div3A_238 = arith.divf %add3A_230, %add3A_237 : vector<16xf32>
          %swap3A_239 = arith.index_cast %scan3A_216 : i32 to index
          %swap3A_240 = arith.constant 0 : index
          %swap3A_241 = tpu.vector_load %arg21[%swap3A_239, %swap3A_240] {strides = array<i32>} : memref<128x32xf32, #tpu.memory_space<vmem>>, vector<1x16xf32>,
          %swap3A_242 = vector.shape_cast %swap3A_241 : vector<1x16xf32> to vector<16xf32>
          %swap3A_243 = vector.shape_cast %div3A_238 : vector<16xf32> to vector<1x16xf32>
          tpu.vector_store %arg21[%swap3A_239, %swap3A_240], %swap3A_243 {strides = array<i32>} : memref<128x32xf32, #tpu.memory_space<vmem>>, vector<1x16xf32>,
          %get3A_244 = arith.index_cast %scan3A_216 : i32 to index
          %get3A_245 = arith.constant 16 : index
          %get3A_246 = tpu.vector_load %arg18[%get3A_244, %get3A_245] {strides = array<i32>} : memref<128x32xf32, #tpu.memory_space<vmem>>, vector<1x16xf32>,
          %get3A_247 = vector.shape_cast %get3A_246 : vector<1x16xf32> to vector<16xf32>
          %get3A_248 = arith.index_cast %scan3A_216 : i32 to index
          %get3A_249 = arith.constant 16 : index
          %get3A_250 = tpu.vector_load %arg12[%get3A_248, %get3A_249] {strides = array<i32>} : memref<128x32xf32, #tpu.memory_space<vmem>>, vector<1x16xf32>,
          %get3A_251 = vector.shape_cast %get3A_250 : vector<1x16xf32> to vector<16xf32>
          %add3A_252 = arith.addf %get3A_247, %get3A_251 : vector<16xf32>
          %get3A_253 = arith.index_cast %scan3A_216 : i32 to index
          %get3A_254 = arith.constant 16 : index
          %get3A_255 = tpu.vector_load %arg15[%get3A_253, %get3A_254] {strides = array<i32>} : memref<128x32xf32, #tpu.memory_space<vmem>>, vector<1x16xf32>,
          %get3A_256 = vector.shape_cast %get3A_255 : vector<1x16xf32> to vector<16xf32>
          %add3A_257 = arith.addf %add3A_252, %get3A_256 : vector<16xf32>
          %neg3A_258 = arith.constant 0.000000e+00 : f32
          %neg3A_259 = vector.broadcast %neg3A_258 : f32 to vector<16xf32>
          %neg3A_260 = arith.subf %neg3A_259, %add3A_257 : vector<16xf32>
          %exp3A_261 = math.exp %neg3A_260 : vector<16xf32>
          %add3A_262 = arith.constant 1.000000e+00 : f32
          %add3A_263 = vector.broadcast %add3A_262 : f32 to vector<16xf32>
          %add3A_264 = arith.addf %add3A_263, %exp3A_261 : vector<16xf32>
          %div3A_265 = arith.divf %add3A_257, %add3A_264 : vector<16xf32>
          %swap3A_266 = arith.index_cast %scan3A_216 : i32 to index
          %swap3A_267 = arith.constant 16 : index
          %swap3A_268 = tpu.vector_load %arg21[%swap3A_266, %swap3A_267] {strides = array<i32>} : memref<128x32xf32, #tpu.memory_space<vmem>>, vector<1x16xf32>,
          %swap3A_269 = vector.shape_cast %swap3A_268 : vector<1x16xf32> to vector<16xf32>
          %swap3A_270 = vector.shape_cast %div3A_265 : vector<16xf32> to vector<1x16xf32>
          tpu.vector_store %arg21[%swap3A_266, %swap3A_267], %swap3A_270 {strides = array<i32>} : memref<128x32xf32, #tpu.memory_space<vmem>>, vector<1x16xf32>,
          %scan3A_271 = arith.constant 3 : i32
          %scan3A_272 = arith.addi %scan3A_109, %scan3A_271 : i32
          %get3A_273 = arith.index_cast %scan3A_272 : i32 to index
          %get3A_274 = arith.constant 0 : index
          %get3A_275 = tpu.vector_load %arg18[%get3A_273, %get3A_274] {strides = array<i32>} : memref<128x32xf32, #tpu.memory_space<vmem>>, vector<1x16xf32>,
          %get3A_276 = vector.shape_cast %get3A_275 : vector<1x16xf32> to vector<16xf32>
          %get3A_277 = arith.index_cast %scan3A_272 : i32 to index
          %get3A_278 = arith.constant 0 : index
          %get3A_279 = tpu.vector_load %arg12[%get3A_277, %get3A_278] {strides = array<i32>} : memref<128x32xf32, #tpu.memory_space<vmem>>, vector<1x16xf32>,
          %get3A_280 = vector.shape_cast %get3A_279 : vector<1x16xf32> to vector<16xf32>
          %add3A_281 = arith.addf %get3A_276, %get3A_280 : vector<16xf32>
          %get3A_282 = arith.index_cast %scan3A_272 : i32 to index
          %get3A_283 = arith.constant 0 : index
          %get3A_284 = tpu.vector_load %arg15[%get3A_282, %get3A_283] {strides = array<i32>} : memref<128x32xf32, #tpu.memory_space<vmem>>, vector<1x16xf32>,
          %get3A_285 = vector.shape_cast %get3A_284 : vector<1x16xf32> to vector<16xf32>
          %add3A_286 = arith.addf %add3A_281, %get3A_285 : vector<16xf32>
          %neg3A_287 = arith.constant 0.000000e+00 : f32
          %neg3A_288 = vector.broadcast %neg3A_287 : f32 to vector<16xf32>
          %neg3A_289 = arith.subf %neg3A_288, %add3A_286 : vector<16xf32>
          %exp3A_290 = math.exp %neg3A_289 : vector<16xf32>
          %add3A_291 = arith.constant 1.000000e+00 : f32
          %add3A_292 = vector.broadcast %add3A_291 : f32 to vector<16xf32>
          %add3A_293 = arith.addf %add3A_292, %exp3A_290 : vector<16xf32>
          %div3A_294 = arith.divf %add3A_286, %add3A_293 : vector<16xf32>
          %swap3A_295 = arith.index_cast %scan3A_272 : i32 to index
          %swap3A_296 = arith.constant 0 : index
          %swap3A_297 = tpu.vector_load %arg21[%swap3A_295, %swap3A_296] {strides = array<i32>} : memref<128x32xf32, #tpu.memory_space<vmem>>, vector<1x16xf32>,
          %swap3A_298 = vector.shape_cast %swap3A_297 : vector<1x16xf32> to vector<16xf32>
          %swap3A_299 = vector.shape_cast %div3A_294 : vector<16xf32> to vector<1x16xf32>
          tpu.vector_store %arg21[%swap3A_295, %swap3A_296], %swap3A_299 {strides = array<i32>} : memref<128x32xf32, #tpu.memory_space<vmem>>, vector<1x16xf32>,
          %get3A_300 = arith.index_cast %scan3A_272 : i32 to index
          %get3A_301 = arith.constant 16 : index
          %get3A_302 = tpu.vector_load %arg18[%get3A_300, %get3A_301] {strides = array<i32>} : memref<128x32xf32, #tpu.memory_space<vmem>>, vector<1x16xf32>,
          %get3A_303 = vector.shape_cast %get3A_302 : vector<1x16xf32> to vector<16xf32>
          %get3A_304 = arith.index_cast %scan3A_272 : i32 to index
          %get3A_305 = arith.constant 16 : index
          %get3A_306 = tpu.vector_load %arg12[%get3A_304, %get3A_305] {strides = array<i32>} : memref<128x32xf32, #tpu.memory_space<vmem>>, vector<1x16xf32>,
          %get3A_307 = vector.shape_cast %get3A_306 : vector<1x16xf32> to vector<16xf32>
          %add3A_308 = arith.addf %get3A_303, %get3A_307 : vector<16xf32>
          %get3A_309 = arith.index_cast %scan3A_272 : i32 to index
          %get3A_310 = arith.constant 16 : index
          %get3A_311 = tpu.vector_load %arg15[%get3A_309, %get3A_310] {strides = array<i32>} : memref<128x32xf32, #tpu.memory_space<vmem>>, vector<1x16xf32>,
          %get3A_312 = vector.shape_cast %get3A_311 : vector<1x16xf32> to vector<16xf32>
          %add3A_313 = arith.addf %add3A_308, %get3A_312 : vector<16xf32>
          %neg3A_314 = arith.constant 0.000000e+00 : f32
          %neg3A_315 = vector.broadcast %neg3A_314 : f32 to vector<16xf32>
          %neg3A_316 = arith.subf %neg3A_315, %add3A_313 : vector<16xf32>
          %exp3A_317 = math.exp %neg3A_316 : vector<16xf32>
          %add3A_318 = arith.constant 1.000000e+00 : f32
          %add3A_319 = vector.broadcast %add3A_318 : f32 to vector<16xf32>
          %add3A_320 = arith.addf %add3A_319, %exp3A_317 : vector<16xf32>
          %div3A_321 = arith.divf %add3A_313, %add3A_320 : vector<16xf32>
          %swap3A_322 = arith.index_cast %scan3A_272 : i32 to index
          %swap3A_323 = arith.constant 16 : index
          %swap3A_324 = tpu.vector_load %arg21[%swap3A_322, %swap3A_323] {strides = array<i32>} : memref<128x32xf32, #tpu.memory_space<vmem>>, vector<1x16xf32>,
          %swap3A_325 = vector.shape_cast %swap3A_324 : vector<1x16xf32> to vector<16xf32>
          %swap3A_326 = vector.shape_cast %div3A_321 : vector<16xf32> to vector<1x16xf32>
          tpu.vector_store %arg21[%swap3A_322, %swap3A_323], %swap3A_326 {strides = array<i32>} : memref<128x32xf32, #tpu.memory_space<vmem>>, vector<1x16xf32>,
        }
        %scan3A_96 = arith.constant 128 : i32
        %mul3A_97 = arith.constant 128 : i32
        %mul3A_98 = arith.muli %add3A_64, %mul3A_97 : i32
        %add3A_99 = arith.addi %mul3A_6, %mul3A_98 : i32
        %dma_start3A = arith.constant 0 : i32
        %dma_start3A_100 = tpu.memref_slice %arg7[%add3A_99, %dma_start3A] : memref<800000x32xf32, #tpu.memory_space<hbm>> -> memref<128x32xf32, #tpu.memory_space<hbm>>
        %dma_start3A_101 = arith.constant 0 : i32
        %dma_start3A_102 = tpu.memref_slice %arg7[%add3A_99, %dma_start3A_101] : memref<800000x32xf32, #tpu.memory_space<hbm>> -> memref<128x32xf32, #tpu.memory_space<hbm>>
        tpu.enqueue_dma source(%arg21 : memref<128x32xf32, #tpu.memory_space<vmem>>) target(%dma_start3A_102 : memref<128x32xf32, #tpu.memory_space<hbm>>) target_semaphore(%arg27 : memref<!tpu.dma_semaphore, #tpu.memory_space<semaphore_mem>>)
        %add3A_103 = arith.constant 3 : i32
        %add3A_104 = arith.addi %add3A_64, %add3A_103 : i32
        %lt3A_105 = arith.cmpi slt, %add3A_104, %min3A_4 : i32
        %convert_element_type3A_106 = arith.extui %lt3A_105 : i1 to i32
        %cond3A_107 = arith.constant 0 : i32
        %cond3A_108 = arith.cmpi ne, %convert_element_type3A_106, %cond3A_107 : i32
        scf.if %cond3A_108 {
          %dma_start3A_109 = arith.constant 0 : i32
          %dma_start3A_110 = tpu.memref_slice %arg8[%add3A_104, %dma_start3A_109] : memref<196x128xi32, #tpu.memory_space<vmem>> -> memref<1x128xi32, #tpu.memory_space<vmem>>
          %dma_start3A_111 = tpu.memref_squeeze %dma_start3A_110 : memref<1x128xi32, #tpu.memory_space<vmem>> -> memref<128xi32, #tpu.memory_space<vmem>>
          %dma_start3A_112 = arith.constant 0 : i32
          %dma_start3A_113 = arith.constant 0 : i32
          %dma_start3A_114 = tpu.memref_slice %arg2[%dma_start3A_112, %dma_start3A_113] : memref<50000x32xf32, #tpu.memory_space<hbm>> -> memref<50000x32xf32, #tpu.memory_space<hbm>>
          tpu.enqueue_indirect_dma source(%dma_start3A_114 : memref<50000x32xf32, #tpu.memory_space<hbm>>) target(%arg12 : memref<128x32xf32, #tpu.memory_space<vmem>>) offsets(%dma_start3A_111 : memref<128xi32, #tpu.memory_space<vmem>>) semaphore(%arg24 : memref<!tpu.dma_semaphore, #tpu.memory_space<semaphore_mem>>)
          %dma_start3A_115 = arith.constant 0 : i32
          %dma_start3A_116 = tpu.memref_slice %arg9[%add3A_104, %dma_start3A_115] : memref<196x128xi32, #tpu.memory_space<vmem>> -> memref<1x128xi32, #tpu.memory_space<vmem>>
          %dma_start3A_117 = tpu.memref_squeeze %dma_start3A_116 : memref<1x128xi32, #tpu.memory_space<vmem>> -> memref<128xi32, #tpu.memory_space<vmem>>
          %dma_start3A_118 = arith.constant 0 : i32
          %dma_start3A_119 = arith.constant 0 : i32
          %dma_start3A_120 = tpu.memref_slice %arg3[%dma_start3A_118, %dma_start3A_119] : memref<50000x32xf32, #tpu.memory_space<hbm>> -> memref<50000x32xf32, #tpu.memory_space<hbm>>
          tpu.enqueue_indirect_dma source(%dma_start3A_120 : memref<50000x32xf32, #tpu.memory_space<hbm>>) target(%arg15 : memref<128x32xf32, #tpu.memory_space<vmem>>) offsets(%dma_start3A_117 : memref<128xi32, #tpu.memory_space<vmem>>) semaphore(%arg24 : memref<!tpu.dma_semaphore, #tpu.memory_space<semaphore_mem>>)
          %mul3A_121 = arith.constant 128 : i32
          %mul3A_122 = arith.muli %add3A_104, %mul3A_121 : i32
          %add3A_123 = arith.addi %mul3A_6, %mul3A_122 : i32
          %dma_start3A_124 = arith.constant 0 : i32
          %dma_start3A_125 = tpu.memref_slice %arg6[%add3A_123, %dma_start3A_124] : memref<800000x32xf32, #tpu.memory_space<hbm>> -> memref<128x32xf32, #tpu.memory_space<hbm>>
          %dma_start3A_126 = arith.constant 0 : i32
          %dma_start3A_127 = tpu.memref_slice %arg6[%add3A_123, %dma_start3A_126] : memref<800000x32xf32, #tpu.memory_space<hbm>> -> memref<128x32xf32, #tpu.memory_space<hbm>>
          tpu.enqueue_dma source(%dma_start3A_127 : memref<128x32xf32, #tpu.memory_space<hbm>>) target(%arg18 : memref<128x32xf32, #tpu.memory_space<vmem>>) target_semaphore(%arg24 : memref<!tpu.dma_semaphore, #tpu.memory_space<semaphore_mem>>)
        } else {
        }
      } else {
      }
    }
    %scan3A_27 = arith.constant 66 : i32
    %dma_wait3A = arith.constant 0 : i32
    %dma_wait3A_28 = arith.constant 0 : i32
    %dma_wait3A_29 = tpu.memref_slice %arg6[%dma_wait3A, %dma_wait3A_28] : memref<800000x32xf32, #tpu.memory_space<hbm>> -> memref<128x32xf32, #tpu.memory_space<hbm>>
    %dma_wait3A_30 = arith.constant 0 : i32
    %dma_wait3A_31 = arith.constant 0 : i32
    %dma_wait3A_32 = tpu.memref_slice %arg6[%dma_wait3A_30, %dma_wait3A_31] : memref<800000x32xf32, #tpu.memory_space<hbm>> -> memref<128x32xf32, #tpu.memory_space<hbm>>
    tpu.wait_dma2 semaphore(%arg25 : memref<!tpu.dma_semaphore, #tpu.memory_space<semaphore_mem>>) src(%dma_wait3A_32 : memref<128x32xf32, #tpu.memory_space<hbm>>) dst(%arg19 : memref<128x32xf32, #tpu.memory_space<vmem>>)
    %dma_wait3A_33 = arith.constant 0 : i32
    %dma_wait3A_34 = arith.constant 0 : i32
    %dma_wait3A_35 = tpu.memref_slice %arg6[%dma_wait3A_33, %dma_wait3A_34] : memref<800000x32xf32, #tpu.memory_space<hbm>> -> memref<128x32xf32, #tpu.memory_space<hbm>>
    %dma_wait3A_36 = arith.constant 0 : i32
    %dma_wait3A_37 = arith.constant 0 : i32
    %dma_wait3A_38 = tpu.memref_slice %arg6[%dma_wait3A_36, %dma_wait3A_37] : memref<800000x32xf32, #tpu.memory_space<hbm>> -> memref<128x32xf32, #tpu.memory_space<hbm>>
    tpu.wait_dma2 semaphore(%arg26 : memref<!tpu.dma_semaphore, #tpu.memory_space<semaphore_mem>>) src(%dma_wait3A_38 : memref<128x32xf32, #tpu.memory_space<hbm>>) dst(%arg20 : memref<128x32xf32, #tpu.memory_space<vmem>>)
    %dma_wait3A_39 = arith.constant 0 : i32
    %dma_wait3A_40 = arith.constant 0 : i32
    %dma_wait3A_41 = tpu.memref_slice %arg6[%dma_wait3A_39, %dma_wait3A_40] : memref<800000x32xf32, #tpu.memory_space<hbm>> -> memref<128x32xf32, #tpu.memory_space<hbm>>
    %dma_wait3A_42 = arith.constant 0 : i32
    %dma_wait3A_43 = arith.constant 0 : i32
    %dma_wait3A_44 = tpu.memref_slice %arg6[%dma_wait3A_42, %dma_wait3A_43] : memref<800000x32xf32, #tpu.memory_space<hbm>> -> memref<128x32xf32, #tpu.memory_space<hbm>>
    tpu.wait_dma2 semaphore(%arg27 : memref<!tpu.dma_semaphore, #tpu.memory_space<semaphore_mem>>) src(%dma_wait3A_44 : memref<128x32xf32, #tpu.memory_space<hbm>>) dst(%arg21 : memref<128x32xf32, #tpu.memory_space<vmem>>)
    return
  }
}

#map = affine_map<(d0, d1) -> (0, 0)>
#map1 = affine_map<(d0, d1) -> (0, 0, 0)>
module attributes {stable_mosaic.version = 14 : i64} {
  func.func @k(%arg0: i32, %arg1: i32, %arg2: memref<800000x32xf32, #tpu.memory_space<hbm>>, %arg3: memref<6272x128xi32, #tpu.memory_space<hbm>>, %arg4: memref<50000x32xf32, #tpu.memory_space<hbm>>, %arg5: memref<2x50000x32xf32, #tpu.memory_space<hbm>>, %arg6: memref<128xi32, #tpu.memory_space<vmem>>, %arg7: memref<128xi32, #tpu.memory_space<vmem>>, %arg8: memref<128xi32, #tpu.memory_space<vmem>>, %arg9: memref<128x32xf32, #tpu.memory_space<vmem>>, %arg10: memref<128x32xf32, #tpu.memory_space<vmem>>, %arg11: memref<128x32xf32, #tpu.memory_space<vmem>>, %arg12: memref<50000x32xf32, #tpu.memory_space<vmem_shared>>, %arg13: memref<!tpu.dma_semaphore, #tpu.memory_space<semaphore_mem>>, %arg14: memref<!tpu.dma_semaphore, #tpu.memory_space<semaphore_mem>>, %arg15: memref<!tpu.dma_semaphore, #tpu.memory_space<semaphore_mem>>) attributes {dimension_semantics = [#tpu.dimension_semantics<core_parallel>, #tpu.dimension_semantics<subcore_parallel>], iteration_bounds = array<i64: 2, 16>, scalar_prefetch = 0 : i64, scratch_operands = 10 : i64, tpu.core_type = #tpu.core_type<sc_vector_subcore>, window_params = [{transform_indices = #map}, {transform_indices = #map}, {transform_indices = #map}, {transform_indices = #map1}]} {
    %mul3A = arith.constant 2 : i32
    %mul3A_0 = arith.muli %arg1, %mul3A : i32
    %add3A = arith.addi %mul3A_0, %arg0 : i32
    %mul3A_1 = arith.constant 196 : i32
    %mul3A_2 = arith.muli %add3A, %mul3A_1 : i32
    %sub3A = arith.constant 6250 : i32
    %sub3A_3 = arith.subi %sub3A, %mul3A_2 : i32
    %min3A = arith.constant 196 : i32
    %min3A_4 = arith.minsi %min3A, %sub3A_3 : i32
    %mul3A_5 = arith.constant 25088 : i32
    %mul3A_6 = arith.muli %add3A, %mul3A_5 : i32
    %eq3A = arith.constant 0 : i32
    %eq3A_7 = arith.cmpi eq, %arg1, %eq3A : i32
    %convert_element_type3A = arith.extui %eq3A_7 : i1 to i32
    %cond3A = arith.constant 0 : i32
    %cond3A_8 = arith.cmpi ne, %convert_element_type3A, %cond3A : i32
    scf.if %cond3A_8 {
      "tpu.region"() ({
        %run_scoped3A = tpu.sem_alloc : memref<!tpu.dma_semaphore, #tpu.memory_space<semaphore_mem>>
        tpu.enqueue_dma source(%arg4 : memref<50000x32xf32, #tpu.memory_space<hbm>>) target(%arg12 : memref<50000x32xf32, #tpu.memory_space<vmem_shared>>) target_semaphore(%run_scoped3A : memref<!tpu.dma_semaphore, #tpu.memory_space<semaphore_mem>>)
        tpu.wait_dma2 semaphore(%run_scoped3A : memref<!tpu.dma_semaphore, #tpu.memory_space<semaphore_mem>>) src(%arg4 : memref<50000x32xf32, #tpu.memory_space<hbm>>) dst(%arg12 : memref<50000x32xf32, #tpu.memory_space<vmem_shared>>)
        tpu.yield
      }) : () -> ()
    } else {
    }
    %barrier3A = arith.constant 0 : index
    tpu.barrier barrier_id(%barrier3A)
    %gt3A = arith.constant 0 : i32
    %gt3A_9 = arith.cmpi sgt, %min3A_4, %gt3A : i32
    %convert_element_type3A_10 = arith.extui %gt3A_9 : i1 to i32
    %cond3A_11 = arith.constant 0 : i32
    %cond3A_12 = arith.cmpi ne, %convert_element_type3A_10, %cond3A_11 : i32
    scf.if %cond3A_12 {
      %mul3A_34 = arith.constant 196 : i32
      %mul3A_35 = arith.muli %add3A, %mul3A_34 : i32
      %add3A_36 = arith.constant 0 : i32
      %add3A_37 = arith.addi %mul3A_35, %add3A_36 : i32
      %dma_start3A = arith.constant 0 : i32
      %dma_start3A_38 = tpu.memref_slice %arg3[%add3A_37, %dma_start3A] : memref<6272x128xi32, #tpu.memory_space<hbm>> -> memref<1x128xi32, #tpu.memory_space<hbm>>
      %dma_start3A_39 = tpu.memref_squeeze %dma_start3A_38 : memref<1x128xi32, #tpu.memory_space<hbm>> -> memref<128xi32, #tpu.memory_space<hbm>>
      %dma_start3A_40 = arith.constant 0 : i32
      %dma_start3A_41 = tpu.memref_slice %arg3[%add3A_37, %dma_start3A_40] : memref<6272x128xi32, #tpu.memory_space<hbm>> -> memref<1x128xi32, #tpu.memory_space<hbm>>
      %dma_start3A_42 = tpu.memref_squeeze %dma_start3A_41 : memref<1x128xi32, #tpu.memory_space<hbm>> -> memref<128xi32, #tpu.memory_space<hbm>>
      tpu.enqueue_dma source(%dma_start3A_42 : memref<128xi32, #tpu.memory_space<hbm>>) target(%arg6 : memref<128xi32, #tpu.memory_space<vmem>>) target_semaphore(%arg13 : memref<!tpu.dma_semaphore, #tpu.memory_space<semaphore_mem>>)
      %add3A_43 = arith.constant 0 : i32
      %add3A_44 = arith.addi %mul3A_6, %add3A_43 : i32
      %dma_start3A_45 = arith.constant 0 : i32
      %dma_start3A_46 = tpu.memref_slice %arg2[%add3A_44, %dma_start3A_45] : memref<800000x32xf32, #tpu.memory_space<hbm>> -> memref<128x32xf32, #tpu.memory_space<hbm>>
      %dma_start3A_47 = arith.constant 0 : i32
      %dma_start3A_48 = tpu.memref_slice %arg2[%add3A_44, %dma_start3A_47] : memref<800000x32xf32, #tpu.memory_space<hbm>> -> memref<128x32xf32, #tpu.memory_space<hbm>>
      tpu.enqueue_dma source(%dma_start3A_48 : memref<128x32xf32, #tpu.memory_space<hbm>>) target(%arg9 : memref<128x32xf32, #tpu.memory_space<vmem>>) target_semaphore(%arg13 : memref<!tpu.dma_semaphore, #tpu.memory_space<semaphore_mem>>)
    } else {
    }
    %gt3A_13 = arith.constant 1 : i32
    %gt3A_14 = arith.cmpi sgt, %min3A_4, %gt3A_13 : i32
    %convert_element_type3A_15 = arith.extui %gt3A_14 : i1 to i32
    %cond3A_16 = arith.constant 0 : i32
    %cond3A_17 = arith.cmpi ne, %convert_element_type3A_15, %cond3A_16 : i32
    scf.if %cond3A_17 {
      %mul3A_34 = arith.constant 196 : i32
      %mul3A_35 = arith.muli %add3A, %mul3A_34 : i32
      %add3A_36 = arith.constant 1 : i32
      %add3A_37 = arith.addi %mul3A_35, %add3A_36 : i32
      %dma_start3A = arith.constant 0 : i32
      %dma_start3A_38 = tpu.memref_slice %arg3[%add3A_37, %dma_start3A] : memref<6272x128xi32, #tpu.memory_space<hbm>> -> memref<1x128xi32, #tpu.memory_space<hbm>>
      %dma_start3A_39 = tpu.memref_squeeze %dma_start3A_38 : memref<1x128xi32, #tpu.memory_space<hbm>> -> memref<128xi32, #tpu.memory_space<hbm>>
      %dma_start3A_40 = arith.constant 0 : i32
      %dma_start3A_41 = tpu.memref_slice %arg3[%add3A_37, %dma_start3A_40] : memref<6272x128xi32, #tpu.memory_space<hbm>> -> memref<1x128xi32, #tpu.memory_space<hbm>>
      %dma_start3A_42 = tpu.memref_squeeze %dma_start3A_41 : memref<1x128xi32, #tpu.memory_space<hbm>> -> memref<128xi32, #tpu.memory_space<hbm>>
      tpu.enqueue_dma source(%dma_start3A_42 : memref<128xi32, #tpu.memory_space<hbm>>) target(%arg7 : memref<128xi32, #tpu.memory_space<vmem>>) target_semaphore(%arg14 : memref<!tpu.dma_semaphore, #tpu.memory_space<semaphore_mem>>)
      %add3A_43 = arith.constant 128 : i32
      %add3A_44 = arith.addi %mul3A_6, %add3A_43 : i32
      %dma_start3A_45 = arith.constant 0 : i32
      %dma_start3A_46 = tpu.memref_slice %arg2[%add3A_44, %dma_start3A_45] : memref<800000x32xf32, #tpu.memory_space<hbm>> -> memref<128x32xf32, #tpu.memory_space<hbm>>
      %dma_start3A_47 = arith.constant 0 : i32
      %dma_start3A_48 = tpu.memref_slice %arg2[%add3A_44, %dma_start3A_47] : memref<800000x32xf32, #tpu.memory_space<hbm>> -> memref<128x32xf32, #tpu.memory_space<hbm>>
      tpu.enqueue_dma source(%dma_start3A_48 : memref<128x32xf32, #tpu.memory_space<hbm>>) target(%arg10 : memref<128x32xf32, #tpu.memory_space<vmem>>) target_semaphore(%arg14 : memref<!tpu.dma_semaphore, #tpu.memory_space<semaphore_mem>>)
    } else {
    }
    %gt3A_18 = arith.constant 2 : i32
    %gt3A_19 = arith.cmpi sgt, %min3A_4, %gt3A_18 : i32
    %convert_element_type3A_20 = arith.extui %gt3A_19 : i1 to i32
    %cond3A_21 = arith.constant 0 : i32
    %cond3A_22 = arith.cmpi ne, %convert_element_type3A_20, %cond3A_21 : i32
    scf.if %cond3A_22 {
      %mul3A_34 = arith.constant 196 : i32
      %mul3A_35 = arith.muli %add3A, %mul3A_34 : i32
      %add3A_36 = arith.constant 2 : i32
      %add3A_37 = arith.addi %mul3A_35, %add3A_36 : i32
      %dma_start3A = arith.constant 0 : i32
      %dma_start3A_38 = tpu.memref_slice %arg3[%add3A_37, %dma_start3A] : memref<6272x128xi32, #tpu.memory_space<hbm>> -> memref<1x128xi32, #tpu.memory_space<hbm>>
      %dma_start3A_39 = tpu.memref_squeeze %dma_start3A_38 : memref<1x128xi32, #tpu.memory_space<hbm>> -> memref<128xi32, #tpu.memory_space<hbm>>
      %dma_start3A_40 = arith.constant 0 : i32
      %dma_start3A_41 = tpu.memref_slice %arg3[%add3A_37, %dma_start3A_40] : memref<6272x128xi32, #tpu.memory_space<hbm>> -> memref<1x128xi32, #tpu.memory_space<hbm>>
      %dma_start3A_42 = tpu.memref_squeeze %dma_start3A_41 : memref<1x128xi32, #tpu.memory_space<hbm>> -> memref<128xi32, #tpu.memory_space<hbm>>
      tpu.enqueue_dma source(%dma_start3A_42 : memref<128xi32, #tpu.memory_space<hbm>>) target(%arg8 : memref<128xi32, #tpu.memory_space<vmem>>) target_semaphore(%arg15 : memref<!tpu.dma_semaphore, #tpu.memory_space<semaphore_mem>>)
      %add3A_43 = arith.constant 256 : i32
      %add3A_44 = arith.addi %mul3A_6, %add3A_43 : i32
      %dma_start3A_45 = arith.constant 0 : i32
      %dma_start3A_46 = tpu.memref_slice %arg2[%add3A_44, %dma_start3A_45] : memref<800000x32xf32, #tpu.memory_space<hbm>> -> memref<128x32xf32, #tpu.memory_space<hbm>>
      %dma_start3A_47 = arith.constant 0 : i32
      %dma_start3A_48 = tpu.memref_slice %arg2[%add3A_44, %dma_start3A_47] : memref<800000x32xf32, #tpu.memory_space<hbm>> -> memref<128x32xf32, #tpu.memory_space<hbm>>
      tpu.enqueue_dma source(%dma_start3A_48 : memref<128x32xf32, #tpu.memory_space<hbm>>) target(%arg11 : memref<128x32xf32, #tpu.memory_space<vmem>>) target_semaphore(%arg15 : memref<!tpu.dma_semaphore, #tpu.memory_space<semaphore_mem>>)
    } else {
    }
    %scan3A = arith.constant 0 : i32
    %scan3A_23 = arith.constant 0 : i32
    %scan3A_24 = arith.constant 66 : i32
    %scan3A_25 = arith.addi %scan3A_23, %scan3A_24 : i32
    %scan3A_26 = arith.constant 1 : i32
    scf.for %scan3A_34 = %scan3A_23 to %scan3A_25 step %scan3A_26  : i32 {
      %mul3A_35 = arith.constant 3 : i32
      %mul3A_36 = arith.muli %scan3A_34, %mul3A_35 : i32
      %add3A_37 = arith.constant 0 : i32
      %add3A_38 = arith.addi %mul3A_36, %add3A_37 : i32
      %lt3A = arith.cmpi slt, %add3A_38, %min3A_4 : i32
      %convert_element_type3A_39 = arith.extui %lt3A : i1 to i32
      %cond3A_40 = arith.constant 0 : i32
      %cond3A_41 = arith.cmpi ne, %convert_element_type3A_39, %cond3A_40 : i32
      scf.if %cond3A_41 {
        %dma_wait3A = arith.constant 0 : i32
        %dma_wait3A_58 = arith.constant 0 : i32
        %dma_wait3A_59 = tpu.memref_slice %arg3[%dma_wait3A, %dma_wait3A_58] : memref<6272x128xi32, #tpu.memory_space<hbm>> -> memref<1x128xi32, #tpu.memory_space<hbm>>
        %dma_wait3A_60 = tpu.memref_squeeze %dma_wait3A_59 : memref<1x128xi32, #tpu.memory_space<hbm>> -> memref<128xi32, #tpu.memory_space<hbm>>
        %dma_wait3A_61 = arith.constant 0 : i32
        %dma_wait3A_62 = tpu.memref_slice %arg3[%dma_wait3A, %dma_wait3A_61] : memref<6272x128xi32, #tpu.memory_space<hbm>> -> memref<1x128xi32, #tpu.memory_space<hbm>>
        %dma_wait3A_63 = tpu.memref_squeeze %dma_wait3A_62 : memref<1x128xi32, #tpu.memory_space<hbm>> -> memref<128xi32, #tpu.memory_space<hbm>>
        tpu.wait_dma2 semaphore(%arg13 : memref<!tpu.dma_semaphore, #tpu.memory_space<semaphore_mem>>) src(%dma_wait3A_63 : memref<128xi32, #tpu.memory_space<hbm>>) dst(%arg6 : memref<128xi32, #tpu.memory_space<vmem>>)
        %dma_wait3A_64 = arith.constant 0 : i32
        %dma_wait3A_65 = arith.constant 0 : i32
        %dma_wait3A_66 = tpu.memref_slice %arg2[%dma_wait3A_64, %dma_wait3A_65] : memref<800000x32xf32, #tpu.memory_space<hbm>> -> memref<128x32xf32, #tpu.memory_space<hbm>>
        %dma_wait3A_67 = arith.constant 0 : i32
        %dma_wait3A_68 = arith.constant 0 : i32
        %dma_wait3A_69 = tpu.memref_slice %arg2[%dma_wait3A_67, %dma_wait3A_68] : memref<800000x32xf32, #tpu.memory_space<hbm>> -> memref<128x32xf32, #tpu.memory_space<hbm>>
        tpu.wait_dma2 semaphore(%arg13 : memref<!tpu.dma_semaphore, #tpu.memory_space<semaphore_mem>>) src(%dma_wait3A_69 : memref<128x32xf32, #tpu.memory_space<hbm>>) dst(%arg9 : memref<128x32xf32, #tpu.memory_space<vmem>>)
        "tpu.region"() ({
          %run_scoped3A = tpu.sem_alloc : memref<!tpu.dma_semaphore, #tpu.memory_space<semaphore_mem>>
          %dma_start3A = arith.constant 0 : i32
          %dma_start3A_76 = arith.constant 0 : i32
          %dma_start3A_77 = tpu.memref_slice %arg12[%dma_start3A, %dma_start3A_76] : memref<50000x32xf32, #tpu.memory_space<vmem_shared>> -> memref<50000x32xf32, #tpu.memory_space<vmem_shared>>
          tpu.enqueue_indirect_dma source(%arg9 : memref<128x32xf32, #tpu.memory_space<vmem>>) target(%dma_start3A_77 : memref<50000x32xf32, #tpu.memory_space<vmem_shared>>) offsets(%arg6 : memref<128xi32, #tpu.memory_space<vmem>>) semaphore(%run_scoped3A : memref<!tpu.dma_semaphore, #tpu.memory_space<semaphore_mem>>) {add = true}
          %dma_wait3A_78 = arith.constant 0 : i32
          %dma_wait3A_79 = arith.constant 0 : i32
          %dma_wait3A_80 = tpu.memref_slice %arg12[%dma_wait3A_78, %dma_wait3A_79] : memref<50000x32xf32, #tpu.memory_space<vmem_shared>> -> memref<50000x32xf32, #tpu.memory_space<vmem_shared>>
          tpu.wait_indirect_dma semaphore(%run_scoped3A : memref<!tpu.dma_semaphore, #tpu.memory_space<semaphore_mem>>) src(%arg9 : memref<128x32xf32, #tpu.memory_space<vmem>>) dst(%dma_wait3A_80 : memref<50000x32xf32, #tpu.memory_space<vmem_shared>>)
          tpu.yield
        }) : () -> ()
        %add3A_70 = arith.constant 3 : i32
        %add3A_71 = arith.addi %add3A_38, %add3A_70 : i32
        %lt3A_72 = arith.cmpi slt, %add3A_71, %min3A_4 : i32
        %convert_element_type3A_73 = arith.extui %lt3A_72 : i1 to i32
        %cond3A_74 = arith.constant 0 : i32
        %cond3A_75 = arith.cmpi ne, %convert_element_type3A_73, %cond3A_74 : i32
        scf.if %cond3A_75 {
          %mul3A_76 = arith.constant 196 : i32
          %mul3A_77 = arith.muli %add3A, %mul3A_76 : i32
          %add3A_78 = arith.addi %mul3A_77, %add3A_71 : i32
          %dma_start3A = arith.constant 0 : i32
          %dma_start3A_79 = tpu.memref_slice %arg3[%add3A_78, %dma_start3A] : memref<6272x128xi32, #tpu.memory_space<hbm>> -> memref<1x128xi32, #tpu.memory_space<hbm>>
          %dma_start3A_80 = tpu.memref_squeeze %dma_start3A_79 : memref<1x128xi32, #tpu.memory_space<hbm>> -> memref<128xi32, #tpu.memory_space<hbm>>
          %dma_start3A_81 = arith.constant 0 : i32
          %dma_start3A_82 = tpu.memref_slice %arg3[%add3A_78, %dma_start3A_81] : memref<6272x128xi32, #tpu.memory_space<hbm>> -> memref<1x128xi32, #tpu.memory_space<hbm>>
          %dma_start3A_83 = tpu.memref_squeeze %dma_start3A_82 : memref<1x128xi32, #tpu.memory_space<hbm>> -> memref<128xi32, #tpu.memory_space<hbm>>
          tpu.enqueue_dma source(%dma_start3A_83 : memref<128xi32, #tpu.memory_space<hbm>>) target(%arg6 : memref<128xi32, #tpu.memory_space<vmem>>) target_semaphore(%arg13 : memref<!tpu.dma_semaphore, #tpu.memory_space<semaphore_mem>>)
          %mul3A_84 = arith.constant 128 : i32
          %mul3A_85 = arith.muli %add3A_71, %mul3A_84 : i32
          %add3A_86 = arith.addi %mul3A_6, %mul3A_85 : i32
          %dma_start3A_87 = arith.constant 0 : i32
          %dma_start3A_88 = tpu.memref_slice %arg2[%add3A_86, %dma_start3A_87] : memref<800000x32xf32, #tpu.memory_space<hbm>> -> memref<128x32xf32, #tpu.memory_space<hbm>>
          %dma_start3A_89 = arith.constant 0 : i32
          %dma_start3A_90 = tpu.memref_slice %arg2[%add3A_86, %dma_start3A_89] : memref<800000x32xf32, #tpu.memory_space<hbm>> -> memref<128x32xf32, #tpu.memory_space<hbm>>
          tpu.enqueue_dma source(%dma_start3A_90 : memref<128x32xf32, #tpu.memory_space<hbm>>) target(%arg9 : memref<128x32xf32, #tpu.memory_space<vmem>>) target_semaphore(%arg13 : memref<!tpu.dma_semaphore, #tpu.memory_space<semaphore_mem>>)
        } else {
        }
      } else {
      }
      %mul3A_42 = arith.constant 3 : i32
      %mul3A_43 = arith.muli %scan3A_34, %mul3A_42 : i32
      %add3A_44 = arith.constant 1 : i32
      %add3A_45 = arith.addi %mul3A_43, %add3A_44 : i32
      %lt3A_46 = arith.cmpi slt, %add3A_45, %min3A_4 : i32
      %convert_element_type3A_47 = arith.extui %lt3A_46 : i1 to i32
      %cond3A_48 = arith.constant 0 : i32
      %cond3A_49 = arith.cmpi ne, %convert_element_type3A_47, %cond3A_48 : i32
      scf.if %cond3A_49 {
        %dma_wait3A = arith.constant 0 : i32
        %dma_wait3A_58 = arith.constant 0 : i32
        %dma_wait3A_59 = tpu.memref_slice %arg3[%dma_wait3A, %dma_wait3A_58] : memref<6272x128xi32, #tpu.memory_space<hbm>> -> memref<1x128xi32, #tpu.memory_space<hbm>>
        %dma_wait3A_60 = tpu.memref_squeeze %dma_wait3A_59 : memref<1x128xi32, #tpu.memory_space<hbm>> -> memref<128xi32, #tpu.memory_space<hbm>>
        %dma_wait3A_61 = arith.constant 0 : i32
        %dma_wait3A_62 = tpu.memref_slice %arg3[%dma_wait3A, %dma_wait3A_61] : memref<6272x128xi32, #tpu.memory_space<hbm>> -> memref<1x128xi32, #tpu.memory_space<hbm>>
        %dma_wait3A_63 = tpu.memref_squeeze %dma_wait3A_62 : memref<1x128xi32, #tpu.memory_space<hbm>> -> memref<128xi32, #tpu.memory_space<hbm>>
        tpu.wait_dma2 semaphore(%arg14 : memref<!tpu.dma_semaphore, #tpu.memory_space<semaphore_mem>>) src(%dma_wait3A_63 : memref<128xi32, #tpu.memory_space<hbm>>) dst(%arg7 : memref<128xi32, #tpu.memory_space<vmem>>)
        %dma_wait3A_64 = arith.constant 0 : i32
        %dma_wait3A_65 = arith.constant 0 : i32
        %dma_wait3A_66 = tpu.memref_slice %arg2[%dma_wait3A_64, %dma_wait3A_65] : memref<800000x32xf32, #tpu.memory_space<hbm>> -> memref<128x32xf32, #tpu.memory_space<hbm>>
        %dma_wait3A_67 = arith.constant 0 : i32
        %dma_wait3A_68 = arith.constant 0 : i32
        %dma_wait3A_69 = tpu.memref_slice %arg2[%dma_wait3A_67, %dma_wait3A_68] : memref<800000x32xf32, #tpu.memory_space<hbm>> -> memref<128x32xf32, #tpu.memory_space<hbm>>
        tpu.wait_dma2 semaphore(%arg14 : memref<!tpu.dma_semaphore, #tpu.memory_space<semaphore_mem>>) src(%dma_wait3A_69 : memref<128x32xf32, #tpu.memory_space<hbm>>) dst(%arg10 : memref<128x32xf32, #tpu.memory_space<vmem>>)
        "tpu.region"() ({
          %run_scoped3A = tpu.sem_alloc : memref<!tpu.dma_semaphore, #tpu.memory_space<semaphore_mem>>
          %dma_start3A = arith.constant 0 : i32
          %dma_start3A_76 = arith.constant 0 : i32
          %dma_start3A_77 = tpu.memref_slice %arg12[%dma_start3A, %dma_start3A_76] : memref<50000x32xf32, #tpu.memory_space<vmem_shared>> -> memref<50000x32xf32, #tpu.memory_space<vmem_shared>>
          tpu.enqueue_indirect_dma source(%arg10 : memref<128x32xf32, #tpu.memory_space<vmem>>) target(%dma_start3A_77 : memref<50000x32xf32, #tpu.memory_space<vmem_shared>>) offsets(%arg7 : memref<128xi32, #tpu.memory_space<vmem>>) semaphore(%run_scoped3A : memref<!tpu.dma_semaphore, #tpu.memory_space<semaphore_mem>>) {add = true}
          %dma_wait3A_78 = arith.constant 0 : i32
          %dma_wait3A_79 = arith.constant 0 : i32
          %dma_wait3A_80 = tpu.memref_slice %arg12[%dma_wait3A_78, %dma_wait3A_79] : memref<50000x32xf32, #tpu.memory_space<vmem_shared>> -> memref<50000x32xf32, #tpu.memory_space<vmem_shared>>
          tpu.wait_indirect_dma semaphore(%run_scoped3A : memref<!tpu.dma_semaphore, #tpu.memory_space<semaphore_mem>>) src(%arg10 : memref<128x32xf32, #tpu.memory_space<vmem>>) dst(%dma_wait3A_80 : memref<50000x32xf32, #tpu.memory_space<vmem_shared>>)
          tpu.yield
        }) : () -> ()
        %add3A_70 = arith.constant 3 : i32
        %add3A_71 = arith.addi %add3A_45, %add3A_70 : i32
        %lt3A_72 = arith.cmpi slt, %add3A_71, %min3A_4 : i32
        %convert_element_type3A_73 = arith.extui %lt3A_72 : i1 to i32
        %cond3A_74 = arith.constant 0 : i32
        %cond3A_75 = arith.cmpi ne, %convert_element_type3A_73, %cond3A_74 : i32
        scf.if %cond3A_75 {
          %mul3A_76 = arith.constant 196 : i32
          %mul3A_77 = arith.muli %add3A, %mul3A_76 : i32
          %add3A_78 = arith.addi %mul3A_77, %add3A_71 : i32
          %dma_start3A = arith.constant 0 : i32
          %dma_start3A_79 = tpu.memref_slice %arg3[%add3A_78, %dma_start3A] : memref<6272x128xi32, #tpu.memory_space<hbm>> -> memref<1x128xi32, #tpu.memory_space<hbm>>
          %dma_start3A_80 = tpu.memref_squeeze %dma_start3A_79 : memref<1x128xi32, #tpu.memory_space<hbm>> -> memref<128xi32, #tpu.memory_space<hbm>>
          %dma_start3A_81 = arith.constant 0 : i32
          %dma_start3A_82 = tpu.memref_slice %arg3[%add3A_78, %dma_start3A_81] : memref<6272x128xi32, #tpu.memory_space<hbm>> -> memref<1x128xi32, #tpu.memory_space<hbm>>
          %dma_start3A_83 = tpu.memref_squeeze %dma_start3A_82 : memref<1x128xi32, #tpu.memory_space<hbm>> -> memref<128xi32, #tpu.memory_space<hbm>>
          tpu.enqueue_dma source(%dma_start3A_83 : memref<128xi32, #tpu.memory_space<hbm>>) target(%arg7 : memref<128xi32, #tpu.memory_space<vmem>>) target_semaphore(%arg14 : memref<!tpu.dma_semaphore, #tpu.memory_space<semaphore_mem>>)
          %mul3A_84 = arith.constant 128 : i32
          %mul3A_85 = arith.muli %add3A_71, %mul3A_84 : i32
          %add3A_86 = arith.addi %mul3A_6, %mul3A_85 : i32
          %dma_start3A_87 = arith.constant 0 : i32
          %dma_start3A_88 = tpu.memref_slice %arg2[%add3A_86, %dma_start3A_87] : memref<800000x32xf32, #tpu.memory_space<hbm>> -> memref<128x32xf32, #tpu.memory_space<hbm>>
          %dma_start3A_89 = arith.constant 0 : i32
          %dma_start3A_90 = tpu.memref_slice %arg2[%add3A_86, %dma_start3A_89] : memref<800000x32xf32, #tpu.memory_space<hbm>> -> memref<128x32xf32, #tpu.memory_space<hbm>>
          tpu.enqueue_dma source(%dma_start3A_90 : memref<128x32xf32, #tpu.memory_space<hbm>>) target(%arg10 : memref<128x32xf32, #tpu.memory_space<vmem>>) target_semaphore(%arg14 : memref<!tpu.dma_semaphore, #tpu.memory_space<semaphore_mem>>)
        } else {
        }
      } else {
      }
      %mul3A_50 = arith.constant 3 : i32
      %mul3A_51 = arith.muli %scan3A_34, %mul3A_50 : i32
      %add3A_52 = arith.constant 2 : i32
      %add3A_53 = arith.addi %mul3A_51, %add3A_52 : i32
      %lt3A_54 = arith.cmpi slt, %add3A_53, %min3A_4 : i32
      %convert_element_type3A_55 = arith.extui %lt3A_54 : i1 to i32
      %cond3A_56 = arith.constant 0 : i32
      %cond3A_57 = arith.cmpi ne, %convert_element_type3A_55, %cond3A_56 : i32
      scf.if %cond3A_57 {
        %dma_wait3A = arith.constant 0 : i32
        %dma_wait3A_58 = arith.constant 0 : i32
        %dma_wait3A_59 = tpu.memref_slice %arg3[%dma_wait3A, %dma_wait3A_58] : memref<6272x128xi32, #tpu.memory_space<hbm>> -> memref<1x128xi32, #tpu.memory_space<hbm>>
        %dma_wait3A_60 = tpu.memref_squeeze %dma_wait3A_59 : memref<1x128xi32, #tpu.memory_space<hbm>> -> memref<128xi32, #tpu.memory_space<hbm>>
        %dma_wait3A_61 = arith.constant 0 : i32
        %dma_wait3A_62 = tpu.memref_slice %arg3[%dma_wait3A, %dma_wait3A_61] : memref<6272x128xi32, #tpu.memory_space<hbm>> -> memref<1x128xi32, #tpu.memory_space<hbm>>
        %dma_wait3A_63 = tpu.memref_squeeze %dma_wait3A_62 : memref<1x128xi32, #tpu.memory_space<hbm>> -> memref<128xi32, #tpu.memory_space<hbm>>
        tpu.wait_dma2 semaphore(%arg15 : memref<!tpu.dma_semaphore, #tpu.memory_space<semaphore_mem>>) src(%dma_wait3A_63 : memref<128xi32, #tpu.memory_space<hbm>>) dst(%arg8 : memref<128xi32, #tpu.memory_space<vmem>>)
        %dma_wait3A_64 = arith.constant 0 : i32
        %dma_wait3A_65 = arith.constant 0 : i32
        %dma_wait3A_66 = tpu.memref_slice %arg2[%dma_wait3A_64, %dma_wait3A_65] : memref<800000x32xf32, #tpu.memory_space<hbm>> -> memref<128x32xf32, #tpu.memory_space<hbm>>
        %dma_wait3A_67 = arith.constant 0 : i32
        %dma_wait3A_68 = arith.constant 0 : i32
        %dma_wait3A_69 = tpu.memref_slice %arg2[%dma_wait3A_67, %dma_wait3A_68] : memref<800000x32xf32, #tpu.memory_space<hbm>> -> memref<128x32xf32, #tpu.memory_space<hbm>>
        tpu.wait_dma2 semaphore(%arg15 : memref<!tpu.dma_semaphore, #tpu.memory_space<semaphore_mem>>) src(%dma_wait3A_69 : memref<128x32xf32, #tpu.memory_space<hbm>>) dst(%arg11 : memref<128x32xf32, #tpu.memory_space<vmem>>)
        "tpu.region"() ({
          %run_scoped3A = tpu.sem_alloc : memref<!tpu.dma_semaphore, #tpu.memory_space<semaphore_mem>>
          %dma_start3A = arith.constant 0 : i32
          %dma_start3A_76 = arith.constant 0 : i32
          %dma_start3A_77 = tpu.memref_slice %arg12[%dma_start3A, %dma_start3A_76] : memref<50000x32xf32, #tpu.memory_space<vmem_shared>> -> memref<50000x32xf32, #tpu.memory_space<vmem_shared>>
          tpu.enqueue_indirect_dma source(%arg11 : memref<128x32xf32, #tpu.memory_space<vmem>>) target(%dma_start3A_77 : memref<50000x32xf32, #tpu.memory_space<vmem_shared>>) offsets(%arg8 : memref<128xi32, #tpu.memory_space<vmem>>) semaphore(%run_scoped3A : memref<!tpu.dma_semaphore, #tpu.memory_space<semaphore_mem>>) {add = true}
          %dma_wait3A_78 = arith.constant 0 : i32
          %dma_wait3A_79 = arith.constant 0 : i32
          %dma_wait3A_80 = tpu.memref_slice %arg12[%dma_wait3A_78, %dma_wait3A_79] : memref<50000x32xf32, #tpu.memory_space<vmem_shared>> -> memref<50000x32xf32, #tpu.memory_space<vmem_shared>>
          tpu.wait_indirect_dma semaphore(%run_scoped3A : memref<!tpu.dma_semaphore, #tpu.memory_space<semaphore_mem>>) src(%arg11 : memref<128x32xf32, #tpu.memory_space<vmem>>) dst(%dma_wait3A_80 : memref<50000x32xf32, #tpu.memory_space<vmem_shared>>)
          tpu.yield
        }) : () -> ()
        %add3A_70 = arith.constant 3 : i32
        %add3A_71 = arith.addi %add3A_53, %add3A_70 : i32
        %lt3A_72 = arith.cmpi slt, %add3A_71, %min3A_4 : i32
        %convert_element_type3A_73 = arith.extui %lt3A_72 : i1 to i32
        %cond3A_74 = arith.constant 0 : i32
        %cond3A_75 = arith.cmpi ne, %convert_element_type3A_73, %cond3A_74 : i32
        scf.if %cond3A_75 {
          %mul3A_76 = arith.constant 196 : i32
          %mul3A_77 = arith.muli %add3A, %mul3A_76 : i32
          %add3A_78 = arith.addi %mul3A_77, %add3A_71 : i32
          %dma_start3A = arith.constant 0 : i32
          %dma_start3A_79 = tpu.memref_slice %arg3[%add3A_78, %dma_start3A] : memref<6272x128xi32, #tpu.memory_space<hbm>> -> memref<1x128xi32, #tpu.memory_space<hbm>>
          %dma_start3A_80 = tpu.memref_squeeze %dma_start3A_79 : memref<1x128xi32, #tpu.memory_space<hbm>> -> memref<128xi32, #tpu.memory_space<hbm>>
          %dma_start3A_81 = arith.constant 0 : i32
          %dma_start3A_82 = tpu.memref_slice %arg3[%add3A_78, %dma_start3A_81] : memref<6272x128xi32, #tpu.memory_space<hbm>> -> memref<1x128xi32, #tpu.memory_space<hbm>>
          %dma_start3A_83 = tpu.memref_squeeze %dma_start3A_82 : memref<1x128xi32, #tpu.memory_space<hbm>> -> memref<128xi32, #tpu.memory_space<hbm>>
          tpu.enqueue_dma source(%dma_start3A_83 : memref<128xi32, #tpu.memory_space<hbm>>) target(%arg8 : memref<128xi32, #tpu.memory_space<vmem>>) target_semaphore(%arg15 : memref<!tpu.dma_semaphore, #tpu.memory_space<semaphore_mem>>)
          %mul3A_84 = arith.constant 128 : i32
          %mul3A_85 = arith.muli %add3A_71, %mul3A_84 : i32
          %add3A_86 = arith.addi %mul3A_6, %mul3A_85 : i32
          %dma_start3A_87 = arith.constant 0 : i32
          %dma_start3A_88 = tpu.memref_slice %arg2[%add3A_86, %dma_start3A_87] : memref<800000x32xf32, #tpu.memory_space<hbm>> -> memref<128x32xf32, #tpu.memory_space<hbm>>
          %dma_start3A_89 = arith.constant 0 : i32
          %dma_start3A_90 = tpu.memref_slice %arg2[%add3A_86, %dma_start3A_89] : memref<800000x32xf32, #tpu.memory_space<hbm>> -> memref<128x32xf32, #tpu.memory_space<hbm>>
          tpu.enqueue_dma source(%dma_start3A_90 : memref<128x32xf32, #tpu.memory_space<hbm>>) target(%arg11 : memref<128x32xf32, #tpu.memory_space<vmem>>) target_semaphore(%arg15 : memref<!tpu.dma_semaphore, #tpu.memory_space<semaphore_mem>>)
        } else {
        }
      } else {
      }
    }
    %scan3A_27 = arith.constant 66 : i32
    %barrier3A_28 = arith.constant 0 : index
    tpu.barrier barrier_id(%barrier3A_28)
    %eq3A_29 = arith.constant 0 : i32
    %eq3A_30 = arith.cmpi eq, %arg1, %eq3A_29 : i32
    %convert_element_type3A_31 = arith.extui %eq3A_30 : i1 to i32
    %cond3A_32 = arith.constant 0 : i32
    %cond3A_33 = arith.cmpi ne, %convert_element_type3A_31, %cond3A_32 : i32
    scf.if %cond3A_33 {
      "tpu.region"() ({
        %run_scoped3A = tpu.sem_alloc : memref<!tpu.dma_semaphore, #tpu.memory_space<semaphore_mem>>
        %dma_start3A = arith.constant 0 : i32
        %dma_start3A_34 = arith.constant 0 : i32
        %dma_start3A_35 = tpu.memref_slice %arg5[%arg0, %dma_start3A, %dma_start3A_34] : memref<2x50000x32xf32, #tpu.memory_space<hbm>> -> memref<1x50000x32xf32, #tpu.memory_space<hbm>>
        %dma_start3A_36 = tpu.memref_squeeze %dma_start3A_35 : memref<1x50000x32xf32, #tpu.memory_space<hbm>> -> memref<50000x32xf32, #tpu.memory_space<hbm>>
        tpu.enqueue_dma source(%arg12 : memref<50000x32xf32, #tpu.memory_space<vmem_shared>>) target(%dma_start3A_36 : memref<50000x32xf32, #tpu.memory_space<hbm>>) target_semaphore(%run_scoped3A : memref<!tpu.dma_semaphore, #tpu.memory_space<semaphore_mem>>)
        %dma_wait3A = arith.constant 0 : i32
        %dma_wait3A_37 = arith.constant 0 : i32
        %dma_wait3A_38 = tpu.memref_slice %arg5[%arg0, %dma_wait3A, %dma_wait3A_37] : memref<2x50000x32xf32, #tpu.memory_space<hbm>> -> memref<1x50000x32xf32, #tpu.memory_space<hbm>>
        %dma_wait3A_39 = tpu.memref_squeeze %dma_wait3A_38 : memref<1x50000x32xf32, #tpu.memory_space<hbm>> -> memref<50000x32xf32, #tpu.memory_space<hbm>>
        tpu.wait_dma2 semaphore(%run_scoped3A : memref<!tpu.dma_semaphore, #tpu.memory_space<semaphore_mem>>) src(%arg12 : memref<50000x32xf32, #tpu.memory_space<vmem_shared>>) dst(%dma_wait3A_39 : memref<50000x32xf32, #tpu.memory_space<hbm>>)
        tpu.yield
      }) : () -> ()
    } else {
    }
    return
  }
}

#map = affine_map<(d0, d1) -> (0, 0)>
#map1 = affine_map<(d0, d1) -> (0, 0, 0)>
module attributes {stable_mosaic.version = 14 : i64} {
  func.func @k(%arg0: i32, %arg1: i32, %arg2: memref<6272x128xi32, #tpu.memory_space<hbm>>, %arg3: memref<50000x4xf32, #tpu.memory_space<hbm>>, %arg4: memref<128x4xf32, #tpu.memory_space<hbm>>, %arg5: memref<2x50000x4xf32, #tpu.memory_space<hbm>>, %arg6: memref<196x128xi32, #tpu.memory_space<vmem>>, %arg7: memref<128x4xf32, #tpu.memory_space<vmem>>, %arg8: memref<50000x4xf32, #tpu.memory_space<vmem_shared>>) attributes {dimension_semantics = [#tpu.dimension_semantics<core_parallel>, #tpu.dimension_semantics<subcore_parallel>], iteration_bounds = array<i64: 2, 16>, scalar_prefetch = 0 : i64, scratch_operands = 3 : i64, tpu.core_type = #tpu.core_type<sc_vector_subcore>, window_params = [{transform_indices = #map}, {transform_indices = #map}, {transform_indices = #map}, {transform_indices = #map1}]} {
    %mul3A = arith.constant 2 : i32
    %mul3A_0 = arith.muli %arg1, %mul3A : i32
    %add3A = arith.addi %mul3A_0, %arg0 : i32
    %mul3A_1 = arith.constant 196 : i32
    %mul3A_2 = arith.muli %add3A, %mul3A_1 : i32
    %sub3A = arith.constant 6250 : i32
    %sub3A_3 = arith.subi %sub3A, %mul3A_2 : i32
    %min3A = arith.constant 196 : i32
    %min3A_4 = arith.minsi %min3A, %sub3A_3 : i32
    %eq3A = arith.constant 0 : i32
    %eq3A_5 = arith.cmpi eq, %arg1, %eq3A : i32
    %convert_element_type3A = arith.extui %eq3A_5 : i1 to i32
    %cond3A = arith.constant 0 : i32
    %cond3A_6 = arith.cmpi ne, %convert_element_type3A, %cond3A : i32
    scf.if %cond3A_6 {
      "tpu.region"() ({
        %run_scoped3A = tpu.sem_alloc : memref<!tpu.dma_semaphore, #tpu.memory_space<semaphore_mem>>
        tpu.enqueue_dma source(%arg3 : memref<50000x4xf32, #tpu.memory_space<hbm>>) target(%arg8 : memref<50000x4xf32, #tpu.memory_space<vmem_shared>>) target_semaphore(%run_scoped3A : memref<!tpu.dma_semaphore, #tpu.memory_space<semaphore_mem>>)
        tpu.wait_dma2 semaphore(%run_scoped3A : memref<!tpu.dma_semaphore, #tpu.memory_space<semaphore_mem>>) src(%arg3 : memref<50000x4xf32, #tpu.memory_space<hbm>>) dst(%arg8 : memref<50000x4xf32, #tpu.memory_space<vmem_shared>>)
        tpu.yield
      }) : () -> ()
    } else {
    }
    "tpu.region"() ({
      %run_scoped3A = tpu.sem_alloc : memref<!tpu.dma_semaphore, #tpu.memory_space<semaphore_mem>>
      tpu.enqueue_dma source(%arg4 : memref<128x4xf32, #tpu.memory_space<hbm>>) target(%arg7 : memref<128x4xf32, #tpu.memory_space<vmem>>) target_semaphore(%run_scoped3A : memref<!tpu.dma_semaphore, #tpu.memory_space<semaphore_mem>>)
      tpu.wait_dma2 semaphore(%run_scoped3A : memref<!tpu.dma_semaphore, #tpu.memory_space<semaphore_mem>>) src(%arg4 : memref<128x4xf32, #tpu.memory_space<hbm>>) dst(%arg7 : memref<128x4xf32, #tpu.memory_space<vmem>>)
      tpu.yield
    }) : () -> ()
    %mul3A_7 = arith.constant 196 : i32
    %mul3A_8 = arith.muli %add3A, %mul3A_7 : i32
    "tpu.region"() ({
      %run_scoped3A = tpu.sem_alloc : memref<!tpu.dma_semaphore, #tpu.memory_space<semaphore_mem>>
      %dma_start3A = arith.constant 0 : i32
      %dma_start3A_24 = tpu.memref_slice %arg2[%mul3A_8, %dma_start3A] : memref<6272x128xi32, #tpu.memory_space<hbm>> -> memref<196x128xi32, #tpu.memory_space<hbm>>
      %dma_start3A_25 = arith.constant 0 : i32
      %dma_start3A_26 = tpu.memref_slice %arg2[%mul3A_8, %dma_start3A_25] : memref<6272x128xi32, #tpu.memory_space<hbm>> -> memref<196x128xi32, #tpu.memory_space<hbm>>
      tpu.enqueue_dma source(%dma_start3A_26 : memref<196x128xi32, #tpu.memory_space<hbm>>) target(%arg6 : memref<196x128xi32, #tpu.memory_space<vmem>>) target_semaphore(%run_scoped3A : memref<!tpu.dma_semaphore, #tpu.memory_space<semaphore_mem>>)
      %dma_wait3A = arith.constant 0 : i32
      %dma_wait3A_27 = tpu.memref_slice %arg2[%mul3A_8, %dma_wait3A] : memref<6272x128xi32, #tpu.memory_space<hbm>> -> memref<196x128xi32, #tpu.memory_space<hbm>>
      %dma_wait3A_28 = arith.constant 0 : i32
      %dma_wait3A_29 = tpu.memref_slice %arg2[%mul3A_8, %dma_wait3A_28] : memref<6272x128xi32, #tpu.memory_space<hbm>> -> memref<196x128xi32, #tpu.memory_space<hbm>>
      tpu.wait_dma2 semaphore(%run_scoped3A : memref<!tpu.dma_semaphore, #tpu.memory_space<semaphore_mem>>) src(%dma_wait3A_29 : memref<196x128xi32, #tpu.memory_space<hbm>>) dst(%arg6 : memref<196x128xi32, #tpu.memory_space<vmem>>)
      tpu.yield
    }) : () -> ()
    %barrier3A = arith.constant 0 : index
    tpu.barrier barrier_id(%barrier3A)
    %while3A = arith.constant 0 : i32
    %while3A_9 = arith.constant 0 : i32
    %while3A_10 = arith.subi %min3A_4, %while3A_9 : i32
    %while3A_11 = arith.addi %while3A_9, %while3A_10 : i32
    %while3A_12 = arith.constant 1 : i32
    %while3A_13 = arith.divsi %while3A_10, %while3A_12 : i32
    %while3A_14 = arith.muli %while3A_13, %while3A_12 : i32
    %while3A_15 = arith.addi %while3A_9, %while3A_14 : i32
    %while3A_16 = arith.constant 1 : i32
    scf.for %while3A_24 = %while3A_9 to %while3A_15 step %while3A_16  : i32 {
      "tpu.region"() ({
        %run_scoped3A = tpu.sem_alloc : memref<!tpu.dma_semaphore, #tpu.memory_space<semaphore_mem>>
        %dma_start3A = arith.constant 0 : i32
        %dma_start3A_25 = tpu.memref_slice %arg6[%while3A_24, %dma_start3A] : memref<196x128xi32, #tpu.memory_space<vmem>> -> memref<1x128xi32, #tpu.memory_space<vmem>>
        %dma_start3A_26 = tpu.memref_squeeze %dma_start3A_25 : memref<1x128xi32, #tpu.memory_space<vmem>> -> memref<128xi32, #tpu.memory_space<vmem>>
        %dma_start3A_27 = arith.constant 0 : i32
        %dma_start3A_28 = arith.constant 0 : i32
        %dma_start3A_29 = tpu.memref_slice %arg8[%dma_start3A_27, %dma_start3A_28] : memref<50000x4xf32, #tpu.memory_space<vmem_shared>> -> memref<50000x4xf32, #tpu.memory_space<vmem_shared>>
        tpu.enqueue_indirect_dma source(%arg7 : memref<128x4xf32, #tpu.memory_space<vmem>>) target(%dma_start3A_29 : memref<50000x4xf32, #tpu.memory_space<vmem_shared>>) offsets(%dma_start3A_26 : memref<128xi32, #tpu.memory_space<vmem>>) semaphore(%run_scoped3A : memref<!tpu.dma_semaphore, #tpu.memory_space<semaphore_mem>>) {add = true}
        %dma_wait3A = arith.constant 0 : i32
        %dma_wait3A_30 = tpu.memref_slice %arg6[%while3A_24, %dma_wait3A] : memref<196x128xi32, #tpu.memory_space<vmem>> -> memref<1x128xi32, #tpu.memory_space<vmem>>
        %dma_wait3A_31 = tpu.memref_squeeze %dma_wait3A_30 : memref<1x128xi32, #tpu.memory_space<vmem>> -> memref<128xi32, #tpu.memory_space<vmem>>
        %dma_wait3A_32 = arith.constant 0 : i32
        %dma_wait3A_33 = arith.constant 0 : i32
        %dma_wait3A_34 = tpu.memref_slice %arg8[%dma_wait3A_32, %dma_wait3A_33] : memref<50000x4xf32, #tpu.memory_space<vmem_shared>> -> memref<50000x4xf32, #tpu.memory_space<vmem_shared>>
        tpu.wait_indirect_dma semaphore(%run_scoped3A : memref<!tpu.dma_semaphore, #tpu.memory_space<semaphore_mem>>) src(%arg7 : memref<128x4xf32, #tpu.memory_space<vmem>>) dst(%dma_wait3A_34 : memref<50000x4xf32, #tpu.memory_space<vmem_shared>>)
        tpu.yield
      }) : () -> ()
    }
    %while3A_17 = arith.constant 1 : i32
    scf.for %while3A_24 = %while3A_15 to %while3A_11 step %while3A_17  : i32 {
      "tpu.region"() ({
        %run_scoped3A = tpu.sem_alloc : memref<!tpu.dma_semaphore, #tpu.memory_space<semaphore_mem>>
        %dma_start3A = arith.constant 0 : i32
        %dma_start3A_25 = tpu.memref_slice %arg6[%while3A_24, %dma_start3A] : memref<196x128xi32, #tpu.memory_space<vmem>> -> memref<1x128xi32, #tpu.memory_space<vmem>>
        %dma_start3A_26 = tpu.memref_squeeze %dma_start3A_25 : memref<1x128xi32, #tpu.memory_space<vmem>> -> memref<128xi32, #tpu.memory_space<vmem>>
        %dma_start3A_27 = arith.constant 0 : i32
        %dma_start3A_28 = arith.constant 0 : i32
        %dma_start3A_29 = tpu.memref_slice %arg8[%dma_start3A_27, %dma_start3A_28] : memref<50000x4xf32, #tpu.memory_space<vmem_shared>> -> memref<50000x4xf32, #tpu.memory_space<vmem_shared>>
        tpu.enqueue_indirect_dma source(%arg7 : memref<128x4xf32, #tpu.memory_space<vmem>>) target(%dma_start3A_29 : memref<50000x4xf32, #tpu.memory_space<vmem_shared>>) offsets(%dma_start3A_26 : memref<128xi32, #tpu.memory_space<vmem>>) semaphore(%run_scoped3A : memref<!tpu.dma_semaphore, #tpu.memory_space<semaphore_mem>>) {add = true}
        %dma_wait3A = arith.constant 0 : i32
        %dma_wait3A_30 = tpu.memref_slice %arg6[%while3A_24, %dma_wait3A] : memref<196x128xi32, #tpu.memory_space<vmem>> -> memref<1x128xi32, #tpu.memory_space<vmem>>
        %dma_wait3A_31 = tpu.memref_squeeze %dma_wait3A_30 : memref<1x128xi32, #tpu.memory_space<vmem>> -> memref<128xi32, #tpu.memory_space<vmem>>
        %dma_wait3A_32 = arith.constant 0 : i32
        %dma_wait3A_33 = arith.constant 0 : i32
        %dma_wait3A_34 = tpu.memref_slice %arg8[%dma_wait3A_32, %dma_wait3A_33] : memref<50000x4xf32, #tpu.memory_space<vmem_shared>> -> memref<50000x4xf32, #tpu.memory_space<vmem_shared>>
        tpu.wait_indirect_dma semaphore(%run_scoped3A : memref<!tpu.dma_semaphore, #tpu.memory_space<semaphore_mem>>) src(%arg7 : memref<128x4xf32, #tpu.memory_space<vmem>>) dst(%dma_wait3A_34 : memref<50000x4xf32, #tpu.memory_space<vmem_shared>>)
        tpu.yield
      }) : () -> ()
    }
    %barrier3A_18 = arith.constant 0 : index
    tpu.barrier barrier_id(%barrier3A_18)
    %eq3A_19 = arith.constant 0 : i32
    %eq3A_20 = arith.cmpi eq, %arg1, %eq3A_19 : i32
    %convert_element_type3A_21 = arith.extui %eq3A_20 : i1 to i32
    %cond3A_22 = arith.constant 0 : i32
    %cond3A_23 = arith.cmpi ne, %convert_element_type3A_21, %cond3A_22 : i32
    scf.if %cond3A_23 {
      "tpu.region"() ({
        %run_scoped3A = tpu.sem_alloc : memref<!tpu.dma_semaphore, #tpu.memory_space<semaphore_mem>>
        %dma_start3A = arith.constant 0 : i32
        %dma_start3A_24 = arith.constant 0 : i32
        %dma_start3A_25 = tpu.memref_slice %arg5[%arg0, %dma_start3A, %dma_start3A_24] : memref<2x50000x4xf32, #tpu.memory_space<hbm>> -> memref<1x50000x4xf32, #tpu.memory_space<hbm>>
        %dma_start3A_26 = tpu.memref_squeeze %dma_start3A_25 : memref<1x50000x4xf32, #tpu.memory_space<hbm>> -> memref<50000x4xf32, #tpu.memory_space<hbm>>
        tpu.enqueue_dma source(%arg8 : memref<50000x4xf32, #tpu.memory_space<vmem_shared>>) target(%dma_start3A_26 : memref<50000x4xf32, #tpu.memory_space<hbm>>) target_semaphore(%run_scoped3A : memref<!tpu.dma_semaphore, #tpu.memory_space<semaphore_mem>>)
        %dma_wait3A = arith.constant 0 : i32
        %dma_wait3A_27 = arith.constant 0 : i32
        %dma_wait3A_28 = tpu.memref_slice %arg5[%arg0, %dma_wait3A, %dma_wait3A_27] : memref<2x50000x4xf32, #tpu.memory_space<hbm>> -> memref<1x50000x4xf32, #tpu.memory_space<hbm>>
        %dma_wait3A_29 = tpu.memref_squeeze %dma_wait3A_28 : memref<1x50000x4xf32, #tpu.memory_space<hbm>> -> memref<50000x4xf32, #tpu.memory_space<hbm>>
        tpu.wait_dma2 semaphore(%run_scoped3A : memref<!tpu.dma_semaphore, #tpu.memory_space<semaphore_mem>>) src(%arg8 : memref<50000x4xf32, #tpu.memory_space<vmem_shared>>) dst(%dma_wait3A_29 : memref<50000x4xf32, #tpu.memory_space<hbm>>)
        tpu.yield
      }) : () -> ()
    } else {
    }
    return
  }
}

#map = affine_map<(d0, d1) -> (0, 0)>
#map1 = affine_map<(d0, d1) -> (0, 0, 0)>
module attributes {stable_mosaic.version = 14 : i64} {
  func.func @k(%arg0: i32, %arg1: i32, %arg2: memref<800000x32xf32, #tpu.memory_space<hbm>>, %arg3: memref<6272x128xi32, #tpu.memory_space<hbm>>, %arg4: memref<50000x32xf32, #tpu.memory_space<hbm>>, %arg5: memref<2x50000x32xf32, #tpu.memory_space<hbm>>, %arg6: memref<128xi32, #tpu.memory_space<vmem>>, %arg7: memref<128xi32, #tpu.memory_space<vmem>>, %arg8: memref<128xi32, #tpu.memory_space<vmem>>, %arg9: memref<128x32xf32, #tpu.memory_space<vmem>>, %arg10: memref<128x32xf32, #tpu.memory_space<vmem>>, %arg11: memref<128x32xf32, #tpu.memory_space<vmem>>, %arg12: memref<50000x32xf32, #tpu.memory_space<vmem_shared>>, %arg13: memref<!tpu.dma_semaphore, #tpu.memory_space<semaphore_mem>>, %arg14: memref<!tpu.dma_semaphore, #tpu.memory_space<semaphore_mem>>, %arg15: memref<!tpu.dma_semaphore, #tpu.memory_space<semaphore_mem>>) attributes {dimension_semantics = [#tpu.dimension_semantics<core_parallel>, #tpu.dimension_semantics<subcore_parallel>], iteration_bounds = array<i64: 2, 16>, scalar_prefetch = 0 : i64, scratch_operands = 10 : i64, tpu.core_type = #tpu.core_type<sc_vector_subcore>, window_params = [{transform_indices = #map}, {transform_indices = #map}, {transform_indices = #map}, {transform_indices = #map1}]} {
    %mul3A = arith.constant 2 : i32
    %mul3A_0 = arith.muli %arg1, %mul3A : i32
    %add3A = arith.addi %mul3A_0, %arg0 : i32
    %mul3A_1 = arith.constant 196 : i32
    %mul3A_2 = arith.muli %add3A, %mul3A_1 : i32
    %sub3A = arith.constant 6250 : i32
    %sub3A_3 = arith.subi %sub3A, %mul3A_2 : i32
    %min3A = arith.constant 196 : i32
    %min3A_4 = arith.minsi %min3A, %sub3A_3 : i32
    %mul3A_5 = arith.constant 25088 : i32
    %mul3A_6 = arith.muli %add3A, %mul3A_5 : i32
    %eq3A = arith.constant 0 : i32
    %eq3A_7 = arith.cmpi eq, %arg1, %eq3A : i32
    %convert_element_type3A = arith.extui %eq3A_7 : i1 to i32
    %cond3A = arith.constant 0 : i32
    %cond3A_8 = arith.cmpi ne, %convert_element_type3A, %cond3A : i32
    scf.if %cond3A_8 {
      "tpu.region"() ({
        %run_scoped3A = tpu.sem_alloc : memref<!tpu.dma_semaphore, #tpu.memory_space<semaphore_mem>>
        tpu.enqueue_dma source(%arg4 : memref<50000x32xf32, #tpu.memory_space<hbm>>) target(%arg12 : memref<50000x32xf32, #tpu.memory_space<vmem_shared>>) target_semaphore(%run_scoped3A : memref<!tpu.dma_semaphore, #tpu.memory_space<semaphore_mem>>)
        tpu.wait_dma2 semaphore(%run_scoped3A : memref<!tpu.dma_semaphore, #tpu.memory_space<semaphore_mem>>) src(%arg4 : memref<50000x32xf32, #tpu.memory_space<hbm>>) dst(%arg12 : memref<50000x32xf32, #tpu.memory_space<vmem_shared>>)
        tpu.yield
      }) : () -> ()
    } else {
    }
    %barrier3A = arith.constant 0 : index
    tpu.barrier barrier_id(%barrier3A)
    %gt3A = arith.constant 0 : i32
    %gt3A_9 = arith.cmpi sgt, %min3A_4, %gt3A : i32
    %convert_element_type3A_10 = arith.extui %gt3A_9 : i1 to i32
    %cond3A_11 = arith.constant 0 : i32
    %cond3A_12 = arith.cmpi ne, %convert_element_type3A_10, %cond3A_11 : i32
    scf.if %cond3A_12 {
      %mul3A_34 = arith.constant 196 : i32
      %mul3A_35 = arith.muli %add3A, %mul3A_34 : i32
      %add3A_36 = arith.constant 0 : i32
      %add3A_37 = arith.addi %mul3A_35, %add3A_36 : i32
      %dma_start3A = arith.constant 0 : i32
      %dma_start3A_38 = tpu.memref_slice %arg3[%add3A_37, %dma_start3A] : memref<6272x128xi32, #tpu.memory_space<hbm>> -> memref<1x128xi32, #tpu.memory_space<hbm>>
      %dma_start3A_39 = tpu.memref_squeeze %dma_start3A_38 : memref<1x128xi32, #tpu.memory_space<hbm>> -> memref<128xi32, #tpu.memory_space<hbm>>
      %dma_start3A_40 = arith.constant 0 : i32
      %dma_start3A_41 = tpu.memref_slice %arg3[%add3A_37, %dma_start3A_40] : memref<6272x128xi32, #tpu.memory_space<hbm>> -> memref<1x128xi32, #tpu.memory_space<hbm>>
      %dma_start3A_42 = tpu.memref_squeeze %dma_start3A_41 : memref<1x128xi32, #tpu.memory_space<hbm>> -> memref<128xi32, #tpu.memory_space<hbm>>
      tpu.enqueue_dma source(%dma_start3A_42 : memref<128xi32, #tpu.memory_space<hbm>>) target(%arg6 : memref<128xi32, #tpu.memory_space<vmem>>) target_semaphore(%arg13 : memref<!tpu.dma_semaphore, #tpu.memory_space<semaphore_mem>>)
      %add3A_43 = arith.constant 0 : i32
      %add3A_44 = arith.addi %mul3A_6, %add3A_43 : i32
      %dma_start3A_45 = arith.constant 0 : i32
      %dma_start3A_46 = tpu.memref_slice %arg2[%add3A_44, %dma_start3A_45] : memref<800000x32xf32, #tpu.memory_space<hbm>> -> memref<128x32xf32, #tpu.memory_space<hbm>>
      %dma_start3A_47 = arith.constant 0 : i32
      %dma_start3A_48 = tpu.memref_slice %arg2[%add3A_44, %dma_start3A_47] : memref<800000x32xf32, #tpu.memory_space<hbm>> -> memref<128x32xf32, #tpu.memory_space<hbm>>
      tpu.enqueue_dma source(%dma_start3A_48 : memref<128x32xf32, #tpu.memory_space<hbm>>) target(%arg9 : memref<128x32xf32, #tpu.memory_space<vmem>>) target_semaphore(%arg13 : memref<!tpu.dma_semaphore, #tpu.memory_space<semaphore_mem>>)
    } else {
    }
    %gt3A_13 = arith.constant 1 : i32
    %gt3A_14 = arith.cmpi sgt, %min3A_4, %gt3A_13 : i32
    %convert_element_type3A_15 = arith.extui %gt3A_14 : i1 to i32
    %cond3A_16 = arith.constant 0 : i32
    %cond3A_17 = arith.cmpi ne, %convert_element_type3A_15, %cond3A_16 : i32
    scf.if %cond3A_17 {
      %mul3A_34 = arith.constant 196 : i32
      %mul3A_35 = arith.muli %add3A, %mul3A_34 : i32
      %add3A_36 = arith.constant 1 : i32
      %add3A_37 = arith.addi %mul3A_35, %add3A_36 : i32
      %dma_start3A = arith.constant 0 : i32
      %dma_start3A_38 = tpu.memref_slice %arg3[%add3A_37, %dma_start3A] : memref<6272x128xi32, #tpu.memory_space<hbm>> -> memref<1x128xi32, #tpu.memory_space<hbm>>
      %dma_start3A_39 = tpu.memref_squeeze %dma_start3A_38 : memref<1x128xi32, #tpu.memory_space<hbm>> -> memref<128xi32, #tpu.memory_space<hbm>>
      %dma_start3A_40 = arith.constant 0 : i32
      %dma_start3A_41 = tpu.memref_slice %arg3[%add3A_37, %dma_start3A_40] : memref<6272x128xi32, #tpu.memory_space<hbm>> -> memref<1x128xi32, #tpu.memory_space<hbm>>
      %dma_start3A_42 = tpu.memref_squeeze %dma_start3A_41 : memref<1x128xi32, #tpu.memory_space<hbm>> -> memref<128xi32, #tpu.memory_space<hbm>>
      tpu.enqueue_dma source(%dma_start3A_42 : memref<128xi32, #tpu.memory_space<hbm>>) target(%arg7 : memref<128xi32, #tpu.memory_space<vmem>>) target_semaphore(%arg14 : memref<!tpu.dma_semaphore, #tpu.memory_space<semaphore_mem>>)
      %add3A_43 = arith.constant 128 : i32
      %add3A_44 = arith.addi %mul3A_6, %add3A_43 : i32
      %dma_start3A_45 = arith.constant 0 : i32
      %dma_start3A_46 = tpu.memref_slice %arg2[%add3A_44, %dma_start3A_45] : memref<800000x32xf32, #tpu.memory_space<hbm>> -> memref<128x32xf32, #tpu.memory_space<hbm>>
      %dma_start3A_47 = arith.constant 0 : i32
      %dma_start3A_48 = tpu.memref_slice %arg2[%add3A_44, %dma_start3A_47] : memref<800000x32xf32, #tpu.memory_space<hbm>> -> memref<128x32xf32, #tpu.memory_space<hbm>>
      tpu.enqueue_dma source(%dma_start3A_48 : memref<128x32xf32, #tpu.memory_space<hbm>>) target(%arg10 : memref<128x32xf32, #tpu.memory_space<vmem>>) target_semaphore(%arg14 : memref<!tpu.dma_semaphore, #tpu.memory_space<semaphore_mem>>)
    } else {
    }
    %gt3A_18 = arith.constant 2 : i32
    %gt3A_19 = arith.cmpi sgt, %min3A_4, %gt3A_18 : i32
    %convert_element_type3A_20 = arith.extui %gt3A_19 : i1 to i32
    %cond3A_21 = arith.constant 0 : i32
    %cond3A_22 = arith.cmpi ne, %convert_element_type3A_20, %cond3A_21 : i32
    scf.if %cond3A_22 {
      %mul3A_34 = arith.constant 196 : i32
      %mul3A_35 = arith.muli %add3A, %mul3A_34 : i32
      %add3A_36 = arith.constant 2 : i32
      %add3A_37 = arith.addi %mul3A_35, %add3A_36 : i32
      %dma_start3A = arith.constant 0 : i32
      %dma_start3A_38 = tpu.memref_slice %arg3[%add3A_37, %dma_start3A] : memref<6272x128xi32, #tpu.memory_space<hbm>> -> memref<1x128xi32, #tpu.memory_space<hbm>>
      %dma_start3A_39 = tpu.memref_squeeze %dma_start3A_38 : memref<1x128xi32, #tpu.memory_space<hbm>> -> memref<128xi32, #tpu.memory_space<hbm>>
      %dma_start3A_40 = arith.constant 0 : i32
      %dma_start3A_41 = tpu.memref_slice %arg3[%add3A_37, %dma_start3A_40] : memref<6272x128xi32, #tpu.memory_space<hbm>> -> memref<1x128xi32, #tpu.memory_space<hbm>>
      %dma_start3A_42 = tpu.memref_squeeze %dma_start3A_41 : memref<1x128xi32, #tpu.memory_space<hbm>> -> memref<128xi32, #tpu.memory_space<hbm>>
      tpu.enqueue_dma source(%dma_start3A_42 : memref<128xi32, #tpu.memory_space<hbm>>) target(%arg8 : memref<128xi32, #tpu.memory_space<vmem>>) target_semaphore(%arg15 : memref<!tpu.dma_semaphore, #tpu.memory_space<semaphore_mem>>)
      %add3A_43 = arith.constant 256 : i32
      %add3A_44 = arith.addi %mul3A_6, %add3A_43 : i32
      %dma_start3A_45 = arith.constant 0 : i32
      %dma_start3A_46 = tpu.memref_slice %arg2[%add3A_44, %dma_start3A_45] : memref<800000x32xf32, #tpu.memory_space<hbm>> -> memref<128x32xf32, #tpu.memory_space<hbm>>
      %dma_start3A_47 = arith.constant 0 : i32
      %dma_start3A_48 = tpu.memref_slice %arg2[%add3A_44, %dma_start3A_47] : memref<800000x32xf32, #tpu.memory_space<hbm>> -> memref<128x32xf32, #tpu.memory_space<hbm>>
      tpu.enqueue_dma source(%dma_start3A_48 : memref<128x32xf32, #tpu.memory_space<hbm>>) target(%arg11 : memref<128x32xf32, #tpu.memory_space<vmem>>) target_semaphore(%arg15 : memref<!tpu.dma_semaphore, #tpu.memory_space<semaphore_mem>>)
    } else {
    }
    %scan3A = arith.constant 0 : i32
    %scan3A_23 = arith.constant 0 : i32
    %scan3A_24 = arith.constant 66 : i32
    %scan3A_25 = arith.addi %scan3A_23, %scan3A_24 : i32
    %scan3A_26 = arith.constant 1 : i32
    scf.for %scan3A_34 = %scan3A_23 to %scan3A_25 step %scan3A_26  : i32 {
      %mul3A_35 = arith.constant 3 : i32
      %mul3A_36 = arith.muli %scan3A_34, %mul3A_35 : i32
      %add3A_37 = arith.constant 0 : i32
      %add3A_38 = arith.addi %mul3A_36, %add3A_37 : i32
      %lt3A = arith.cmpi slt, %add3A_38, %min3A_4 : i32
      %convert_element_type3A_39 = arith.extui %lt3A : i1 to i32
      %cond3A_40 = arith.constant 0 : i32
      %cond3A_41 = arith.cmpi ne, %convert_element_type3A_39, %cond3A_40 : i32
      scf.if %cond3A_41 {
        %dma_wait3A = arith.constant 0 : i32
        %dma_wait3A_58 = arith.constant 0 : i32
        %dma_wait3A_59 = tpu.memref_slice %arg3[%dma_wait3A, %dma_wait3A_58] : memref<6272x128xi32, #tpu.memory_space<hbm>> -> memref<1x128xi32, #tpu.memory_space<hbm>>
        %dma_wait3A_60 = tpu.memref_squeeze %dma_wait3A_59 : memref<1x128xi32, #tpu.memory_space<hbm>> -> memref<128xi32, #tpu.memory_space<hbm>>
        %dma_wait3A_61 = arith.constant 0 : i32
        %dma_wait3A_62 = tpu.memref_slice %arg3[%dma_wait3A, %dma_wait3A_61] : memref<6272x128xi32, #tpu.memory_space<hbm>> -> memref<1x128xi32, #tpu.memory_space<hbm>>
        %dma_wait3A_63 = tpu.memref_squeeze %dma_wait3A_62 : memref<1x128xi32, #tpu.memory_space<hbm>> -> memref<128xi32, #tpu.memory_space<hbm>>
        tpu.wait_dma2 semaphore(%arg13 : memref<!tpu.dma_semaphore, #tpu.memory_space<semaphore_mem>>) src(%dma_wait3A_63 : memref<128xi32, #tpu.memory_space<hbm>>) dst(%arg6 : memref<128xi32, #tpu.memory_space<vmem>>)
        %dma_wait3A_64 = arith.constant 0 : i32
        %dma_wait3A_65 = arith.constant 0 : i32
        %dma_wait3A_66 = tpu.memref_slice %arg2[%dma_wait3A_64, %dma_wait3A_65] : memref<800000x32xf32, #tpu.memory_space<hbm>> -> memref<128x32xf32, #tpu.memory_space<hbm>>
        %dma_wait3A_67 = arith.constant 0 : i32
        %dma_wait3A_68 = arith.constant 0 : i32
        %dma_wait3A_69 = tpu.memref_slice %arg2[%dma_wait3A_67, %dma_wait3A_68] : memref<800000x32xf32, #tpu.memory_space<hbm>> -> memref<128x32xf32, #tpu.memory_space<hbm>>
        tpu.wait_dma2 semaphore(%arg13 : memref<!tpu.dma_semaphore, #tpu.memory_space<semaphore_mem>>) src(%dma_wait3A_69 : memref<128x32xf32, #tpu.memory_space<hbm>>) dst(%arg9 : memref<128x32xf32, #tpu.memory_space<vmem>>)
        "tpu.region"() ({
          %run_scoped3A = tpu.sem_alloc : memref<!tpu.dma_semaphore, #tpu.memory_space<semaphore_mem>>
          %dma_start3A = arith.constant 0 : i32
          %dma_start3A_76 = arith.constant 0 : i32
          %dma_start3A_77 = tpu.memref_slice %arg12[%dma_start3A, %dma_start3A_76] : memref<50000x32xf32, #tpu.memory_space<vmem_shared>> -> memref<50000x32xf32, #tpu.memory_space<vmem_shared>>
          tpu.enqueue_indirect_dma source(%arg9 : memref<128x32xf32, #tpu.memory_space<vmem>>) target(%dma_start3A_77 : memref<50000x32xf32, #tpu.memory_space<vmem_shared>>) offsets(%arg6 : memref<128xi32, #tpu.memory_space<vmem>>) semaphore(%run_scoped3A : memref<!tpu.dma_semaphore, #tpu.memory_space<semaphore_mem>>) {add = true}
          %dma_wait3A_78 = arith.constant 0 : i32
          %dma_wait3A_79 = arith.constant 0 : i32
          %dma_wait3A_80 = tpu.memref_slice %arg12[%dma_wait3A_78, %dma_wait3A_79] : memref<50000x32xf32, #tpu.memory_space<vmem_shared>> -> memref<50000x32xf32, #tpu.memory_space<vmem_shared>>
          tpu.wait_indirect_dma semaphore(%run_scoped3A : memref<!tpu.dma_semaphore, #tpu.memory_space<semaphore_mem>>) src(%arg9 : memref<128x32xf32, #tpu.memory_space<vmem>>) dst(%dma_wait3A_80 : memref<50000x32xf32, #tpu.memory_space<vmem_shared>>)
          tpu.yield
        }) : () -> ()
        %add3A_70 = arith.constant 3 : i32
        %add3A_71 = arith.addi %add3A_38, %add3A_70 : i32
        %lt3A_72 = arith.cmpi slt, %add3A_71, %min3A_4 : i32
        %convert_element_type3A_73 = arith.extui %lt3A_72 : i1 to i32
        %cond3A_74 = arith.constant 0 : i32
        %cond3A_75 = arith.cmpi ne, %convert_element_type3A_73, %cond3A_74 : i32
        scf.if %cond3A_75 {
          %mul3A_76 = arith.constant 196 : i32
          %mul3A_77 = arith.muli %add3A, %mul3A_76 : i32
          %add3A_78 = arith.addi %mul3A_77, %add3A_71 : i32
          %dma_start3A = arith.constant 0 : i32
          %dma_start3A_79 = tpu.memref_slice %arg3[%add3A_78, %dma_start3A] : memref<6272x128xi32, #tpu.memory_space<hbm>> -> memref<1x128xi32, #tpu.memory_space<hbm>>
          %dma_start3A_80 = tpu.memref_squeeze %dma_start3A_79 : memref<1x128xi32, #tpu.memory_space<hbm>> -> memref<128xi32, #tpu.memory_space<hbm>>
          %dma_start3A_81 = arith.constant 0 : i32
          %dma_start3A_82 = tpu.memref_slice %arg3[%add3A_78, %dma_start3A_81] : memref<6272x128xi32, #tpu.memory_space<hbm>> -> memref<1x128xi32, #tpu.memory_space<hbm>>
          %dma_start3A_83 = tpu.memref_squeeze %dma_start3A_82 : memref<1x128xi32, #tpu.memory_space<hbm>> -> memref<128xi32, #tpu.memory_space<hbm>>
          tpu.enqueue_dma source(%dma_start3A_83 : memref<128xi32, #tpu.memory_space<hbm>>) target(%arg6 : memref<128xi32, #tpu.memory_space<vmem>>) target_semaphore(%arg13 : memref<!tpu.dma_semaphore, #tpu.memory_space<semaphore_mem>>)
          %mul3A_84 = arith.constant 128 : i32
          %mul3A_85 = arith.muli %add3A_71, %mul3A_84 : i32
          %add3A_86 = arith.addi %mul3A_6, %mul3A_85 : i32
          %dma_start3A_87 = arith.constant 0 : i32
          %dma_start3A_88 = tpu.memref_slice %arg2[%add3A_86, %dma_start3A_87] : memref<800000x32xf32, #tpu.memory_space<hbm>> -> memref<128x32xf32, #tpu.memory_space<hbm>>
          %dma_start3A_89 = arith.constant 0 : i32
          %dma_start3A_90 = tpu.memref_slice %arg2[%add3A_86, %dma_start3A_89] : memref<800000x32xf32, #tpu.memory_space<hbm>> -> memref<128x32xf32, #tpu.memory_space<hbm>>
          tpu.enqueue_dma source(%dma_start3A_90 : memref<128x32xf32, #tpu.memory_space<hbm>>) target(%arg9 : memref<128x32xf32, #tpu.memory_space<vmem>>) target_semaphore(%arg13 : memref<!tpu.dma_semaphore, #tpu.memory_space<semaphore_mem>>)
        } else {
        }
      } else {
      }
      %mul3A_42 = arith.constant 3 : i32
      %mul3A_43 = arith.muli %scan3A_34, %mul3A_42 : i32
      %add3A_44 = arith.constant 1 : i32
      %add3A_45 = arith.addi %mul3A_43, %add3A_44 : i32
      %lt3A_46 = arith.cmpi slt, %add3A_45, %min3A_4 : i32
      %convert_element_type3A_47 = arith.extui %lt3A_46 : i1 to i32
      %cond3A_48 = arith.constant 0 : i32
      %cond3A_49 = arith.cmpi ne, %convert_element_type3A_47, %cond3A_48 : i32
      scf.if %cond3A_49 {
        %dma_wait3A = arith.constant 0 : i32
        %dma_wait3A_58 = arith.constant 0 : i32
        %dma_wait3A_59 = tpu.memref_slice %arg3[%dma_wait3A, %dma_wait3A_58] : memref<6272x128xi32, #tpu.memory_space<hbm>> -> memref<1x128xi32, #tpu.memory_space<hbm>>
        %dma_wait3A_60 = tpu.memref_squeeze %dma_wait3A_59 : memref<1x128xi32, #tpu.memory_space<hbm>> -> memref<128xi32, #tpu.memory_space<hbm>>
        %dma_wait3A_61 = arith.constant 0 : i32
        %dma_wait3A_62 = tpu.memref_slice %arg3[%dma_wait3A, %dma_wait3A_61] : memref<6272x128xi32, #tpu.memory_space<hbm>> -> memref<1x128xi32, #tpu.memory_space<hbm>>
        %dma_wait3A_63 = tpu.memref_squeeze %dma_wait3A_62 : memref<1x128xi32, #tpu.memory_space<hbm>> -> memref<128xi32, #tpu.memory_space<hbm>>
        tpu.wait_dma2 semaphore(%arg14 : memref<!tpu.dma_semaphore, #tpu.memory_space<semaphore_mem>>) src(%dma_wait3A_63 : memref<128xi32, #tpu.memory_space<hbm>>) dst(%arg7 : memref<128xi32, #tpu.memory_space<vmem>>)
        %dma_wait3A_64 = arith.constant 0 : i32
        %dma_wait3A_65 = arith.constant 0 : i32
        %dma_wait3A_66 = tpu.memref_slice %arg2[%dma_wait3A_64, %dma_wait3A_65] : memref<800000x32xf32, #tpu.memory_space<hbm>> -> memref<128x32xf32, #tpu.memory_space<hbm>>
        %dma_wait3A_67 = arith.constant 0 : i32
        %dma_wait3A_68 = arith.constant 0 : i32
        %dma_wait3A_69 = tpu.memref_slice %arg2[%dma_wait3A_67, %dma_wait3A_68] : memref<800000x32xf32, #tpu.memory_space<hbm>> -> memref<128x32xf32, #tpu.memory_space<hbm>>
        tpu.wait_dma2 semaphore(%arg14 : memref<!tpu.dma_semaphore, #tpu.memory_space<semaphore_mem>>) src(%dma_wait3A_69 : memref<128x32xf32, #tpu.memory_space<hbm>>) dst(%arg10 : memref<128x32xf32, #tpu.memory_space<vmem>>)
        "tpu.region"() ({
          %run_scoped3A = tpu.sem_alloc : memref<!tpu.dma_semaphore, #tpu.memory_space<semaphore_mem>>
          %dma_start3A = arith.constant 0 : i32
          %dma_start3A_76 = arith.constant 0 : i32
          %dma_start3A_77 = tpu.memref_slice %arg12[%dma_start3A, %dma_start3A_76] : memref<50000x32xf32, #tpu.memory_space<vmem_shared>> -> memref<50000x32xf32, #tpu.memory_space<vmem_shared>>
          tpu.enqueue_indirect_dma source(%arg10 : memref<128x32xf32, #tpu.memory_space<vmem>>) target(%dma_start3A_77 : memref<50000x32xf32, #tpu.memory_space<vmem_shared>>) offsets(%arg7 : memref<128xi32, #tpu.memory_space<vmem>>) semaphore(%run_scoped3A : memref<!tpu.dma_semaphore, #tpu.memory_space<semaphore_mem>>) {add = true}
          %dma_wait3A_78 = arith.constant 0 : i32
          %dma_wait3A_79 = arith.constant 0 : i32
          %dma_wait3A_80 = tpu.memref_slice %arg12[%dma_wait3A_78, %dma_wait3A_79] : memref<50000x32xf32, #tpu.memory_space<vmem_shared>> -> memref<50000x32xf32, #tpu.memory_space<vmem_shared>>
          tpu.wait_indirect_dma semaphore(%run_scoped3A : memref<!tpu.dma_semaphore, #tpu.memory_space<semaphore_mem>>) src(%arg10 : memref<128x32xf32, #tpu.memory_space<vmem>>) dst(%dma_wait3A_80 : memref<50000x32xf32, #tpu.memory_space<vmem_shared>>)
          tpu.yield
        }) : () -> ()
        %add3A_70 = arith.constant 3 : i32
        %add3A_71 = arith.addi %add3A_45, %add3A_70 : i32
        %lt3A_72 = arith.cmpi slt, %add3A_71, %min3A_4 : i32
        %convert_element_type3A_73 = arith.extui %lt3A_72 : i1 to i32
        %cond3A_74 = arith.constant 0 : i32
        %cond3A_75 = arith.cmpi ne, %convert_element_type3A_73, %cond3A_74 : i32
        scf.if %cond3A_75 {
          %mul3A_76 = arith.constant 196 : i32
          %mul3A_77 = arith.muli %add3A, %mul3A_76 : i32
          %add3A_78 = arith.addi %mul3A_77, %add3A_71 : i32
          %dma_start3A = arith.constant 0 : i32
          %dma_start3A_79 = tpu.memref_slice %arg3[%add3A_78, %dma_start3A] : memref<6272x128xi32, #tpu.memory_space<hbm>> -> memref<1x128xi32, #tpu.memory_space<hbm>>
          %dma_start3A_80 = tpu.memref_squeeze %dma_start3A_79 : memref<1x128xi32, #tpu.memory_space<hbm>> -> memref<128xi32, #tpu.memory_space<hbm>>
          %dma_start3A_81 = arith.constant 0 : i32
          %dma_start3A_82 = tpu.memref_slice %arg3[%add3A_78, %dma_start3A_81] : memref<6272x128xi32, #tpu.memory_space<hbm>> -> memref<1x128xi32, #tpu.memory_space<hbm>>
          %dma_start3A_83 = tpu.memref_squeeze %dma_start3A_82 : memref<1x128xi32, #tpu.memory_space<hbm>> -> memref<128xi32, #tpu.memory_space<hbm>>
          tpu.enqueue_dma source(%dma_start3A_83 : memref<128xi32, #tpu.memory_space<hbm>>) target(%arg7 : memref<128xi32, #tpu.memory_space<vmem>>) target_semaphore(%arg14 : memref<!tpu.dma_semaphore, #tpu.memory_space<semaphore_mem>>)
          %mul3A_84 = arith.constant 128 : i32
          %mul3A_85 = arith.muli %add3A_71, %mul3A_84 : i32
          %add3A_86 = arith.addi %mul3A_6, %mul3A_85 : i32
          %dma_start3A_87 = arith.constant 0 : i32
          %dma_start3A_88 = tpu.memref_slice %arg2[%add3A_86, %dma_start3A_87] : memref<800000x32xf32, #tpu.memory_space<hbm>> -> memref<128x32xf32, #tpu.memory_space<hbm>>
          %dma_start3A_89 = arith.constant 0 : i32
          %dma_start3A_90 = tpu.memref_slice %arg2[%add3A_86, %dma_start3A_89] : memref<800000x32xf32, #tpu.memory_space<hbm>> -> memref<128x32xf32, #tpu.memory_space<hbm>>
          tpu.enqueue_dma source(%dma_start3A_90 : memref<128x32xf32, #tpu.memory_space<hbm>>) target(%arg10 : memref<128x32xf32, #tpu.memory_space<vmem>>) target_semaphore(%arg14 : memref<!tpu.dma_semaphore, #tpu.memory_space<semaphore_mem>>)
        } else {
        }
      } else {
      }
      %mul3A_50 = arith.constant 3 : i32
      %mul3A_51 = arith.muli %scan3A_34, %mul3A_50 : i32
      %add3A_52 = arith.constant 2 : i32
      %add3A_53 = arith.addi %mul3A_51, %add3A_52 : i32
      %lt3A_54 = arith.cmpi slt, %add3A_53, %min3A_4 : i32
      %convert_element_type3A_55 = arith.extui %lt3A_54 : i1 to i32
      %cond3A_56 = arith.constant 0 : i32
      %cond3A_57 = arith.cmpi ne, %convert_element_type3A_55, %cond3A_56 : i32
      scf.if %cond3A_57 {
        %dma_wait3A = arith.constant 0 : i32
        %dma_wait3A_58 = arith.constant 0 : i32
        %dma_wait3A_59 = tpu.memref_slice %arg3[%dma_wait3A, %dma_wait3A_58] : memref<6272x128xi32, #tpu.memory_space<hbm>> -> memref<1x128xi32, #tpu.memory_space<hbm>>
        %dma_wait3A_60 = tpu.memref_squeeze %dma_wait3A_59 : memref<1x128xi32, #tpu.memory_space<hbm>> -> memref<128xi32, #tpu.memory_space<hbm>>
        %dma_wait3A_61 = arith.constant 0 : i32
        %dma_wait3A_62 = tpu.memref_slice %arg3[%dma_wait3A, %dma_wait3A_61] : memref<6272x128xi32, #tpu.memory_space<hbm>> -> memref<1x128xi32, #tpu.memory_space<hbm>>
        %dma_wait3A_63 = tpu.memref_squeeze %dma_wait3A_62 : memref<1x128xi32, #tpu.memory_space<hbm>> -> memref<128xi32, #tpu.memory_space<hbm>>
        tpu.wait_dma2 semaphore(%arg15 : memref<!tpu.dma_semaphore, #tpu.memory_space<semaphore_mem>>) src(%dma_wait3A_63 : memref<128xi32, #tpu.memory_space<hbm>>) dst(%arg8 : memref<128xi32, #tpu.memory_space<vmem>>)
        %dma_wait3A_64 = arith.constant 0 : i32
        %dma_wait3A_65 = arith.constant 0 : i32
        %dma_wait3A_66 = tpu.memref_slice %arg2[%dma_wait3A_64, %dma_wait3A_65] : memref<800000x32xf32, #tpu.memory_space<hbm>> -> memref<128x32xf32, #tpu.memory_space<hbm>>
        %dma_wait3A_67 = arith.constant 0 : i32
        %dma_wait3A_68 = arith.constant 0 : i32
        %dma_wait3A_69 = tpu.memref_slice %arg2[%dma_wait3A_67, %dma_wait3A_68] : memref<800000x32xf32, #tpu.memory_space<hbm>> -> memref<128x32xf32, #tpu.memory_space<hbm>>
        tpu.wait_dma2 semaphore(%arg15 : memref<!tpu.dma_semaphore, #tpu.memory_space<semaphore_mem>>) src(%dma_wait3A_69 : memref<128x32xf32, #tpu.memory_space<hbm>>) dst(%arg11 : memref<128x32xf32, #tpu.memory_space<vmem>>)
        "tpu.region"() ({
          %run_scoped3A = tpu.sem_alloc : memref<!tpu.dma_semaphore, #tpu.memory_space<semaphore_mem>>
          %dma_start3A = arith.constant 0 : i32
          %dma_start3A_76 = arith.constant 0 : i32
          %dma_start3A_77 = tpu.memref_slice %arg12[%dma_start3A, %dma_start3A_76] : memref<50000x32xf32, #tpu.memory_space<vmem_shared>> -> memref<50000x32xf32, #tpu.memory_space<vmem_shared>>
          tpu.enqueue_indirect_dma source(%arg11 : memref<128x32xf32, #tpu.memory_space<vmem>>) target(%dma_start3A_77 : memref<50000x32xf32, #tpu.memory_space<vmem_shared>>) offsets(%arg8 : memref<128xi32, #tpu.memory_space<vmem>>) semaphore(%run_scoped3A : memref<!tpu.dma_semaphore, #tpu.memory_space<semaphore_mem>>) {add = true}
          %dma_wait3A_78 = arith.constant 0 : i32
          %dma_wait3A_79 = arith.constant 0 : i32
          %dma_wait3A_80 = tpu.memref_slice %arg12[%dma_wait3A_78, %dma_wait3A_79] : memref<50000x32xf32, #tpu.memory_space<vmem_shared>> -> memref<50000x32xf32, #tpu.memory_space<vmem_shared>>
          tpu.wait_indirect_dma semaphore(%run_scoped3A : memref<!tpu.dma_semaphore, #tpu.memory_space<semaphore_mem>>) src(%arg11 : memref<128x32xf32, #tpu.memory_space<vmem>>) dst(%dma_wait3A_80 : memref<50000x32xf32, #tpu.memory_space<vmem_shared>>)
          tpu.yield
        }) : () -> ()
        %add3A_70 = arith.constant 3 : i32
        %add3A_71 = arith.addi %add3A_53, %add3A_70 : i32
        %lt3A_72 = arith.cmpi slt, %add3A_71, %min3A_4 : i32
        %convert_element_type3A_73 = arith.extui %lt3A_72 : i1 to i32
        %cond3A_74 = arith.constant 0 : i32
        %cond3A_75 = arith.cmpi ne, %convert_element_type3A_73, %cond3A_74 : i32
        scf.if %cond3A_75 {
          %mul3A_76 = arith.constant 196 : i32
          %mul3A_77 = arith.muli %add3A, %mul3A_76 : i32
          %add3A_78 = arith.addi %mul3A_77, %add3A_71 : i32
          %dma_start3A = arith.constant 0 : i32
          %dma_start3A_79 = tpu.memref_slice %arg3[%add3A_78, %dma_start3A] : memref<6272x128xi32, #tpu.memory_space<hbm>> -> memref<1x128xi32, #tpu.memory_space<hbm>>
          %dma_start3A_80 = tpu.memref_squeeze %dma_start3A_79 : memref<1x128xi32, #tpu.memory_space<hbm>> -> memref<128xi32, #tpu.memory_space<hbm>>
          %dma_start3A_81 = arith.constant 0 : i32
          %dma_start3A_82 = tpu.memref_slice %arg3[%add3A_78, %dma_start3A_81] : memref<6272x128xi32, #tpu.memory_space<hbm>> -> memref<1x128xi32, #tpu.memory_space<hbm>>
          %dma_start3A_83 = tpu.memref_squeeze %dma_start3A_82 : memref<1x128xi32, #tpu.memory_space<hbm>> -> memref<128xi32, #tpu.memory_space<hbm>>
          tpu.enqueue_dma source(%dma_start3A_83 : memref<128xi32, #tpu.memory_space<hbm>>) target(%arg8 : memref<128xi32, #tpu.memory_space<vmem>>) target_semaphore(%arg15 : memref<!tpu.dma_semaphore, #tpu.memory_space<semaphore_mem>>)
          %mul3A_84 = arith.constant 128 : i32
          %mul3A_85 = arith.muli %add3A_71, %mul3A_84 : i32
          %add3A_86 = arith.addi %mul3A_6, %mul3A_85 : i32
          %dma_start3A_87 = arith.constant 0 : i32
          %dma_start3A_88 = tpu.memref_slice %arg2[%add3A_86, %dma_start3A_87] : memref<800000x32xf32, #tpu.memory_space<hbm>> -> memref<128x32xf32, #tpu.memory_space<hbm>>
          %dma_start3A_89 = arith.constant 0 : i32
          %dma_start3A_90 = tpu.memref_slice %arg2[%add3A_86, %dma_start3A_89] : memref<800000x32xf32, #tpu.memory_space<hbm>> -> memref<128x32xf32, #tpu.memory_space<hbm>>
          tpu.enqueue_dma source(%dma_start3A_90 : memref<128x32xf32, #tpu.memory_space<hbm>>) target(%arg11 : memref<128x32xf32, #tpu.memory_space<vmem>>) target_semaphore(%arg15 : memref<!tpu.dma_semaphore, #tpu.memory_space<semaphore_mem>>)
        } else {
        }
      } else {
      }
    }
    %scan3A_27 = arith.constant 66 : i32
    %barrier3A_28 = arith.constant 0 : index
    tpu.barrier barrier_id(%barrier3A_28)
    %eq3A_29 = arith.constant 0 : i32
    %eq3A_30 = arith.cmpi eq, %arg1, %eq3A_29 : i32
    %convert_element_type3A_31 = arith.extui %eq3A_30 : i1 to i32
    %cond3A_32 = arith.constant 0 : i32
    %cond3A_33 = arith.cmpi ne, %convert_element_type3A_31, %cond3A_32 : i32
    scf.if %cond3A_33 {
      "tpu.region"() ({
        %run_scoped3A = tpu.sem_alloc : memref<!tpu.dma_semaphore, #tpu.memory_space<semaphore_mem>>
        %dma_start3A = arith.constant 0 : i32
        %dma_start3A_34 = arith.constant 0 : i32
        %dma_start3A_35 = tpu.memref_slice %arg5[%arg0, %dma_start3A, %dma_start3A_34] : memref<2x50000x32xf32, #tpu.memory_space<hbm>> -> memref<1x50000x32xf32, #tpu.memory_space<hbm>>
        %dma_start3A_36 = tpu.memref_squeeze %dma_start3A_35 : memref<1x50000x32xf32, #tpu.memory_space<hbm>> -> memref<50000x32xf32, #tpu.memory_space<hbm>>
        tpu.enqueue_dma source(%arg12 : memref<50000x32xf32, #tpu.memory_space<vmem_shared>>) target(%dma_start3A_36 : memref<50000x32xf32, #tpu.memory_space<hbm>>) target_semaphore(%run_scoped3A : memref<!tpu.dma_semaphore, #tpu.memory_space<semaphore_mem>>)
        %dma_wait3A = arith.constant 0 : i32
        %dma_wait3A_37 = arith.constant 0 : i32
        %dma_wait3A_38 = tpu.memref_slice %arg5[%arg0, %dma_wait3A, %dma_wait3A_37] : memref<2x50000x32xf32, #tpu.memory_space<hbm>> -> memref<1x50000x32xf32, #tpu.memory_space<hbm>>
        %dma_wait3A_39 = tpu.memref_squeeze %dma_wait3A_38 : memref<1x50000x32xf32, #tpu.memory_space<hbm>> -> memref<50000x32xf32, #tpu.memory_space<hbm>>
        tpu.wait_dma2 semaphore(%run_scoped3A : memref<!tpu.dma_semaphore, #tpu.memory_space<semaphore_mem>>) src(%arg12 : memref<50000x32xf32, #tpu.memory_space<vmem_shared>>) dst(%dma_wait3A_39 : memref<50000x32xf32, #tpu.memory_space<hbm>>)
        tpu.yield
      }) : () -> ()
    } else {
    }
    return
  }
}

module attributes {stable_mosaic.version = 14 : i64} {
  func.func @body(%arg0: i32, %arg1: memref<2000x16xf32, #tpu.memory_space<vmem>>, %arg2: memref<16x32xf32, #tpu.memory_space<vmem>>, %arg3: memref<1x32xf32, #tpu.memory_space<vmem>>, %arg4: memref<32x32xf32, #tpu.memory_space<vmem>>, %arg5: memref<1x32xf32, #tpu.memory_space<vmem>>, %arg6: memref<32x32xf32, #tpu.memory_space<vmem>>, %arg7: memref<32x32xf32, #tpu.memory_space<vmem>>, %arg8: memref<2000x32xf32, #tpu.memory_space<vmem>>, %arg9: memref<2000x32xf32, #tpu.memory_space<vmem>>, %arg10: memref<2000x32xf32, #tpu.memory_space<vmem>>) attributes {dimension_semantics = [#tpu.dimension_semantics<arbitrary>], iteration_bounds = array<i64: 25>, scalar_prefetch = 0 : i64, scratch_operands = 0 : i64, tpu.core_type = #tpu.core_type<tc>, window_params = [{transform_indices = @transform_0, window_bounds = array<i64: 2000, 16>}, {pipeline_mode = #tpu.pipeline_mode<synchronous>, transform_indices = @transform_1, window_bounds = array<i64: 16, 32>}, {pipeline_mode = #tpu.pipeline_mode<synchronous>, transform_indices = @transform_2, window_bounds = array<i64: 1, 32>}, {pipeline_mode = #tpu.pipeline_mode<synchronous>, transform_indices = @transform_3, window_bounds = array<i64: 32, 32>}, {pipeline_mode = #tpu.pipeline_mode<synchronous>, transform_indices = @transform_4, window_bounds = array<i64: 1, 32>}, {pipeline_mode = #tpu.pipeline_mode<synchronous>, transform_indices = @transform_5, window_bounds = array<i64: 32, 32>}, {pipeline_mode = #tpu.pipeline_mode<synchronous>, transform_indices = @transform_6, window_bounds = array<i64: 32, 32>}, {transform_indices = @transform_7, window_bounds = array<i64: 2000, 32>}, {transform_indices = @transform_8, window_bounds = array<i64: 2000, 32>}, {transform_indices = @transform_9, window_bounds = array<i64: 2000, 32>}]} {
    %get3A = arith.constant 0 : index
    %get3A_0 = arith.constant 0 : index
    %get3A_1 = vector.load %arg1[%get3A, %get3A_0] : memref<2000x16xf32, #tpu.memory_space<vmem>>, vector<2000x16xf32>
    %get3A_2 = arith.constant 0 : index
    %get3A_3 = arith.constant 0 : index
    %get3A_4 = vector.load %arg2[%get3A_2, %get3A_3] : memref<16x32xf32, #tpu.memory_space<vmem>>, vector<16x32xf32>
    %dot_general3A = arith.constant dense<0.000000e+00> : vector<2000x32xf32>
    %dot_general3A_5 = tpu.matmul %get3A_1, %get3A_4, %dot_general3A {dimension_numbers = #tpu.dot_dimension_numbers<[1], [0], [0], [1], [0, 0, 1, 1], [], []>, transpose_lhs_hint = false} : vector<2000x16xf32>, vector<16x32xf32>, vector<2000x32xf32> -> vector<2000x32xf32>
    %get3A_6 = arith.constant 0 : index
    %get3A_7 = arith.constant 0 : index
    %get3A_8 = vector.load %arg3[%get3A_6, %get3A_7] : memref<1x32xf32, #tpu.memory_space<vmem>>, vector<1x32xf32>
    %add3A = vector.broadcast %get3A_8 : vector<1x32xf32> to vector<2000x32xf32>
    %add3A_9 = arith.addf %dot_general3A_5, %add3A : vector<2000x32xf32>
    %logistic3A = arith.negf %add3A_9 : vector<2000x32xf32>
    %logistic3A_10 = math.exp %logistic3A : vector<2000x32xf32>
    %logistic3A_11 = arith.constant 1.000000e+00 : f32
    %logistic3A_12 = vector.broadcast %logistic3A_11 : f32 to vector<2000x32xf32>
    %logistic3A_13 = arith.addf %logistic3A_12, %logistic3A_10 : vector<2000x32xf32>
    %logistic3A_14 = arith.divf %logistic3A_12, %logistic3A_13 : vector<2000x32xf32>
    %mul3A = arith.mulf %add3A_9, %logistic3A_14 : vector<2000x32xf32>
    %get3A_15 = arith.constant 0 : index
    %get3A_16 = arith.constant 0 : index
    %get3A_17 = vector.load %arg4[%get3A_15, %get3A_16] : memref<32x32xf32, #tpu.memory_space<vmem>>, vector<32x32xf32>
    %dot_general3A_18 = arith.constant dense<0.000000e+00> : vector<2000x32xf32>
    %dot_general3A_19 = tpu.matmul %mul3A, %get3A_17, %dot_general3A_18 {dimension_numbers = #tpu.dot_dimension_numbers<[1], [0], [0], [1], [0, 0, 1, 1], [], []>, transpose_lhs_hint = false} : vector<2000x32xf32>, vector<32x32xf32>, vector<2000x32xf32> -> vector<2000x32xf32>
    %get3A_20 = arith.constant 0 : index
    %get3A_21 = arith.constant 0 : index
    %get3A_22 = vector.load %arg5[%get3A_20, %get3A_21] : memref<1x32xf32, #tpu.memory_space<vmem>>, vector<1x32xf32>
    %add3A_23 = vector.broadcast %get3A_22 : vector<1x32xf32> to vector<2000x32xf32>
    %add3A_24 = arith.addf %dot_general3A_19, %add3A_23 : vector<2000x32xf32>
    %swap3A = arith.constant 0 : index
    %swap3A_25 = arith.constant 0 : index
    %swap3A_26 = vector.load %arg8[%swap3A, %swap3A_25] : memref<2000x32xf32, #tpu.memory_space<vmem>>, vector<2000x32xf32>
    tpu.vector_store %arg8[%swap3A, %swap3A_25], %add3A_24 {strides = array<i32>} : memref<2000x32xf32, #tpu.memory_space<vmem>>, vector<2000x32xf32>,
    %get3A_27 = arith.constant 0 : index
    %get3A_28 = arith.constant 0 : index
    %get3A_29 = vector.load %arg6[%get3A_27, %get3A_28] : memref<32x32xf32, #tpu.memory_space<vmem>>, vector<32x32xf32>
    %dot_general3A_30 = arith.constant dense<0.000000e+00> : vector<2000x32xf32>
    %dot_general3A_31 = tpu.matmul %add3A_24, %get3A_29, %dot_general3A_30 {dimension_numbers = #tpu.dot_dimension_numbers<[1], [0], [0], [1], [0, 0, 1, 1], [], []>, transpose_lhs_hint = false} : vector<2000x32xf32>, vector<32x32xf32>, vector<2000x32xf32> -> vector<2000x32xf32>
    %swap3A_32 = arith.constant 0 : index
    %swap3A_33 = arith.constant 0 : index
    %swap3A_34 = vector.load %arg9[%swap3A_32, %swap3A_33] : memref<2000x32xf32, #tpu.memory_space<vmem>>, vector<2000x32xf32>
    tpu.vector_store %arg9[%swap3A_32, %swap3A_33], %dot_general3A_31 {strides = array<i32>} : memref<2000x32xf32, #tpu.memory_space<vmem>>, vector<2000x32xf32>,
    %get3A_35 = arith.constant 0 : index
    %get3A_36 = arith.constant 0 : index
    %get3A_37 = vector.load %arg7[%get3A_35, %get3A_36] : memref<32x32xf32, #tpu.memory_space<vmem>>, vector<32x32xf32>
    %dot_general3A_38 = arith.constant dense<0.000000e+00> : vector<2000x32xf32>
    %dot_general3A_39 = tpu.matmul %add3A_24, %get3A_37, %dot_general3A_38 {dimension_numbers = #tpu.dot_dimension_numbers<[1], [0], [0], [1], [0, 0, 1, 1], [], []>, transpose_lhs_hint = false} : vector<2000x32xf32>, vector<32x32xf32>, vector<2000x32xf32> -> vector<2000x32xf32>
    %swap3A_40 = arith.constant 0 : index
    %swap3A_41 = arith.constant 0 : index
    %swap3A_42 = vector.load %arg10[%swap3A_40, %swap3A_41] : memref<2000x32xf32, #tpu.memory_space<vmem>>, vector<2000x32xf32>
    tpu.vector_store %arg10[%swap3A_40, %swap3A_41], %dot_general3A_39 {strides = array<i32>} : memref<2000x32xf32, #tpu.memory_space<vmem>>, vector<2000x32xf32>,
    return
  }
  func.func @transform_0(%arg0: i32) -> (i32, i32) {
    %c0_i32 = arith.constant 0 : i32
    %c0_i32_0 = arith.constant 0 : i32
    return %arg0, %c0_i32 : i32, i32
  }
  func.func @transform_1(%arg0: i32) -> (i32, i32) {
    %c0_i32 = arith.constant 0 : i32
    %c0_i32_0 = arith.constant 0 : i32
    %c0_i32_1 = arith.constant 0 : i32
    return %c0_i32, %c0_i32_0 : i32, i32
  }
  func.func @transform_2(%arg0: i32) -> (i32, i32) {
    %c0_i32 = arith.constant 0 : i32
    %c0_i32_0 = arith.constant 0 : i32
    %c0_i32_1 = arith.constant 0 : i32
    return %c0_i32, %c0_i32_0 : i32, i32
  }
  func.func @transform_3(%arg0: i32) -> (i32, i32) {
    %c0_i32 = arith.constant 0 : i32
    %c0_i32_0 = arith.constant 0 : i32
    %c0_i32_1 = arith.constant 0 : i32
    return %c0_i32, %c0_i32_0 : i32, i32
  }
  func.func @transform_4(%arg0: i32) -> (i32, i32) {
    %c0_i32 = arith.constant 0 : i32
    %c0_i32_0 = arith.constant 0 : i32
    %c0_i32_1 = arith.constant 0 : i32
    return %c0_i32, %c0_i32_0 : i32, i32
  }
  func.func @transform_5(%arg0: i32) -> (i32, i32) {
    %c0_i32 = arith.constant 0 : i32
    %c0_i32_0 = arith.constant 0 : i32
    %c0_i32_1 = arith.constant 0 : i32
    return %c0_i32, %c0_i32_0 : i32, i32
  }
  func.func @transform_6(%arg0: i32) -> (i32, i32) {
    %c0_i32 = arith.constant 0 : i32
    %c0_i32_0 = arith.constant 0 : i32
    %c0_i32_1 = arith.constant 0 : i32
    return %c0_i32, %c0_i32_0 : i32, i32
  }
  func.func @transform_7(%arg0: i32) -> (i32, i32) {
    %c0_i32 = arith.constant 0 : i32
    %c0_i32_0 = arith.constant 0 : i32
    return %arg0, %c0_i32 : i32, i32
  }
  func.func @transform_8(%arg0: i32) -> (i32, i32) {
    %c0_i32 = arith.constant 0 : i32
    %c0_i32_0 = arith.constant 0 : i32
    return %arg0, %c0_i32 : i32, i32
  }
  func.func @transform_9(%arg0: i32) -> (i32, i32) {
    %c0_i32 = arith.constant 0 : i32
    %c0_i32_0 = arith.constant 0 : i32
    return %arg0, %c0_i32 : i32, i32
  }
}

module attributes {stable_mosaic.version = 14 : i64} {
  func.func @body(%arg0: i32, %arg1: memref<2000x4xf32, #tpu.memory_space<vmem>>, %arg2: memref<4x32xf32, #tpu.memory_space<vmem>>, %arg3: memref<1x32xf32, #tpu.memory_space<vmem>>, %arg4: memref<32x32xf32, #tpu.memory_space<vmem>>, %arg5: memref<1x32xf32, #tpu.memory_space<vmem>>, %arg6: memref<32x32xf32, #tpu.memory_space<vmem>>, %arg7: memref<1x32xf32, #tpu.memory_space<vmem>>, %arg8: memref<2000x32xf32, #tpu.memory_space<vmem>>, %arg9: memref<2000x32xf32, #tpu.memory_space<vmem>>) attributes {dimension_semantics = [#tpu.dimension_semantics<arbitrary>], iteration_bounds = array<i64: 400>, scalar_prefetch = 0 : i64, scratch_operands = 0 : i64, tpu.core_type = #tpu.core_type<tc>, window_params = [{transform_indices = @transform_0, window_bounds = array<i64: 2000, 4>}, {pipeline_mode = #tpu.pipeline_mode<synchronous>, transform_indices = @transform_1, window_bounds = array<i64: 4, 32>}, {pipeline_mode = #tpu.pipeline_mode<synchronous>, transform_indices = @transform_2, window_bounds = array<i64: 1, 32>}, {pipeline_mode = #tpu.pipeline_mode<synchronous>, transform_indices = @transform_3, window_bounds = array<i64: 32, 32>}, {pipeline_mode = #tpu.pipeline_mode<synchronous>, transform_indices = @transform_4, window_bounds = array<i64: 1, 32>}, {pipeline_mode = #tpu.pipeline_mode<synchronous>, transform_indices = @transform_5, window_bounds = array<i64: 32, 32>}, {pipeline_mode = #tpu.pipeline_mode<synchronous>, transform_indices = @transform_6, window_bounds = array<i64: 1, 32>}, {transform_indices = @transform_7, window_bounds = array<i64: 2000, 32>}, {transform_indices = @transform_8, window_bounds = array<i64: 2000, 32>}]} {
    %get3A = arith.constant 0 : index
    %get3A_0 = arith.constant 0 : index
    %get3A_1 = vector.load %arg1[%get3A, %get3A_0] : memref<2000x4xf32, #tpu.memory_space<vmem>>, vector<2000x4xf32>
    %get3A_2 = arith.constant 0 : index
    %get3A_3 = arith.constant 0 : index
    %get3A_4 = vector.load %arg2[%get3A_2, %get3A_3] : memref<4x32xf32, #tpu.memory_space<vmem>>, vector<4x32xf32>
    %dot_general3A = arith.constant dense<0.000000e+00> : vector<2000x32xf32>
    %dot_general3A_5 = tpu.matmul %get3A_1, %get3A_4, %dot_general3A {dimension_numbers = #tpu.dot_dimension_numbers<[1], [0], [0], [1], [0, 0, 1, 1], [], []>, transpose_lhs_hint = false} : vector<2000x4xf32>, vector<4x32xf32>, vector<2000x32xf32> -> vector<2000x32xf32>
    %get3A_6 = arith.constant 0 : index
    %get3A_7 = arith.constant 0 : index
    %get3A_8 = vector.load %arg3[%get3A_6, %get3A_7] : memref<1x32xf32, #tpu.memory_space<vmem>>, vector<1x32xf32>
    %add3A = vector.broadcast %get3A_8 : vector<1x32xf32> to vector<2000x32xf32>
    %add3A_9 = arith.addf %dot_general3A_5, %add3A : vector<2000x32xf32>
    %logistic3A = arith.negf %add3A_9 : vector<2000x32xf32>
    %logistic3A_10 = math.exp %logistic3A : vector<2000x32xf32>
    %logistic3A_11 = arith.constant 1.000000e+00 : f32
    %logistic3A_12 = vector.broadcast %logistic3A_11 : f32 to vector<2000x32xf32>
    %logistic3A_13 = arith.addf %logistic3A_12, %logistic3A_10 : vector<2000x32xf32>
    %logistic3A_14 = arith.divf %logistic3A_12, %logistic3A_13 : vector<2000x32xf32>
    %mul3A = arith.mulf %add3A_9, %logistic3A_14 : vector<2000x32xf32>
    %get3A_15 = arith.constant 0 : index
    %get3A_16 = arith.constant 0 : index
    %get3A_17 = vector.load %arg4[%get3A_15, %get3A_16] : memref<32x32xf32, #tpu.memory_space<vmem>>, vector<32x32xf32>
    %dot_general3A_18 = arith.constant dense<0.000000e+00> : vector<2000x32xf32>
    %dot_general3A_19 = tpu.matmul %mul3A, %get3A_17, %dot_general3A_18 {dimension_numbers = #tpu.dot_dimension_numbers<[1], [0], [0], [1], [0, 0, 1, 1], [], []>, transpose_lhs_hint = false} : vector<2000x32xf32>, vector<32x32xf32>, vector<2000x32xf32> -> vector<2000x32xf32>
    %get3A_20 = arith.constant 0 : index
    %get3A_21 = arith.constant 0 : index
    %get3A_22 = vector.load %arg5[%get3A_20, %get3A_21] : memref<1x32xf32, #tpu.memory_space<vmem>>, vector<1x32xf32>
    %add3A_23 = vector.broadcast %get3A_22 : vector<1x32xf32> to vector<2000x32xf32>
    %add3A_24 = arith.addf %dot_general3A_19, %add3A_23 : vector<2000x32xf32>
    %swap3A = arith.constant 0 : index
    %swap3A_25 = arith.constant 0 : index
    %swap3A_26 = vector.load %arg8[%swap3A, %swap3A_25] : memref<2000x32xf32, #tpu.memory_space<vmem>>, vector<2000x32xf32>
    tpu.vector_store %arg8[%swap3A, %swap3A_25], %add3A_24 {strides = array<i32>} : memref<2000x32xf32, #tpu.memory_space<vmem>>, vector<2000x32xf32>,
    %get3A_27 = arith.constant 0 : index
    %get3A_28 = arith.constant 0 : index
    %get3A_29 = vector.load %arg6[%get3A_27, %get3A_28] : memref<32x32xf32, #tpu.memory_space<vmem>>, vector<32x32xf32>
    %dot_general3A_30 = arith.constant dense<0.000000e+00> : vector<2000x32xf32>
    %dot_general3A_31 = tpu.matmul %mul3A, %get3A_29, %dot_general3A_30 {dimension_numbers = #tpu.dot_dimension_numbers<[1], [0], [0], [1], [0, 0, 1, 1], [], []>, transpose_lhs_hint = false} : vector<2000x32xf32>, vector<32x32xf32>, vector<2000x32xf32> -> vector<2000x32xf32>
    %get3A_32 = arith.constant 0 : index
    %get3A_33 = arith.constant 0 : index
    %get3A_34 = vector.load %arg7[%get3A_32, %get3A_33] : memref<1x32xf32, #tpu.memory_space<vmem>>, vector<1x32xf32>
    %add3A_35 = vector.broadcast %get3A_34 : vector<1x32xf32> to vector<2000x32xf32>
    %add3A_36 = arith.addf %dot_general3A_31, %add3A_35 : vector<2000x32xf32>
    %swap3A_37 = arith.constant 0 : index
    %swap3A_38 = arith.constant 0 : index
    %swap3A_39 = vector.load %arg9[%swap3A_37, %swap3A_38] : memref<2000x32xf32, #tpu.memory_space<vmem>>, vector<2000x32xf32>
    tpu.vector_store %arg9[%swap3A_37, %swap3A_38], %add3A_36 {strides = array<i32>} : memref<2000x32xf32, #tpu.memory_space<vmem>>, vector<2000x32xf32>,
    return
  }
  func.func @transform_0(%arg0: i32) -> (i32, i32) {
    %c0_i32 = arith.constant 0 : i32
    %c0_i32_0 = arith.constant 0 : i32
    return %arg0, %c0_i32 : i32, i32
  }
  func.func @transform_1(%arg0: i32) -> (i32, i32) {
    %c0_i32 = arith.constant 0 : i32
    %c0_i32_0 = arith.constant 0 : i32
    %c0_i32_1 = arith.constant 0 : i32
    return %c0_i32, %c0_i32_0 : i32, i32
  }
  func.func @transform_2(%arg0: i32) -> (i32, i32) {
    %c0_i32 = arith.constant 0 : i32
    %c0_i32_0 = arith.constant 0 : i32
    %c0_i32_1 = arith.constant 0 : i32
    return %c0_i32, %c0_i32_0 : i32, i32
  }
  func.func @transform_3(%arg0: i32) -> (i32, i32) {
    %c0_i32 = arith.constant 0 : i32
    %c0_i32_0 = arith.constant 0 : i32
    %c0_i32_1 = arith.constant 0 : i32
    return %c0_i32, %c0_i32_0 : i32, i32
  }
  func.func @transform_4(%arg0: i32) -> (i32, i32) {
    %c0_i32 = arith.constant 0 : i32
    %c0_i32_0 = arith.constant 0 : i32
    %c0_i32_1 = arith.constant 0 : i32
    return %c0_i32, %c0_i32_0 : i32, i32
  }
  func.func @transform_5(%arg0: i32) -> (i32, i32) {
    %c0_i32 = arith.constant 0 : i32
    %c0_i32_0 = arith.constant 0 : i32
    %c0_i32_1 = arith.constant 0 : i32
    return %c0_i32, %c0_i32_0 : i32, i32
  }
  func.func @transform_6(%arg0: i32) -> (i32, i32) {
    %c0_i32 = arith.constant 0 : i32
    %c0_i32_0 = arith.constant 0 : i32
    %c0_i32_1 = arith.constant 0 : i32
    return %c0_i32, %c0_i32_0 : i32, i32
  }
  func.func @transform_7(%arg0: i32) -> (i32, i32) {
    %c0_i32 = arith.constant 0 : i32
    %c0_i32_0 = arith.constant 0 : i32
    return %arg0, %c0_i32 : i32, i32
  }
  func.func @transform_8(%arg0: i32) -> (i32, i32) {
    %c0_i32 = arith.constant 0 : i32
    %c0_i32_0 = arith.constant 0 : i32
    return %arg0, %c0_i32 : i32, i32
  }
}

module attributes {stable_mosaic.version = 14 : i64} {
  func.func @body(%arg0: i32, %arg1: memref<2000x32xf32, #tpu.memory_space<vmem>>, %arg2: memref<2000x32xf32, #tpu.memory_space<vmem>>, %arg3: memref<32x32xf32, #tpu.memory_space<vmem>>, %arg4: memref<2000x32xf32, #tpu.memory_space<vmem>>) attributes {dimension_semantics = [#tpu.dimension_semantics<arbitrary>], iteration_bounds = array<i64: 400>, scalar_prefetch = 0 : i64, scratch_operands = 0 : i64, tpu.core_type = #tpu.core_type<tc>, window_params = [{transform_indices = @transform_0, window_bounds = array<i64: 2000, 32>}, {transform_indices = @transform_1, window_bounds = array<i64: 2000, 32>}, {pipeline_mode = #tpu.pipeline_mode<synchronous>, transform_indices = @transform_2, window_bounds = array<i64: 32, 32>}, {transform_indices = @transform_3, window_bounds = array<i64: 2000, 32>}]} {
    %get3A = arith.constant 0 : index
    %get3A_0 = arith.constant 0 : index
    %get3A_1 = vector.load %arg1[%get3A, %get3A_0] : memref<2000x32xf32, #tpu.memory_space<vmem>>, vector<2000x32xf32>
    %get3A_2 = arith.constant 0 : index
    %get3A_3 = arith.constant 0 : index
    %get3A_4 = vector.load %arg2[%get3A_2, %get3A_3] : memref<2000x32xf32, #tpu.memory_space<vmem>>, vector<2000x32xf32>
    %get3A_5 = arith.constant 0 : index
    %get3A_6 = arith.constant 0 : index
    %get3A_7 = vector.load %arg3[%get3A_5, %get3A_6] : memref<32x32xf32, #tpu.memory_space<vmem>>, vector<32x32xf32>
    %dot_general3A = arith.constant dense<0.000000e+00> : vector<2000x32xf32>
    %dot_general3A_8 = tpu.matmul %get3A_4, %get3A_7, %dot_general3A {dimension_numbers = #tpu.dot_dimension_numbers<[1], [0], [0], [1], [0, 0, 1, 1], [], []>, transpose_lhs_hint = false} : vector<2000x32xf32>, vector<32x32xf32>, vector<2000x32xf32> -> vector<2000x32xf32>
    %add3A = arith.addf %get3A_1, %dot_general3A_8 : vector<2000x32xf32>
    %swap3A = arith.constant 0 : index
    %swap3A_9 = arith.constant 0 : index
    %swap3A_10 = vector.load %arg4[%swap3A, %swap3A_9] : memref<2000x32xf32, #tpu.memory_space<vmem>>, vector<2000x32xf32>
    tpu.vector_store %arg4[%swap3A, %swap3A_9], %add3A {strides = array<i32>} : memref<2000x32xf32, #tpu.memory_space<vmem>>, vector<2000x32xf32>,
    return
  }
  func.func @transform_0(%arg0: i32) -> (i32, i32) {
    %c0_i32 = arith.constant 0 : i32
    %c0_i32_0 = arith.constant 0 : i32
    return %arg0, %c0_i32 : i32, i32
  }
  func.func @transform_1(%arg0: i32) -> (i32, i32) {
    %c0_i32 = arith.constant 0 : i32
    %c0_i32_0 = arith.constant 0 : i32
    return %arg0, %c0_i32 : i32, i32
  }
  func.func @transform_2(%arg0: i32) -> (i32, i32) {
    %c0_i32 = arith.constant 0 : i32
    %c0_i32_0 = arith.constant 0 : i32
    %c0_i32_1 = arith.constant 0 : i32
    return %c0_i32, %c0_i32_0 : i32, i32
  }
  func.func @transform_3(%arg0: i32) -> (i32, i32) {
    %c0_i32 = arith.constant 0 : i32
    %c0_i32_0 = arith.constant 0 : i32
    return %arg0, %c0_i32 : i32, i32
  }
}

module attributes {stable_mosaic.version = 14 : i64} {
  func.func @body(%arg0: i32, %arg1: memref<2000x32xf32, #tpu.memory_space<vmem>>, %arg2: memref<2000x32xf32, #tpu.memory_space<vmem>>, %arg3: memref<2000x32xf32, #tpu.memory_space<vmem>>, %arg4: memref<2000x4xf32, #tpu.memory_space<vmem>>, %arg5: memref<2000x4xf32, #tpu.memory_space<vmem>>, %arg6: memref<32x32xf32, #tpu.memory_space<vmem>>, %arg7: memref<1x32xf32, #tpu.memory_space<vmem>>, %arg8: memref<32x32xf32, #tpu.memory_space<vmem>>, %arg9: memref<32x32xf32, #tpu.memory_space<vmem>>, %arg10: memref<1x32xf32, #tpu.memory_space<vmem>>, %arg11: memref<32x32xf32, #tpu.memory_space<vmem>>, %arg12: memref<1x32xf32, #tpu.memory_space<vmem>>, %arg13: memref<32x32xf32, #tpu.memory_space<vmem>>, %arg14: memref<32x32xf32, #tpu.memory_space<vmem>>, %arg15: memref<2000x32xf32, #tpu.memory_space<vmem>>, %arg16: memref<2000x32xf32, #tpu.memory_space<vmem>>, %arg17: memref<2000x32xf32, #tpu.memory_space<vmem>>) attributes {dimension_semantics = [#tpu.dimension_semantics<arbitrary>], iteration_bounds = array<i64: 25>, scalar_prefetch = 0 : i64, scratch_operands = 0 : i64, tpu.core_type = #tpu.core_type<tc>, window_params = [{transform_indices = @transform_0, window_bounds = array<i64: 2000, 32>}, {transform_indices = @transform_1, window_bounds = array<i64: 2000, 32>}, {transform_indices = @transform_2, window_bounds = array<i64: 2000, 32>}, {transform_indices = @transform_3, window_bounds = array<i64: 2000, 4>}, {transform_indices = @transform_4, window_bounds = array<i64: 2000, 4>}, {pipeline_mode = #tpu.pipeline_mode<synchronous>, transform_indices = @transform_5, window_bounds = array<i64: 32, 32>}, {pipeline_mode = #tpu.pipeline_mode<synchronous>, transform_indices = @transform_6, window_bounds = array<i64: 1, 32>}, {pipeline_mode = #tpu.pipeline_mode<synchronous>, transform_indices = @transform_7, window_bounds = array<i64: 32, 32>}, {pipeline_mode = #tpu.pipeline_mode<synchronous>, transform_indices = @transform_8, window_bounds = array<i64: 32, 32>}, {pipeline_mode = #tpu.pipeline_mode<synchronous>, transform_indices = @transform_9, window_bounds = array<i64: 1, 32>}, {pipeline_mode = #tpu.pipeline_mode<synchronous>, transform_indices = @transform_10, window_bounds = array<i64: 32, 32>}, {pipeline_mode = #tpu.pipeline_mode<synchronous>, transform_indices = @transform_11, window_bounds = array<i64: 1, 32>}, {pipeline_mode = #tpu.pipeline_mode<synchronous>, transform_indices = @transform_12, window_bounds = array<i64: 32, 32>}, {pipeline_mode = #tpu.pipeline_mode<synchronous>, transform_indices = @transform_13, window_bounds = array<i64: 32, 32>}, {transform_indices = @transform_14, window_bounds = array<i64: 2000, 32>}, {transform_indices = @transform_15, window_bounds = array<i64: 2000, 32>}, {transform_indices = @transform_16, window_bounds = array<i64: 2000, 32>}]} {
    %get3A = arith.constant 0 : index
    %get3A_0 = arith.constant 0 : index
    %get3A_1 = vector.load %arg4[%get3A, %get3A_0] : memref<2000x4xf32, #tpu.memory_space<vmem>>, vector<2000x1xf32>
    %get3A_2 = arith.constant 0 : index
    %get3A_3 = arith.constant 0 : index
    %get3A_4 = vector.load %arg5[%get3A_2, %get3A_3] : memref<2000x4xf32, #tpu.memory_space<vmem>>, vector<2000x1xf32>
    %add3A = arith.addf %get3A_1, %get3A_4 : vector<2000x1xf32>
    %get3A_5 = arith.constant 0 : index
    %get3A_6 = arith.constant 0 : index
    %get3A_7 = vector.load %arg2[%get3A_5, %get3A_6] : memref<2000x32xf32, #tpu.memory_space<vmem>>, vector<2000x32xf32>
    %get3A_8 = arith.constant 0 : index
    %get3A_9 = arith.constant 0 : index
    %get3A_10 = vector.load %arg3[%get3A_8, %get3A_9] : memref<2000x32xf32, #tpu.memory_space<vmem>>, vector<2000x32xf32>
    %add3A_11 = arith.addf %get3A_7, %get3A_10 : vector<2000x32xf32>
    %get3A_12 = arith.constant 0 : index
    %get3A_13 = arith.constant 0 : index
    %get3A_14 = vector.load %arg6[%get3A_12, %get3A_13] : memref<32x32xf32, #tpu.memory_space<vmem>>, vector<32x32xf32>
    %dot_general3A = arith.constant dense<0.000000e+00> : vector<2000x32xf32>
    %dot_general3A_15 = tpu.matmul %add3A_11, %get3A_14, %dot_general3A {dimension_numbers = #tpu.dot_dimension_numbers<[1], [0], [0], [1], [0, 0, 1, 1], [], []>, transpose_lhs_hint = false} : vector<2000x32xf32>, vector<32x32xf32>, vector<2000x32xf32> -> vector<2000x32xf32>
    %get3A_16 = arith.constant 0 : index
    %get3A_17 = arith.constant 0 : index
    %get3A_18 = vector.load %arg7[%get3A_16, %get3A_17] : memref<1x32xf32, #tpu.memory_space<vmem>>, vector<1x32xf32>
    %mul3A = vector.broadcast %add3A : vector<2000x1xf32> to vector<2000x32xf32>
    %mul3A_19 = vector.broadcast %get3A_18 : vector<1x32xf32> to vector<2000x32xf32>
    %mul3A_20 = arith.mulf %mul3A, %mul3A_19 : vector<2000x32xf32>
    %add3A_21 = arith.addf %dot_general3A_15, %mul3A_20 : vector<2000x32xf32>
    %get3A_22 = arith.constant 0 : index
    %get3A_23 = arith.constant 0 : index
    %get3A_24 = vector.load %arg1[%get3A_22, %get3A_23] : memref<2000x32xf32, #tpu.memory_space<vmem>>, vector<2000x32xf32>
    %get3A_25 = arith.constant 0 : index
    %get3A_26 = arith.constant 0 : index
    %get3A_27 = vector.load %arg8[%get3A_25, %get3A_26] : memref<32x32xf32, #tpu.memory_space<vmem>>, vector<32x32xf32>
    %dot_general3A_28 = arith.constant dense<0.000000e+00> : vector<2000x32xf32>
    %dot_general3A_29 = tpu.matmul %get3A_24, %get3A_27, %dot_general3A_28 {dimension_numbers = #tpu.dot_dimension_numbers<[1], [0], [0], [1], [0, 0, 1, 1], [], []>, transpose_lhs_hint = false} : vector<2000x32xf32>, vector<32x32xf32>, vector<2000x32xf32> -> vector<2000x32xf32>
    %get3A_30 = arith.constant 0 : index
    %get3A_31 = arith.constant 0 : index
    %get3A_32 = vector.load %arg9[%get3A_30, %get3A_31] : memref<32x32xf32, #tpu.memory_space<vmem>>, vector<32x32xf32>
    %dot_general3A_33 = arith.constant dense<0.000000e+00> : vector<2000x32xf32>
    %dot_general3A_34 = tpu.matmul %add3A_21, %get3A_32, %dot_general3A_33 {dimension_numbers = #tpu.dot_dimension_numbers<[1], [0], [0], [1], [0, 0, 1, 1], [], []>, transpose_lhs_hint = false} : vector<2000x32xf32>, vector<32x32xf32>, vector<2000x32xf32> -> vector<2000x32xf32>
    %add3A_35 = arith.addf %dot_general3A_29, %dot_general3A_34 : vector<2000x32xf32>
    %get3A_36 = arith.constant 0 : index
    %get3A_37 = arith.constant 0 : index
    %get3A_38 = vector.load %arg10[%get3A_36, %get3A_37] : memref<1x32xf32, #tpu.memory_space<vmem>>, vector<1x32xf32>
    %add3A_39 = vector.broadcast %get3A_38 : vector<1x32xf32> to vector<2000x32xf32>
    %add3A_40 = arith.addf %add3A_35, %add3A_39 : vector<2000x32xf32>
    %logistic3A = arith.negf %add3A_40 : vector<2000x32xf32>
    %logistic3A_41 = math.exp %logistic3A : vector<2000x32xf32>
    %logistic3A_42 = arith.constant 1.000000e+00 : f32
    %logistic3A_43 = vector.broadcast %logistic3A_42 : f32 to vector<2000x32xf32>
    %logistic3A_44 = arith.addf %logistic3A_43, %logistic3A_41 : vector<2000x32xf32>
    %logistic3A_45 = arith.divf %logistic3A_43, %logistic3A_44 : vector<2000x32xf32>
    %mul3A_46 = arith.mulf %add3A_40, %logistic3A_45 : vector<2000x32xf32>
    %get3A_47 = arith.constant 0 : index
    %get3A_48 = arith.constant 0 : index
    %get3A_49 = vector.load %arg1[%get3A_47, %get3A_48] : memref<2000x32xf32, #tpu.memory_space<vmem>>, vector<2000x32xf32>
    %get3A_50 = arith.constant 0 : index
    %get3A_51 = arith.constant 0 : index
    %get3A_52 = vector.load %arg11[%get3A_50, %get3A_51] : memref<32x32xf32, #tpu.memory_space<vmem>>, vector<32x32xf32>
    %dot_general3A_53 = arith.constant dense<0.000000e+00> : vector<2000x32xf32>
    %dot_general3A_54 = tpu.matmul %mul3A_46, %get3A_52, %dot_general3A_53 {dimension_numbers = #tpu.dot_dimension_numbers<[1], [0], [0], [1], [0, 0, 1, 1], [], []>, transpose_lhs_hint = false} : vector<2000x32xf32>, vector<32x32xf32>, vector<2000x32xf32> -> vector<2000x32xf32>
    %add3A_55 = arith.addf %get3A_49, %dot_general3A_54 : vector<2000x32xf32>
    %get3A_56 = arith.constant 0 : index
    %get3A_57 = arith.constant 0 : index
    %get3A_58 = vector.load %arg12[%get3A_56, %get3A_57] : memref<1x32xf32, #tpu.memory_space<vmem>>, vector<1x32xf32>
    %add3A_59 = vector.broadcast %get3A_58 : vector<1x32xf32> to vector<2000x32xf32>
    %add3A_60 = arith.addf %add3A_55, %add3A_59 : vector<2000x32xf32>
    %swap3A = arith.constant 0 : index
    %swap3A_61 = arith.constant 0 : index
    %swap3A_62 = vector.load %arg15[%swap3A, %swap3A_61] : memref<2000x32xf32, #tpu.memory_space<vmem>>, vector<2000x32xf32>
    tpu.vector_store %arg15[%swap3A, %swap3A_61], %add3A_60 {strides = array<i32>} : memref<2000x32xf32, #tpu.memory_space<vmem>>, vector<2000x32xf32>,
    %get3A_63 = arith.constant 0 : index
    %get3A_64 = arith.constant 0 : index
    %get3A_65 = vector.load %arg13[%get3A_63, %get3A_64] : memref<32x32xf32, #tpu.memory_space<vmem>>, vector<32x32xf32>
    %dot_general3A_66 = arith.constant dense<0.000000e+00> : vector<2000x32xf32>
    %dot_general3A_67 = tpu.matmul %add3A_60, %get3A_65, %dot_general3A_66 {dimension_numbers = #tpu.dot_dimension_numbers<[1], [0], [0], [1], [0, 0, 1, 1], [], []>, transpose_lhs_hint = false} : vector<2000x32xf32>, vector<32x32xf32>, vector<2000x32xf32> -> vector<2000x32xf32>
    %swap3A_68 = arith.constant 0 : index
    %swap3A_69 = arith.constant 0 : index
    %swap3A_70 = vector.load %arg16[%swap3A_68, %swap3A_69] : memref<2000x32xf32, #tpu.memory_space<vmem>>, vector<2000x32xf32>
    tpu.vector_store %arg16[%swap3A_68, %swap3A_69], %dot_general3A_67 {strides = array<i32>} : memref<2000x32xf32, #tpu.memory_space<vmem>>, vector<2000x32xf32>,
    %get3A_71 = arith.constant 0 : index
    %get3A_72 = arith.constant 0 : index
    %get3A_73 = vector.load %arg14[%get3A_71, %get3A_72] : memref<32x32xf32, #tpu.memory_space<vmem>>, vector<32x32xf32>
    %dot_general3A_74 = arith.constant dense<0.000000e+00> : vector<2000x32xf32>
    %dot_general3A_75 = tpu.matmul %add3A_60, %get3A_73, %dot_general3A_74 {dimension_numbers = #tpu.dot_dimension_numbers<[1], [0], [0], [1], [0, 0, 1, 1], [], []>, transpose_lhs_hint = false} : vector<2000x32xf32>, vector<32x32xf32>, vector<2000x32xf32> -> vector<2000x32xf32>
    %swap3A_76 = arith.constant 0 : index
    %swap3A_77 = arith.constant 0 : index
    %swap3A_78 = vector.load %arg17[%swap3A_76, %swap3A_77] : memref<2000x32xf32, #tpu.memory_space<vmem>>, vector<2000x32xf32>
    tpu.vector_store %arg17[%swap3A_76, %swap3A_77], %dot_general3A_75 {strides = array<i32>} : memref<2000x32xf32, #tpu.memory_space<vmem>>, vector<2000x32xf32>,
    return
  }
  func.func @transform_0(%arg0: i32) -> (i32, i32) {
    %c0_i32 = arith.constant 0 : i32
    %c0_i32_0 = arith.constant 0 : i32
    return %arg0, %c0_i32 : i32, i32
  }
  func.func @transform_1(%arg0: i32) -> (i32, i32) {
    %c0_i32 = arith.constant 0 : i32
    %c0_i32_0 = arith.constant 0 : i32
    return %arg0, %c0_i32 : i32, i32
  }
  func.func @transform_2(%arg0: i32) -> (i32, i32) {
    %c0_i32 = arith.constant 0 : i32
    %c0_i32_0 = arith.constant 0 : i32
    return %arg0, %c0_i32 : i32, i32
  }
  func.func @transform_3(%arg0: i32) -> (i32, i32) {
    %c0_i32 = arith.constant 0 : i32
    %c0_i32_0 = arith.constant 0 : i32
    return %arg0, %c0_i32 : i32, i32
  }
  func.func @transform_4(%arg0: i32) -> (i32, i32) {
    %c0_i32 = arith.constant 0 : i32
    %c0_i32_0 = arith.constant 0 : i32
    return %arg0, %c0_i32 : i32, i32
  }
  func.func @transform_5(%arg0: i32) -> (i32, i32) {
    %c0_i32 = arith.constant 0 : i32
    %c0_i32_0 = arith.constant 0 : i32
    %c0_i32_1 = arith.constant 0 : i32
    return %c0_i32, %c0_i32_0 : i32, i32
  }
  func.func @transform_6(%arg0: i32) -> (i32, i32) {
    %c0_i32 = arith.constant 0 : i32
    %c0_i32_0 = arith.constant 0 : i32
    %c0_i32_1 = arith.constant 0 : i32
    return %c0_i32, %c0_i32_0 : i32, i32
  }
  func.func @transform_7(%arg0: i32) -> (i32, i32) {
    %c0_i32 = arith.constant 0 : i32
    %c0_i32_0 = arith.constant 0 : i32
    %c0_i32_1 = arith.constant 0 : i32
    return %c0_i32, %c0_i32_0 : i32, i32
  }
  func.func @transform_8(%arg0: i32) -> (i32, i32) {
    %c0_i32 = arith.constant 0 : i32
    %c0_i32_0 = arith.constant 0 : i32
    %c0_i32_1 = arith.constant 0 : i32
    return %c0_i32, %c0_i32_0 : i32, i32
  }
  func.func @transform_9(%arg0: i32) -> (i32, i32) {
    %c0_i32 = arith.constant 0 : i32
    %c0_i32_0 = arith.constant 0 : i32
    %c0_i32_1 = arith.constant 0 : i32
    return %c0_i32, %c0_i32_0 : i32, i32
  }
  func.func @transform_10(%arg0: i32) -> (i32, i32) {
    %c0_i32 = arith.constant 0 : i32
    %c0_i32_0 = arith.constant 0 : i32
    %c0_i32_1 = arith.constant 0 : i32
    return %c0_i32, %c0_i32_0 : i32, i32
  }
  func.func @transform_11(%arg0: i32) -> (i32, i32) {
    %c0_i32 = arith.constant 0 : i32
    %c0_i32_0 = arith.constant 0 : i32
    %c0_i32_1 = arith.constant 0 : i32
    return %c0_i32, %c0_i32_0 : i32, i32
  }
  func.func @transform_12(%arg0: i32) -> (i32, i32) {
    %c0_i32 = arith.constant 0 : i32
    %c0_i32_0 = arith.constant 0 : i32
    %c0_i32_1 = arith.constant 0 : i32
    return %c0_i32, %c0_i32_0 : i32, i32
  }
  func.func @transform_13(%arg0: i32) -> (i32, i32) {
    %c0_i32 = arith.constant 0 : i32
    %c0_i32_0 = arith.constant 0 : i32
    %c0_i32_1 = arith.constant 0 : i32
    return %c0_i32, %c0_i32_0 : i32, i32
  }
  func.func @transform_14(%arg0: i32) -> (i32, i32) {
    %c0_i32 = arith.constant 0 : i32
    %c0_i32_0 = arith.constant 0 : i32
    return %arg0, %c0_i32 : i32, i32
  }
  func.func @transform_15(%arg0: i32) -> (i32, i32) {
    %c0_i32 = arith.constant 0 : i32
    %c0_i32_0 = arith.constant 0 : i32
    return %arg0, %c0_i32 : i32, i32
  }
  func.func @transform_16(%arg0: i32) -> (i32, i32) {
    %c0_i32 = arith.constant 0 : i32
    %c0_i32_0 = arith.constant 0 : i32
    return %arg0, %c0_i32 : i32, i32
  }
}

module attributes {stable_mosaic.version = 14 : i64} {
  func.func @body(%arg0: i32, %arg1: memref<2000x32xf32, #tpu.memory_space<vmem>>, %arg2: memref<2000x32xf32, #tpu.memory_space<vmem>>, %arg3: memref<2000x32xf32, #tpu.memory_space<vmem>>, %arg4: memref<2000x4xf32, #tpu.memory_space<vmem>>, %arg5: memref<2000x4xf32, #tpu.memory_space<vmem>>, %arg6: memref<32x32xf32, #tpu.memory_space<vmem>>, %arg7: memref<1x32xf32, #tpu.memory_space<vmem>>, %arg8: memref<32x32xf32, #tpu.memory_space<vmem>>, %arg9: memref<32x32xf32, #tpu.memory_space<vmem>>, %arg10: memref<1x32xf32, #tpu.memory_space<vmem>>, %arg11: memref<32x32xf32, #tpu.memory_space<vmem>>, %arg12: memref<1x32xf32, #tpu.memory_space<vmem>>, %arg13: memref<32x32xf32, #tpu.memory_space<vmem>>, %arg14: memref<1x32xf32, #tpu.memory_space<vmem>>, %arg15: memref<32x16xf32, #tpu.memory_space<vmem>>, %arg16: memref<1x16xf32, #tpu.memory_space<vmem>>, %arg17: memref<2000x16xf32, #tpu.memory_space<vmem>>) attributes {dimension_semantics = [#tpu.dimension_semantics<arbitrary>], iteration_bounds = array<i64: 25>, scalar_prefetch = 0 : i64, scratch_operands = 0 : i64, tpu.core_type = #tpu.core_type<tc>, window_params = [{transform_indices = @transform_0, window_bounds = array<i64: 2000, 32>}, {transform_indices = @transform_1, window_bounds = array<i64: 2000, 32>}, {transform_indices = @transform_2, window_bounds = array<i64: 2000, 32>}, {transform_indices = @transform_3, window_bounds = array<i64: 2000, 4>}, {transform_indices = @transform_4, window_bounds = array<i64: 2000, 4>}, {pipeline_mode = #tpu.pipeline_mode<synchronous>, transform_indices = @transform_5, window_bounds = array<i64: 32, 32>}, {pipeline_mode = #tpu.pipeline_mode<synchronous>, transform_indices = @transform_6, window_bounds = array<i64: 1, 32>}, {pipeline_mode = #tpu.pipeline_mode<synchronous>, transform_indices = @transform_7, window_bounds = array<i64: 32, 32>}, {pipeline_mode = #tpu.pipeline_mode<synchronous>, transform_indices = @transform_8, window_bounds = array<i64: 32, 32>}, {pipeline_mode = #tpu.pipeline_mode<synchronous>, transform_indices = @transform_9, window_bounds = array<i64: 1, 32>}, {pipeline_mode = #tpu.pipeline_mode<synchronous>, transform_indices = @transform_10, window_bounds = array<i64: 32, 32>}, {pipeline_mode = #tpu.pipeline_mode<synchronous>, transform_indices = @transform_11, window_bounds = array<i64: 1, 32>}, {pipeline_mode = #tpu.pipeline_mode<synchronous>, transform_indices = @transform_12, window_bounds = array<i64: 32, 32>}, {pipeline_mode = #tpu.pipeline_mode<synchronous>, transform_indices = @transform_13, window_bounds = array<i64: 1, 32>}, {pipeline_mode = #tpu.pipeline_mode<synchronous>, transform_indices = @transform_14, window_bounds = array<i64: 32, 16>}, {pipeline_mode = #tpu.pipeline_mode<synchronous>, transform_indices = @transform_15, window_bounds = array<i64: 1, 16>}, {transform_indices = @transform_16, window_bounds = array<i64: 2000, 16>}]} {
    %get3A = arith.constant 0 : index
    %get3A_0 = arith.constant 0 : index
    %get3A_1 = vector.load %arg4[%get3A, %get3A_0] : memref<2000x4xf32, #tpu.memory_space<vmem>>, vector<2000x1xf32>
    %get3A_2 = arith.constant 0 : index
    %get3A_3 = arith.constant 0 : index
    %get3A_4 = vector.load %arg5[%get3A_2, %get3A_3] : memref<2000x4xf32, #tpu.memory_space<vmem>>, vector<2000x1xf32>
    %add3A = arith.addf %get3A_1, %get3A_4 : vector<2000x1xf32>
    %get3A_5 = arith.constant 0 : index
    %get3A_6 = arith.constant 0 : index
    %get3A_7 = vector.load %arg2[%get3A_5, %get3A_6] : memref<2000x32xf32, #tpu.memory_space<vmem>>, vector<2000x32xf32>
    %get3A_8 = arith.constant 0 : index
    %get3A_9 = arith.constant 0 : index
    %get3A_10 = vector.load %arg3[%get3A_8, %get3A_9] : memref<2000x32xf32, #tpu.memory_space<vmem>>, vector<2000x32xf32>
    %add3A_11 = arith.addf %get3A_7, %get3A_10 : vector<2000x32xf32>
    %get3A_12 = arith.constant 0 : index
    %get3A_13 = arith.constant 0 : index
    %get3A_14 = vector.load %arg6[%get3A_12, %get3A_13] : memref<32x32xf32, #tpu.memory_space<vmem>>, vector<32x32xf32>
    %dot_general3A = arith.constant dense<0.000000e+00> : vector<2000x32xf32>
    %dot_general3A_15 = tpu.matmul %add3A_11, %get3A_14, %dot_general3A {dimension_numbers = #tpu.dot_dimension_numbers<[1], [0], [0], [1], [0, 0, 1, 1], [], []>, transpose_lhs_hint = false} : vector<2000x32xf32>, vector<32x32xf32>, vector<2000x32xf32> -> vector<2000x32xf32>
    %get3A_16 = arith.constant 0 : index
    %get3A_17 = arith.constant 0 : index
    %get3A_18 = vector.load %arg7[%get3A_16, %get3A_17] : memref<1x32xf32, #tpu.memory_space<vmem>>, vector<1x32xf32>
    %mul3A = vector.broadcast %add3A : vector<2000x1xf32> to vector<2000x32xf32>
    %mul3A_19 = vector.broadcast %get3A_18 : vector<1x32xf32> to vector<2000x32xf32>
    %mul3A_20 = arith.mulf %mul3A, %mul3A_19 : vector<2000x32xf32>
    %add3A_21 = arith.addf %dot_general3A_15, %mul3A_20 : vector<2000x32xf32>
    %get3A_22 = arith.constant 0 : index
    %get3A_23 = arith.constant 0 : index
    %get3A_24 = vector.load %arg1[%get3A_22, %get3A_23] : memref<2000x32xf32, #tpu.memory_space<vmem>>, vector<2000x32xf32>
    %get3A_25 = arith.constant 0 : index
    %get3A_26 = arith.constant 0 : index
    %get3A_27 = vector.load %arg8[%get3A_25, %get3A_26] : memref<32x32xf32, #tpu.memory_space<vmem>>, vector<32x32xf32>
    %dot_general3A_28 = arith.constant dense<0.000000e+00> : vector<2000x32xf32>
    %dot_general3A_29 = tpu.matmul %get3A_24, %get3A_27, %dot_general3A_28 {dimension_numbers = #tpu.dot_dimension_numbers<[1], [0], [0], [1], [0, 0, 1, 1], [], []>, transpose_lhs_hint = false} : vector<2000x32xf32>, vector<32x32xf32>, vector<2000x32xf32> -> vector<2000x32xf32>
    %get3A_30 = arith.constant 0 : index
    %get3A_31 = arith.constant 0 : index
    %get3A_32 = vector.load %arg9[%get3A_30, %get3A_31] : memref<32x32xf32, #tpu.memory_space<vmem>>, vector<32x32xf32>
    %dot_general3A_33 = arith.constant dense<0.000000e+00> : vector<2000x32xf32>
    %dot_general3A_34 = tpu.matmul %add3A_21, %get3A_32, %dot_general3A_33 {dimension_numbers = #tpu.dot_dimension_numbers<[1], [0], [0], [1], [0, 0, 1, 1], [], []>, transpose_lhs_hint = false} : vector<2000x32xf32>, vector<32x32xf32>, vector<2000x32xf32> -> vector<2000x32xf32>
    %add3A_35 = arith.addf %dot_general3A_29, %dot_general3A_34 : vector<2000x32xf32>
    %get3A_36 = arith.constant 0 : index
    %get3A_37 = arith.constant 0 : index
    %get3A_38 = vector.load %arg10[%get3A_36, %get3A_37] : memref<1x32xf32, #tpu.memory_space<vmem>>, vector<1x32xf32>
    %add3A_39 = vector.broadcast %get3A_38 : vector<1x32xf32> to vector<2000x32xf32>
    %add3A_40 = arith.addf %add3A_35, %add3A_39 : vector<2000x32xf32>
    %logistic3A = arith.negf %add3A_40 : vector<2000x32xf32>
    %logistic3A_41 = math.exp %logistic3A : vector<2000x32xf32>
    %logistic3A_42 = arith.constant 1.000000e+00 : f32
    %logistic3A_43 = vector.broadcast %logistic3A_42 : f32 to vector<2000x32xf32>
    %logistic3A_44 = arith.addf %logistic3A_43, %logistic3A_41 : vector<2000x32xf32>
    %logistic3A_45 = arith.divf %logistic3A_43, %logistic3A_44 : vector<2000x32xf32>
    %mul3A_46 = arith.mulf %add3A_40, %logistic3A_45 : vector<2000x32xf32>
    %get3A_47 = arith.constant 0 : index
    %get3A_48 = arith.constant 0 : index
    %get3A_49 = vector.load %arg1[%get3A_47, %get3A_48] : memref<2000x32xf32, #tpu.memory_space<vmem>>, vector<2000x32xf32>
    %get3A_50 = arith.constant 0 : index
    %get3A_51 = arith.constant 0 : index
    %get3A_52 = vector.load %arg11[%get3A_50, %get3A_51] : memref<32x32xf32, #tpu.memory_space<vmem>>, vector<32x32xf32>
    %dot_general3A_53 = arith.constant dense<0.000000e+00> : vector<2000x32xf32>
    %dot_general3A_54 = tpu.matmul %mul3A_46, %get3A_52, %dot_general3A_53 {dimension_numbers = #tpu.dot_dimension_numbers<[1], [0], [0], [1], [0, 0, 1, 1], [], []>, transpose_lhs_hint = false} : vector<2000x32xf32>, vector<32x32xf32>, vector<2000x32xf32> -> vector<2000x32xf32>
    %add3A_55 = arith.addf %get3A_49, %dot_general3A_54 : vector<2000x32xf32>
    %get3A_56 = arith.constant 0 : index
    %get3A_57 = arith.constant 0 : index
    %get3A_58 = vector.load %arg12[%get3A_56, %get3A_57] : memref<1x32xf32, #tpu.memory_space<vmem>>, vector<1x32xf32>
    %add3A_59 = vector.broadcast %get3A_58 : vector<1x32xf32> to vector<2000x32xf32>
    %add3A_60 = arith.addf %add3A_55, %add3A_59 : vector<2000x32xf32>
    %get3A_61 = arith.constant 0 : index
    %get3A_62 = arith.constant 0 : index
    %get3A_63 = vector.load %arg13[%get3A_61, %get3A_62] : memref<32x32xf32, #tpu.memory_space<vmem>>, vector<32x32xf32>
    %dot_general3A_64 = arith.constant dense<0.000000e+00> : vector<2000x32xf32>
    %dot_general3A_65 = tpu.matmul %add3A_60, %get3A_63, %dot_general3A_64 {dimension_numbers = #tpu.dot_dimension_numbers<[1], [0], [0], [1], [0, 0, 1, 1], [], []>, transpose_lhs_hint = false} : vector<2000x32xf32>, vector<32x32xf32>, vector<2000x32xf32> -> vector<2000x32xf32>
    %get3A_66 = arith.constant 0 : index
    %get3A_67 = arith.constant 0 : index
    %get3A_68 = vector.load %arg14[%get3A_66, %get3A_67] : memref<1x32xf32, #tpu.memory_space<vmem>>, vector<1x32xf32>
    %add3A_69 = vector.broadcast %get3A_68 : vector<1x32xf32> to vector<2000x32xf32>
    %add3A_70 = arith.addf %dot_general3A_65, %add3A_69 : vector<2000x32xf32>
    %logistic3A_71 = arith.negf %add3A_70 : vector<2000x32xf32>
    %logistic3A_72 = math.exp %logistic3A_71 : vector<2000x32xf32>
    %logistic3A_73 = arith.constant 1.000000e+00 : f32
    %logistic3A_74 = vector.broadcast %logistic3A_73 : f32 to vector<2000x32xf32>
    %logistic3A_75 = arith.addf %logistic3A_74, %logistic3A_72 : vector<2000x32xf32>
    %logistic3A_76 = arith.divf %logistic3A_74, %logistic3A_75 : vector<2000x32xf32>
    %mul3A_77 = arith.mulf %add3A_70, %logistic3A_76 : vector<2000x32xf32>
    %get3A_78 = arith.constant 0 : index
    %get3A_79 = arith.constant 0 : index
    %get3A_80 = vector.load %arg15[%get3A_78, %get3A_79] : memref<32x16xf32, #tpu.memory_space<vmem>>, vector<32x16xf32>
    %dot_general3A_81 = arith.constant dense<0.000000e+00> : vector<2000x16xf32>
    %dot_general3A_82 = tpu.matmul %mul3A_77, %get3A_80, %dot_general3A_81 {dimension_numbers = #tpu.dot_dimension_numbers<[1], [0], [0], [1], [0, 0, 1, 1], [], []>, transpose_lhs_hint = false} : vector<2000x32xf32>, vector<32x16xf32>, vector<2000x16xf32> -> vector<2000x16xf32>
    %get3A_83 = arith.constant 0 : index
    %get3A_84 = arith.constant 0 : index
    %get3A_85 = vector.load %arg16[%get3A_83, %get3A_84] : memref<1x16xf32, #tpu.memory_space<vmem>>, vector<1x16xf32>
    %add3A_86 = vector.broadcast %get3A_85 : vector<1x16xf32> to vector<2000x16xf32>
    %add3A_87 = arith.addf %dot_general3A_82, %add3A_86 : vector<2000x16xf32>
    %swap3A = arith.constant 0 : index
    %swap3A_88 = arith.constant 0 : index
    %swap3A_89 = vector.load %arg17[%swap3A, %swap3A_88] : memref<2000x16xf32, #tpu.memory_space<vmem>>, vector<2000x16xf32>
    tpu.vector_store %arg17[%swap3A, %swap3A_88], %add3A_87 {strides = array<i32>} : memref<2000x16xf32, #tpu.memory_space<vmem>>, vector<2000x16xf32>,
    return
  }
  func.func @transform_0(%arg0: i32) -> (i32, i32) {
    %c0_i32 = arith.constant 0 : i32
    %c0_i32_0 = arith.constant 0 : i32
    return %arg0, %c0_i32 : i32, i32
  }
  func.func @transform_1(%arg0: i32) -> (i32, i32) {
    %c0_i32 = arith.constant 0 : i32
    %c0_i32_0 = arith.constant 0 : i32
    return %arg0, %c0_i32 : i32, i32
  }
  func.func @transform_2(%arg0: i32) -> (i32, i32) {
    %c0_i32 = arith.constant 0 : i32
    %c0_i32_0 = arith.constant 0 : i32
    return %arg0, %c0_i32 : i32, i32
  }
  func.func @transform_3(%arg0: i32) -> (i32, i32) {
    %c0_i32 = arith.constant 0 : i32
    %c0_i32_0 = arith.constant 0 : i32
    return %arg0, %c0_i32 : i32, i32
  }
  func.func @transform_4(%arg0: i32) -> (i32, i32) {
    %c0_i32 = arith.constant 0 : i32
    %c0_i32_0 = arith.constant 0 : i32
    return %arg0, %c0_i32 : i32, i32
  }
  func.func @transform_5(%arg0: i32) -> (i32, i32) {
    %c0_i32 = arith.constant 0 : i32
    %c0_i32_0 = arith.constant 0 : i32
    %c0_i32_1 = arith.constant 0 : i32
    return %c0_i32, %c0_i32_0 : i32, i32
  }
  func.func @transform_6(%arg0: i32) -> (i32, i32) {
    %c0_i32 = arith.constant 0 : i32
    %c0_i32_0 = arith.constant 0 : i32
    %c0_i32_1 = arith.constant 0 : i32
    return %c0_i32, %c0_i32_0 : i32, i32
  }
  func.func @transform_7(%arg0: i32) -> (i32, i32) {
    %c0_i32 = arith.constant 0 : i32
    %c0_i32_0 = arith.constant 0 : i32
    %c0_i32_1 = arith.constant 0 : i32
    return %c0_i32, %c0_i32_0 : i32, i32
  }
  func.func @transform_8(%arg0: i32) -> (i32, i32) {
    %c0_i32 = arith.constant 0 : i32
    %c0_i32_0 = arith.constant 0 : i32
    %c0_i32_1 = arith.constant 0 : i32
    return %c0_i32, %c0_i32_0 : i32, i32
  }
  func.func @transform_9(%arg0: i32) -> (i32, i32) {
    %c0_i32 = arith.constant 0 : i32
    %c0_i32_0 = arith.constant 0 : i32
    %c0_i32_1 = arith.constant 0 : i32
    return %c0_i32, %c0_i32_0 : i32, i32
  }
  func.func @transform_10(%arg0: i32) -> (i32, i32) {
    %c0_i32 = arith.constant 0 : i32
    %c0_i32_0 = arith.constant 0 : i32
    %c0_i32_1 = arith.constant 0 : i32
    return %c0_i32, %c0_i32_0 : i32, i32
  }
  func.func @transform_11(%arg0: i32) -> (i32, i32) {
    %c0_i32 = arith.constant 0 : i32
    %c0_i32_0 = arith.constant 0 : i32
    %c0_i32_1 = arith.constant 0 : i32
    return %c0_i32, %c0_i32_0 : i32, i32
  }
  func.func @transform_12(%arg0: i32) -> (i32, i32) {
    %c0_i32 = arith.constant 0 : i32
    %c0_i32_0 = arith.constant 0 : i32
    %c0_i32_1 = arith.constant 0 : i32
    return %c0_i32, %c0_i32_0 : i32, i32
  }
  func.func @transform_13(%arg0: i32) -> (i32, i32) {
    %c0_i32 = arith.constant 0 : i32
    %c0_i32_0 = arith.constant 0 : i32
    %c0_i32_1 = arith.constant 0 : i32
    return %c0_i32, %c0_i32_0 : i32, i32
  }
  func.func @transform_14(%arg0: i32) -> (i32, i32) {
    %c0_i32 = arith.constant 0 : i32
    %c0_i32_0 = arith.constant 0 : i32
    %c0_i32_1 = arith.constant 0 : i32
    return %c0_i32, %c0_i32_0 : i32, i32
  }
  func.func @transform_15(%arg0: i32) -> (i32, i32) {
    %c0_i32 = arith.constant 0 : i32
    %c0_i32_0 = arith.constant 0 : i32
    %c0_i32_1 = arith.constant 0 : i32
    return %c0_i32, %c0_i32_0 : i32, i32
  }
  func.func @transform_16(%arg0: i32) -> (i32, i32) {
    %c0_i32 = arith.constant 0 : i32
    %c0_i32_0 = arith.constant 0 : i32
    return %arg0, %c0_i32 : i32, i32
  }
}

</mosaic_0001>

<sc_bundles>
// kernel: kernel.12.cloned.1.call-start
scs
__scs_entry_jumppad:
0x0: {  	(pc) =	sbr.rel $0x88, $3  }
0x1: {  	(tag) =	ssettag $0x0;
	lr =	simm.s32 $0x1  }
0x2: {  	[smem:$0x3F82] =	sst lr;
	_ =	strace $0xD0000000  }
0x3: {  	_ = 	snop  }
0x4: {  	_ = 	snop  }
0x5: {  	_ = 	snop  }
0x6: {  	_ = 	snop  }
0x7: {  	_ = 	snop  }
__scs_overlays_trampoline_lowered:
0x8: {  	[smem:$0x3F91] =	sst s0  }
0x9: {  	[smem:$0x3F92] =	sst s1  }
0xa: {  	[smem:$0x3F93] =	sst s2  }
0xb: {  	[smem:$0x3F94] =	sst s3  }
0xc: {  	[smem:$0x3F95] =	sst s4  }
0xd: {  	[smem:$0x3F96] =	sst s5  }
0xe: {  	[smem:$0x3F97] =	sst s6  }
0xf: {  	[smem:$0x3F98] =	sst s7  }
0x10: {  	[smem:$0x3F99] =	sst s8  }
0x11: {  	[smem:$0x3F9A] =	sst s9;
	s0 =	simm.s32 @!p0 $0x0  }
0x12: {  	s1 =	sld [smem:$0x3F80];
	s0 =	simm.s32 @p0 $0x1  }
0x13: {  	[smem:$0x3F9B] =	sst s0;
	s0 =	simm.s32 @!p1 $0x0  }
0x14: {  	s2 =	sld [smem:$0x3F7F];
	s0 =	simm.s32 @p1 $0x1  }
0x15: {  	[smem:$0x3F9C] =	sst s0;
	s0 =	simm.s32 @!p2 $0x0  }
0x16: {  	s3 =	sld [smem:$0x3FDB];
	s0 =	simm.s32 @p2 $0x1  }
0x17: {  	s4 =	simm.s32 $0x1BF5;
	[smem:$0x3F9E] =	sst s0  }
0x18: {  	s0 =	sld [smem:$0x3F81];
	_ =	swait.ge [sflag:s4], $0x0  }
0x19: {  	s7 =	sld [smem:$0x3F82]  }
0x1a: {  	s8 =	sadd.s32 $0xFFFFE003, lr  }
0x1b: {  	s9 =	sadd.s32 $0xFFFFFEF7, lr;
	s5 =	simm.s32 $0xFFFFFFFF;
	p2 =	slt.u32 s8, $0xFFFFF086  }
0x1c: {  	p1 =	slt.u32 s9, $0xF7A;
	s5 =	simm.s32 @!p2 $0x0  }
0x1d: {  	s5 =	simm.s32 @p1 $0x1;
	p0 =	seq.s32 s7, s2  }
0x1e: {  	s7 =	smul.u32 @!p0 $0xF7A, s2;
	p2 =	seq.s32 @!p0 s5, $0x0  }
0x1f: {  	s9 =	smul.u32 $0xF7A, s1;
	s8 =	simm.s32 @!p0 $0x1BF5;
	p2 =	por !p2, p0  }
0x20: {  	[sflag:s8] =	ssyncset.s32 @!p0 $0xFFFFF086;
	s6 =	sadd.s32 @!p0 s3, s7;
	s7 =	simm.s32 @!p0 $0x108  }
0x21: {  	s3 =	sadd.s32 s3, s9;
	s6 =	sadd.s32 @!p0 $0x88, s6;
	s7 =	simm.s32 @p2 $0x1082  }
0x22: {  	[simem:s7], [sflag:s8] =	dma.local @!p0 [hbm:s6], $0xF7A  }
0x23: {  	s9 =	sor.u32 $0xD0000000, s2;
	s6 =	simm.s32 $0x108;
	_ =	swait.ge @!p0 [sflag:s8], $0x0  }
0x24: {  	s3 =	sadd.s32 $0x88, s3;
	s6 =	simm.s32 @!p1 $0x1082;
	[sflag:s4] =	ssyncset.s32 $0xFFFFF086  }
0x25: {  	[simem:s6], [sflag:s4] =	dma.local [hbm:s3], $0xF7A  }
0x26: {  	[smem:$0x3F82] =	sst s1;
	(tag) =	ssettag s2;
	_ =	strace s9  }
0x27: {  	s1 =	sld [smem:$0x3F92]  }
0x28: {  	s2 =	sld [smem:$0x3F93]  }
0x29: {  	s4 =	sld [smem:$0x3F95]  }
0x2a: {  	p0 =	seq.s32 s5, $0x0;
	s5 =	sld [smem:$0x3F96]  }
0x2b: {  	s6 =	sld [smem:$0x3F97]  }
0x2c: {  	s7 =	sld [smem:$0x3F98]  }
0x2d: {  	s3 =	simm.s32 $0x108;
	s8 =	sld [smem:$0x3F99]  }
0x2e: {  	s3 =	simm.s32 @!p0 $0x1082;
	s9 =	sld [smem:$0x3F9A]  }
0x2f: {  	lr =	sadd.s32 s0, s3;
	s0 =	sld [smem:$0x3F91]  }
0x30: {  	s3 =	sld [smem:$0x3F94]  }
0x31: {  	[smem:$0x3F9D] =	sst s10  }
0x32: {  	s10 =	sld [smem:$0x3F9B];
	_ =	sdelay $0x3  }
0x33: {  	p0 =	seq.s32 s10, $0x1;
	s10 =	sld [smem:$0x3F9D];
	_ =	sdelay $0x3  }
0x34: {  	[smem:$0x3F9D] =	sst s10  }
0x35: {  	s10 =	sld [smem:$0x3F9C];
	_ =	sdelay $0x3  }
0x36: {  	p1 =	seq.s32 s10, $0x1;
	s10 =	sld [smem:$0x3F9D];
	_ =	sdelay $0x3  }
0x37: {  	[smem:$0x3F9D] =	sst s10  }
0x38: {  	s10 =	sld [smem:$0x3F9E]  }
0x39: {  	_ = 	snop;
	(pc) =	sbr.ind lr, $3  }
0x3a: {  	_ = 	snop  }
0x3b: {  	_ = 	snop  }
0x3c: {  	p2 =	seq.s32 s10, $0x1;
	s10 =	sld [smem:$0x3F9D]  }
0x3d: {  	_ =	shalt  }
0x3e: {  	_ =	shalt  }
0x3f: {  	_ =	shalt  }
0x40: {  	_ =	shalt  }
0x41: {  	_ =	shalt  }
0x42: {  	_ =	shalt  }
0x43: {  	_ =	shalt  }
0x44: {  	_ =	shalt  }
0x45: {  	_ =	shalt  }
0x46: {  	_ =	shalt  }
0x47: {  	_ =	shalt  }
0x48: {  	_ =	shalt  }
0x49: {  	_ =	shalt  }
0x4a: {  	_ =	shalt  }
0x4b: {  	_ =	shalt  }
0x4c: {  	_ =	shalt  }
0x4d: {  	_ =	shalt  }
0x4e: {  	_ =	shalt  }
0x4f: {  	_ =	shalt  }
0x50: {  	_ =	shalt  }
0x51: {  	_ =	shalt  }
0x52: {  	_ =	shalt  }
0x53: {  	_ =	shalt  }
0x54: {  	_ =	shalt  }
0x55: {  	_ =	shalt  }
0x56: {  	_ =	shalt  }
0x57: {  	_ =	shalt  }
0x58: {  	_ =	shalt  }
0x59: {  	_ =	shalt  }
0x5a: {  	_ =	shalt  }
0x5b: {  	_ =	shalt  }
0x5c: {  	_ =	shalt  }
0x5d: {  	_ =	shalt  }
0x5e: {  	_ =	shalt  }
0x5f: {  	_ =	shalt  }
0x60: {  	_ =	shalt  }
0x61: {  	_ =	shalt  }
0x62: {  	_ =	shalt  }
0x63: {  	_ =	shalt  }
0x64: {  	_ =	shalt  }
0x65: {  	_ =	shalt  }
0x66: {  	_ =	shalt  }
0x67: {  	_ =	shalt  }
0x68: {  	_ =	shalt  }
0x69: {  	_ =	shalt  }
0x6a: {  	_ =	shalt  }
0x6b: {  	_ =	shalt  }
0x6c: {  	_ =	shalt  }
0x6d: {  	_ =	shalt  }
0x6e: {  	_ =	shalt  }
0x6f: {  	_ =	shalt  }
0x70: {  	_ =	shalt  }
0x71: {  	_ =	shalt  }
0x72: {  	_ =	shalt  }
0x73: {  	_ =	shalt  }
0x74: {  	_ =	shalt  }
0x75: {  	_ =	shalt  }
0x76: {  	_ =	shalt  }
0x77: {  	_ =	shalt  }
0x78: {  	_ =	shalt  }
0x79: {  	_ =	shalt  }
0x7a: {  	_ =	shalt  }
0x7b: {  	_ =	shalt  }
0x7c: {  	_ =	shalt  }
0x7d: {  	_ =	shalt  }
0x7e: {  	_ =	shalt  }
0x7f: {  	_ =	shalt  }
0x80: {  	_ =	shalt  }
0x81: {  	_ =	shalt  }
0x82: {  	_ =	shalt  }
0x83: {  	_ =	shalt  }
0x84: {  	_ =	shalt  }
0x85: {  	_ =	shalt  }
0x86: {  	_ =	shalt  }
0x87: {  	_ =	shalt  }
.Lfunc_end0:
.L_simem_size_0:
called_computation_lowered:
.L_overlay_start_0:
0x88: {  	s2 =	sld [smem:$0x3FD9]  }
0x89: {  	s3 =	sld [smem:$0x3FFE];
	_ =	sdelay $0x1  }
0x8a: {  	s1 =	srdreg.scid  }
0x8b: {  	s0 =	sand.u32 $0x1, s1  }
0x8c: {  	s17 =	sshll.u32 s0, $0xA;
	s2 =	sadd.s32 s3, s2  }
0x8d: {  	s2 =	sadd.s32 s2, s17  }
0x8e: {  	[smem:$0x3FA9] =	sst s2  }
0x8f: {  	_ = 	snop  }
0x90: {  	s18 =	sld [smem:$0x3FD0];
	(tm) =	ssettm $0x1  }
0x91: {  	s19 =	sld [smem:$0x3FFB];
	_ =	sdelay $0x3  }
0x92: {  	_ =	strace s19  }
0x93: {  	s2 =	sld [smem:$0x3FFC];
	_ =	sdelay $0x3  }
0x94: {  	_ =	strace s2  }
0x95: {  	s2 =	sld [smem:$0x3FFD];
	_ =	sdelay $0x3  }
0x96: {  	_ =	strace s2  }
0x97: {  	_ =	strace $0x8FFFFFFF  }
0x98: {  	s20 =	sld [smem:$0x3FDB];
	_ =	sdelay $0x1  }
0x99: {  	s4 =	simm.s32 $_scs_section_size  }
0x9a: {  	s5 =	simm.s32 $_size__tile_overlayer_lowered;
	s6 =	simm.s32 $_tile_overlayer_lowered  }
0x9b: {  	s7 =	simm.s32 $0x1BFF;
	s21 =	sshll.u32 s6, $0x1;
	s4 =	sadd.s32 s4, s20  }
0x9c: {  	s22 =	simm.s32 $0x0;
	s5 =	sshll.u32 s5, $0x1;
	s6 =	sadd.s32 s21, s4  }
0x9d: {  	[timem:s22], [sflag:s7] =	dma.local [hbm:s6], s5  }
0x9e: {  	_ =	swait.ge [sflag:s7], s5  }
0x9f: {  	s5 =	ssub.s32 $0x0, s5;
	[sflag:s7] =	ssyncset.done $0x0  }
0xa0: {  	[sflag:s7] =	ssyncadd.s32 s5;
	_ =	sdelay $0x1  }
0xa1: {  	s23 =	simm.s32 $0x1B8B  }
0xa2: {  	_ =	swait.ge [sflag:s23], $0x1  }
0xa3: {  	[sflag:s23] =	ssyncset.done $0x0  }
0xa4: {  	[sflag:s23] =	ssyncadd.s32 $0xFFFFFFFF  }
0xa5: {  	s5 =	sld [smem:$0x0]  }
0xa6: {  	s6 =	sand.u32 $0xFFFFFFFE, s1  }
0xa7: {  	p0 =	sne.s32 s1, s6  }
0xa8: {  	s6 =	sshll.u32 @p0 s6, $0xE  }
0xa9: {  	s6 =	sadd.s32 @p0 $0x11B8D, s6;
	s7 =	sshll.u32 @p0 s5, $0x11  }
0xaa: {  	s6 =	sor.u32 @p0 s7, s6  }
0xab: {  	[sflag:s6] =	ssyncadd.remote.s32 @p0 $0x1;
	_ =	sdelay $0x1  }
0xac: {  	s6 =	simm.s32 @p0 $0x1B8D  }
0xad: {  	_ =	swait.eq @p0 [sflag:s6], $0x1  }
0xae: {  	[sflag:s6] =	ssyncadd.s32 @p0 $0xFFFFFFFF  }
0xaf: {  	s7 =	sshll.u32 @!p0 s1, $0xE  }
0xb0: {  	s7 =	sor.u32 @!p0 $0x4000, s7;
	s6 =	simm.s32 @!p0 $0x1B8D  }
0xb1: {  	s5 =	sshll.u32 @!p0 s5, $0x11;
	s7 =	sadd.s32 @!p0 $0x11B8D, s7;
	_ =	swait.eq @!p0 [sflag:s6], $0x1  }
0xb2: {  	s5 =	sor.u32 @!p0 s5, s7;
	[sflag:s6] =	ssyncadd.s32 @!p0 $0xFFFFFFFF  }
0xb3: {  	s25 =	simm.s32 $0x1B8E;
	s24 =	sld [smem:$0x3FFE];
	[sflag:s5] =	ssyncadd.remote.s32 @!p0 $0x1  }
0xb4: {  	s26 =	simm.s32 $execute0_lowered;
	[smem:$0x3FD2] =	sst s25  }
0xb5: {  	s6 =	sshll.u32 s26, $0x1;
	_ =	strace $0x80000049;
	[dreg:$0x1] =	wrdreg $0xFFFFFFFF  }
0xb6: {  	s28 =	simm.s32 $_size_execute0_lowered;
	s4 =	sadd.s32 s4, s6;
	[dreg:$0x0] =	wrdreg $0x0  }
0xb7: {  	s6 =	sshll.u32 s28, $0x1;
	[dreg:$0x2] =	wrdreg s4  }
0xb8: {  	[dreg:$0x3] =	wrdreg s6  }
0xb9: {  	[dreg:$0x4] =	wrdreg $0xC0  }
0xba: {  	_ =	task [dreg:s22], $0x5FFFF  }
0xbb: {  	[dreg:$0x1] =	wrdreg $0xFFFFFFFF  }
0xbc: {  	[dreg:$0x0] =	wrdreg $0x60  }
0xbd: {  	[dreg:$0x2] =	wrdreg s24  }
0xbe: {  	[dreg:$0x3] =	wrdreg s18  }
0xbf: {  	[dreg:$0x4] =	wrdreg $0x66000  }
0xc0: {  	[dreg:$0x5] =	wrdreg $0x9  }
0xc1: {  	_ =	task.clear_ibuf [dreg:s22], $0x6FFFF;
	_ =	strace $0x90000049  }
0xc2: {  	s29 =	simm.s32 $0x9;
	_ =	strace $0x8000004B  }
0xc3: {  	_ =	swait.ge [sflag:s29], $0x1  }
0xc4: {  	[sflag:s29] =	ssyncadd.s32 $0xFFFFFFFF  }
0xc5: {  	_ =	strace $0x9000004B  }
0xc6: {  	_ =	sfence  }
0xc7: {  	s30 =	sld [smem:$0x0];
	_ =	sdelay $0x2  }
0xc8: {  	s31 =	sshll.u32 s1, $0xD;
	s1 =	sshrl.u32 s1, $0x2  }
0xc9: {  	s4 =	sand.u32 $0x4000, s31;
	s1 =	sadd.s32 s1, s30  }
0xca: {  	s0 =	sor.u32 s4, s0;
	s1 =	sshll.u32 s1, $0x11  }
0xcb: {  	s0 =	sor.u32 s1, s0  }
0xcc: {  	s0 =	sadd.s32 $0x8F2B, s0  }
0xcd: {  	[sflag:s0] =	ssyncadd.remote.s32 $0x1  }
0xce: {  	_ =	sfence.sel $0xFFFF  }
0xcf: {  	[dreg:$0x0] =	wrdreg $0xFFFFFFFF;
	(pc) =	sbr.abs _section_cstart, $3  }
0xd0: {  	[dreg:$0x1] =	wrdreg $0xFFFFFFFF  }
0xd1: {  	_ =	task.clear_ibuf [dreg:s22], $0x2FFFF;
	_ =	strace $0x9FFFFFFF  }
0xd2: {  	(tm) =	ssettm $0x7FFFFFFF  }
0xd3: {  	_ =	shalt  }
tec
execute0_lowered:
.L_overlay_start_1:
0x0: {  	(tag) =	ssettag $0x1  }
0x1: {  	s4 =	rddreg [dreg:$0x0]  }
0x2: {  	s0 =	srdreg.scid;
	s6 =	rddreg [dreg:$0x1]  }
0x3: {  	s8 =	stileid.u32;
	s1 =	rddreg [dreg:$0x2];
	s2 =	simm.s32 $0x0  }
0x4: {  	s13 =	simm.s32 $0x0;
	s5 =	sand.u32 $0x1, s0;
	s31 =	sshll.u32 s8, $0x1  }
0x5: {  	s0 =	rddreg [dreg:$0x3];
	s3 =	sor.u32 s5, s31;
	s12 =	smul.u32 $0xC350, s5  }
0x6: {  	[smem:$0x7FF] =	sst s2;
	s10 =	ssub.s32 $0x2, s5;
	s7 =	smul.u32 $0xC40, s3  }
0x7: {  	_ =	strace $0x8000004A;
	s9 =	smul.u32 $0xFFFFFF3C, s3;
	s11 =	sshrl.u32 s10, $0x1  }
0x8: {  	s3 =	sadd.s32 $0x9A400, s4;
	s10 =	ssub.s32 s10, s11;
	s6 =	sadd.s32 s6, s12  }
0x9: {  	s11 =	simm.s32 $0x1;
	s12 =	simm.s32 $0x80;
	p0 =	slt.s32 s9, $0xFFFFE85A  }
0xa: {  	s7 =	sadd.s32 s7, s4;
	s4 =	sadd.s32 $0xA6800, s4;
	s9 =	simm.s32 @!p0 $0xFFFFE85A  }
0xb: {  	s5 =	sadd.s32 $0x81C00, s7;
	s7 =	smax.u32 s10, $0x1;
	p0 =	sne.s32 s8, $0x0  }
0xc: {  	s10 =	simm.s32 $0x6200;
	s8 =	sadd.s32 $0x1869, s9;
	s9 =	sshrl.u32 @!p0 s1, $0x3  }
.LBB2_1:
0xd: {  	s15 =	simm.s32 @!p0 $0x1C01;
	s14 =	simm.s32 @!p0 $0x1  }
0xe: {  	[spmem:s9], [sflag:s15] =	dma.local @!p0 [hbm:s3], $0xC350  }
0xf: {  	_ =	swait.ge @!p0 [sflag:s14], $0xC350  }
0x10: {  	[sflag:s14] =	ssyncset.done @!p0 $0x0  }
0x11: {  	[sflag:s14] =	ssyncadd.s32 @!p0 $0xFFFF3CB0  }
0x12: {  	[tilespmem:s10], [sflag:$0x1] =	stream.linear.gather [hbm4b:s4+s2], $0x400, $0x38;
	[tilespmem:$0x96D8] =	vst v63  }
0x13: {  	_ =	swait.ge [sflag:s11], $0x400  }
0x14: {  	[sflag:s11] =	ssyncset.done $0x0  }
0x15: {  	[sflag:s11] =	ssyncadd.s32 $0xFFFFFC00  }
0x16: {  	[tilespmem:s2], [sflag:$0x1] =	stream.linear.gather [hbm4b:s5+s2], $0x6200, $0x38;
	[tilespmem:$0x96D8] =	vst v63  }
0x17: {  	_ =	swait.ge [sflag:s11], $0x6200  }
0x18: {  	p1 =	sgt.u32 s8, $0x0;
	[sflag:s11] =	ssyncset.done $0x0  }
.Ltmp0:
0x19: {  	[sflag:s11] =	ssyncadd.s32 $0xFFFF9E00;
	(pc) =	sbr.rel @!p1 .LBB2_3-.Ltmp0, $4  }
0x1a: {  	[bflag:$0x0] =	sbarrier.arrive $0xFFFF  }
0x1b: {  	[spmem:s1] =	stream.indirect.scatter.add.f32 [tilespmem:s10], [sflag:$0x1], $0x4, s2, s12, $0xb8;
	[tilespmem:$0x96D8] =	vst v63  }
0x1c: {  	_ =	swait.ge [sflag:s11], $0x200  }
0x1d: {  	s16 =	simm.s32 $0x0;
	s17 =	simm.s32 $0x0;
	[sflag:s11] =	ssyncset.done $0x0  }
.LBB2_2:
0x1e: {  	s16 =	sadd.s32 $0x1, s16  }
0x1f: {  	[sflag:s11] =	ssyncadd.s32 $0xFFFFFE00;
	s17 =	sadd.s32 $0x80, s17;
	p1 =	slt.u32 s16, s8  }
.Ltmp1:
0x20: {  	(pc) =	sbr.rel @p1 .LBB2_2-.Ltmp1, $4  }
0x21: {  	_ = 	snop  }
0x22: {  	[spmem:s1] =	stream.indirect.scatter.add.f32 [tilespmem:s10], [sflag:$0x1], $0x4, s17, s12, $0xb8;
	[tilespmem:$0x96D8] =	vst v63  }
0x23: {  	_ =	swait.ge [sflag:s11], $0x200  }
0x24: {  	[sflag:s11] =	ssyncset.done $0x0  }
.LBB2_3:
0x25: {  	s13 =	sadd.s32 $0x1, s13  }
0x26: {  	[sflag:s11] =	ssyncadd.s32 $0xFFFFFE00;
	p1 =	sne.s32 s13, s7  }
.Ltmp2:
0x27: {  	[bflag:$0x0] =	sbarrier.arrive $0xFFFF;
	(pc) =	sbr.rel @p1 .LBB2_1-.Ltmp2, $4  }
0x28: {  	[hbm:s6], [sflag:s15] =	dma.local @!p0 [spmem:s9], $0xC350  }
0x29: {  	_ =	swait.ge @!p0 [sflag:s14], $0xC350  }
0x2a: {  	[sflag:s14] =	ssyncset.done @!p0 $0x0  }
0x2b: {  	[sflag:s14] =	ssyncadd.s32 @!p0 $0xFFFF3CB0  }
0x2c: {  	_ =	sfence.sel $0x180000  }
0x2d: {  	[bflag:$0x0] =	sbarrier.arrive $0xFFFF  }
0x2e: {  	_ =	strace $0x9000004A  }
0x2f: {  	s0 =	sadd.s32 @!p0 $0x100000, s0;
	[bflag:$0x2] =	sbarrier.arrive $0xFFFF  }
0x30: {  	[sflag:s0] =	ssyncadd.tile.s32 @!p0 $0x1;
	_ =	shalt  }
.Lfunc_end2:
_tile_overlayer_lowered:
.L_overlay_start_2:
0x31: {  	(tag) =	ssettag $0x2  }
0x32: {  	s0 =	rddreg [dreg:$0x0];
	s2 =	stileid.u32  }
0x33: {  	s1 =	rddreg [dreg:$0x1];
	p0 =	sne.s32 s2, $0x0  }
0x34: {  	s3 =	rddreg [dreg:$0x2];
	[bflag:$0x3] =	sbarrier.arrive $0xFFFF;
	s2 =	simm.s32 @!p0 $0x1C01  }
0x35: {  	[timem:s3], [sflag:s2] =	dma.local @!p0 [hbm:s0], s1  }
0x36: {  	s0 =	simm.s32 @!p0 $0x1  }
0x37: {  	_ =	swait.ge @!p0 [sflag:s0], s1  }
0x38: {  	s1 =	ssub.s32 @!p0 $0x0, s1;
	[sflag:s0] =	ssyncset.done @!p0 $0x0  }
0x39: {  	[sflag:s0] =	ssyncadd.s32 @!p0 s1  }
0x3a: {  	[bflag:$0x3] =	sbarrier.arrive $0xFFFF  }
0x3b: {  	_ =	shalt  }

// kernel: kernel.15.cloned.1.call-start
scs
__scs_entry_jumppad:
0x0: {  	(pc) =	sbr.rel $0x88, $3  }
0x1: {  	(tag) =	ssettag $0x0;
	lr =	simm.s32 $0x1  }
0x2: {  	[smem:$0x3F82] =	sst lr;
	_ =	strace $0xD0000000  }
0x3: {  	_ = 	snop  }
0x4: {  	_ = 	snop  }
0x5: {  	_ = 	snop  }
0x6: {  	_ = 	snop  }
0x7: {  	_ = 	snop  }
__scs_overlays_trampoline_lowered:
0x8: {  	[smem:$0x3F91] =	sst s0  }
0x9: {  	[smem:$0x3F92] =	sst s1  }
0xa: {  	[smem:$0x3F93] =	sst s2  }
0xb: {  	[smem:$0x3F94] =	sst s3  }
0xc: {  	[smem:$0x3F95] =	sst s4  }
0xd: {  	[smem:$0x3F96] =	sst s5  }
0xe: {  	[smem:$0x3F97] =	sst s6  }
0xf: {  	[smem:$0x3F98] =	sst s7  }
0x10: {  	[smem:$0x3F99] =	sst s8  }
0x11: {  	[smem:$0x3F9A] =	sst s9;
	s0 =	simm.s32 @!p0 $0x0  }
0x12: {  	s1 =	sld [smem:$0x3F80];
	s0 =	simm.s32 @p0 $0x1  }
0x13: {  	[smem:$0x3F9B] =	sst s0;
	s0 =	simm.s32 @!p1 $0x0  }
0x14: {  	s2 =	sld [smem:$0x3F7F];
	s0 =	simm.s32 @p1 $0x1  }
0x15: {  	[smem:$0x3F9C] =	sst s0;
	s0 =	simm.s32 @!p2 $0x0  }
0x16: {  	s3 =	sld [smem:$0x3FDB];
	s0 =	simm.s32 @p2 $0x1  }
0x17: {  	s4 =	simm.s32 $0x1BF5;
	[smem:$0x3F9E] =	sst s0  }
0x18: {  	s0 =	sld [smem:$0x3F81];
	_ =	swait.ge [sflag:s4], $0x0  }
0x19: {  	s7 =	sld [smem:$0x3F82]  }
0x1a: {  	s8 =	sadd.s32 $0xFFFFE003, lr  }
0x1b: {  	s9 =	sadd.s32 $0xFFFFFEF7, lr;
	s5 =	simm.s32 $0xFFFFFFFF;
	p2 =	slt.u32 s8, $0xFFFFF086  }
0x1c: {  	p1 =	slt.u32 s9, $0xF7A;
	s5 =	simm.s32 @!p2 $0x0  }
0x1d: {  	s5 =	simm.s32 @p1 $0x1;
	p0 =	seq.s32 s7, s2  }
0x1e: {  	s7 =	smul.u32 @!p0 $0xF7A, s2;
	p2 =	seq.s32 @!p0 s5, $0x0  }
0x1f: {  	s9 =	smul.u32 $0xF7A, s1;
	s8 =	simm.s32 @!p0 $0x1BF5;
	p2 =	por !p2, p0  }
0x20: {  	[sflag:s8] =	ssyncset.s32 @!p0 $0xFFFFF086;
	s6 =	sadd.s32 @!p0 s3, s7;
	s7 =	simm.s32 @!p0 $0x108  }
0x21: {  	s3 =	sadd.s32 s3, s9;
	s6 =	sadd.s32 @!p0 $0x88, s6;
	s7 =	simm.s32 @p2 $0x1082  }
0x22: {  	[simem:s7], [sflag:s8] =	dma.local @!p0 [hbm:s6], $0xF7A  }
0x23: {  	s9 =	sor.u32 $0xD0000000, s2;
	s6 =	simm.s32 $0x108;
	_ =	swait.ge @!p0 [sflag:s8], $0x0  }
0x24: {  	s3 =	sadd.s32 $0x88, s3;
	s6 =	simm.s32 @!p1 $0x1082;
	[sflag:s4] =	ssyncset.s32 $0xFFFFF086  }
0x25: {  	[simem:s6], [sflag:s4] =	dma.local [hbm:s3], $0xF7A  }
0x26: {  	[smem:$0x3F82] =	sst s1;
	(tag) =	ssettag s2;
	_ =	strace s9  }
0x27: {  	s1 =	sld [smem:$0x3F92]  }
0x28: {  	s2 =	sld [smem:$0x3F93]  }
0x29: {  	s4 =	sld [smem:$0x3F95]  }
0x2a: {  	p0 =	seq.s32 s5, $0x0;
	s5 =	sld [smem:$0x3F96]  }
0x2b: {  	s6 =	sld [smem:$0x3F97]  }
0x2c: {  	s7 =	sld [smem:$0x3F98]  }
0x2d: {  	s3 =	simm.s32 $0x108;
	s8 =	sld [smem:$0x3F99]  }
0x2e: {  	s3 =	simm.s32 @!p0 $0x1082;
	s9 =	sld [smem:$0x3F9A]  }
0x2f: {  	lr =	sadd.s32 s0, s3;
	s0 =	sld [smem:$0x3F91]  }
0x30: {  	s3 =	sld [smem:$0x3F94]  }
0x31: {  	[smem:$0x3F9D] =	sst s10  }
0x32: {  	s10 =	sld [smem:$0x3F9B];
	_ =	sdelay $0x3  }
0x33: {  	p0 =	seq.s32 s10, $0x1;
	s10 =	sld [smem:$0x3F9D];
	_ =	sdelay $0x3  }
0x34: {  	[smem:$0x3F9D] =	sst s10  }
0x35: {  	s10 =	sld [smem:$0x3F9C];
	_ =	sdelay $0x3  }
0x36: {  	p1 =	seq.s32 s10, $0x1;
	s10 =	sld [smem:$0x3F9D];
	_ =	sdelay $0x3  }
0x37: {  	[smem:$0x3F9D] =	sst s10  }
0x38: {  	s10 =	sld [smem:$0x3F9E]  }
0x39: {  	_ = 	snop;
	(pc) =	sbr.ind lr, $3  }
0x3a: {  	_ = 	snop  }
0x3b: {  	_ = 	snop  }
0x3c: {  	p2 =	seq.s32 s10, $0x1;
	s10 =	sld [smem:$0x3F9D]  }
0x3d: {  	_ =	shalt  }
0x3e: {  	_ =	shalt  }
0x3f: {  	_ =	shalt  }
0x40: {  	_ =	shalt  }
0x41: {  	_ =	shalt  }
0x42: {  	_ =	shalt  }
0x43: {  	_ =	shalt  }
0x44: {  	_ =	shalt  }
0x45: {  	_ =	shalt  }
0x46: {  	_ =	shalt  }
0x47: {  	_ =	shalt  }
0x48: {  	_ =	shalt  }
0x49: {  	_ =	shalt  }
0x4a: {  	_ =	shalt  }
0x4b: {  	_ =	shalt  }
0x4c: {  	_ =	shalt  }
0x4d: {  	_ =	shalt  }
0x4e: {  	_ =	shalt  }
0x4f: {  	_ =	shalt  }
0x50: {  	_ =	shalt  }
0x51: {  	_ =	shalt  }
0x52: {  	_ =	shalt  }
0x53: {  	_ =	shalt  }
0x54: {  	_ =	shalt  }
0x55: {  	_ =	shalt  }
0x56: {  	_ =	shalt  }
0x57: {  	_ =	shalt  }
0x58: {  	_ =	shalt  }
0x59: {  	_ =	shalt  }
0x5a: {  	_ =	shalt  }
0x5b: {  	_ =	shalt  }
0x5c: {  	_ =	shalt  }
0x5d: {  	_ =	shalt  }
0x5e: {  	_ =	shalt  }
0x5f: {  	_ =	shalt  }
0x60: {  	_ =	shalt  }
0x61: {  	_ =	shalt  }
0x62: {  	_ =	shalt  }
0x63: {  	_ =	shalt  }
0x64: {  	_ =	shalt  }
0x65: {  	_ =	shalt  }
0x66: {  	_ =	shalt  }
0x67: {  	_ =	shalt  }
0x68: {  	_ =	shalt  }
0x69: {  	_ =	shalt  }
0x6a: {  	_ =	shalt  }
0x6b: {  	_ =	shalt  }
0x6c: {  	_ =	shalt  }
0x6d: {  	_ =	shalt  }
0x6e: {  	_ =	shalt  }
0x6f: {  	_ =	shalt  }
0x70: {  	_ =	shalt  }
0x71: {  	_ =	shalt  }
0x72: {  	_ =	shalt  }
0x73: {  	_ =	shalt  }
0x74: {  	_ =	shalt  }
0x75: {  	_ =	shalt  }
0x76: {  	_ =	shalt  }
0x77: {  	_ =	shalt  }
0x78: {  	_ =	shalt  }
0x79: {  	_ =	shalt  }
0x7a: {  	_ =	shalt  }
0x7b: {  	_ =	shalt  }
0x7c: {  	_ =	shalt  }
0x7d: {  	_ =	shalt  }
0x7e: {  	_ =	shalt  }
0x7f: {  	_ =	shalt  }
0x80: {  	_ =	shalt  }
0x81: {  	_ =	shalt  }
0x82: {  	_ =	shalt  }
0x83: {  	_ =	shalt  }
0x84: {  	_ =	shalt  }
0x85: {  	_ =	shalt  }
0x86: {  	_ =	shalt  }
0x87: {  	_ =	shalt  }
.Lfunc_end0:
.L_simem_size_0:
called_computation.1_lowered:
.L_overlay_start_0:
0x88: {  	s2 =	sld [smem:$0x3FD9]  }
0x89: {  	s3 =	sld [smem:$0x3FFE];
	_ =	sdelay $0x1  }
0x8a: {  	s1 =	srdreg.scid  }
0x8b: {  	s0 =	sand.u32 $0x1, s1  }
0x8c: {  	s16 =	sshll.u32 s0, $0xA;
	s2 =	sadd.s32 s3, s2  }
0x8d: {  	s2 =	sadd.s32 s2, s16  }
0x8e: {  	[smem:$0x3FA9] =	sst s2  }
0x8f: {  	_ = 	snop  }
0x90: {  	(tm) =	ssettm $0x1  }
0x91: {  	s17 =	sld [smem:$0x3FFB];
	_ =	sdelay $0x3  }
0x92: {  	_ =	strace s17  }
0x93: {  	s2 =	sld [smem:$0x3FFC];
	_ =	sdelay $0x3  }
0x94: {  	_ =	strace s2  }
0x95: {  	s2 =	sld [smem:$0x3FFD];
	_ =	sdelay $0x3  }
0x96: {  	_ =	strace s2  }
0x97: {  	_ =	strace $0x8FFFFFFF  }
0x98: {  	s18 =	sld [smem:$0x3FDB];
	_ =	sdelay $0x1  }
0x99: {  	s19 =	simm.s32 $_scs_section_size  }
0x9a: {  	s4 =	simm.s32 $_size__tile_overlayer_lowered;
	s5 =	simm.s32 $_tile_overlayer_lowered  }
0x9b: {  	s22 =	simm.s32 $0x1BFF;
	s21 =	sshll.u32 s5, $0x1;
	s2 =	sadd.s32 s19, s18  }
0x9c: {  	s6 =	simm.s32 $0x0;
	s20 =	sshll.u32 s4, $0x1;
	s4 =	sadd.s32 s21, s2  }
0x9d: {  	[timem:s6], [sflag:s22] =	dma.local [hbm:s4], s20  }
0x9e: {  	_ =	swait.ge [sflag:s22], s20  }
0x9f: {  	s3 =	ssub.s32 $0x0, s20;
	[sflag:s22] =	ssyncset.done $0x0  }
0xa0: {  	[sflag:s22] =	ssyncadd.s32 s3;
	_ =	sdelay $0x1  }
0xa1: {  	s23 =	simm.s32 $0x1B8B  }
0xa2: {  	_ =	swait.ge [sflag:s23], $0x1  }
0xa3: {  	[sflag:s23] =	ssyncset.done $0x0  }
0xa4: {  	s25 =	simm.s32 $0x1B8E;
	s24 =	sld [smem:$0x3FFE];
	[sflag:s23] =	ssyncadd.s32 $0xFFFFFFFF  }
0xa5: {  	s26 =	simm.s32 $execute0_lowered;
	[smem:$0x3FD2] =	sst s25  }
0xa6: {  	s4 =	sshll.u32 s26, $0x1;
	_ =	strace $0x80000046;
	[dreg:$0x1] =	wrdreg $0xFFFFFFFF  }
0xa7: {  	s28 =	simm.s32 $_size_execute0_lowered;
	s2 =	sadd.s32 s2, s4;
	[dreg:$0x0] =	wrdreg $0x0  }
0xa8: {  	s4 =	sshll.u32 s28, $0x1;
	[dreg:$0x2] =	wrdreg s2  }
0xa9: {  	[dreg:$0x3] =	wrdreg s4  }
0xaa: {  	[dreg:$0x4] =	wrdreg $0xC0  }
0xab: {  	_ =	task [dreg:s6], $0x5FFFF  }
0xac: {  	[dreg:$0x1] =	wrdreg $0xFFFFFFFF  }
0xad: {  	[dreg:$0x0] =	wrdreg $0x60  }
0xae: {  	[dreg:$0x2] =	wrdreg s24  }
0xaf: {  	[dreg:$0x3] =	wrdreg $0xA  }
0xb0: {  	_ =	task.clear_ibuf [dreg:s6], $0x4FFFF;
	_ =	strace $0x90000046  }
0xb1: {  	s29 =	simm.s32 $0xA;
	_ =	strace $0x80000048  }
0xb2: {  	_ =	swait.ge [sflag:s29], $0x1  }
0xb3: {  	[sflag:s29] =	ssyncadd.s32 $0xFFFFFFFF  }
0xb4: {  	_ =	strace $0x90000048  }
0xb5: {  	_ =	sfence  }
0xb6: {  	s30 =	sld [smem:$0x0];
	_ =	sdelay $0x2  }
0xb7: {  	s31 =	sshll.u32 s1, $0xD;
	s1 =	sshrl.u32 s1, $0x2  }
0xb8: {  	s3 =	sand.u32 $0x4000, s31;
	s1 =	sadd.s32 s1, s30  }
0xb9: {  	s0 =	sor.u32 s3, s0;
	s1 =	sshll.u32 s1, $0x11  }
0xba: {  	s0 =	sor.u32 s1, s0  }
0xbb: {  	s0 =	sadd.s32 $0x8F2B, s0  }
0xbc: {  	[sflag:s0] =	ssyncadd.remote.s32 $0x1  }
0xbd: {  	_ =	sfence.sel $0xFFFF  }
0xbe: {  	[dreg:$0x0] =	wrdreg $0xFFFFFFFF;
	(pc) =	sbr.abs _section_cstart, $3  }
0xbf: {  	[dreg:$0x1] =	wrdreg $0xFFFFFFFF  }
0xc0: {  	_ =	task.clear_ibuf [dreg:s6], $0x2FFFF;
	_ =	strace $0x9FFFFFFF  }
0xc1: {  	(tm) =	ssettm $0x7FFFFFFF  }
tec
execute0_lowered:
.L_overlay_start_1:
0x0: {  	(tag) =	ssettag $0x1  }
0x1: {  	s0 =	srdreg.scid;
	s2 =	stileid.u32  }
0x2: {  	s1 =	rddreg [dreg:$0x0];
	s16 =	simm.s32 $0x7;
	s18 =	simm.s32 $0x80  }
0x3: {  	s19 =	simm.s32 $0x2;
	s20 =	simm.s32 $0x16400;
	s21 =	simm.s32 $0x3  }
0x4: {  	s22 =	simm.s32 $0x17400;
	s23 =	simm.s32 $0x4;
	s24 =	simm.s32 $0x5  }
0x5: {  	s25 =	simm.s32 $0x6;
	s0 =	sand.u32 $0x1, s0;
	s3 =	sshll.u32 s2, $0x1  }
0x6: {  	s26 =	simm.s32 $0x0;
	s2 =	simm.s32 $0x0;
	s9 =	sor.u32 s0, s3  }
0x7: {  	s4 =	sadd.s32 $0x38600, s1;
	s6 =	sadd.s32 $0x622400, s1;
	s5 =	smul.u32 $0xC40, s9  }
0x8: {  	[smem:$0x7FF] =	sst s2;
	s0 =	ssub.s32 $0x2, s0;
	s7 =	smul.u32 $0xFFFFFF3C, s9  }
0x9: {  	s3 =	sadd.s32 $0x7800, s1;
	s8 =	sshrl.u32 s0, $0x1;
	s10 =	smul.u32 $0x18800, s9  }
0xa: {  	_ =	strace $0x80000047;
	s14 =	smul.u32 $0xC4000, s9;
	s0 =	ssub.s32 s0, s8  }
0xb: {  	s8 =	smul.u32 $0x6200, s9;
	s11 =	sadd.s32 s5, s1;
	s5 =	sadd.s32 $0x315000, s1  }
.Ltmp0:
0xc: {  	p0 =	slt.s32 s7, $0xFFFFE85A;
	s15 =	smax.u32 s0, $0x1;
	(pc) =	sbr.rel .LBB2_1-.Ltmp0, $4  }
0xd: {  	s1 =	simm.s32 $0x1;
	s0 =	simm.s32 $0x15400;
	s29 =	sadd.s32 $0x69400, s11  }
0xe: {  	s10 =	sadd.s32 s5, s10;
	s30 =	sadd.s32 $0x81C00, s11;
	[dreg:$0x2] =	wrdreg s29  }
0xf: {  	s7 =	simm.s32 @!p0 $0xFFFFE85A;
	[dreg:$0x3] =	wrdreg s30;
	s31 =	sadd.s32 $0x200, s10  }
0x10: {  	s7 =	sadd.s32 $0x186A, s7;
	s13 =	sadd.s32 $0x400, s10;
	[dreg:$0x4] =	wrdreg s31  }
.LBB2_15:
0x11: {  	_ =	swait.ge [sflag:s23], $0x1000  }
0x12: {  	[sflag:s23] =	ssyncset.done $0x0  }
0x13: {  	s26 =	sadd.s32 $0x1, s26;
	[sflag:s23] =	ssyncadd.s32 $0xFFFFF000  }
0x14: {  	p0 =	sne.s32 s26, s15;
	_ =	swait.ge [sflag:s24], $0x1000  }
.Ltmp1:
0x15: {  	[sflag:s24] =	ssyncset.done $0x0;
	(pc) =	sbr.rel @!p0 .LBB2_16-.Ltmp1, $4  }
0x16: {  	[sflag:s24] =	ssyncadd.s32 $0xFFFFF000  }
0x17: {  	_ =	swait.ge [sflag:s25], $0x1000  }
0x18: {  	[sflag:s25] =	ssyncset.done $0x0  }
0x19: {  	[sflag:s25] =	ssyncadd.s32 $0xFFFFF000  }
.LBB2_1:
0x1a: {  	s9 =	rddreg [dreg:$0x2]  }
0x1b: {  	[tilespmem:s2], [sflag:$0x7] =	stream.linear.gather [hbm4b:s9+s2], $0x6200, $0x38;
	[tilespmem:$0x18400] =	vst v63  }
0x1c: {  	_ =	swait.ge [sflag:s16], $0x6200  }
0x1d: {  	[sflag:s16] =	ssyncset.done $0x0  }
0x1e: {  	s11 =	simm.s32 $0x6200;
	s29 =	rddreg [dreg:$0x3];
	[sflag:s16] =	ssyncadd.s32 $0xFFFF9E00  }
0x1f: {  	[tilespmem:s11], [sflag:$0x7] =	stream.linear.gather [hbm4b:s29+s2], $0x6200, $0x38;
	[tilespmem:$0x18400] =	vst v63  }
0x20: {  	_ =	swait.ge [sflag:s16], $0x6200  }
0x21: {  	[sflag:s16] =	ssyncset.done $0x0  }
0x22: {  	s30 =	simm.s32 $0xC400;
	[sflag:s16] =	ssyncadd.s32 $0xFFFF9E00  }
0x23: {  	[tilespmem:s30], [sflag:$0x1] =	stream.indirect.gather [hbm4b:s3+s18], $0x20, s2, s18, $0xb8;
	[tilespmem:$0x18400] =	vst v63  }
0x24: {  	s31 =	simm.s32 $0xF400  }
0x25: {  	[tilespmem:s31], [sflag:$0x1] =	stream.indirect.gather [hbm4b:s4+s18], $0x20, s11, s18, $0xb8;
	[tilespmem:$0x18400] =	vst v63  }
0x26: {  	s11 =	simm.s32 $0x12400  }
0x27: {  	[tilespmem:s11], [sflag:$0x1] =	stream.linear.gather [hbm4b:s10+s2], $0x1000, $0x38;
	[tilespmem:$0x18400] =	vst v63  }
0x28: {  	s12 =	simm.s32 $0xD400  }
0x29: {  	[tilespmem:s12], [sflag:$0x2] =	stream.indirect.gather [hbm4b:s3+s18], $0x20, s18, s18, $0xb8;
	[tilespmem:$0x18400] =	vst v63  }
0x2a: {  	s17 =	simm.s32 $0x6280;
	s29 =	simm.s32 $0x10400  }
0x2b: {  	[tilespmem:s29], [sflag:$0x2] =	stream.indirect.gather [hbm4b:s4+s18], $0x20, s17, s18, $0xb8;
	[tilespmem:$0x18400] =	vst v63  }
0x2c: {  	s30 =	rddreg [dreg:$0x4];
	s31 =	simm.s32 $0x13400  }
0x2d: {  	[tilespmem:s31], [sflag:$0x2] =	stream.linear.gather [hbm4b:s30+s2], $0x1000, $0x38;
	[tilespmem:$0x18400] =	vst v63  }
0x2e: {  	s12 =	simm.s32 $0x100;
	s17 =	simm.s32 $0xE400  }
0x2f: {  	[tilespmem:s17], [sflag:$0x3] =	stream.indirect.gather [hbm4b:s3+s18], $0x20, s12, s18, $0xb8;
	[tilespmem:$0x18400] =	vst v63  }
.Ltmp2:
0x30: {  	_ = 	snop;
	(pc) =	sbr.rel .LBB2_2-.Ltmp2, $4  }
0x31: {  	s29 =	simm.s32 $0x6300;
	s30 =	simm.s32 $0x11400  }
0x32: {  	[tilespmem:s30], [sflag:$0x3] =	stream.indirect.gather [hbm4b:s4+s18], $0x20, s29, s18, $0xb8;
	[tilespmem:$0x18400] =	vst v63  }
0x33: {  	s28 =	simm.s32 $0x0;
	s31 =	simm.s32 $0x14400  }
0x34: {  	[tilespmem:s31], [sflag:$0x3] =	stream.linear.gather [hbm4b:s13+s2], $0x1000, $0x38;
	[tilespmem:$0x18400] =	vst v63  }
.LBB2_14:
0x35: {  	s28 =	sadd.s32 $0x1, s28  }
0x36: {  	p0 =	sne.s32 s28, $0x42  }
.Ltmp3:
0x37: {  	_ = 	snop;
	(pc) =	sbr.rel @!p0 .LBB2_15-.Ltmp3, $1  }
0x38: {  	_ =	sdelay $0x3  }
.LBB2_2:
0x39: {  	s29 =	smul.u32 $0x3, s28;
	_ =	sdelay $0x1  }
0x3a: {  	p1 =	sge.u32 s29, s7  }
.Ltmp4:
0x3b: {  	_ = 	snop;
	(pc) =	sbr.rel @p1 .LBB2_6-.Ltmp4, $2  }
0x3c: {  	_ =	sdelay $0x2  }
0x3d: {  	p0 =	seq.s32 s28, $0x0  }
0x3e: {  	s9 =	simm.s32 @!p0 $0x4  }
0x3f: {  	_ =	swait.ge @!p0 [sflag:s9], $0x1000  }
0x40: {  	[sflag:s9] =	ssyncset.done @!p0 $0x0  }
0x41: {  	[sflag:s9] =	ssyncadd.s32 @!p0 $0xFFFFF000  }
0x42: {  	_ =	swait.ge [sflag:s1], $0x1000  }
0x43: {  	[sflag:s1] =	ssyncset.done $0x0  }
0x44: {  	[sflag:s1] =	ssyncadd.s32 $0xFFFFF000  }
0x45: {  	_ =	swait.ge [sflag:s1], $0x1000  }
0x46: {  	[sflag:s1] =	ssyncset.done $0x0  }
0x47: {  	[sflag:s1] =	ssyncadd.s32 $0xFFFFF000  }
0x48: {  	s30 =	simm.s32 $0xFFFFFFFC;
	_ =	swait.ge [sflag:s1], $0x1000  }
0x49: {  	s31 =	simm.s32 $0x12440;
	s17 =	simm.s32 $0xC440;
	[sflag:s1] =	ssyncset.done $0x0  }
0x4a: {  	s11 =	simm.s32 $0x15440;
	s9 =	simm.s32 $0xF440;
	[sflag:s1] =	ssyncadd.s32 $0xFFFFF000  }
.LBB2_4:
0x4b: {  	v0 =	vld [tilespmem:s31+$0xFFFFFFC0]  }
0x4c: {  	v1 =	vld [tilespmem:s17+$0xFFFFFFC0];
	_ =	sdelay $0x1  }
0x4d: {  	v2 =	vld [tilespmem:s9+$0xFFFFFFC0];
	_ =	sdelay $0x2  }
0x4e: {  	v0 =	vadd.f32 v1, v0;
	_ =	sdelay $0x1  }
0x4f: {  	v0 =	vadd.f32 v2, v0;
	_ =	sdelay $0x1  }
0x50: {  	v42 =	vsub.f32 $0.0e+00, v0;
	_ =	sdelay $0x1  }
0x51: {  	v1 =	vmul.f32 $1.442695020e+00, v42;
	_ =	sdelay $0x1  }
0x52: {  	(erf) = vpow2.f32 v1;
	_ =	sdelay $0x8  }
0x53: {  	v1 =	vpop (erf)  }
0x54: {  	v1 =	vadd.f32 $1.000000000e+00, v1;
	_ =	sdelay $0x1  }
0x55: {  	(erf) = vrcp.f32 v1;
	_ =	sdelay $0x8  }
0x56: {  	v1 =	vpop (erf)  }
0x57: {  	v0 =	vmul.f32 v1, v0;
	_ =	sdelay $0x1  }
0x58: {  	[tilespmem:s11+$0xFFFFFFC0] =	vst v0  }
0x59: {  	v0 =	vld [tilespmem:s31+$0xFFFFFFD0]  }
0x5a: {  	v43 =	vld [tilespmem:s17+$0xFFFFFFD0];
	_ =	sdelay $0x1  }
0x5b: {  	v44 =	vld [tilespmem:s9+$0xFFFFFFD0];
	_ =	sdelay $0x2  }
0x5c: {  	v0 =	vadd.f32 v43, v0;
	_ =	sdelay $0x1  }
0x5d: {  	v0 =	vadd.f32 v44, v0;
	_ =	sdelay $0x1  }
0x5e: {  	v45 =	vsub.f32 $0.0e+00, v0;
	_ =	sdelay $0x1  }
0x5f: {  	v1 =	vmul.f32 $1.442695020e+00, v45;
	_ =	sdelay $0x1  }
0x60: {  	(erf) = vpow2.f32 v1;
	_ =	sdelay $0x8  }
0x61: {  	v1 =	vpop (erf)  }
0x62: {  	v1 =	vadd.f32 $1.000000000e+00, v1;
	_ =	sdelay $0x1  }
0x63: {  	(erf) = vrcp.f32 v1;
	_ =	sdelay $0x8  }
0x64: {  	v1 =	vpop (erf)  }
0x65: {  	v0 =	vmul.f32 v1, v0;
	_ =	sdelay $0x1  }
0x66: {  	[tilespmem:s11+$0xFFFFFFD0] =	vst v0  }
0x67: {  	v0 =	vld [tilespmem:s31+$0xFFFFFFE0]  }
0x68: {  	v46 =	vld [tilespmem:s17+$0xFFFFFFE0];
	_ =	sdelay $0x1  }
0x69: {  	v47 =	vld [tilespmem:s9+$0xFFFFFFE0];
	_ =	sdelay $0x2  }
0x6a: {  	v0 =	vadd.f32 v46, v0;
	_ =	sdelay $0x1  }
0x6b: {  	v0 =	vadd.f32 v47, v0;
	_ =	sdelay $0x1  }
0x6c: {  	v48 =	vsub.f32 $0.0e+00, v0;
	_ =	sdelay $0x1  }
0x6d: {  	v1 =	vmul.f32 $1.442695020e+00, v48;
	_ =	sdelay $0x1  }
0x6e: {  	(erf) = vpow2.f32 v1;
	_ =	sdelay $0x8  }
0x6f: {  	v1 =	vpop (erf)  }
0x70: {  	v1 =	vadd.f32 $1.000000000e+00, v1;
	_ =	sdelay $0x1  }
0x71: {  	(erf) = vrcp.f32 v1;
	_ =	sdelay $0x8  }
0x72: {  	v1 =	vpop (erf)  }
0x73: {  	v0 =	vmul.f32 v1, v0;
	_ =	sdelay $0x1  }
0x74: {  	[tilespmem:s11+$0xFFFFFFE0] =	vst v0  }
0x75: {  	v0 =	vld [tilespmem:s31+$0xFFFFFFF0]  }
0x76: {  	v49 =	vld [tilespmem:s17+$0xFFFFFFF0];
	_ =	sdelay $0x1  }
0x77: {  	v50 =	vld [tilespmem:s9+$0xFFFFFFF0];
	_ =	sdelay $0x2  }
0x78: {  	v0 =	vadd.f32 v49, v0;
	_ =	sdelay $0x1  }
0x79: {  	v0 =	vadd.f32 v50, v0;
	_ =	sdelay $0x1  }
0x7a: {  	v51 =	vsub.f32 $0.0e+00, v0;
	_ =	sdelay $0x1  }
0x7b: {  	v1 =	vmul.f32 $1.442695020e+00, v51;
	_ =	sdelay $0x1  }
0x7c: {  	(erf) = vpow2.f32 v1;
	_ =	sdelay $0x8  }
0x7d: {  	v1 =	vpop (erf)  }
0x7e: {  	v1 =	vadd.f32 $1.000000000e+00, v1;
	_ =	sdelay $0x1  }
0x7f: {  	(erf) = vrcp.f32 v1;
	_ =	sdelay $0x8  }
0x80: {  	v1 =	vpop (erf)  }
0x81: {  	v0 =	vmul.f32 v1, v0;
	_ =	sdelay $0x1  }
0x82: {  	[tilespmem:s11+$0xFFFFFFF0] =	vst v0  }
0x83: {  	v0 =	vld [tilespmem:s31+$0x0]  }
0x84: {  	v52 =	vld [tilespmem:s17+$0x0];
	_ =	sdelay $0x1  }
0x85: {  	v53 =	vld [tilespmem:s9+$0x0];
	_ =	sdelay $0x2  }
0x86: {  	v0 =	vadd.f32 v52, v0;
	_ =	sdelay $0x1  }
0x87: {  	v0 =	vadd.f32 v53, v0;
	_ =	sdelay $0x1  }
0x88: {  	v54 =	vsub.f32 $0.0e+00, v0;
	_ =	sdelay $0x1  }
0x89: {  	v1 =	vmul.f32 $1.442695020e+00, v54;
	_ =	sdelay $0x1  }
0x8a: {  	(erf) = vpow2.f32 v1;
	_ =	sdelay $0x8  }
0x8b: {  	v1 =	vpop (erf)  }
0x8c: {  	v1 =	vadd.f32 $1.000000000e+00, v1;
	_ =	sdelay $0x1  }
0x8d: {  	(erf) = vrcp.f32 v1;
	_ =	sdelay $0x8  }
0x8e: {  	v1 =	vpop (erf)  }
0x8f: {  	v0 =	vmul.f32 v1, v0;
	_ =	sdelay $0x1  }
0x90: {  	[tilespmem:s11+$0x0] =	vst v0  }
0x91: {  	v0 =	vld [tilespmem:s31+$0x10]  }
0x92: {  	v55 =	vld [tilespmem:s17+$0x10];
	_ =	sdelay $0x1  }
0x93: {  	v56 =	vld [tilespmem:s9+$0x10];
	_ =	sdelay $0x2  }
0x94: {  	v0 =	vadd.f32 v55, v0;
	_ =	sdelay $0x1  }
0x95: {  	v0 =	vadd.f32 v56, v0;
	_ =	sdelay $0x1  }
0x96: {  	v57 =	vsub.f32 $0.0e+00, v0;
	_ =	sdelay $0x1  }
0x97: {  	v1 =	vmul.f32 $1.442695020e+00, v57;
	_ =	sdelay $0x1  }
0x98: {  	(erf) = vpow2.f32 v1;
	_ =	sdelay $0x8  }
0x99: {  	v1 =	vpop (erf)  }
0x9a: {  	v1 =	vadd.f32 $1.000000000e+00, v1;
	_ =	sdelay $0x1  }
0x9b: {  	(erf) = vrcp.f32 v1;
	_ =	sdelay $0x8  }
0x9c: {  	v1 =	vpop (erf)  }
0x9d: {  	v0 =	vmul.f32 v1, v0;
	_ =	sdelay $0x1  }
0x9e: {  	[tilespmem:s11+$0x10] =	vst v0  }
0x9f: {  	v0 =	vld [tilespmem:s31+$0x20]  }
0xa0: {  	v58 =	vld [tilespmem:s17+$0x20];
	_ =	sdelay $0x1  }
0xa1: {  	v59 =	vld [tilespmem:s9+$0x20];
	_ =	sdelay $0x2  }
0xa2: {  	v0 =	vadd.f32 v58, v0;
	_ =	sdelay $0x1  }
0xa3: {  	v0 =	vadd.f32 v59, v0;
	_ =	sdelay $0x1  }
0xa4: {  	v60 =	vsub.f32 $0.0e+00, v0;
	_ =	sdelay $0x1  }
0xa5: {  	v1 =	vmul.f32 $1.442695020e+00, v60;
	_ =	sdelay $0x1  }
0xa6: {  	(erf) = vpow2.f32 v1;
	_ =	sdelay $0x8  }
0xa7: {  	v1 =	vpop (erf)  }
0xa8: {  	v1 =	vadd.f32 $1.000000000e+00, v1;
	_ =	sdelay $0x1  }
0xa9: {  	(erf) = vrcp.f32 v1;
	_ =	sdelay $0x8  }
0xaa: {  	v1 =	vpop (erf)  }
0xab: {  	v0 =	vmul.f32 v1, v0;
	_ =	sdelay $0x1  }
0xac: {  	[tilespmem:s11+$0x20] =	vst v0  }
0xad: {  	v0 =	vld [tilespmem:s31+$0x30]  }
0xae: {  	v61 =	vld [tilespmem:s17+$0x30];
	_ =	sdelay $0x1  }
0xaf: {  	v62 =	vld [tilespmem:s9+$0x30];
	_ =	sdelay $0x2  }
0xb0: {  	v0 =	vadd.f32 v61, v0;
	_ =	sdelay $0x1  }
0xb1: {  	v0 =	vadd.f32 v62, v0;
	_ =	sdelay $0x1  }
0xb2: {  	v63 =	vsub.f32 $0.0e+00, v0;
	_ =	sdelay $0x1  }
0xb3: {  	v1 =	vmul.f32 $1.442695020e+00, v63;
	_ =	sdelay $0x1  }
0xb4: {  	(erf) = vpow2.f32 v1;
	_ =	sdelay $0x8  }
0xb5: {  	v1 =	vpop (erf)  }
0xb6: {  	v1 =	vadd.f32 $1.000000000e+00, v1;
	_ =	sdelay $0x1  }
0xb7: {  	(erf) = vrcp.f32 v1;
	_ =	sdelay $0x5  }
0xb8: {  	s30 =	sadd.s32 $0x4, s30  }
0xb9: {  	p1 =	slt.u32 s30, $0x7C  }
.Ltmp5:
0xba: {  	_ = 	snop;
	(pc) =	sbr.rel @p1 .LBB2_4-.Ltmp5, $4  }
0xbb: {  	v1 =	vpop (erf)  }
0xbc: {  	v0 =	vmul.f32 v1, v0  }
0xbd: {  	s31 =	sadd.s32 $0x80, s31  }
0xbe: {  	s17 =	sadd.s32 $0x80, s17;
	s9 =	sadd.s32 $0x80, s9;
	[tilespmem:s11+$0x30] =	vst v0;
	s11 =	sadd.s32 $0x80, s11  }
0xbf: {  	s9 =	smul.u32 $0x180, s28;
	_ =	sdelay $0x1  }
0xc0: {  	s9 =	sadd.s32 s8, s9  }
0xc1: {  	s9 =	sshll.u32 s9, $0x2  }
0xc2: {  	s9 =	sadd.s32 s6, s9  }
0xc3: {  	[hbm4b:s9+s2] =	stream.linear.scatter [tilespmem:s0], [sflag:$0x4], $0x1000, $0x38;
	[tilespmem:$0x18400] =	vst v63  }
0xc4: {  	s9 =	sadd.s32 $0x3, s29  }
0xc5: {  	p1 =	sge.u32 s9, s7  }
0xc6: {  	s9 =	sshll.u32 @!p1 s9, $0x7;
	s11 =	simm.s32 @!p1 $0x80;
	s12 =	simm.s32 @!p1 $0xC400  }
0xc7: {  	[tilespmem:s12], [sflag:$0x1] =	stream.indirect.gather @!p1 [hbm4b:s3+s11], $0x20, s9, s11, $0xb8;
	[tilespmem:$0x18400] =	vst v63  }
0xc8: {  	s12 =	sadd.s32 @!p1 $0x6200, s9;
	s9 =	sadd.s32 @!p1 s8, s9  }
0xc9: {  	s17 =	simm.s32 @!p1 $0xF400;
	s9 =	sshll.u32 @!p1 s9, $0x2  }
0xca: {  	[tilespmem:s17], [sflag:$0x1] =	stream.indirect.gather @!p1 [hbm4b:s4+s11], $0x20, s12, s11, $0xb8;
	[tilespmem:$0x18400] =	vst v63  }
0xcb: {  	s9 =	sand.u32 @!p1 $0x1FFFFE00, s9  }
0xcc: {  	s11 =	simm.s32 @!p1 $0x0;
	s12 =	simm.s32 @!p1 $0x12400;
	s9 =	sadd.s32 @!p1 s5, s9  }
0xcd: {  	[tilespmem:s12], [sflag:$0x1] =	stream.linear.gather @!p1 [hbm4b:s9+s11], $0x1000, $0x38;
	[tilespmem:$0x18400] =	vst v63  }
.LBB2_6:
0xce: {  	s30 =	sadd.s32 $0x1, s29  }
0xcf: {  	p1 =	sge.u32 s30, s7  }
.Ltmp6:
0xd0: {  	_ = 	snop;
	(pc) =	sbr.rel @p1 .LBB2_10-.Ltmp6, $1  }
0xd1: {  	_ =	sdelay $0x3  }
0xd2: {  	s9 =	simm.s32 @!p0 $0x5  }
0xd3: {  	_ =	swait.ge @!p0 [sflag:s9], $0x1000  }
0xd4: {  	[sflag:s9] =	ssyncset.done @!p0 $0x0  }
0xd5: {  	[sflag:s9] =	ssyncadd.s32 @!p0 $0xFFFFF000  }
0xd6: {  	_ =	swait.ge [sflag:s19], $0x1000  }
0xd7: {  	[sflag:s19] =	ssyncset.done $0x0  }
0xd8: {  	[sflag:s19] =	ssyncadd.s32 $0xFFFFF000  }
0xd9: {  	_ =	swait.ge [sflag:s19], $0x1000  }
0xda: {  	[sflag:s19] =	ssyncset.done $0x0  }
0xdb: {  	[sflag:s19] =	ssyncadd.s32 $0xFFFFF000  }
0xdc: {  	s31 =	simm.s32 $0xFFFFFFFC;
	_ =	swait.ge [sflag:s19], $0x1000  }
0xdd: {  	s17 =	simm.s32 $0x13440;
	s11 =	simm.s32 $0x10440;
	[sflag:s19] =	ssyncset.done $0x0  }
0xde: {  	s12 =	simm.s32 $0x16440;
	s9 =	simm.s32 $0xD440;
	[sflag:s19] =	ssyncadd.s32 $0xFFFFF000  }
.LBB2_8:
0xdf: {  	v0 =	vld [tilespmem:s17+$0xFFFFFFC0]  }
0xe0: {  	v1 =	vld [tilespmem:s9+$0xFFFFFFC0];
	_ =	sdelay $0x1  }
0xe1: {  	v2 =	vld [tilespmem:s11+$0xFFFFFFC0];
	_ =	sdelay $0x2  }
0xe2: {  	v0 =	vadd.f32 v1, v0;
	_ =	sdelay $0x1  }
0xe3: {  	v0 =	vadd.f32 v2, v0;
	_ =	sdelay $0x1  }
0xe4: {  	v42 =	vsub.f32 $0.0e+00, v0;
	_ =	sdelay $0x1  }
0xe5: {  	v1 =	vmul.f32 $1.442695020e+00, v42;
	_ =	sdelay $0x1  }
0xe6: {  	(erf) = vpow2.f32 v1;
	_ =	sdelay $0x8  }
0xe7: {  	v1 =	vpop (erf)  }
0xe8: {  	v1 =	vadd.f32 $1.000000000e+00, v1;
	_ =	sdelay $0x1  }
0xe9: {  	(erf) = vrcp.f32 v1;
	_ =	sdelay $0x8  }
0xea: {  	v1 =	vpop (erf)  }
0xeb: {  	v0 =	vmul.f32 v1, v0;
	_ =	sdelay $0x1  }
0xec: {  	[tilespmem:s12+$0xFFFFFFC0] =	vst v0  }
0xed: {  	v0 =	vld [tilespmem:s17+$0xFFFFFFD0]  }
0xee: {  	v43 =	vld [tilespmem:s9+$0xFFFFFFD0];
	_ =	sdelay $0x1  }
0xef: {  	v44 =	vld [tilespmem:s11+$0xFFFFFFD0];
	_ =	sdelay $0x2  }
0xf0: {  	v0 =	vadd.f32 v43, v0;
	_ =	sdelay $0x1  }
0xf1: {  	v0 =	vadd.f32 v44, v0;
	_ =	sdelay $0x1  }
0xf2: {  	v45 =	vsub.f32 $0.0e+00, v0;
	_ =	sdelay $0x1  }
0xf3: {  	v1 =	vmul.f32 $1.442695020e+00, v45;
	_ =	sdelay $0x1  }
0xf4: {  	(erf) = vpow2.f32 v1;
	_ =	sdelay $0x8  }
0xf5: {  	v1 =	vpop (erf)  }
0xf6: {  	v1 =	vadd.f32 $1.000000000e+00, v1;
	_ =	sdelay $0x1  }
0xf7: {  	(erf) = vrcp.f32 v1;
	_ =	sdelay $0x8  }
0xf8: {  	v1 =	vpop (erf)  }
0xf9: {  	v0 =	vmul.f32 v1, v0;
	_ =	sdelay $0x1  }
0xfa: {  	[tilespmem:s12+$0xFFFFFFD0] =	vst v0  }
0xfb: {  	v0 =	vld [tilespmem:s17+$0xFFFFFFE0]  }
0xfc: {  	v46 =	vld [tilespmem:s9+$0xFFFFFFE0];
	_ =	sdelay $0x1  }
0xfd: {  	v47 =	vld [tilespmem:s11+$0xFFFFFFE0];
	_ =	sdelay $0x2  }
0xfe: {  	v0 =	vadd.f32 v46, v0;
	_ =	sdelay $0x1  }
0xff: {  	v0 =	vadd.f32 v47, v0;
	_ =	sdelay $0x1  }
0x100: {  	v48 =	vsub.f32 $0.0e+00, v0;
	_ =	sdelay $0x1  }
0x101: {  	v1 =	vmul.f32 $1.442695020e+00, v48;
	_ =	sdelay $0x1  }
0x102: {  	(erf) = vpow2.f32 v1;
	_ =	sdelay $0x8  }
0x103: {  	v1 =	vpop (erf)  }
0x104: {  	v1 =	vadd.f32 $1.000000000e+00, v1;
	_ =	sdelay $0x1  }
0x105: {  	(erf) = vrcp.f32 v1;
	_ =	sdelay $0x8  }
0x106: {  	v1 =	vpop (erf)  }
0x107: {  	v0 =	vmul.f32 v1, v0;
	_ =	sdelay $0x1  }
0x108: {  	[tilespmem:s12+$0xFFFFFFE0] =	vst v0  }
0x109: {  	v0 =	vld [tilespmem:s17+$0xFFFFFFF0]  }
0x10a: {  	v49 =	vld [tilespmem:s9+$0xFFFFFFF0];
	_ =	sdelay $0x1  }
0x10b: {  	v50 =	vld [tilespmem:s11+$0xFFFFFFF0];
	_ =	sdelay $0x2  }
0x10c: {  	v0 =	vadd.f32 v49, v0;
	_ =	sdelay $0x1  }
0x10d: {  	v0 =	vadd.f32 v50, v0;
	_ =	sdelay $0x1  }
0x10e: {  	v51 =	vsub.f32 $0.0e+00, v0;
	_ =	sdelay $0x1  }
0x10f: {  	v1 =	vmul.f32 $1.442695020e+00, v51;
	_ =	sdelay $0x1  }
0x110: {  	(erf) = vpow2.f32 v1;
	_ =	sdelay $0x8  }
0x111: {  	v1 =	vpop (erf)  }
0x112: {  	v1 =	vadd.f32 $1.000000000e+00, v1;
	_ =	sdelay $0x1  }
0x113: {  	(erf) = vrcp.f32 v1;
	_ =	sdelay $0x8  }
0x114: {  	v1 =	vpop (erf)  }
0x115: {  	v0 =	vmul.f32 v1, v0;
	_ =	sdelay $0x1  }
0x116: {  	[tilespmem:s12+$0xFFFFFFF0] =	vst v0  }
0x117: {  	v0 =	vld [tilespmem:s17+$0x0]  }
0x118: {  	v52 =	vld [tilespmem:s9+$0x0];
	_ =	sdelay $0x1  }
0x119: {  	v53 =	vld [tilespmem:s11+$0x0];
	_ =	sdelay $0x2  }
0x11a: {  	v0 =	vadd.f32 v52, v0;
	_ =	sdelay $0x1  }
0x11b: {  	v0 =	vadd.f32 v53, v0;
	_ =	sdelay $0x1  }
0x11c: {  	v54 =	vsub.f32 $0.0e+00, v0;
	_ =	sdelay $0x1  }
0x11d: {  	v1 =	vmul.f32 $1.442695020e+00, v54;
	_ =	sdelay $0x1  }
0x11e: {  	(erf) = vpow2.f32 v1;
	_ =	sdelay $0x8  }
0x11f: {  	v1 =	vpop (erf)  }
0x120: {  	v1 =	vadd.f32 $1.000000000e+00, v1;
	_ =	sdelay $0x1  }
0x121: {  	(erf) = vrcp.f32 v1;
	_ =	sdelay $0x8  }
0x122: {  	v1 =	vpop (erf)  }
0x123: {  	v0 =	vmul.f32 v1, v0;
	_ =	sdelay $0x1  }
0x124: {  	[tilespmem:s12+$0x0] =	vst v0  }
0x125: {  	v0 =	vld [tilespmem:s17+$0x10]  }
0x126: {  	v55 =	vld [tilespmem:s9+$0x10];
	_ =	sdelay $0x1  }
0x127: {  	v56 =	vld [tilespmem:s11+$0x10];
	_ =	sdelay $0x2  }
0x128: {  	v0 =	vadd.f32 v55, v0;
	_ =	sdelay $0x1  }
0x129: {  	v0 =	vadd.f32 v56, v0;
	_ =	sdelay $0x1  }
0x12a: {  	v57 =	vsub.f32 $0.0e+00, v0;
	_ =	sdelay $0x1  }
0x12b: {  	v1 =	vmul.f32 $1.442695020e+00, v57;
	_ =	sdelay $0x1  }
0x12c: {  	(erf) = vpow2.f32 v1;
	_ =	sdelay $0x8  }
0x12d: {  	v1 =	vpop (erf)  }
0x12e: {  	v1 =	vadd.f32 $1.000000000e+00, v1;
	_ =	sdelay $0x1  }
0x12f: {  	(erf) = vrcp.f32 v1;
	_ =	sdelay $0x8  }
0x130: {  	v1 =	vpop (erf)  }
0x131: {  	v0 =	vmul.f32 v1, v0;
	_ =	sdelay $0x1  }
0x132: {  	[tilespmem:s12+$0x10] =	vst v0  }
0x133: {  	v0 =	vld [tilespmem:s17+$0x20]  }
0x134: {  	v58 =	vld [tilespmem:s9+$0x20];
	_ =	sdelay $0x1  }
0x135: {  	v59 =	vld [tilespmem:s11+$0x20];
	_ =	sdelay $0x2  }
0x136: {  	v0 =	vadd.f32 v58, v0;
	_ =	sdelay $0x1  }
0x137: {  	v0 =	vadd.f32 v59, v0;
	_ =	sdelay $0x1  }
0x138: {  	v60 =	vsub.f32 $0.0e+00, v0;
	_ =	sdelay $0x1  }
0x139: {  	v1 =	vmul.f32 $1.442695020e+00, v60;
	_ =	sdelay $0x1  }
0x13a: {  	(erf) = vpow2.f32 v1;
	_ =	sdelay $0x8  }
0x13b: {  	v1 =	vpop (erf)  }
0x13c: {  	v1 =	vadd.f32 $1.000000000e+00, v1;
	_ =	sdelay $0x1  }
0x13d: {  	(erf) = vrcp.f32 v1;
	_ =	sdelay $0x8  }
0x13e: {  	v1 =	vpop (erf)  }
0x13f: {  	v0 =	vmul.f32 v1, v0;
	_ =	sdelay $0x1  }
0x140: {  	[tilespmem:s12+$0x20] =	vst v0  }
0x141: {  	v0 =	vld [tilespmem:s17+$0x30]  }
0x142: {  	v61 =	vld [tilespmem:s9+$0x30];
	_ =	sdelay $0x1  }
0x143: {  	v62 =	vld [tilespmem:s11+$0x30];
	_ =	sdelay $0x2  }
0x144: {  	v0 =	vadd.f32 v61, v0;
	_ =	sdelay $0x1  }
0x145: {  	v0 =	vadd.f32 v62, v0;
	_ =	sdelay $0x1  }
0x146: {  	v63 =	vsub.f32 $0.0e+00, v0;
	_ =	sdelay $0x1  }
0x147: {  	v1 =	vmul.f32 $1.442695020e+00, v63;
	_ =	sdelay $0x1  }
0x148: {  	(erf) = vpow2.f32 v1;
	_ =	sdelay $0x8  }
0x149: {  	v1 =	vpop (erf)  }
0x14a: {  	v1 =	vadd.f32 $1.000000000e+00, v1;
	_ =	sdelay $0x1  }
0x14b: {  	(erf) = vrcp.f32 v1;
	_ =	sdelay $0x5  }
0x14c: {  	s31 =	sadd.s32 $0x4, s31  }
0x14d: {  	p1 =	slt.u32 s31, $0x7C  }
.Ltmp7:
0x14e: {  	_ = 	snop;
	(pc) =	sbr.rel @p1 .LBB2_8-.Ltmp7, $4  }
0x14f: {  	v1 =	vpop (erf)  }
0x150: {  	v0 =	vmul.f32 v1, v0  }
0x151: {  	s17 =	sadd.s32 $0x80, s17  }
0x152: {  	s9 =	sadd.s32 $0x80, s9;
	s11 =	sadd.s32 $0x80, s11;
	[tilespmem:s12+$0x30] =	vst v0;
	s12 =	sadd.s32 $0x80, s12  }
0x153: {  	s9 =	sshll.u32 s30, $0xC  }
0x154: {  	s9 =	sadd.s32 s14, s9  }
0x155: {  	s9 =	sshrl.u32 s9, $0x3  }
0x156: {  	s9 =	sadd.s32 s6, s9  }
0x157: {  	[hbm4b:s9+s2] =	stream.linear.scatter [tilespmem:s20], [sflag:$0x5], $0x1000, $0x38;
	[tilespmem:$0x18400] =	vst v63  }
0x158: {  	s9 =	sadd.s32 $0x4, s29  }
0x159: {  	p1 =	sge.u32 s9, s7  }
0x15a: {  	s9 =	sshll.u32 @!p1 s9, $0x7;
	s11 =	simm.s32 @!p1 $0x80;
	s12 =	simm.s32 @!p1 $0xD400  }
0x15b: {  	[tilespmem:s12], [sflag:$0x2] =	stream.indirect.gather @!p1 [hbm4b:s3+s11], $0x20, s9, s11, $0xb8;
	[tilespmem:$0x18400] =	vst v63  }
0x15c: {  	s12 =	sadd.s32 @!p1 $0x6200, s9;
	s9 =	sadd.s32 @!p1 s8, s9  }
0x15d: {  	s17 =	simm.s32 @!p1 $0x10400;
	s9 =	sshll.u32 @!p1 s9, $0x2  }
0x15e: {  	[tilespmem:s17], [sflag:$0x2] =	stream.indirect.gather @!p1 [hbm4b:s4+s11], $0x20, s12, s11, $0xb8;
	[tilespmem:$0x18400] =	vst v63  }
0x15f: {  	s9 =	sadd.s32 @!p1 s5, s9;
	s11 =	simm.s32 @!p1 $0x0;
	s12 =	simm.s32 @!p1 $0x13400  }
0x160: {  	[tilespmem:s12], [sflag:$0x2] =	stream.linear.gather @!p1 [hbm4b:s9+s11], $0x1000, $0x38;
	[tilespmem:$0x18400] =	vst v63  }
.LBB2_10:
0x161: {  	s30 =	sadd.s32 $0x2, s29  }
0x162: {  	p1 =	sge.u32 s30, s7  }
.Ltmp8:
0x163: {  	_ = 	snop;
	(pc) =	sbr.rel @p1 .LBB2_14-.Ltmp8, $1  }
0x164: {  	_ =	sdelay $0x3  }
0x165: {  	s9 =	simm.s32 @!p0 $0x6  }
0x166: {  	_ =	swait.ge @!p0 [sflag:s9], $0x1000  }
0x167: {  	[sflag:s9] =	ssyncset.done @!p0 $0x0  }
0x168: {  	[sflag:s9] =	ssyncadd.s32 @!p0 $0xFFFFF000  }
0x169: {  	_ =	swait.ge [sflag:s21], $0x1000  }
0x16a: {  	[sflag:s21] =	ssyncset.done $0x0  }
0x16b: {  	[sflag:s21] =	ssyncadd.s32 $0xFFFFF000  }
0x16c: {  	_ =	swait.ge [sflag:s21], $0x1000  }
0x16d: {  	[sflag:s21] =	ssyncset.done $0x0  }
0x16e: {  	[sflag:s21] =	ssyncadd.s32 $0xFFFFF000  }
0x16f: {  	s31 =	simm.s32 $0xFFFFFFFC;
	_ =	swait.ge [sflag:s21], $0x1000  }
0x170: {  	s17 =	simm.s32 $0x14440;
	s11 =	simm.s32 $0x11440;
	[sflag:s21] =	ssyncset.done $0x0  }
0x171: {  	s12 =	simm.s32 $0x17440;
	s9 =	simm.s32 $0xE440;
	[sflag:s21] =	ssyncadd.s32 $0xFFFFF000  }
.LBB2_12:
0x172: {  	v0 =	vld [tilespmem:s17+$0xFFFFFFC0]  }
0x173: {  	v1 =	vld [tilespmem:s9+$0xFFFFFFC0];
	_ =	sdelay $0x1  }
0x174: {  	v2 =	vld [tilespmem:s11+$0xFFFFFFC0];
	_ =	sdelay $0x2  }
0x175: {  	v0 =	vadd.f32 v1, v0;
	_ =	sdelay $0x1  }
0x176: {  	v0 =	vadd.f32 v2, v0;
	_ =	sdelay $0x1  }
0x177: {  	v42 =	vsub.f32 $0.0e+00, v0;
	_ =	sdelay $0x1  }
0x178: {  	v1 =	vmul.f32 $1.442695020e+00, v42;
	_ =	sdelay $0x1  }
0x179: {  	(erf) = vpow2.f32 v1;
	_ =	sdelay $0x8  }
0x17a: {  	v1 =	vpop (erf)  }
0x17b: {  	v1 =	vadd.f32 $1.000000000e+00, v1;
	_ =	sdelay $0x1  }
0x17c: {  	(erf) = vrcp.f32 v1;
	_ =	sdelay $0x8  }
0x17d: {  	v1 =	vpop (erf)  }
0x17e: {  	v0 =	vmul.f32 v1, v0;
	_ =	sdelay $0x1  }
0x17f: {  	[tilespmem:s12+$0xFFFFFFC0] =	vst v0  }
0x180: {  	v0 =	vld [tilespmem:s17+$0xFFFFFFD0]  }
0x181: {  	v43 =	vld [tilespmem:s9+$0xFFFFFFD0];
	_ =	sdelay $0x1  }
0x182: {  	v44 =	vld [tilespmem:s11+$0xFFFFFFD0];
	_ =	sdelay $0x2  }
0x183: {  	v0 =	vadd.f32 v43, v0;
	_ =	sdelay $0x1  }
0x184: {  	v0 =	vadd.f32 v44, v0;
	_ =	sdelay $0x1  }
0x185: {  	v45 =	vsub.f32 $0.0e+00, v0;
	_ =	sdelay $0x1  }
0x186: {  	v1 =	vmul.f32 $1.442695020e+00, v45;
	_ =	sdelay $0x1  }
0x187: {  	(erf) = vpow2.f32 v1;
	_ =	sdelay $0x8  }
0x188: {  	v1 =	vpop (erf)  }
0x189: {  	v1 =	vadd.f32 $1.000000000e+00, v1;
	_ =	sdelay $0x1  }
0x18a: {  	(erf) = vrcp.f32 v1;
	_ =	sdelay $0x8  }
0x18b: {  	v1 =	vpop (erf)  }
0x18c: {  	v0 =	vmul.f32 v1, v0;
	_ =	sdelay $0x1  }
0x18d: {  	[tilespmem:s12+$0xFFFFFFD0] =	vst v0  }
0x18e: {  	v0 =	vld [tilespmem:s17+$0xFFFFFFE0]  }
0x18f: {  	v46 =	vld [tilespmem:s9+$0xFFFFFFE0];
	_ =	sdelay $0x1  }
0x190: {  	v47 =	vld [tilespmem:s11+$0xFFFFFFE0];
	_ =	sdelay $0x2  }
0x191: {  	v0 =	vadd.f32 v46, v0;
	_ =	sdelay $0x1  }
0x192: {  	v0 =	vadd.f32 v47, v0;
	_ =	sdelay $0x1  }
0x193: {  	v48 =	vsub.f32 $0.0e+00, v0;
	_ =	sdelay $0x1  }
0x194: {  	v1 =	vmul.f32 $1.442695020e+00, v48;
	_ =	sdelay $0x1  }
0x195: {  	(erf) = vpow2.f32 v1;
	_ =	sdelay $0x8  }
0x196: {  	v1 =	vpop (erf)  }
0x197: {  	v1 =	vadd.f32 $1.000000000e+00, v1;
	_ =	sdelay $0x1  }
0x198: {  	(erf) = vrcp.f32 v1;
	_ =	sdelay $0x8  }
0x199: {  	v1 =	vpop (erf)  }
0x19a: {  	v0 =	vmul.f32 v1, v0;
	_ =	sdelay $0x1  }
0x19b: {  	[tilespmem:s12+$0xFFFFFFE0] =	vst v0  }
0x19c: {  	v0 =	vld [tilespmem:s17+$0xFFFFFFF0]  }
0x19d: {  	v49 =	vld [tilespmem:s9+$0xFFFFFFF0];
	_ =	sdelay $0x1  }
0x19e: {  	v50 =	vld [tilespmem:s11+$0xFFFFFFF0];
	_ =	sdelay $0x2  }
0x19f: {  	v0 =	vadd.f32 v49, v0;
	_ =	sdelay $0x1  }
0x1a0: {  	v0 =	vadd.f32 v50, v0;
	_ =	sdelay $0x1  }
0x1a1: {  	v51 =	vsub.f32 $0.0e+00, v0;
	_ =	sdelay $0x1  }
0x1a2: {  	v1 =	vmul.f32 $1.442695020e+00, v51;
	_ =	sdelay $0x1  }
0x1a3: {  	(erf) = vpow2.f32 v1;
	_ =	sdelay $0x8  }
0x1a4: {  	v1 =	vpop (erf)  }
0x1a5: {  	v1 =	vadd.f32 $1.000000000e+00, v1;
	_ =	sdelay $0x1  }
0x1a6: {  	(erf) = vrcp.f32 v1;
	_ =	sdelay $0x8  }
0x1a7: {  	v1 =	vpop (erf)  }
0x1a8: {  	v0 =	vmul.f32 v1, v0;
	_ =	sdelay $0x1  }
0x1a9: {  	[tilespmem:s12+$0xFFFFFFF0] =	vst v0  }
0x1aa: {  	v0 =	vld [tilespmem:s17+$0x0]  }
0x1ab: {  	v52 =	vld [tilespmem:s9+$0x0];
	_ =	sdelay $0x1  }
0x1ac: {  	v53 =	vld [tilespmem:s11+$0x0];
	_ =	sdelay $0x2  }
0x1ad: {  	v0 =	vadd.f32 v52, v0;
	_ =	sdelay $0x1  }
0x1ae: {  	v0 =	vadd.f32 v53, v0;
	_ =	sdelay $0x1  }
0x1af: {  	v54 =	vsub.f32 $0.0e+00, v0;
	_ =	sdelay $0x1  }
0x1b0: {  	v1 =	vmul.f32 $1.442695020e+00, v54;
	_ =	sdelay $0x1  }
0x1b1: {  	(erf) = vpow2.f32 v1;
	_ =	sdelay $0x8  }
0x1b2: {  	v1 =	vpop (erf)  }
0x1b3: {  	v1 =	vadd.f32 $1.000000000e+00, v1;
	_ =	sdelay $0x1  }
0x1b4: {  	(erf) = vrcp.f32 v1;
	_ =	sdelay $0x8  }
0x1b5: {  	v1 =	vpop (erf)  }
0x1b6: {  	v0 =	vmul.f32 v1, v0;
	_ =	sdelay $0x1  }
0x1b7: {  	[tilespmem:s12+$0x0] =	vst v0  }
0x1b8: {  	v0 =	vld [tilespmem:s17+$0x10]  }
0x1b9: {  	v55 =	vld [tilespmem:s9+$0x10];
	_ =	sdelay $0x1  }
0x1ba: {  	v56 =	vld [tilespmem:s11+$0x10];
	_ =	sdelay $0x2  }
0x1bb: {  	v0 =	vadd.f32 v55, v0;
	_ =	sdelay $0x1  }
0x1bc: {  	v0 =	vadd.f32 v56, v0;
	_ =	sdelay $0x1  }
0x1bd: {  	v57 =	vsub.f32 $0.0e+00, v0;
	_ =	sdelay $0x1  }
0x1be: {  	v1 =	vmul.f32 $1.442695020e+00, v57;
	_ =	sdelay $0x1  }
0x1bf: {  	(erf) = vpow2.f32 v1;
	_ =	sdelay $0x8  }
0x1c0: {  	v1 =	vpop (erf)  }
0x1c1: {  	v1 =	vadd.f32 $1.000000000e+00, v1;
	_ =	sdelay $0x1  }
0x1c2: {  	(erf) = vrcp.f32 v1;
	_ =	sdelay $0x8  }
0x1c3: {  	v1 =	vpop (erf)  }
0x1c4: {  	v0 =	vmul.f32 v1, v0;
	_ =	sdelay $0x1  }
0x1c5: {  	[tilespmem:s12+$0x10] =	vst v0  }
0x1c6: {  	v0 =	vld [tilespmem:s17+$0x20]  }
0x1c7: {  	v58 =	vld [tilespmem:s9+$0x20];
	_ =	sdelay $0x1  }
0x1c8: {  	v59 =	vld [tilespmem:s11+$0x20];
	_ =	sdelay $0x2  }
0x1c9: {  	v0 =	vadd.f32 v58, v0;
	_ =	sdelay $0x1  }
0x1ca: {  	v0 =	vadd.f32 v59, v0;
	_ =	sdelay $0x1  }
0x1cb: {  	v60 =	vsub.f32 $0.0e+00, v0;
	_ =	sdelay $0x1  }
0x1cc: {  	v1 =	vmul.f32 $1.442695020e+00, v60;
	_ =	sdelay $0x1  }
0x1cd: {  	(erf) = vpow2.f32 v1;
	_ =	sdelay $0x8  }
0x1ce: {  	v1 =	vpop (erf)  }
0x1cf: {  	v1 =	vadd.f32 $1.000000000e+00, v1;
	_ =	sdelay $0x1  }
0x1d0: {  	(erf) = vrcp.f32 v1;
	_ =	sdelay $0x8  }
0x1d1: {  	v1 =	vpop (erf)  }
0x1d2: {  	v0 =	vmul.f32 v1, v0;
	_ =	sdelay $0x1  }
0x1d3: {  	[tilespmem:s12+$0x20] =	vst v0  }
0x1d4: {  	v0 =	vld [tilespmem:s17+$0x30]  }
0x1d5: {  	v61 =	vld [tilespmem:s9+$0x30];
	_ =	sdelay $0x1  }
0x1d6: {  	v62 =	vld [tilespmem:s11+$0x30];
	_ =	sdelay $0x2  }
0x1d7: {  	v0 =	vadd.f32 v61, v0;
	_ =	sdelay $0x1  }
0x1d8: {  	v0 =	vadd.f32 v62, v0;
	_ =	sdelay $0x1  }
0x1d9: {  	v63 =	vsub.f32 $0.0e+00, v0;
	_ =	sdelay $0x1  }
0x1da: {  	v1 =	vmul.f32 $1.442695020e+00, v63;
	_ =	sdelay $0x1  }
0x1db: {  	(erf) = vpow2.f32 v1;
	_ =	sdelay $0x8  }
0x1dc: {  	v1 =	vpop (erf)  }
0x1dd: {  	v1 =	vadd.f32 $1.000000000e+00, v1;
	_ =	sdelay $0x1  }
0x1de: {  	(erf) = vrcp.f32 v1;
	_ =	sdelay $0x5  }
0x1df: {  	s31 =	sadd.s32 $0x4, s31  }
0x1e0: {  	p0 =	slt.u32 s31, $0x7C  }
.Ltmp9:
0x1e1: {  	_ = 	snop;
	(pc) =	sbr.rel @p0 .LBB2_12-.Ltmp9, $4  }
0x1e2: {  	v1 =	vpop (erf)  }
0x1e3: {  	v0 =	vmul.f32 v1, v0  }
0x1e4: {  	s17 =	sadd.s32 $0x80, s17  }
0x1e5: {  	s9 =	sadd.s32 $0x80, s9;
	s11 =	sadd.s32 $0x80, s11;
	[tilespmem:s12+$0x30] =	vst v0;
	s12 =	sadd.s32 $0x80, s12  }
0x1e6: {  	s9 =	sshll.u32 s30, $0xC  }
0x1e7: {  	s9 =	sadd.s32 s14, s9  }
0x1e8: {  	s9 =	sshrl.u32 s9, $0x3  }
0x1e9: {  	s9 =	sadd.s32 s6, s9  }
0x1ea: {  	[hbm4b:s9+s2] =	stream.linear.scatter [tilespmem:s22], [sflag:$0x6], $0x1000, $0x38;
	[tilespmem:$0x18400] =	vst v63  }
0x1eb: {  	s9 =	sadd.s32 $0x5, s29  }
0x1ec: {  	p0 =	sge.u32 s9, s7  }
0x1ed: {  	s9 =	sshll.u32 @!p0 s9, $0x7;
	s11 =	simm.s32 @!p0 $0x80;
	s12 =	simm.s32 @!p0 $0xE400  }
0x1ee: {  	[tilespmem:s12], [sflag:$0x3] =	stream.indirect.gather @!p0 [hbm4b:s3+s11], $0x20, s9, s11, $0xb8;
	[tilespmem:$0x18400] =	vst v63  }
0x1ef: {  	s12 =	sadd.s32 @!p0 $0x6200, s9;
	s9 =	sadd.s32 @!p0 s8, s9  }
.Ltmp10:
0x1f0: {  	s17 =	simm.s32 @!p0 $0x11400;
	s9 =	sshll.u32 @!p0 s9, $0x2;
	(pc) =	sbr.rel .LBB2_14-.Ltmp10, $4  }
0x1f1: {  	[tilespmem:s17], [sflag:$0x3] =	stream.indirect.gather @!p0 [hbm4b:s4+s11], $0x20, s12, s11, $0xb8;
	[tilespmem:$0x18400] =	vst v63  }
0x1f2: {  	s9 =	sand.u32 @!p0 $0x1FFFFE00, s9  }
0x1f3: {  	s11 =	simm.s32 @!p0 $0x0;
	s12 =	simm.s32 @!p0 $0x14400;
	s9 =	sadd.s32 @!p0 s5, s9  }
0x1f4: {  	[tilespmem:s12], [sflag:$0x3] =	stream.linear.gather @!p0 [hbm4b:s9+s11], $0x1000, $0x38;
	[tilespmem:$0x18400] =	vst v63  }
.LBB2_16:
0x1f5: {  	_ =	sfence.sel $0x180000  }
0x1f6: {  	[bflag:$0x0] =	sbarrier.arrive $0xFFFF  }
0x1f7: {  	_ =	strace $0x90000047  }
0x1f8: {  	s0 =	stileid.u32;
	[bflag:$0x2] =	sbarrier.arrive $0xFFFF  }
0x1f9: {  	p0 =	sne.s32 s0, $0x0;
	s0 =	rddreg [dreg:$0x1]  }
0x1fa: {  	s0 =	sadd.s32 @!p0 $0x100000, s0  }
0x1fb: {  	[sflag:s0] =	ssyncadd.tile.s32 @!p0 $0x1;
	_ =	shalt  }
.Lfunc_end2:
_tile_overlayer_lowered:
.L_overlay_start_2:
0x1fc: {  	(tag) =	ssettag $0x2  }
0x1fd: {  	s0 =	rddreg [dreg:$0x0];
	s2 =	stileid.u32  }
0x1fe: {  	s1 =	rddreg [dreg:$0x1];
	p0 =	sne.s32 s2, $0x0  }
0x1ff: {  	s3 =	rddreg [dreg:$0x2];
	[bflag:$0x3] =	sbarrier.arrive $0xFFFF;
	s2 =	simm.s32 @!p0 $0x1C07  }
0x200: {  	[timem:s3], [sflag:s2] =	dma.local @!p0 [hbm:s0], s1  }
0x201: {  	s0 =	simm.s32 @!p0 $0x7  }
0x202: {  	_ =	swait.ge @!p0 [sflag:s0], s1  }
0x203: {  	s1 =	ssub.s32 @!p0 $0x0, s1;
	[sflag:s0] =	ssyncset.done @!p0 $0x0  }
0x204: {  	[sflag:s0] =	ssyncadd.s32 @!p0 s1  }
0x205: {  	[bflag:$0x3] =	sbarrier.arrive $0xFFFF  }
0x206: {  	_ =	shalt  }

// kernel: kernel.18.cloned.1.call-start
scs
__scs_entry_jumppad:
0x0: {  	(pc) =	sbr.rel $0x88, $3  }
0x1: {  	(tag) =	ssettag $0x0;
	lr =	simm.s32 $0x1  }
0x2: {  	[smem:$0x3F82] =	sst lr;
	_ =	strace $0xD0000000  }
0x3: {  	_ = 	snop  }
0x4: {  	_ = 	snop  }
0x5: {  	_ = 	snop  }
0x6: {  	_ = 	snop  }
0x7: {  	_ = 	snop  }
__scs_overlays_trampoline_lowered:
0x8: {  	[smem:$0x3F91] =	sst s0  }
0x9: {  	[smem:$0x3F92] =	sst s1  }
0xa: {  	[smem:$0x3F93] =	sst s2  }
0xb: {  	[smem:$0x3F94] =	sst s3  }
0xc: {  	[smem:$0x3F95] =	sst s4  }
0xd: {  	[smem:$0x3F96] =	sst s5  }
0xe: {  	[smem:$0x3F97] =	sst s6  }
0xf: {  	[smem:$0x3F98] =	sst s7  }
0x10: {  	[smem:$0x3F99] =	sst s8  }
0x11: {  	[smem:$0x3F9A] =	sst s9;
	s0 =	simm.s32 @!p0 $0x0  }
0x12: {  	s1 =	sld [smem:$0x3F80];
	s0 =	simm.s32 @p0 $0x1  }
0x13: {  	[smem:$0x3F9B] =	sst s0;
	s0 =	simm.s32 @!p1 $0x0  }
0x14: {  	s2 =	sld [smem:$0x3F7F];
	s0 =	simm.s32 @p1 $0x1  }
0x15: {  	[smem:$0x3F9C] =	sst s0;
	s0 =	simm.s32 @!p2 $0x0  }
0x16: {  	s3 =	sld [smem:$0x3FDB];
	s0 =	simm.s32 @p2 $0x1  }
0x17: {  	s4 =	simm.s32 $0x1BF5;
	[smem:$0x3F9E] =	sst s0  }
0x18: {  	s0 =	sld [smem:$0x3F81];
	_ =	swait.ge [sflag:s4], $0x0  }
0x19: {  	s7 =	sld [smem:$0x3F82]  }
0x1a: {  	s8 =	sadd.s32 $0xFFFFE003, lr  }
0x1b: {  	s9 =	sadd.s32 $0xFFFFFEF7, lr;
	s5 =	simm.s32 $0xFFFFFFFF;
	p2 =	slt.u32 s8, $0xFFFFF086  }
0x1c: {  	p1 =	slt.u32 s9, $0xF7A;
	s5 =	simm.s32 @!p2 $0x0  }
0x1d: {  	s5 =	simm.s32 @p1 $0x1;
	p0 =	seq.s32 s7, s2  }
0x1e: {  	s7 =	smul.u32 @!p0 $0xF7A, s2;
	p2 =	seq.s32 @!p0 s5, $0x0  }
0x1f: {  	s9 =	smul.u32 $0xF7A, s1;
	s8 =	simm.s32 @!p0 $0x1BF5;
	p2 =	por !p2, p0  }
0x20: {  	[sflag:s8] =	ssyncset.s32 @!p0 $0xFFFFF086;
	s6 =	sadd.s32 @!p0 s3, s7;
	s7 =	simm.s32 @!p0 $0x108  }
0x21: {  	s3 =	sadd.s32 s3, s9;
	s6 =	sadd.s32 @!p0 $0x88, s6;
	s7 =	simm.s32 @p2 $0x1082  }
0x22: {  	[simem:s7], [sflag:s8] =	dma.local @!p0 [hbm:s6], $0xF7A  }
0x23: {  	s9 =	sor.u32 $0xD0000000, s2;
	s6 =	simm.s32 $0x108;
	_ =	swait.ge @!p0 [sflag:s8], $0x0  }
0x24: {  	s3 =	sadd.s32 $0x88, s3;
	s6 =	simm.s32 @!p1 $0x1082;
	[sflag:s4] =	ssyncset.s32 $0xFFFFF086  }
0x25: {  	[simem:s6], [sflag:s4] =	dma.local [hbm:s3], $0xF7A  }
0x26: {  	[smem:$0x3F82] =	sst s1;
	(tag) =	ssettag s2;
	_ =	strace s9  }
0x27: {  	s1 =	sld [smem:$0x3F92]  }
0x28: {  	s2 =	sld [smem:$0x3F93]  }
0x29: {  	s4 =	sld [smem:$0x3F95]  }
0x2a: {  	p0 =	seq.s32 s5, $0x0;
	s5 =	sld [smem:$0x3F96]  }
0x2b: {  	s6 =	sld [smem:$0x3F97]  }
0x2c: {  	s7 =	sld [smem:$0x3F98]  }
0x2d: {  	s3 =	simm.s32 $0x108;
	s8 =	sld [smem:$0x3F99]  }
0x2e: {  	s3 =	simm.s32 @!p0 $0x1082;
	s9 =	sld [smem:$0x3F9A]  }
0x2f: {  	lr =	sadd.s32 s0, s3;
	s0 =	sld [smem:$0x3F91]  }
0x30: {  	s3 =	sld [smem:$0x3F94]  }
0x31: {  	[smem:$0x3F9D] =	sst s10  }
0x32: {  	s10 =	sld [smem:$0x3F9B];
	_ =	sdelay $0x3  }
0x33: {  	p0 =	seq.s32 s10, $0x1;
	s10 =	sld [smem:$0x3F9D];
	_ =	sdelay $0x3  }
0x34: {  	[smem:$0x3F9D] =	sst s10  }
0x35: {  	s10 =	sld [smem:$0x3F9C];
	_ =	sdelay $0x3  }
0x36: {  	p1 =	seq.s32 s10, $0x1;
	s10 =	sld [smem:$0x3F9D];
	_ =	sdelay $0x3  }
0x37: {  	[smem:$0x3F9D] =	sst s10  }
0x38: {  	s10 =	sld [smem:$0x3F9E]  }
0x39: {  	_ = 	snop;
	(pc) =	sbr.ind lr, $3  }
0x3a: {  	_ = 	snop  }
0x3b: {  	_ = 	snop  }
0x3c: {  	p2 =	seq.s32 s10, $0x1;
	s10 =	sld [smem:$0x3F9D]  }
0x3d: {  	_ =	shalt  }
0x3e: {  	_ =	shalt  }
0x3f: {  	_ =	shalt  }
0x40: {  	_ =	shalt  }
0x41: {  	_ =	shalt  }
0x42: {  	_ =	shalt  }
0x43: {  	_ =	shalt  }
0x44: {  	_ =	shalt  }
0x45: {  	_ =	shalt  }
0x46: {  	_ =	shalt  }
0x47: {  	_ =	shalt  }
0x48: {  	_ =	shalt  }
0x49: {  	_ =	shalt  }
0x4a: {  	_ =	shalt  }
0x4b: {  	_ =	shalt  }
0x4c: {  	_ =	shalt  }
0x4d: {  	_ =	shalt  }
0x4e: {  	_ =	shalt  }
0x4f: {  	_ =	shalt  }
0x50: {  	_ =	shalt  }
0x51: {  	_ =	shalt  }
0x52: {  	_ =	shalt  }
0x53: {  	_ =	shalt  }
0x54: {  	_ =	shalt  }
0x55: {  	_ =	shalt  }
0x56: {  	_ =	shalt  }
0x57: {  	_ =	shalt  }
0x58: {  	_ =	shalt  }
0x59: {  	_ =	shalt  }
0x5a: {  	_ =	shalt  }
0x5b: {  	_ =	shalt  }
0x5c: {  	_ =	shalt  }
0x5d: {  	_ =	shalt  }
0x5e: {  	_ =	shalt  }
0x5f: {  	_ =	shalt  }
0x60: {  	_ =	shalt  }
0x61: {  	_ =	shalt  }
0x62: {  	_ =	shalt  }
0x63: {  	_ =	shalt  }
0x64: {  	_ =	shalt  }
0x65: {  	_ =	shalt  }
0x66: {  	_ =	shalt  }
0x67: {  	_ =	shalt  }
0x68: {  	_ =	shalt  }
0x69: {  	_ =	shalt  }
0x6a: {  	_ =	shalt  }
0x6b: {  	_ =	shalt  }
0x6c: {  	_ =	shalt  }
0x6d: {  	_ =	shalt  }
0x6e: {  	_ =	shalt  }
0x6f: {  	_ =	shalt  }
0x70: {  	_ =	shalt  }
0x71: {  	_ =	shalt  }
0x72: {  	_ =	shalt  }
0x73: {  	_ =	shalt  }
0x74: {  	_ =	shalt  }
0x75: {  	_ =	shalt  }
0x76: {  	_ =	shalt  }
0x77: {  	_ =	shalt  }
0x78: {  	_ =	shalt  }
0x79: {  	_ =	shalt  }
0x7a: {  	_ =	shalt  }
0x7b: {  	_ =	shalt  }
0x7c: {  	_ =	shalt  }
0x7d: {  	_ =	shalt  }
0x7e: {  	_ =	shalt  }
0x7f: {  	_ =	shalt  }
0x80: {  	_ =	shalt  }
0x81: {  	_ =	shalt  }
0x82: {  	_ =	shalt  }
0x83: {  	_ =	shalt  }
0x84: {  	_ =	shalt  }
0x85: {  	_ =	shalt  }
0x86: {  	_ =	shalt  }
0x87: {  	_ =	shalt  }
.Lfunc_end0:
.L_simem_size_0:
called_computation.2_lowered:
.L_overlay_start_0:
0x88: {  	s2 =	sld [smem:$0x3FD9]  }
0x89: {  	s3 =	sld [smem:$0x3FFE];
	_ =	sdelay $0x1  }
0x8a: {  	s1 =	srdreg.scid  }
0x8b: {  	s0 =	sand.u32 $0x1, s1  }
0x8c: {  	s17 =	sshll.u32 s0, $0xA;
	s2 =	sadd.s32 s3, s2  }
0x8d: {  	s2 =	sadd.s32 s2, s17  }
0x8e: {  	[smem:$0x3FA9] =	sst s2  }
0x8f: {  	_ = 	snop  }
0x90: {  	(tm) =	ssettm $0x1  }
0x91: {  	s18 =	sld [smem:$0x3FFB];
	_ =	sdelay $0x3  }
0x92: {  	_ =	strace s18  }
0x93: {  	s2 =	sld [smem:$0x3FFC];
	_ =	sdelay $0x3  }
0x94: {  	_ =	strace s2  }
0x95: {  	s2 =	sld [smem:$0x3FFD];
	_ =	sdelay $0x3  }
0x96: {  	_ =	strace s2  }
0x97: {  	_ =	strace $0x8FFFFFFF  }
0x98: {  	s19 =	sld [smem:$0x3FDB];
	_ =	sdelay $0x1  }
0x99: {  	s20 =	simm.s32 $_scs_section_size  }
0x9a: {  	s4 =	simm.s32 $_size__tile_overlayer_lowered;
	s5 =	simm.s32 $_tile_overlayer_lowered  }
0x9b: {  	s6 =	simm.s32 $0x1BFF;
	s21 =	sshll.u32 s5, $0x1;
	s3 =	sadd.s32 s20, s19  }
0x9c: {  	s22 =	simm.s32 $0x0;
	s4 =	sshll.u32 s4, $0x1;
	s5 =	sadd.s32 s21, s3  }
0x9d: {  	[timem:s22], [sflag:s6] =	dma.local [hbm:s5], s4  }
0x9e: {  	_ =	swait.ge [sflag:s6], s4  }
0x9f: {  	s4 =	ssub.s32 $0x0, s4;
	[sflag:s6] =	ssyncset.done $0x0  }
0xa0: {  	[sflag:s6] =	ssyncadd.s32 s4;
	_ =	sdelay $0x1  }
0xa1: {  	s23 =	simm.s32 $0x1B8B  }
0xa2: {  	_ =	swait.ge [sflag:s23], $0x1  }
0xa3: {  	[sflag:s23] =	ssyncset.done $0x0  }
0xa4: {  	[sflag:s23] =	ssyncadd.s32 $0xFFFFFFFF  }
0xa5: {  	s4 =	sld [smem:$0x0]  }
0xa6: {  	s5 =	sand.u32 $0xFFFFFFFE, s1  }
0xa7: {  	p0 =	sne.s32 s1, s5  }
0xa8: {  	s5 =	sshll.u32 @p0 s5, $0xE  }
0xa9: {  	s5 =	sadd.s32 @p0 $0x11B8D, s5;
	s6 =	sshll.u32 @p0 s4, $0x11  }
0xaa: {  	s5 =	sor.u32 @p0 s6, s5  }
0xab: {  	[sflag:s5] =	ssyncadd.remote.s32 @p0 $0x1;
	_ =	sdelay $0x1  }
0xac: {  	s5 =	simm.s32 @p0 $0x1B8D  }
0xad: {  	_ =	swait.eq @p0 [sflag:s5], $0x1  }
0xae: {  	[sflag:s5] =	ssyncadd.s32 @p0 $0xFFFFFFFF  }
0xaf: {  	s6 =	sshll.u32 @!p0 s1, $0xE  }
0xb0: {  	s6 =	sor.u32 @!p0 $0x4000, s6;
	s5 =	simm.s32 @!p0 $0x1B8D  }
0xb1: {  	s4 =	sshll.u32 @!p0 s4, $0x11;
	s6 =	sadd.s32 @!p0 $0x11B8D, s6;
	_ =	swait.eq @!p0 [sflag:s5], $0x1  }
0xb2: {  	s4 =	sor.u32 @!p0 s4, s6;
	[sflag:s5] =	ssyncadd.s32 @!p0 $0xFFFFFFFF  }
0xb3: {  	s25 =	simm.s32 $0x1B8E;
	s24 =	sld [smem:$0x3FFE];
	[sflag:s4] =	ssyncadd.remote.s32 @!p0 $0x1  }
0xb4: {  	s26 =	simm.s32 $execute0_lowered;
	[smem:$0x3FD2] =	sst s25  }
0xb5: {  	s5 =	sshll.u32 s26, $0x1;
	_ =	strace $0x8000004C;
	[dreg:$0x1] =	wrdreg $0xFFFFFFFF  }
0xb6: {  	s28 =	simm.s32 $_size_execute0_lowered;
	s3 =	sadd.s32 s3, s5;
	[dreg:$0x0] =	wrdreg $0x0  }
0xb7: {  	s5 =	sshll.u32 s28, $0x1;
	[dreg:$0x2] =	wrdreg s3  }
0xb8: {  	[dreg:$0x3] =	wrdreg s5  }
0xb9: {  	[dreg:$0x4] =	wrdreg $0xC0  }
0xba: {  	_ =	task [dreg:s22], $0x5FFFF  }
0xbb: {  	[dreg:$0x1] =	wrdreg $0xFFFFFFFF  }
0xbc: {  	[dreg:$0x0] =	wrdreg $0x60  }
0xbd: {  	[dreg:$0x2] =	wrdreg s24  }
0xbe: {  	[dreg:$0x3] =	wrdreg $0x31800  }
0xbf: {  	[dreg:$0x4] =	wrdreg $0xA  }
0xc0: {  	_ =	task.clear_ibuf [dreg:s22], $0x5FFFF;
	_ =	strace $0x9000004C  }
0xc1: {  	s29 =	simm.s32 $0xA;
	_ =	strace $0x8000004E  }
0xc2: {  	_ =	swait.ge [sflag:s29], $0x1  }
0xc3: {  	[sflag:s29] =	ssyncadd.s32 $0xFFFFFFFF  }
0xc4: {  	_ =	strace $0x9000004E  }
0xc5: {  	_ =	sfence  }
0xc6: {  	s30 =	sld [smem:$0x0];
	_ =	sdelay $0x2  }
0xc7: {  	s31 =	sshll.u32 s1, $0xD;
	s1 =	sshrl.u32 s1, $0x2  }
0xc8: {  	s4 =	sand.u32 $0x4000, s31;
	s1 =	sadd.s32 s1, s30  }
0xc9: {  	s0 =	sor.u32 s4, s0;
	s1 =	sshll.u32 s1, $0x11  }
0xca: {  	s0 =	sor.u32 s1, s0  }
0xcb: {  	s0 =	sadd.s32 $0x8F2B, s0  }
0xcc: {  	[sflag:s0] =	ssyncadd.remote.s32 $0x1  }
0xcd: {  	_ =	sfence.sel $0xFFFF  }
0xce: {  	[dreg:$0x0] =	wrdreg $0xFFFFFFFF;
	(pc) =	sbr.abs _section_cstart, $3  }
0xcf: {  	[dreg:$0x1] =	wrdreg $0xFFFFFFFF  }
0xd0: {  	_ =	task.clear_ibuf [dreg:s22], $0x2FFFF;
	_ =	strace $0x9FFFFFFF  }
0xd1: {  	(tm) =	ssettm $0x7FFFFFFF  }
tec
execute0_lowered:
.L_overlay_start_1:
0x0: {  	(tag) =	ssettag $0x1  }
0x1: {  	s0 =	rddreg [dreg:$0x0]  }
0x2: {  	s1 =	rddreg [dreg:$0x1];
	s15 =	stileid.u32  }
0x3: {  	s3 =	srdreg.scid;
	s12 =	smul.u32 $0x188, s15  }
0x4: {  	s2 =	simm.s32 $0x0;
	s7 =	sand.u32 $0x1, s3;
	s18 =	smul.u32 $0x188000, s15  }
0x5: {  	s20 =	sshll.u32 s15, $0x1;
	[smem:$0x7FF] =	sst s2;
	s4 =	smul.u32 $0x30D40, s7  }
0x6: {  	s16 =	sadd.s32 $0x622400, s0;
	s13 =	sadd.s32 $0x81C00, s0;
	s17 =	smul.u32 $0xC4, s7  }
0x7: {  	s21 =	sadd.s32 $0x7800, s0;
	s5 =	sor.u32 s7, s20;
	s19 =	smul.u32 $0xC4000, s7  }
0x8: {  	p0 =	sne.s32 s15, $0x0;
	_ =	strace $0x8000004D;
	s6 =	smul.u32 $0xC4, s5  }
0x9: {  	[dreg:$0x3] =	wrdreg s21;
	s9 =	ssub.s32 $0x2, s7;
	s8 =	smul.u32 $0xC40, s5  }
0xa: {  	s10 =	smul.u32 $0x18800, s5;
	s22 =	sshrl.u32 s9, $0x1;
	s11 =	sadd.s32 s4, s0  }
0xb: {  	s14 =	ssub.s32 s9, s22;
	s0 =	sadd.s32 $0x81C10, s0;
	s12 =	sadd.s32 s17, s12  }
0xc: {  	s28 =	sadd.s32 s19, s18;
	s18 =	sshrl.u32 @!p0 s1, $0x3;
	s23 =	ssub.s32 $0x186A, s6  }
0xd: {  	s5 =	sadd.s32 s13, s8;
	s6 =	sadd.s32 s16, s10;
	s24 =	sadd.s32 s8, s0  }
0xe: {  	s11 =	sadd.s32 $0xA6A00, s11;
	s29 =	sshll.u32 s12, $0x4;
	s19 =	sor.u32 $0x3000, s28  }
0xf: {  	s12 =	smax.u32 s14, $0x1;
	s31 =	sadd.s32 $0x5000, s28;
	s17 =	sadd.s32 $0x4000, s28  }
0x10: {  	s4 =	smin.u32 s23, $0xC4;
	[dreg:$0x4] =	wrdreg s24;
	s25 =	sadd.s32 $0x200, s6  }
0x11: {  	s26 =	sadd.s32 $0x20, s5;
	s10 =	sadd.s32 $0x400, s6;
	s13 =	sadd.s32 s29, s13  }
0x12: {  	s30 =	sshrl.u32 s19, $0x3;
	s0 =	sadd.s32 s0, s29;
	[dreg:$0x5] =	wrdreg s25  }
0x13: {  	s17 =	sshrl.u32 s17, $0x3;
	s24 =	simm.s32 $0x0;
	[dreg:$0x6] =	wrdreg s26  }
0x14: {  	s13 =	sadd.s32 $0x30, s13;
	s20 =	sadd.s32 $0x40, s0;
	s0 =	sshrl.u32 s31, $0x3  }
0x15: {  	s14 =	sadd.s32 s30, s16;
	s17 =	sadd.s32 s17, s16;
	s19 =	sadd.s32 s0, s16  }
.LBB2_1:
0x16: {  	s0 =	simm.s32 @!p0 $0x1C04;
	s3 =	rddreg [dreg:$0x3]  }
0x17: {  	[spmem:s18], [sflag:s0] =	dma.local @!p0 [hbm:s3], $0x30D40  }
0x18: {  	s0 =	simm.s32 @!p0 $0x4  }
0x19: {  	_ =	swait.ge @!p0 [sflag:s0], $0x30D40  }
0x1a: {  	[sflag:s0] =	ssyncset.done @!p0 $0x0  }
0x1b: {  	[sflag:s0] =	ssyncadd.s32 @!p0 $0xFFFCF2C0  }
0x1c: {  	[bflag:$0x0] =	sbarrier.arrive $0xFFFF  }
0x1d: {  	[tilespmem:s2], [sflag:$0x1] =	stream.linear.gather [hbm4b:s5+s2], $0x80, $0x38;
	[tilespmem:$0x1B820] =	vst v63  }
0x1e: {  	s9 =	simm.s32 $0x180  }
0x1f: {  	[tilespmem:s9], [sflag:$0x1] =	stream.linear.gather [hbm4b:s6+s2], $0x1000, $0x38;
	[tilespmem:$0x1B820] =	vst v63  }
0x20: {  	s16 =	simm.s32 $0x80;
	s15 =	rddreg [dreg:$0x4]  }
0x21: {  	[tilespmem:s16], [sflag:$0x2] =	stream.linear.gather [hbm4b:s15+s2], $0x80, $0x38;
	[tilespmem:$0x1B820] =	vst v63  }
0x22: {  	s22 =	simm.s32 $0x1180;
	s21 =	rddreg [dreg:$0x5]  }
0x23: {  	[tilespmem:s22], [sflag:$0x2] =	stream.linear.gather [hbm4b:s21+s2], $0x1000, $0x38;
	[tilespmem:$0x1B820] =	vst v63  }
0x24: {  	s25 =	simm.s32 $0x100;
	p1 =	sle.u32 s4, $0x0;
	s23 =	rddreg [dreg:$0x6]  }
0x25: {  	[tilespmem:s25], [sflag:$0x3] =	stream.linear.gather [hbm4b:s23+s2], $0x80, $0x38;
	[tilespmem:$0x1B820] =	vst v63  }
0x26: {  	s26 =	simm.s32 $0x2180;
	s0 =	simm.s32 @!p1 $0x1  }
0x27: {  	[tilespmem:s26], [sflag:$0x3] =	stream.linear.gather [hbm4b:s10+s2], $0x1000, $0x38;
	[tilespmem:$0x1B820] =	vst v63  }
0x28: {  	_ =	swait.ge @!p1 [sflag:s0], $0x80  }
0x29: {  	[sflag:s0] =	ssyncset.done @!p1 $0x0  }
0x2a: {  	[sflag:s0] =	ssyncadd.s32 @!p1 $0xFFFFFF80  }
0x2b: {  	_ =	swait.ge @!p1 [sflag:s0], $0x1000  }
0x2c: {  	s15 =	simm.s32 @!p1 $0x180;
	s16 =	simm.s32 @!p1 $0x4;
	[sflag:s0] =	ssyncset.done @!p1 $0x0  }
0x2d: {  	s21 =	simm.s32 @!p1 $0x80;
	s22 =	simm.s32 @!p1 $0x0;
	[sflag:s0] =	ssyncadd.s32 @!p1 $0xFFFFF000  }
0x2e: {  	[spmem:s1] =	stream.indirect.scatter.add.f32 @!p1 [tilespmem:s15], [sflag:$0x4], $0x20, s22, s21, $0xb8;
	[tilespmem:$0x1B820] =	vst v63  }
0x2f: {  	p2 =	sle.u32 @!p1 s4, $0x3;
	_ =	swait.ge @!p1 [sflag:s16], $0x1000  }
0x30: {  	p2 =	por p2, p1;
	[sflag:s16] =	ssyncset.done @!p1 $0x0  }
0x31: {  	s0 =	simm.s32 @!p2 $0x0;
	[sflag:s16] =	ssyncadd.s32 @!p1 $0xFFFFF000;
	p1 =	sle.u32 s4, $0x1  }
0x32: {  	[tilespmem:s0], [sflag:$0x1] =	stream.linear.gather @!p2 [hbm4b:s13+s0], $0x80, $0x38;
	[tilespmem:$0x1B820] =	vst v63  }
0x33: {  	s15 =	simm.s32 @!p2 $0x180;
	s16 =	simm.s32 @!p1 $0x2  }
0x34: {  	[tilespmem:s15], [sflag:$0x1] =	stream.linear.gather @!p2 [hbm4b:s14+s0], $0x1000, $0x38;
	[tilespmem:$0x1B820] =	vst v63  }
0x35: {  	_ =	swait.ge @!p1 [sflag:s16], $0x80  }
0x36: {  	[sflag:s16] =	ssyncset.done @!p1 $0x0  }
0x37: {  	[sflag:s16] =	ssyncadd.s32 @!p1 $0xFFFFFF80  }
0x38: {  	_ =	swait.ge @!p1 [sflag:s16], $0x1000  }
0x39: {  	s21 =	simm.s32 @!p1 $0x1180;
	p2 =	sle.u32 @!p1 s4, $0x4;
	[sflag:s16] =	ssyncset.done @!p1 $0x0  }
0x3a: {  	s0 =	simm.s32 @!p1 $0x4;
	s15 =	simm.s32 @!p1 $0x80;
	[sflag:s16] =	ssyncadd.s32 @!p1 $0xFFFFF000  }
0x3b: {  	[spmem:s1] =	stream.indirect.scatter.add.f32 @!p1 [tilespmem:s21], [sflag:$0x4], $0x20, s15, s15, $0xb8;
	[tilespmem:$0x1B820] =	vst v63  }
0x3c: {  	p2 =	por p2, p1;
	_ =	swait.ge @!p1 [sflag:s0], $0x1000  }
0x3d: {  	p3 =	sle.u32 s4, $0x2;
	s16 =	simm.s32 @!p2 $0x0;
	[sflag:s0] =	ssyncset.done @!p1 $0x0  }
0x3e: {  	s15 =	sadd.s32 @!p2 $0xFFFFFFF0, s20;
	[sflag:s0] =	ssyncadd.s32 @!p1 $0xFFFFF000;
	s0 =	simm.s32 @!p2 $0x80  }
0x3f: {  	[tilespmem:s0], [sflag:$0x2] =	stream.linear.gather @!p2 [hbm4b:s15+s16], $0x80, $0x38;
	[tilespmem:$0x1B820] =	vst v63  }
0x40: {  	s0 =	simm.s32 @!p2 $0x1180;
	s15 =	simm.s32 @!p3 $0x3  }
0x41: {  	[tilespmem:s0], [sflag:$0x2] =	stream.linear.gather @!p2 [hbm4b:s17+s16], $0x1000, $0x38;
	[tilespmem:$0x1B820] =	vst v63  }
0x42: {  	s29 =	sadd.s32 $0x600, s17;
	_ =	swait.ge @!p3 [sflag:s15], $0x80  }
0x43: {  	s30 =	sadd.s32 $0x600, s14;
	s28 =	sadd.s32 $0x30, s20;
	[sflag:s15] =	ssyncset.done @!p3 $0x0  }
0x44: {  	s31 =	sadd.s32 $0x30, s13;
	s25 =	sadd.s32 $0x600, s19;
	[sflag:s15] =	ssyncadd.s32 @!p3 $0xFFFFFF80  }
0x45: {  	s26 =	simm.s32 $0x8;
	s22 =	simm.s32 @!p3 $0x100;
	_ =	swait.ge @!p3 [sflag:s15], $0x1000  }
0x46: {  	s21 =	simm.s32 @!p3 $0x80;
	p1 =	sle.u32 @!p3 s4, $0x5;
	[sflag:s15] =	ssyncset.done @!p3 $0x0  }
0x47: {  	p4 =	por p1, p3;
	s16 =	simm.s32 @!p3 $0x2180;
	[sflag:s15] =	ssyncadd.s32 @!p3 $0xFFFFF000  }
0x48: {  	[spmem:s1] =	stream.indirect.scatter.add.f32 @!p3 [tilespmem:s16], [sflag:$0x4], $0x20, s22, s21, $0xb8;
	[tilespmem:$0x1B820] =	vst v63  }
0x49: {  	s0 =	simm.s32 $0xB;
	p2 =	sle.u32 s4, $0x3;
	s22 =	simm.s32 @!p3 $0x4  }
0x4a: {  	s15 =	smov.u32 s20;
	s16 =	smov.u32 s19;
	_ =	swait.ge @!p3 [sflag:s22], $0x1000  }
.LBB2_2:
0x4b: {  	[sflag:s22] =	ssyncset.done @!p3 $0x0  }
0x4c: {  	s23 =	simm.s32 @!p4 $0x0;
	s3 =	simm.s32 @!p4 $0x100;
	s21 =	smov.u32 s0  }
0x4d: {  	s0 =	sadd.s32 $0x3, s0;
	[sflag:s22] =	ssyncadd.s32 @!p3 $0xFFFFF000;
	s22 =	simm.s32 @!p4 $0x2180  }
0x4e: {  	[tilespmem:s3], [sflag:$0x3] =	stream.linear.gather @!p4 [hbm4b:s15+s23], $0x80, $0x38;
	[tilespmem:$0x1B820] =	vst v63  }
0x4f: {  	p1 =	sne.s32 s0, $0xCB;
	s3 =	simm.s32 @!p2 $0x1;
	s15 =	smov.u32 s28  }
0x50: {  	[tilespmem:s22], [sflag:$0x3] =	stream.linear.gather @!p4 [hbm4b:s16+s23], $0x1000, $0x38;
	[tilespmem:$0x1B820] =	vst v63  }
0x51: {  	s16 =	smov.u32 s25;
	_ =	swait.ge @!p2 [sflag:s3], $0x80  }
0x52: {  	[sflag:s3] =	ssyncset.done @!p2 $0x0  }
0x53: {  	s22 =	simm.s32 @!p2 $0x180;
	s23 =	simm.s32 @!p2 $0x4;
	[sflag:s3] =	ssyncadd.s32 @!p2 $0xFFFFFF80  }
0x54: {  	s7 =	simm.s32 @!p2 $0x80;
	s8 =	simm.s32 @!p2 $0x0;
	_ =	swait.ge @!p2 [sflag:s3], $0x1000  }
0x55: {  	s9 =	sadd.s32 @!p2 $0xFFFFFFFE, s26;
	[sflag:s3] =	ssyncset.done @!p2 $0x0  }
0x56: {  	p3 =	sge.u32 @!p2 s9, s4;
	[sflag:s3] =	ssyncadd.s32 @!p2 $0xFFFFF000  }
0x57: {  	[spmem:s1] =	stream.indirect.scatter.add.f32 @!p2 [tilespmem:s22], [sflag:$0x4], $0x20, s8, s7, $0xb8;
	[tilespmem:$0x1B820] =	vst v63  }
0x58: {  	p3 =	por p3, p2;
	s3 =	sadd.s32 $0xFFFFFFFC, s26;
	_ =	swait.ge @!p2 [sflag:s23], $0x1000  }
0x59: {  	s7 =	simm.s32 @!p3 $0x0;
	[sflag:s23] =	ssyncset.done @!p2 $0x0  }
0x5a: {  	[sflag:s23] =	ssyncadd.s32 @!p2 $0xFFFFF000;
	p2 =	sge.u32 s3, s4  }
0x5b: {  	[tilespmem:s7], [sflag:$0x1] =	stream.linear.gather @!p3 [hbm4b:s31+s7], $0x80, $0x38;
	[tilespmem:$0x1B820] =	vst v63  }
0x5c: {  	s3 =	simm.s32 @!p3 $0x180;
	s8 =	simm.s32 @!p2 $0x2;
	s9 =	sadd.s32 @!p2 $0xFFFFFFFF, s26  }
0x5d: {  	[tilespmem:s3], [sflag:$0x1] =	stream.linear.gather @!p3 [hbm4b:s30+s7], $0x1000, $0x38;
	[tilespmem:$0x1B820] =	vst v63  }
0x5e: {  	p3 =	sge.u32 @!p2 s9, s4;
	_ =	swait.ge @!p2 [sflag:s8], $0x80  }
0x5f: {  	[sflag:s8] =	ssyncset.done @!p2 $0x0  }
0x60: {  	[sflag:s8] =	ssyncadd.s32 @!p2 $0xFFFFFF80  }
0x61: {  	s3 =	simm.s32 @!p2 $0x4;
	_ =	swait.ge @!p2 [sflag:s8], $0x1000  }
0x62: {  	s7 =	simm.s32 @!p2 $0x80;
	s9 =	simm.s32 @!p2 $0x1180;
	[sflag:s8] =	ssyncset.done @!p2 $0x0  }
0x63: {  	[sflag:s8] =	ssyncadd.s32 @!p2 $0xFFFFF000  }
0x64: {  	[spmem:s1] =	stream.indirect.scatter.add.f32 @!p2 [tilespmem:s9], [sflag:$0x4], $0x20, s7, s7, $0xb8;
	[tilespmem:$0x1B820] =	vst v63  }
0x65: {  	p4 =	por p3, p2;
	_ =	swait.ge @!p2 [sflag:s3], $0x1000  }
0x66: {  	s8 =	simm.s32 @!p4 $0x0;
	s7 =	sadd.s32 @!p4 $0xFFFFFFF0, s28;
	[sflag:s3] =	ssyncset.done @!p2 $0x0  }
0x67: {  	s9 =	sadd.s32 $0xFFFFFFFD, s26;
	[sflag:s3] =	ssyncadd.s32 @!p2 $0xFFFFF000;
	s3 =	simm.s32 @!p4 $0x80  }
0x68: {  	[tilespmem:s3], [sflag:$0x2] =	stream.linear.gather @!p4 [hbm4b:s7+s8], $0x80, $0x38;
	[tilespmem:$0x1B820] =	vst v63  }
0x69: {  	p3 =	sge.u32 s9, s4;
	s3 =	simm.s32 @!p4 $0x1180  }
0x6a: {  	[tilespmem:s3], [sflag:$0x2] =	stream.linear.gather @!p4 [hbm4b:s29+s8], $0x1000, $0x38;
	[tilespmem:$0x1B820] =	vst v63  }
0x6b: {  	s3 =	simm.s32 @!p3 $0x3;
	p4 =	sge.u32 @!p3 s26, s4;
	s26 =	smov.u32 s21  }
0x6c: {  	s25 =	sadd.s32 $0x600, s25;
	_ =	swait.ge @!p3 [sflag:s3], $0x80  }
0x6d: {  	s31 =	sadd.s32 $0x30, s31;
	s29 =	sadd.s32 $0x600, s29;
	[sflag:s3] =	ssyncset.done @!p3 $0x0  }
0x6e: {  	s30 =	sadd.s32 $0x600, s30;
	s28 =	sadd.s32 $0x30, s28;
	[sflag:s3] =	ssyncadd.s32 @!p3 $0xFFFFFF80  }
.Ltmp0:
0x6f: {  	s7 =	simm.s32 @!p3 $0x2180;
	_ =	swait.ge @!p3 [sflag:s3], $0x1000;
	(pc) =	sbr.rel @p1 .LBB2_2-.Ltmp0, $4  }
0x70: {  	s9 =	simm.s32 @!p3 $0x100;
	s8 =	simm.s32 @!p3 $0x80;
	[sflag:s3] =	ssyncset.done @!p3 $0x0  }
0x71: {  	s22 =	simm.s32 @!p3 $0x4;
	s21 =	sadd.s32 $0xFFFFFFFB, s26;
	[sflag:s3] =	ssyncadd.s32 @!p3 $0xFFFFF000  }
0x72: {  	[spmem:s1] =	stream.indirect.scatter.add.f32 @!p3 [tilespmem:s7], [sflag:$0x4], $0x20, s9, s8, $0xb8;
	[tilespmem:$0x1B820] =	vst v63  }
0x73: {  	p4 =	por p4, p3;
	p2 =	sge.u32 s21, s4;
	_ =	swait.ge @!p3 [sflag:s22], $0x1000  }
0x74: {  	[sflag:s22] =	ssyncset.done @!p3 $0x0  }
0x75: {  	s0 =	simm.s32 @!p4 $0x0;
	s3 =	simm.s32 @!p4 $0x100;
	[sflag:s22] =	ssyncadd.s32 @!p3 $0xFFFFF000  }
0x76: {  	[tilespmem:s3], [sflag:$0x3] =	stream.linear.gather @!p4 [hbm4b:s15+s0], $0x80, $0x38;
	[tilespmem:$0x1B820] =	vst v63  }
0x77: {  	s7 =	simm.s32 @!p2 $0x1;
	s3 =	simm.s32 @!p4 $0x2180  }
0x78: {  	[tilespmem:s3], [sflag:$0x3] =	stream.linear.gather @!p4 [hbm4b:s16+s0], $0x1000, $0x38;
	[tilespmem:$0x1B820] =	vst v63  }
0x79: {  	_ =	swait.ge @!p2 [sflag:s7], $0x80  }
0x7a: {  	[sflag:s7] =	ssyncset.done @!p2 $0x0  }
0x7b: {  	[sflag:s7] =	ssyncadd.s32 @!p2 $0xFFFFFF80  }
0x7c: {  	s8 =	simm.s32 @!p2 $0x80;
	_ =	swait.ge @!p2 [sflag:s7], $0x1000  }
0x7d: {  	s9 =	simm.s32 @!p2 $0x0;
	s15 =	sadd.s32 @!p2 $0xFFFFFFFE, s26;
	[sflag:s7] =	ssyncset.done @!p2 $0x0  }
0x7e: {  	s0 =	simm.s32 @!p2 $0x180;
	s3 =	simm.s32 @!p2 $0x4;
	[sflag:s7] =	ssyncadd.s32 @!p2 $0xFFFFF000  }
0x7f: {  	[spmem:s1] =	stream.indirect.scatter.add.f32 @!p2 [tilespmem:s0], [sflag:$0x4], $0x20, s9, s8, $0xb8;
	[tilespmem:$0x1B820] =	vst v63  }
0x80: {  	p1 =	sge.u32 @!p2 s15, s4;
	_ =	swait.ge @!p2 [sflag:s3], $0x1000  }
0x81: {  	s23 =	sadd.s32 $0xFFFFFFFC, s26;
	p3 =	por p1, p2;
	[sflag:s3] =	ssyncset.done @!p2 $0x0  }
0x82: {  	p1 =	sge.u32 s23, s4;
	s7 =	simm.s32 @!p3 $0x0;
	[sflag:s3] =	ssyncadd.s32 @!p2 $0xFFFFF000  }
0x83: {  	[tilespmem:s7], [sflag:$0x1] =	stream.linear.gather @!p3 [hbm4b:s31+s7], $0x80, $0x38;
	[tilespmem:$0x1B820] =	vst v63  }
0x84: {  	s0 =	simm.s32 @!p3 $0x180;
	s3 =	simm.s32 @!p1 $0x2  }
0x85: {  	[tilespmem:s0], [sflag:$0x1] =	stream.linear.gather @!p3 [hbm4b:s30+s7], $0x1000, $0x38;
	[tilespmem:$0x1B820] =	vst v63  }
0x86: {  	_ =	swait.ge @!p1 [sflag:s3], $0x80  }
0x87: {  	[sflag:s3] =	ssyncset.done @!p1 $0x0  }
0x88: {  	[sflag:s3] =	ssyncadd.s32 @!p1 $0xFFFFFF80  }
0x89: {  	s8 =	simm.s32 @!p1 $0x1180;
	_ =	swait.ge @!p1 [sflag:s3], $0x1000  }
0x8a: {  	s0 =	sadd.s32 @!p1 $0xFFFFFFFF, s26;
	s7 =	simm.s32 @!p1 $0x80;
	[sflag:s3] =	ssyncset.done @!p1 $0x0  }
0x8b: {  	p2 =	sge.u32 @!p1 s0, s4;
	s0 =	simm.s32 @!p1 $0x4;
	[sflag:s3] =	ssyncadd.s32 @!p1 $0xFFFFF000  }
0x8c: {  	[spmem:s1] =	stream.indirect.scatter.add.f32 @!p1 [tilespmem:s8], [sflag:$0x4], $0x20, s7, s7, $0xb8;
	[tilespmem:$0x1B820] =	vst v63  }
0x8d: {  	p2 =	por p2, p1;
	_ =	swait.ge @!p1 [sflag:s0], $0x1000  }
0x8e: {  	s31 =	sadd.s32 $0xFFFFFFFD, s26;
	s3 =	sadd.s32 @!p2 $0xFFFFFFF0, s28;
	[sflag:s0] =	ssyncset.done @!p1 $0x0  }
0x8f: {  	s7 =	simm.s32 @!p2 $0x0;
	[sflag:s0] =	ssyncadd.s32 @!p1 $0xFFFFF000;
	s0 =	simm.s32 @!p2 $0x80  }
0x90: {  	[tilespmem:s0], [sflag:$0x2] =	stream.linear.gather @!p2 [hbm4b:s3+s7], $0x80, $0x38;
	[tilespmem:$0x1B820] =	vst v63  }
0x91: {  	p1 =	sge.u32 s31, s4;
	s0 =	simm.s32 @!p2 $0x1180  }
0x92: {  	[tilespmem:s0], [sflag:$0x2] =	stream.linear.gather @!p2 [hbm4b:s29+s7], $0x1000, $0x38;
	[tilespmem:$0x1B820] =	vst v63  }
0x93: {  	s0 =	simm.s32 @!p1 $0x3  }
0x94: {  	_ =	swait.ge @!p1 [sflag:s0], $0x80  }
0x95: {  	[sflag:s0] =	ssyncset.done @!p1 $0x0  }
0x96: {  	[sflag:s0] =	ssyncadd.s32 @!p1 $0xFFFFFF80  }
0x97: {  	_ =	swait.ge @!p1 [sflag:s0], $0x1000  }
0x98: {  	s3 =	simm.s32 @!p1 $0x2180;
	s8 =	simm.s32 @!p1 $0x100;
	[sflag:s0] =	ssyncset.done @!p1 $0x0  }
0x99: {  	s7 =	simm.s32 @!p1 $0x80;
	[sflag:s0] =	ssyncadd.s32 @!p1 $0xFFFFF000;
	s0 =	simm.s32 @!p1 $0x4  }
0x9a: {  	[spmem:s1] =	stream.indirect.scatter.add.f32 @!p1 [tilespmem:s3], [sflag:$0x4], $0x20, s8, s7, $0xb8;
	[tilespmem:$0x1B820] =	vst v63  }
0x9b: {  	p2 =	sge.u32 @!p1 s26, s4;
	_ =	swait.ge @!p1 [sflag:s0], $0x1000  }
0x9c: {  	p2 =	por p2, p1;
	[sflag:s0] =	ssyncset.done @!p1 $0x0  }
0x9d: {  	s3 =	simm.s32 @!p2 $0x0;
	s7 =	simm.s32 @!p2 $0x100;
	[sflag:s0] =	ssyncadd.s32 @!p1 $0xFFFFF000  }
0x9e: {  	[tilespmem:s7], [sflag:$0x3] =	stream.linear.gather @!p2 [hbm4b:s28+s3], $0x80, $0x38;
	[tilespmem:$0x1B820] =	vst v63  }
0x9f: {  	s24 =	sadd.s32 $0x1, s24;
	s0 =	simm.s32 @!p2 $0x2180  }
0xa0: {  	[tilespmem:s0], [sflag:$0x3] =	stream.linear.gather @!p2 [hbm4b:s25+s3], $0x1000, $0x38;
	[tilespmem:$0x1B820] =	vst v63  }
0xa1: {  	p1 =	sne.s32 s24, s12;
	s0 =	simm.s32 @!p0 $0x1C04;
	[bflag:$0x0] =	sbarrier.arrive $0xFFFF  }
0xa2: {  	[hbm:s11], [sflag:s0] =	dma.local @!p0 [spmem:s18], $0x30D40  }
.Ltmp1:
0xa3: {  	_ = 	snop;
	(pc) =	sbr.rel @p1 .LBB2_1-.Ltmp1, $4  }
0xa4: {  	s0 =	simm.s32 @!p0 $0x4  }
0xa5: {  	_ =	swait.ge @!p0 [sflag:s0], $0x30D40  }
0xa6: {  	[sflag:s0] =	ssyncset.done @!p0 $0x0  }
0xa7: {  	[sflag:s0] =	ssyncadd.s32 @!p0 $0xFFFCF2C0  }
0xa8: {  	_ =	sfence.sel $0x180000  }
0xa9: {  	[bflag:$0x0] =	sbarrier.arrive $0xFFFF  }
0xaa: {  	_ =	strace $0x9000004D  }
0xab: {  	[bflag:$0x2] =	sbarrier.arrive $0xFFFF  }
0xac: {  	s0 =	rddreg [dreg:$0x2]  }
0xad: {  	s0 =	sadd.s32 @!p0 $0x100000, s0  }
0xae: {  	[sflag:s0] =	ssyncadd.tile.s32 @!p0 $0x1;
	_ =	shalt  }
.Lfunc_end2:
_tile_overlayer_lowered:
.L_overlay_start_2:
0xaf: {  	(tag) =	ssettag $0x2  }
0xb0: {  	s0 =	rddreg [dreg:$0x0];
	s2 =	stileid.u32  }
0xb1: {  	s1 =	rddreg [dreg:$0x1];
	p0 =	sne.s32 s2, $0x0  }
0xb2: {  	s3 =	rddreg [dreg:$0x2];
	[bflag:$0x3] =	sbarrier.arrive $0xFFFF;
	s2 =	simm.s32 @!p0 $0x1C04  }
0xb3: {  	[timem:s3], [sflag:s2] =	dma.local @!p0 [hbm:s0], s1  }
0xb4: {  	s0 =	simm.s32 @!p0 $0x4  }
0xb5: {  	_ =	swait.ge @!p0 [sflag:s0], s1  }
0xb6: {  	s1 =	ssub.s32 @!p0 $0x0, s1;
	[sflag:s0] =	ssyncset.done @!p0 $0x0  }
0xb7: {  	[sflag:s0] =	ssyncadd.s32 @!p0 s1  }
0xb8: {  	[bflag:$0x3] =	sbarrier.arrive $0xFFFF  }
0xb9: {  	_ =	shalt  }

// kernel: kernel.21.cloned.1.call-start
scs
__scs_entry_jumppad:
0x0: {  	(pc) =	sbr.rel $0x88, $3  }
0x1: {  	(tag) =	ssettag $0x0;
	lr =	simm.s32 $0x1  }
0x2: {  	[smem:$0x3F82] =	sst lr;
	_ =	strace $0xD0000000  }
0x3: {  	_ = 	snop  }
0x4: {  	_ = 	snop  }
0x5: {  	_ = 	snop  }
0x6: {  	_ = 	snop  }
0x7: {  	_ = 	snop  }
__scs_overlays_trampoline_lowered:
0x8: {  	[smem:$0x3F91] =	sst s0  }
0x9: {  	[smem:$0x3F92] =	sst s1  }
0xa: {  	[smem:$0x3F93] =	sst s2  }
0xb: {  	[smem:$0x3F94] =	sst s3  }
0xc: {  	[smem:$0x3F95] =	sst s4  }
0xd: {  	[smem:$0x3F96] =	sst s5  }
0xe: {  	[smem:$0x3F97] =	sst s6  }
0xf: {  	[smem:$0x3F98] =	sst s7  }
0x10: {  	[smem:$0x3F99] =	sst s8  }
0x11: {  	[smem:$0x3F9A] =	sst s9;
	s0 =	simm.s32 @!p0 $0x0  }
0x12: {  	s1 =	sld [smem:$0x3F80];
	s0 =	simm.s32 @p0 $0x1  }
0x13: {  	[smem:$0x3F9B] =	sst s0;
	s0 =	simm.s32 @!p1 $0x0  }
0x14: {  	s2 =	sld [smem:$0x3F7F];
	s0 =	simm.s32 @p1 $0x1  }
0x15: {  	[smem:$0x3F9C] =	sst s0;
	s0 =	simm.s32 @!p2 $0x0  }
0x16: {  	s3 =	sld [smem:$0x3FDB];
	s0 =	simm.s32 @p2 $0x1  }
0x17: {  	s4 =	simm.s32 $0x1BF5;
	[smem:$0x3F9E] =	sst s0  }
0x18: {  	s0 =	sld [smem:$0x3F81];
	_ =	swait.ge [sflag:s4], $0x0  }
0x19: {  	s7 =	sld [smem:$0x3F82]  }
0x1a: {  	s8 =	sadd.s32 $0xFFFFE003, lr  }
0x1b: {  	s9 =	sadd.s32 $0xFFFFFEF7, lr;
	s5 =	simm.s32 $0xFFFFFFFF;
	p2 =	slt.u32 s8, $0xFFFFF086  }
0x1c: {  	p1 =	slt.u32 s9, $0xF7A;
	s5 =	simm.s32 @!p2 $0x0  }
0x1d: {  	s5 =	simm.s32 @p1 $0x1;
	p0 =	seq.s32 s7, s2  }
0x1e: {  	s7 =	smul.u32 @!p0 $0xF7A, s2;
	p2 =	seq.s32 @!p0 s5, $0x0  }
0x1f: {  	s9 =	smul.u32 $0xF7A, s1;
	s8 =	simm.s32 @!p0 $0x1BF5;
	p2 =	por !p2, p0  }
0x20: {  	[sflag:s8] =	ssyncset.s32 @!p0 $0xFFFFF086;
	s6 =	sadd.s32 @!p0 s3, s7;
	s7 =	simm.s32 @!p0 $0x108  }
0x21: {  	s3 =	sadd.s32 s3, s9;
	s6 =	sadd.s32 @!p0 $0x88, s6;
	s7 =	simm.s32 @p2 $0x1082  }
0x22: {  	[simem:s7], [sflag:s8] =	dma.local @!p0 [hbm:s6], $0xF7A  }
0x23: {  	s9 =	sor.u32 $0xD0000000, s2;
	s6 =	simm.s32 $0x108;
	_ =	swait.ge @!p0 [sflag:s8], $0x0  }
0x24: {  	s3 =	sadd.s32 $0x88, s3;
	s6 =	simm.s32 @!p1 $0x1082;
	[sflag:s4] =	ssyncset.s32 $0xFFFFF086  }
0x25: {  	[simem:s6], [sflag:s4] =	dma.local [hbm:s3], $0xF7A  }
0x26: {  	[smem:$0x3F82] =	sst s1;
	(tag) =	ssettag s2;
	_ =	strace s9  }
0x27: {  	s1 =	sld [smem:$0x3F92]  }
0x28: {  	s2 =	sld [smem:$0x3F93]  }
0x29: {  	s4 =	sld [smem:$0x3F95]  }
0x2a: {  	p0 =	seq.s32 s5, $0x0;
	s5 =	sld [smem:$0x3F96]  }
0x2b: {  	s6 =	sld [smem:$0x3F97]  }
0x2c: {  	s7 =	sld [smem:$0x3F98]  }
0x2d: {  	s3 =	simm.s32 $0x108;
	s8 =	sld [smem:$0x3F99]  }
0x2e: {  	s3 =	simm.s32 @!p0 $0x1082;
	s9 =	sld [smem:$0x3F9A]  }
0x2f: {  	lr =	sadd.s32 s0, s3;
	s0 =	sld [smem:$0x3F91]  }
0x30: {  	s3 =	sld [smem:$0x3F94]  }
0x31: {  	[smem:$0x3F9D] =	sst s10  }
0x32: {  	s10 =	sld [smem:$0x3F9B];
	_ =	sdelay $0x3  }
0x33: {  	p0 =	seq.s32 s10, $0x1;
	s10 =	sld [smem:$0x3F9D];
	_ =	sdelay $0x3  }
0x34: {  	[smem:$0x3F9D] =	sst s10  }
0x35: {  	s10 =	sld [smem:$0x3F9C];
	_ =	sdelay $0x3  }
0x36: {  	p1 =	seq.s32 s10, $0x1;
	s10 =	sld [smem:$0x3F9D];
	_ =	sdelay $0x3  }
0x37: {  	[smem:$0x3F9D] =	sst s10  }
0x38: {  	s10 =	sld [smem:$0x3F9E]  }
0x39: {  	_ = 	snop;
	(pc) =	sbr.ind lr, $3  }
0x3a: {  	_ = 	snop  }
0x3b: {  	_ = 	snop  }
0x3c: {  	p2 =	seq.s32 s10, $0x1;
	s10 =	sld [smem:$0x3F9D]  }
0x3d: {  	_ =	shalt  }
0x3e: {  	_ =	shalt  }
0x3f: {  	_ =	shalt  }
0x40: {  	_ =	shalt  }
0x41: {  	_ =	shalt  }
0x42: {  	_ =	shalt  }
0x43: {  	_ =	shalt  }
0x44: {  	_ =	shalt  }
0x45: {  	_ =	shalt  }
0x46: {  	_ =	shalt  }
0x47: {  	_ =	shalt  }
0x48: {  	_ =	shalt  }
0x49: {  	_ =	shalt  }
0x4a: {  	_ =	shalt  }
0x4b: {  	_ =	shalt  }
0x4c: {  	_ =	shalt  }
0x4d: {  	_ =	shalt  }
0x4e: {  	_ =	shalt  }
0x4f: {  	_ =	shalt  }
0x50: {  	_ =	shalt  }
0x51: {  	_ =	shalt  }
0x52: {  	_ =	shalt  }
0x53: {  	_ =	shalt  }
0x54: {  	_ =	shalt  }
0x55: {  	_ =	shalt  }
0x56: {  	_ =	shalt  }
0x57: {  	_ =	shalt  }
0x58: {  	_ =	shalt  }
0x59: {  	_ =	shalt  }
0x5a: {  	_ =	shalt  }
0x5b: {  	_ =	shalt  }
0x5c: {  	_ =	shalt  }
0x5d: {  	_ =	shalt  }
0x5e: {  	_ =	shalt  }
0x5f: {  	_ =	shalt  }
0x60: {  	_ =	shalt  }
0x61: {  	_ =	shalt  }
0x62: {  	_ =	shalt  }
0x63: {  	_ =	shalt  }
0x64: {  	_ =	shalt  }
0x65: {  	_ =	shalt  }
0x66: {  	_ =	shalt  }
0x67: {  	_ =	shalt  }
0x68: {  	_ =	shalt  }
0x69: {  	_ =	shalt  }
0x6a: {  	_ =	shalt  }
0x6b: {  	_ =	shalt  }
0x6c: {  	_ =	shalt  }
0x6d: {  	_ =	shalt  }
0x6e: {  	_ =	shalt  }
0x6f: {  	_ =	shalt  }
0x70: {  	_ =	shalt  }
0x71: {  	_ =	shalt  }
0x72: {  	_ =	shalt  }
0x73: {  	_ =	shalt  }
0x74: {  	_ =	shalt  }
0x75: {  	_ =	shalt  }
0x76: {  	_ =	shalt  }
0x77: {  	_ =	shalt  }
0x78: {  	_ =	shalt  }
0x79: {  	_ =	shalt  }
0x7a: {  	_ =	shalt  }
0x7b: {  	_ =	shalt  }
0x7c: {  	_ =	shalt  }
0x7d: {  	_ =	shalt  }
0x7e: {  	_ =	shalt  }
0x7f: {  	_ =	shalt  }
0x80: {  	_ =	shalt  }
0x81: {  	_ =	shalt  }
0x82: {  	_ =	shalt  }
0x83: {  	_ =	shalt  }
0x84: {  	_ =	shalt  }
0x85: {  	_ =	shalt  }
0x86: {  	_ =	shalt  }
0x87: {  	_ =	shalt  }
.Lfunc_end0:
.L_simem_size_0:
called_computation.3_lowered:
.L_overlay_start_0:
0x88: {  	s2 =	sld [smem:$0x3FD9]  }
0x89: {  	s3 =	sld [smem:$0x3FFE];
	_ =	sdelay $0x1  }
0x8a: {  	s1 =	srdreg.scid  }
0x8b: {  	s0 =	sand.u32 $0x1, s1  }
0x8c: {  	s16 =	sshll.u32 s0, $0xA;
	s2 =	sadd.s32 s3, s2  }
0x8d: {  	s2 =	sadd.s32 s2, s16  }
0x8e: {  	[smem:$0x3FA9] =	sst s2  }
0x8f: {  	_ = 	snop  }
0x90: {  	(tm) =	ssettm $0x1  }
0x91: {  	s17 =	sld [smem:$0x3FFB];
	_ =	sdelay $0x3  }
0x92: {  	_ =	strace s17  }
0x93: {  	s2 =	sld [smem:$0x3FFC];
	_ =	sdelay $0x3  }
0x94: {  	_ =	strace s2  }
0x95: {  	s2 =	sld [smem:$0x3FFD];
	_ =	sdelay $0x3  }
0x96: {  	_ =	strace s2  }
0x97: {  	_ =	strace $0x8FFFFFFF  }
0x98: {  	s18 =	sld [smem:$0x3FDB];
	_ =	sdelay $0x1  }
0x99: {  	s19 =	simm.s32 $_scs_section_size  }
0x9a: {  	s4 =	simm.s32 $_size__tile_overlayer_lowered;
	s5 =	simm.s32 $_tile_overlayer_lowered  }
0x9b: {  	s22 =	simm.s32 $0x1BFF;
	s21 =	sshll.u32 s5, $0x1;
	s2 =	sadd.s32 s19, s18  }
0x9c: {  	s6 =	simm.s32 $0x0;
	s20 =	sshll.u32 s4, $0x1;
	s4 =	sadd.s32 s21, s2  }
0x9d: {  	[timem:s6], [sflag:s22] =	dma.local [hbm:s4], s20  }
0x9e: {  	_ =	swait.ge [sflag:s22], s20  }
0x9f: {  	s3 =	ssub.s32 $0x0, s20;
	[sflag:s22] =	ssyncset.done $0x0  }
0xa0: {  	[sflag:s22] =	ssyncadd.s32 s3;
	_ =	sdelay $0x1  }
0xa1: {  	s23 =	simm.s32 $0x1B8B  }
0xa2: {  	_ =	swait.ge [sflag:s23], $0x1  }
0xa3: {  	[sflag:s23] =	ssyncset.done $0x0  }
0xa4: {  	s25 =	simm.s32 $0x1B8E;
	s24 =	sld [smem:$0x3FFE];
	[sflag:s23] =	ssyncadd.s32 $0xFFFFFFFF  }
0xa5: {  	s26 =	simm.s32 $execute0_lowered;
	[smem:$0x3FD2] =	sst s25  }
0xa6: {  	s4 =	sshll.u32 s26, $0x1;
	_ =	strace $0x8000004F;
	[dreg:$0x1] =	wrdreg $0xFFFFFFFF  }
0xa7: {  	s28 =	simm.s32 $_size_execute0_lowered;
	s2 =	sadd.s32 s2, s4;
	[dreg:$0x0] =	wrdreg $0x0  }
0xa8: {  	s4 =	sshll.u32 s28, $0x1;
	[dreg:$0x2] =	wrdreg s2  }
0xa9: {  	[dreg:$0x3] =	wrdreg s4  }
0xaa: {  	[dreg:$0x4] =	wrdreg $0xC0  }
0xab: {  	_ =	task [dreg:s6], $0x5FFFF  }
0xac: {  	[dreg:$0x1] =	wrdreg $0xFFFFFFFF  }
0xad: {  	[dreg:$0x0] =	wrdreg $0x60  }
0xae: {  	[dreg:$0x2] =	wrdreg s24  }
0xaf: {  	[dreg:$0x3] =	wrdreg $0x9  }
0xb0: {  	_ =	task.clear_ibuf [dreg:s6], $0x4FFFF;
	_ =	strace $0x9000004F  }
0xb1: {  	s29 =	simm.s32 $0x9;
	_ =	strace $0x80000051  }
0xb2: {  	_ =	swait.ge [sflag:s29], $0x1  }
0xb3: {  	[sflag:s29] =	ssyncadd.s32 $0xFFFFFFFF  }
0xb4: {  	_ =	strace $0x90000051  }
0xb5: {  	_ =	sfence  }
0xb6: {  	s30 =	sld [smem:$0x0];
	_ =	sdelay $0x2  }
0xb7: {  	s31 =	sshll.u32 s1, $0xD;
	s1 =	sshrl.u32 s1, $0x2  }
0xb8: {  	s3 =	sand.u32 $0x4000, s31;
	s1 =	sadd.s32 s1, s30  }
0xb9: {  	s0 =	sor.u32 s3, s0;
	s1 =	sshll.u32 s1, $0x11  }
0xba: {  	s0 =	sor.u32 s1, s0  }
0xbb: {  	s0 =	sadd.s32 $0x8F2B, s0  }
0xbc: {  	[sflag:s0] =	ssyncadd.remote.s32 $0x1  }
0xbd: {  	_ =	sfence.sel $0xFFFF  }
0xbe: {  	[dreg:$0x0] =	wrdreg $0xFFFFFFFF;
	(pc) =	sbr.abs _section_cstart, $3  }
0xbf: {  	[dreg:$0x1] =	wrdreg $0xFFFFFFFF  }
0xc0: {  	_ =	task.clear_ibuf [dreg:s6], $0x2FFFF;
	_ =	strace $0x9FFFFFFF  }
0xc1: {  	(tm) =	ssettm $0x7FFFFFFF  }
tec
execute0_lowered:
.L_overlay_start_1:
0x0: {  	(tag) =	ssettag $0x1  }
0x1: {  	s0 =	srdreg.scid;
	s2 =	stileid.u32  }
0x2: {  	s1 =	rddreg [dreg:$0x0];
	s16 =	simm.s32 $0x7;
	s18 =	simm.s32 $0x80  }
0x3: {  	s19 =	simm.s32 $0x2;
	s20 =	simm.s32 $0x16400;
	s21 =	simm.s32 $0x3  }
0x4: {  	s22 =	simm.s32 $0x17400;
	s23 =	simm.s32 $0x4;
	s24 =	simm.s32 $0x5  }
0x5: {  	s25 =	simm.s32 $0x6;
	s0 =	sand.u32 $0x1, s0;
	s3 =	sshll.u32 s2, $0x1  }
0x6: {  	s26 =	simm.s32 $0x0;
	s2 =	simm.s32 $0x0;
	s9 =	sor.u32 s0, s3  }
0x7: {  	s4 =	sadd.s32 $0x9A400, s1;
	s6 =	sadd.s32 $0xC3CC00, s1;
	s5 =	smul.u32 $0xC40, s9  }
0x8: {  	[smem:$0x7FF] =	sst s2;
	s0 =	ssub.s32 $0x2, s0;
	s7 =	smul.u32 $0xFFFFFF3C, s9  }
0x9: {  	s3 =	sadd.s32 $0x38600, s1;
	s8 =	sshrl.u32 s0, $0x1;
	s10 =	smul.u32 $0x18800, s9  }
0xa: {  	_ =	strace $0x80000050;
	s14 =	smul.u32 $0xC4000, s9;
	s0 =	ssub.s32 s0, s8  }
0xb: {  	s8 =	smul.u32 $0x6200, s9;
	s11 =	sadd.s32 s5, s1;
	s5 =	sadd.s32 $0x92F800, s1  }
.Ltmp0:
0xc: {  	p0 =	slt.s32 s7, $0xFFFFE85A;
	s15 =	smax.u32 s0, $0x1;
	(pc) =	sbr.rel .LBB2_1-.Ltmp0, $4  }
0xd: {  	s1 =	simm.s32 $0x1;
	s0 =	simm.s32 $0x15400;
	s29 =	sadd.s32 $0x69400, s11  }
0xe: {  	s10 =	sadd.s32 s5, s10;
	s30 =	sadd.s32 $0x81C00, s11;
	[dreg:$0x2] =	wrdreg s29  }
0xf: {  	s7 =	simm.s32 @!p0 $0xFFFFE85A;
	[dreg:$0x3] =	wrdreg s30;
	s31 =	sadd.s32 $0x200, s10  }
0x10: {  	s7 =	sadd.s32 $0x186A, s7;
	s13 =	sadd.s32 $0x400, s10;
	[dreg:$0x4] =	wrdreg s31  }
.LBB2_15:
0x11: {  	_ =	swait.ge [sflag:s23], $0x1000  }
0x12: {  	[sflag:s23] =	ssyncset.done $0x0  }
0x13: {  	s26 =	sadd.s32 $0x1, s26;
	[sflag:s23] =	ssyncadd.s32 $0xFFFFF000  }
0x14: {  	p0 =	sne.s32 s26, s15;
	_ =	swait.ge [sflag:s24], $0x1000  }
.Ltmp1:
0x15: {  	[sflag:s24] =	ssyncset.done $0x0;
	(pc) =	sbr.rel @!p0 .LBB2_16-.Ltmp1, $4  }
0x16: {  	[sflag:s24] =	ssyncadd.s32 $0xFFFFF000  }
0x17: {  	_ =	swait.ge [sflag:s25], $0x1000  }
0x18: {  	[sflag:s25] =	ssyncset.done $0x0  }
0x19: {  	[sflag:s25] =	ssyncadd.s32 $0xFFFFF000  }
.LBB2_1:
0x1a: {  	s9 =	rddreg [dreg:$0x2]  }
0x1b: {  	[tilespmem:s2], [sflag:$0x7] =	stream.linear.gather [hbm4b:s9+s2], $0x6200, $0x38;
	[tilespmem:$0x18400] =	vst v63  }
0x1c: {  	_ =	swait.ge [sflag:s16], $0x6200  }
0x1d: {  	[sflag:s16] =	ssyncset.done $0x0  }
0x1e: {  	s11 =	simm.s32 $0x6200;
	s29 =	rddreg [dreg:$0x3];
	[sflag:s16] =	ssyncadd.s32 $0xFFFF9E00  }
0x1f: {  	[tilespmem:s11], [sflag:$0x7] =	stream.linear.gather [hbm4b:s29+s2], $0x6200, $0x38;
	[tilespmem:$0x18400] =	vst v63  }
0x20: {  	_ =	swait.ge [sflag:s16], $0x6200  }
0x21: {  	[sflag:s16] =	ssyncset.done $0x0  }
0x22: {  	s30 =	simm.s32 $0xC400;
	[sflag:s16] =	ssyncadd.s32 $0xFFFF9E00  }
0x23: {  	[tilespmem:s30], [sflag:$0x1] =	stream.indirect.gather [hbm4b:s3+s18], $0x20, s2, s18, $0xb8;
	[tilespmem:$0x18400] =	vst v63  }
0x24: {  	s31 =	simm.s32 $0xF400  }
0x25: {  	[tilespmem:s31], [sflag:$0x1] =	stream.indirect.gather [hbm4b:s4+s18], $0x20, s11, s18, $0xb8;
	[tilespmem:$0x18400] =	vst v63  }
0x26: {  	s11 =	simm.s32 $0x12400  }
0x27: {  	[tilespmem:s11], [sflag:$0x1] =	stream.linear.gather [hbm4b:s10+s2], $0x1000, $0x38;
	[tilespmem:$0x18400] =	vst v63  }
0x28: {  	s12 =	simm.s32 $0xD400  }
0x29: {  	[tilespmem:s12], [sflag:$0x2] =	stream.indirect.gather [hbm4b:s3+s18], $0x20, s18, s18, $0xb8;
	[tilespmem:$0x18400] =	vst v63  }
0x2a: {  	s17 =	simm.s32 $0x6280;
	s29 =	simm.s32 $0x10400  }
0x2b: {  	[tilespmem:s29], [sflag:$0x2] =	stream.indirect.gather [hbm4b:s4+s18], $0x20, s17, s18, $0xb8;
	[tilespmem:$0x18400] =	vst v63  }
0x2c: {  	s30 =	rddreg [dreg:$0x4];
	s31 =	simm.s32 $0x13400  }
0x2d: {  	[tilespmem:s31], [sflag:$0x2] =	stream.linear.gather [hbm4b:s30+s2], $0x1000, $0x38;
	[tilespmem:$0x18400] =	vst v63  }
0x2e: {  	s12 =	simm.s32 $0x100;
	s17 =	simm.s32 $0xE400  }
0x2f: {  	[tilespmem:s17], [sflag:$0x3] =	stream.indirect.gather [hbm4b:s3+s18], $0x20, s12, s18, $0xb8;
	[tilespmem:$0x18400] =	vst v63  }
.Ltmp2:
0x30: {  	_ = 	snop;
	(pc) =	sbr.rel .LBB2_2-.Ltmp2, $4  }
0x31: {  	s29 =	simm.s32 $0x6300;
	s30 =	simm.s32 $0x11400  }
0x32: {  	[tilespmem:s30], [sflag:$0x3] =	stream.indirect.gather [hbm4b:s4+s18], $0x20, s29, s18, $0xb8;
	[tilespmem:$0x18400] =	vst v63  }
0x33: {  	s28 =	simm.s32 $0x0;
	s31 =	simm.s32 $0x14400  }
0x34: {  	[tilespmem:s31], [sflag:$0x3] =	stream.linear.gather [hbm4b:s13+s2], $0x1000, $0x38;
	[tilespmem:$0x18400] =	vst v63  }
.LBB2_14:
0x35: {  	s28 =	sadd.s32 $0x1, s28  }
0x36: {  	p0 =	sne.s32 s28, $0x42  }
.Ltmp3:
0x37: {  	_ = 	snop;
	(pc) =	sbr.rel @!p0 .LBB2_15-.Ltmp3, $1  }
0x38: {  	_ =	sdelay $0x3  }
.LBB2_2:
0x39: {  	s29 =	smul.u32 $0x3, s28;
	_ =	sdelay $0x1  }
0x3a: {  	p1 =	sge.u32 s29, s7  }
.Ltmp4:
0x3b: {  	_ = 	snop;
	(pc) =	sbr.rel @p1 .LBB2_6-.Ltmp4, $2  }
0x3c: {  	_ =	sdelay $0x2  }
0x3d: {  	p0 =	seq.s32 s28, $0x0  }
0x3e: {  	s9 =	simm.s32 @!p0 $0x4  }
0x3f: {  	_ =	swait.ge @!p0 [sflag:s9], $0x1000  }
0x40: {  	[sflag:s9] =	ssyncset.done @!p0 $0x0  }
0x41: {  	[sflag:s9] =	ssyncadd.s32 @!p0 $0xFFFFF000  }
0x42: {  	_ =	swait.ge [sflag:s1], $0x1000  }
0x43: {  	[sflag:s1] =	ssyncset.done $0x0  }
0x44: {  	[sflag:s1] =	ssyncadd.s32 $0xFFFFF000  }
0x45: {  	_ =	swait.ge [sflag:s1], $0x1000  }
0x46: {  	[sflag:s1] =	ssyncset.done $0x0  }
0x47: {  	[sflag:s1] =	ssyncadd.s32 $0xFFFFF000  }
0x48: {  	s30 =	simm.s32 $0xFFFFFFFC;
	_ =	swait.ge [sflag:s1], $0x1000  }
0x49: {  	s31 =	simm.s32 $0x12440;
	s17 =	simm.s32 $0xC440;
	[sflag:s1] =	ssyncset.done $0x0  }
0x4a: {  	s11 =	simm.s32 $0x15440;
	s9 =	simm.s32 $0xF440;
	[sflag:s1] =	ssyncadd.s32 $0xFFFFF000  }
.LBB2_4:
0x4b: {  	v0 =	vld [tilespmem:s31+$0xFFFFFFC0]  }
0x4c: {  	v1 =	vld [tilespmem:s17+$0xFFFFFFC0];
	_ =	sdelay $0x1  }
0x4d: {  	v2 =	vld [tilespmem:s9+$0xFFFFFFC0];
	_ =	sdelay $0x2  }
0x4e: {  	v0 =	vadd.f32 v1, v0;
	_ =	sdelay $0x1  }
0x4f: {  	v0 =	vadd.f32 v2, v0;
	_ =	sdelay $0x1  }
0x50: {  	v42 =	vsub.f32 $0.0e+00, v0;
	_ =	sdelay $0x1  }
0x51: {  	v1 =	vmul.f32 $1.442695020e+00, v42;
	_ =	sdelay $0x1  }
0x52: {  	(erf) = vpow2.f32 v1;
	_ =	sdelay $0x8  }
0x53: {  	v1 =	vpop (erf)  }
0x54: {  	v1 =	vadd.f32 $1.000000000e+00, v1;
	_ =	sdelay $0x1  }
0x55: {  	(erf) = vrcp.f32 v1;
	_ =	sdelay $0x8  }
0x56: {  	v1 =	vpop (erf)  }
0x57: {  	v0 =	vmul.f32 v1, v0;
	_ =	sdelay $0x1  }
0x58: {  	[tilespmem:s11+$0xFFFFFFC0] =	vst v0  }
0x59: {  	v0 =	vld [tilespmem:s31+$0xFFFFFFD0]  }
0x5a: {  	v43 =	vld [tilespmem:s17+$0xFFFFFFD0];
	_ =	sdelay $0x1  }
0x5b: {  	v44 =	vld [tilespmem:s9+$0xFFFFFFD0];
	_ =	sdelay $0x2  }
0x5c: {  	v0 =	vadd.f32 v43, v0;
	_ =	sdelay $0x1  }
0x5d: {  	v0 =	vadd.f32 v44, v0;
	_ =	sdelay $0x1  }
0x5e: {  	v45 =	vsub.f32 $0.0e+00, v0;
	_ =	sdelay $0x1  }
0x5f: {  	v1 =	vmul.f32 $1.442695020e+00, v45;
	_ =	sdelay $0x1  }
0x60: {  	(erf) = vpow2.f32 v1;
	_ =	sdelay $0x8  }
0x61: {  	v1 =	vpop (erf)  }
0x62: {  	v1 =	vadd.f32 $1.000000000e+00, v1;
	_ =	sdelay $0x1  }
0x63: {  	(erf) = vrcp.f32 v1;
	_ =	sdelay $0x8  }
0x64: {  	v1 =	vpop (erf)  }
0x65: {  	v0 =	vmul.f32 v1, v0;
	_ =	sdelay $0x1  }
0x66: {  	[tilespmem:s11+$0xFFFFFFD0] =	vst v0  }
0x67: {  	v0 =	vld [tilespmem:s31+$0xFFFFFFE0]  }
0x68: {  	v46 =	vld [tilespmem:s17+$0xFFFFFFE0];
	_ =	sdelay $0x1  }
0x69: {  	v47 =	vld [tilespmem:s9+$0xFFFFFFE0];
	_ =	sdelay $0x2  }
0x6a: {  	v0 =	vadd.f32 v46, v0;
	_ =	sdelay $0x1  }
0x6b: {  	v0 =	vadd.f32 v47, v0;
	_ =	sdelay $0x1  }
0x6c: {  	v48 =	vsub.f32 $0.0e+00, v0;
	_ =	sdelay $0x1  }
0x6d: {  	v1 =	vmul.f32 $1.442695020e+00, v48;
	_ =	sdelay $0x1  }
0x6e: {  	(erf) = vpow2.f32 v1;
	_ =	sdelay $0x8  }
0x6f: {  	v1 =	vpop (erf)  }
0x70: {  	v1 =	vadd.f32 $1.000000000e+00, v1;
	_ =	sdelay $0x1  }
0x71: {  	(erf) = vrcp.f32 v1;
	_ =	sdelay $0x8  }
0x72: {  	v1 =	vpop (erf)  }
0x73: {  	v0 =	vmul.f32 v1, v0;
	_ =	sdelay $0x1  }
0x74: {  	[tilespmem:s11+$0xFFFFFFE0] =	vst v0  }
0x75: {  	v0 =	vld [tilespmem:s31+$0xFFFFFFF0]  }
0x76: {  	v49 =	vld [tilespmem:s17+$0xFFFFFFF0];
	_ =	sdelay $0x1  }
0x77: {  	v50 =	vld [tilespmem:s9+$0xFFFFFFF0];
	_ =	sdelay $0x2  }
0x78: {  	v0 =	vadd.f32 v49, v0;
	_ =	sdelay $0x1  }
0x79: {  	v0 =	vadd.f32 v50, v0;
	_ =	sdelay $0x1  }
0x7a: {  	v51 =	vsub.f32 $0.0e+00, v0;
	_ =	sdelay $0x1  }
0x7b: {  	v1 =	vmul.f32 $1.442695020e+00, v51;
	_ =	sdelay $0x1  }
0x7c: {  	(erf) = vpow2.f32 v1;
	_ =	sdelay $0x8  }
0x7d: {  	v1 =	vpop (erf)  }
0x7e: {  	v1 =	vadd.f32 $1.000000000e+00, v1;
	_ =	sdelay $0x1  }
0x7f: {  	(erf) = vrcp.f32 v1;
	_ =	sdelay $0x8  }
0x80: {  	v1 =	vpop (erf)  }
0x81: {  	v0 =	vmul.f32 v1, v0;
	_ =	sdelay $0x1  }
0x82: {  	[tilespmem:s11+$0xFFFFFFF0] =	vst v0  }
0x83: {  	v0 =	vld [tilespmem:s31+$0x0]  }
0x84: {  	v52 =	vld [tilespmem:s17+$0x0];
	_ =	sdelay $0x1  }
0x85: {  	v53 =	vld [tilespmem:s9+$0x0];
	_ =	sdelay $0x2  }
0x86: {  	v0 =	vadd.f32 v52, v0;
	_ =	sdelay $0x1  }
0x87: {  	v0 =	vadd.f32 v53, v0;
	_ =	sdelay $0x1  }
0x88: {  	v54 =	vsub.f32 $0.0e+00, v0;
	_ =	sdelay $0x1  }
0x89: {  	v1 =	vmul.f32 $1.442695020e+00, v54;
	_ =	sdelay $0x1  }
0x8a: {  	(erf) = vpow2.f32 v1;
	_ =	sdelay $0x8  }
0x8b: {  	v1 =	vpop (erf)  }
0x8c: {  	v1 =	vadd.f32 $1.000000000e+00, v1;
	_ =	sdelay $0x1  }
0x8d: {  	(erf) = vrcp.f32 v1;
	_ =	sdelay $0x8  }
0x8e: {  	v1 =	vpop (erf)  }
0x8f: {  	v0 =	vmul.f32 v1, v0;
	_ =	sdelay $0x1  }
0x90: {  	[tilespmem:s11+$0x0] =	vst v0  }
0x91: {  	v0 =	vld [tilespmem:s31+$0x10]  }
0x92: {  	v55 =	vld [tilespmem:s17+$0x10];
	_ =	sdelay $0x1  }
0x93: {  	v56 =	vld [tilespmem:s9+$0x10];
	_ =	sdelay $0x2  }
0x94: {  	v0 =	vadd.f32 v55, v0;
	_ =	sdelay $0x1  }
0x95: {  	v0 =	vadd.f32 v56, v0;
	_ =	sdelay $0x1  }
0x96: {  	v57 =	vsub.f32 $0.0e+00, v0;
	_ =	sdelay $0x1  }
0x97: {  	v1 =	vmul.f32 $1.442695020e+00, v57;
	_ =	sdelay $0x1  }
0x98: {  	(erf) = vpow2.f32 v1;
	_ =	sdelay $0x8  }
0x99: {  	v1 =	vpop (erf)  }
0x9a: {  	v1 =	vadd.f32 $1.000000000e+00, v1;
	_ =	sdelay $0x1  }
0x9b: {  	(erf) = vrcp.f32 v1;
	_ =	sdelay $0x8  }
0x9c: {  	v1 =	vpop (erf)  }
0x9d: {  	v0 =	vmul.f32 v1, v0;
	_ =	sdelay $0x1  }
0x9e: {  	[tilespmem:s11+$0x10] =	vst v0  }
0x9f: {  	v0 =	vld [tilespmem:s31+$0x20]  }
0xa0: {  	v58 =	vld [tilespmem:s17+$0x20];
	_ =	sdelay $0x1  }
0xa1: {  	v59 =	vld [tilespmem:s9+$0x20];
	_ =	sdelay $0x2  }
0xa2: {  	v0 =	vadd.f32 v58, v0;
	_ =	sdelay $0x1  }
0xa3: {  	v0 =	vadd.f32 v59, v0;
	_ =	sdelay $0x1  }
0xa4: {  	v60 =	vsub.f32 $0.0e+00, v0;
	_ =	sdelay $0x1  }
0xa5: {  	v1 =	vmul.f32 $1.442695020e+00, v60;
	_ =	sdelay $0x1  }
0xa6: {  	(erf) = vpow2.f32 v1;
	_ =	sdelay $0x8  }
0xa7: {  	v1 =	vpop (erf)  }
0xa8: {  	v1 =	vadd.f32 $1.000000000e+00, v1;
	_ =	sdelay $0x1  }
0xa9: {  	(erf) = vrcp.f32 v1;
	_ =	sdelay $0x8  }
0xaa: {  	v1 =	vpop (erf)  }
0xab: {  	v0 =	vmul.f32 v1, v0;
	_ =	sdelay $0x1  }
0xac: {  	[tilespmem:s11+$0x20] =	vst v0  }
0xad: {  	v0 =	vld [tilespmem:s31+$0x30]  }
0xae: {  	v61 =	vld [tilespmem:s17+$0x30];
	_ =	sdelay $0x1  }
0xaf: {  	v62 =	vld [tilespmem:s9+$0x30];
	_ =	sdelay $0x2  }
0xb0: {  	v0 =	vadd.f32 v61, v0;
	_ =	sdelay $0x1  }
0xb1: {  	v0 =	vadd.f32 v62, v0;
	_ =	sdelay $0x1  }
0xb2: {  	v63 =	vsub.f32 $0.0e+00, v0;
	_ =	sdelay $0x1  }
0xb3: {  	v1 =	vmul.f32 $1.442695020e+00, v63;
	_ =	sdelay $0x1  }
0xb4: {  	(erf) = vpow2.f32 v1;
	_ =	sdelay $0x8  }
0xb5: {  	v1 =	vpop (erf)  }
0xb6: {  	v1 =	vadd.f32 $1.000000000e+00, v1;
	_ =	sdelay $0x1  }
0xb7: {  	(erf) = vrcp.f32 v1;
	_ =	sdelay $0x5  }
0xb8: {  	s30 =	sadd.s32 $0x4, s30  }
0xb9: {  	p1 =	slt.u32 s30, $0x7C  }
.Ltmp5:
0xba: {  	_ = 	snop;
	(pc) =	sbr.rel @p1 .LBB2_4-.Ltmp5, $4  }
0xbb: {  	v1 =	vpop (erf)  }
0xbc: {  	v0 =	vmul.f32 v1, v0  }
0xbd: {  	s31 =	sadd.s32 $0x80, s31  }
0xbe: {  	s17 =	sadd.s32 $0x80, s17;
	s9 =	sadd.s32 $0x80, s9;
	[tilespmem:s11+$0x30] =	vst v0;
	s11 =	sadd.s32 $0x80, s11  }
0xbf: {  	s9 =	smul.u32 $0x180, s28;
	_ =	sdelay $0x1  }
0xc0: {  	s9 =	sadd.s32 s8, s9  }
0xc1: {  	s9 =	sshll.u32 s9, $0x2  }
0xc2: {  	s9 =	sadd.s32 s6, s9  }
0xc3: {  	[hbm4b:s9+s2] =	stream.linear.scatter [tilespmem:s0], [sflag:$0x4], $0x1000, $0x38;
	[tilespmem:$0x18400] =	vst v63  }
0xc4: {  	s9 =	sadd.s32 $0x3, s29  }
0xc5: {  	p1 =	sge.u32 s9, s7  }
0xc6: {  	s9 =	sshll.u32 @!p1 s9, $0x7;
	s11 =	simm.s32 @!p1 $0x80;
	s12 =	simm.s32 @!p1 $0xC400  }
0xc7: {  	[tilespmem:s12], [sflag:$0x1] =	stream.indirect.gather @!p1 [hbm4b:s3+s11], $0x20, s9, s11, $0xb8;
	[tilespmem:$0x18400] =	vst v63  }
0xc8: {  	s12 =	sadd.s32 @!p1 $0x6200, s9;
	s9 =	sadd.s32 @!p1 s8, s9  }
0xc9: {  	s17 =	simm.s32 @!p1 $0xF400;
	s9 =	sshll.u32 @!p1 s9, $0x2  }
0xca: {  	[tilespmem:s17], [sflag:$0x1] =	stream.indirect.gather @!p1 [hbm4b:s4+s11], $0x20, s12, s11, $0xb8;
	[tilespmem:$0x18400] =	vst v63  }
0xcb: {  	s9 =	sand.u32 @!p1 $0x1FFFFE00, s9  }
0xcc: {  	s11 =	simm.s32 @!p1 $0x0;
	s12 =	simm.s32 @!p1 $0x12400;
	s9 =	sadd.s32 @!p1 s5, s9  }
0xcd: {  	[tilespmem:s12], [sflag:$0x1] =	stream.linear.gather @!p1 [hbm4b:s9+s11], $0x1000, $0x38;
	[tilespmem:$0x18400] =	vst v63  }
.LBB2_6:
0xce: {  	s30 =	sadd.s32 $0x1, s29  }
0xcf: {  	p1 =	sge.u32 s30, s7  }
.Ltmp6:
0xd0: {  	_ = 	snop;
	(pc) =	sbr.rel @p1 .LBB2_10-.Ltmp6, $1  }
0xd1: {  	_ =	sdelay $0x3  }
0xd2: {  	s9 =	simm.s32 @!p0 $0x5  }
0xd3: {  	_ =	swait.ge @!p0 [sflag:s9], $0x1000  }
0xd4: {  	[sflag:s9] =	ssyncset.done @!p0 $0x0  }
0xd5: {  	[sflag:s9] =	ssyncadd.s32 @!p0 $0xFFFFF000  }
0xd6: {  	_ =	swait.ge [sflag:s19], $0x1000  }
0xd7: {  	[sflag:s19] =	ssyncset.done $0x0  }
0xd8: {  	[sflag:s19] =	ssyncadd.s32 $0xFFFFF000  }
0xd9: {  	_ =	swait.ge [sflag:s19], $0x1000  }
0xda: {  	[sflag:s19] =	ssyncset.done $0x0  }
0xdb: {  	[sflag:s19] =	ssyncadd.s32 $0xFFFFF000  }
0xdc: {  	s31 =	simm.s32 $0xFFFFFFFC;
	_ =	swait.ge [sflag:s19], $0x1000  }
0xdd: {  	s17 =	simm.s32 $0x13440;
	s11 =	simm.s32 $0x10440;
	[sflag:s19] =	ssyncset.done $0x0  }
0xde: {  	s12 =	simm.s32 $0x16440;
	s9 =	simm.s32 $0xD440;
	[sflag:s19] =	ssyncadd.s32 $0xFFFFF000  }
.LBB2_8:
0xdf: {  	v0 =	vld [tilespmem:s17+$0xFFFFFFC0]  }
0xe0: {  	v1 =	vld [tilespmem:s9+$0xFFFFFFC0];
	_ =	sdelay $0x1  }
0xe1: {  	v2 =	vld [tilespmem:s11+$0xFFFFFFC0];
	_ =	sdelay $0x2  }
0xe2: {  	v0 =	vadd.f32 v1, v0;
	_ =	sdelay $0x1  }
0xe3: {  	v0 =	vadd.f32 v2, v0;
	_ =	sdelay $0x1  }
0xe4: {  	v42 =	vsub.f32 $0.0e+00, v0;
	_ =	sdelay $0x1  }
0xe5: {  	v1 =	vmul.f32 $1.442695020e+00, v42;
	_ =	sdelay $0x1  }
0xe6: {  	(erf) = vpow2.f32 v1;
	_ =	sdelay $0x8  }
0xe7: {  	v1 =	vpop (erf)  }
0xe8: {  	v1 =	vadd.f32 $1.000000000e+00, v1;
	_ =	sdelay $0x1  }
0xe9: {  	(erf) = vrcp.f32 v1;
	_ =	sdelay $0x8  }
0xea: {  	v1 =	vpop (erf)  }
0xeb: {  	v0 =	vmul.f32 v1, v0;
	_ =	sdelay $0x1  }
0xec: {  	[tilespmem:s12+$0xFFFFFFC0] =	vst v0  }
0xed: {  	v0 =	vld [tilespmem:s17+$0xFFFFFFD0]  }
0xee: {  	v43 =	vld [tilespmem:s9+$0xFFFFFFD0];
	_ =	sdelay $0x1  }
0xef: {  	v44 =	vld [tilespmem:s11+$0xFFFFFFD0];
	_ =	sdelay $0x2  }
0xf0: {  	v0 =	vadd.f32 v43, v0;
	_ =	sdelay $0x1  }
0xf1: {  	v0 =	vadd.f32 v44, v0;
	_ =	sdelay $0x1  }
0xf2: {  	v45 =	vsub.f32 $0.0e+00, v0;
	_ =	sdelay $0x1  }
0xf3: {  	v1 =	vmul.f32 $1.442695020e+00, v45;
	_ =	sdelay $0x1  }
0xf4: {  	(erf) = vpow2.f32 v1;
	_ =	sdelay $0x8  }
0xf5: {  	v1 =	vpop (erf)  }
0xf6: {  	v1 =	vadd.f32 $1.000000000e+00, v1;
	_ =	sdelay $0x1  }
0xf7: {  	(erf) = vrcp.f32 v1;
	_ =	sdelay $0x8  }
0xf8: {  	v1 =	vpop (erf)  }
0xf9: {  	v0 =	vmul.f32 v1, v0;
	_ =	sdelay $0x1  }
0xfa: {  	[tilespmem:s12+$0xFFFFFFD0] =	vst v0  }
0xfb: {  	v0 =	vld [tilespmem:s17+$0xFFFFFFE0]  }
0xfc: {  	v46 =	vld [tilespmem:s9+$0xFFFFFFE0];
	_ =	sdelay $0x1  }
0xfd: {  	v47 =	vld [tilespmem:s11+$0xFFFFFFE0];
	_ =	sdelay $0x2  }
0xfe: {  	v0 =	vadd.f32 v46, v0;
	_ =	sdelay $0x1  }
0xff: {  	v0 =	vadd.f32 v47, v0;
	_ =	sdelay $0x1  }
0x100: {  	v48 =	vsub.f32 $0.0e+00, v0;
	_ =	sdelay $0x1  }
0x101: {  	v1 =	vmul.f32 $1.442695020e+00, v48;
	_ =	sdelay $0x1  }
0x102: {  	(erf) = vpow2.f32 v1;
	_ =	sdelay $0x8  }
0x103: {  	v1 =	vpop (erf)  }
0x104: {  	v1 =	vadd.f32 $1.000000000e+00, v1;
	_ =	sdelay $0x1  }
0x105: {  	(erf) = vrcp.f32 v1;
	_ =	sdelay $0x8  }
0x106: {  	v1 =	vpop (erf)  }
0x107: {  	v0 =	vmul.f32 v1, v0;
	_ =	sdelay $0x1  }
0x108: {  	[tilespmem:s12+$0xFFFFFFE0] =	vst v0  }
0x109: {  	v0 =	vld [tilespmem:s17+$0xFFFFFFF0]  }
0x10a: {  	v49 =	vld [tilespmem:s9+$0xFFFFFFF0];
	_ =	sdelay $0x1  }
0x10b: {  	v50 =	vld [tilespmem:s11+$0xFFFFFFF0];
	_ =	sdelay $0x2  }
0x10c: {  	v0 =	vadd.f32 v49, v0;
	_ =	sdelay $0x1  }
0x10d: {  	v0 =	vadd.f32 v50, v0;
	_ =	sdelay $0x1  }
0x10e: {  	v51 =	vsub.f32 $0.0e+00, v0;
	_ =	sdelay $0x1  }
0x10f: {  	v1 =	vmul.f32 $1.442695020e+00, v51;
	_ =	sdelay $0x1  }
0x110: {  	(erf) = vpow2.f32 v1;
	_ =	sdelay $0x8  }
0x111: {  	v1 =	vpop (erf)  }
0x112: {  	v1 =	vadd.f32 $1.000000000e+00, v1;
	_ =	sdelay $0x1  }
0x113: {  	(erf) = vrcp.f32 v1;
	_ =	sdelay $0x8  }
0x114: {  	v1 =	vpop (erf)  }
0x115: {  	v0 =	vmul.f32 v1, v0;
	_ =	sdelay $0x1  }
0x116: {  	[tilespmem:s12+$0xFFFFFFF0] =	vst v0  }
0x117: {  	v0 =	vld [tilespmem:s17+$0x0]  }
0x118: {  	v52 =	vld [tilespmem:s9+$0x0];
	_ =	sdelay $0x1  }
0x119: {  	v53 =	vld [tilespmem:s11+$0x0];
	_ =	sdelay $0x2  }
0x11a: {  	v0 =	vadd.f32 v52, v0;
	_ =	sdelay $0x1  }
0x11b: {  	v0 =	vadd.f32 v53, v0;
	_ =	sdelay $0x1  }
0x11c: {  	v54 =	vsub.f32 $0.0e+00, v0;
	_ =	sdelay $0x1  }
0x11d: {  	v1 =	vmul.f32 $1.442695020e+00, v54;
	_ =	sdelay $0x1  }
0x11e: {  	(erf) = vpow2.f32 v1;
	_ =	sdelay $0x8  }
0x11f: {  	v1 =	vpop (erf)  }
0x120: {  	v1 =	vadd.f32 $1.000000000e+00, v1;
	_ =	sdelay $0x1  }
0x121: {  	(erf) = vrcp.f32 v1;
	_ =	sdelay $0x8  }
0x122: {  	v1 =	vpop (erf)  }
0x123: {  	v0 =	vmul.f32 v1, v0;
	_ =	sdelay $0x1  }
0x124: {  	[tilespmem:s12+$0x0] =	vst v0  }
0x125: {  	v0 =	vld [tilespmem:s17+$0x10]  }
0x126: {  	v55 =	vld [tilespmem:s9+$0x10];
	_ =	sdelay $0x1  }
0x127: {  	v56 =	vld [tilespmem:s11+$0x10];
	_ =	sdelay $0x2  }
0x128: {  	v0 =	vadd.f32 v55, v0;
	_ =	sdelay $0x1  }
0x129: {  	v0 =	vadd.f32 v56, v0;
	_ =	sdelay $0x1  }
0x12a: {  	v57 =	vsub.f32 $0.0e+00, v0;
	_ =	sdelay $0x1  }
0x12b: {  	v1 =	vmul.f32 $1.442695020e+00, v57;
	_ =	sdelay $0x1  }
0x12c: {  	(erf) = vpow2.f32 v1;
	_ =	sdelay $0x8  }
0x12d: {  	v1 =	vpop (erf)  }
0x12e: {  	v1 =	vadd.f32 $1.000000000e+00, v1;
	_ =	sdelay $0x1  }
0x12f: {  	(erf) = vrcp.f32 v1;
	_ =	sdelay $0x8  }
0x130: {  	v1 =	vpop (erf)  }
0x131: {  	v0 =	vmul.f32 v1, v0;
	_ =	sdelay $0x1  }
0x132: {  	[tilespmem:s12+$0x10] =	vst v0  }
0x133: {  	v0 =	vld [tilespmem:s17+$0x20]  }
0x134: {  	v58 =	vld [tilespmem:s9+$0x20];
	_ =	sdelay $0x1  }
0x135: {  	v59 =	vld [tilespmem:s11+$0x20];
	_ =	sdelay $0x2  }
0x136: {  	v0 =	vadd.f32 v58, v0;
	_ =	sdelay $0x1  }
0x137: {  	v0 =	vadd.f32 v59, v0;
	_ =	sdelay $0x1  }
0x138: {  	v60 =	vsub.f32 $0.0e+00, v0;
	_ =	sdelay $0x1  }
0x139: {  	v1 =	vmul.f32 $1.442695020e+00, v60;
	_ =	sdelay $0x1  }
0x13a: {  	(erf) = vpow2.f32 v1;
	_ =	sdelay $0x8  }
0x13b: {  	v1 =	vpop (erf)  }
0x13c: {  	v1 =	vadd.f32 $1.000000000e+00, v1;
	_ =	sdelay $0x1  }
0x13d: {  	(erf) = vrcp.f32 v1;
	_ =	sdelay $0x8  }
0x13e: {  	v1 =	vpop (erf)  }
0x13f: {  	v0 =	vmul.f32 v1, v0;
	_ =	sdelay $0x1  }
0x140: {  	[tilespmem:s12+$0x20] =	vst v0  }
0x141: {  	v0 =	vld [tilespmem:s17+$0x30]  }
0x142: {  	v61 =	vld [tilespmem:s9+$0x30];
	_ =	sdelay $0x1  }
0x143: {  	v62 =	vld [tilespmem:s11+$0x30];
	_ =	sdelay $0x2  }
0x144: {  	v0 =	vadd.f32 v61, v0;
	_ =	sdelay $0x1  }
0x145: {  	v0 =	vadd.f32 v62, v0;
	_ =	sdelay $0x1  }
0x146: {  	v63 =	vsub.f32 $0.0e+00, v0;
	_ =	sdelay $0x1  }
0x147: {  	v1 =	vmul.f32 $1.442695020e+00, v63;
	_ =	sdelay $0x1  }
0x148: {  	(erf) = vpow2.f32 v1;
	_ =	sdelay $0x8  }
0x149: {  	v1 =	vpop (erf)  }
0x14a: {  	v1 =	vadd.f32 $1.000000000e+00, v1;
	_ =	sdelay $0x1  }
0x14b: {  	(erf) = vrcp.f32 v1;
	_ =	sdelay $0x5  }
0x14c: {  	s31 =	sadd.s32 $0x4, s31  }
0x14d: {  	p1 =	slt.u32 s31, $0x7C  }
.Ltmp7:
0x14e: {  	_ = 	snop;
	(pc) =	sbr.rel @p1 .LBB2_8-.Ltmp7, $4  }
0x14f: {  	v1 =	vpop (erf)  }
0x150: {  	v0 =	vmul.f32 v1, v0  }
0x151: {  	s17 =	sadd.s32 $0x80, s17  }
0x152: {  	s9 =	sadd.s32 $0x80, s9;
	s11 =	sadd.s32 $0x80, s11;
	[tilespmem:s12+$0x30] =	vst v0;
	s12 =	sadd.s32 $0x80, s12  }
0x153: {  	s9 =	sshll.u32 s30, $0xC  }
0x154: {  	s9 =	sadd.s32 s14, s9  }
0x155: {  	s9 =	sshrl.u32 s9, $0x3  }
0x156: {  	s9 =	sadd.s32 s6, s9  }
0x157: {  	[hbm4b:s9+s2] =	stream.linear.scatter [tilespmem:s20], [sflag:$0x5], $0x1000, $0x38;
	[tilespmem:$0x18400] =	vst v63  }
0x158: {  	s9 =	sadd.s32 $0x4, s29  }
0x159: {  	p1 =	sge.u32 s9, s7  }
0x15a: {  	s9 =	sshll.u32 @!p1 s9, $0x7;
	s11 =	simm.s32 @!p1 $0x80;
	s12 =	simm.s32 @!p1 $0xD400  }
0x15b: {  	[tilespmem:s12], [sflag:$0x2] =	stream.indirect.gather @!p1 [hbm4b:s3+s11], $0x20, s9, s11, $0xb8;
	[tilespmem:$0x18400] =	vst v63  }
0x15c: {  	s12 =	sadd.s32 @!p1 $0x6200, s9;
	s9 =	sadd.s32 @!p1 s8, s9  }
0x15d: {  	s17 =	simm.s32 @!p1 $0x10400;
	s9 =	sshll.u32 @!p1 s9, $0x2  }
0x15e: {  	[tilespmem:s17], [sflag:$0x2] =	stream.indirect.gather @!p1 [hbm4b:s4+s11], $0x20, s12, s11, $0xb8;
	[tilespmem:$0x18400] =	vst v63  }
0x15f: {  	s9 =	sadd.s32 @!p1 s5, s9;
	s11 =	simm.s32 @!p1 $0x0;
	s12 =	simm.s32 @!p1 $0x13400  }
0x160: {  	[tilespmem:s12], [sflag:$0x2] =	stream.linear.gather @!p1 [hbm4b:s9+s11], $0x1000, $0x38;
	[tilespmem:$0x18400] =	vst v63  }
.LBB2_10:
0x161: {  	s30 =	sadd.s32 $0x2, s29  }
0x162: {  	p1 =	sge.u32 s30, s7  }
.Ltmp8:
0x163: {  	_ = 	snop;
	(pc) =	sbr.rel @p1 .LBB2_14-.Ltmp8, $1  }
0x164: {  	_ =	sdelay $0x3  }
0x165: {  	s9 =	simm.s32 @!p0 $0x6  }
0x166: {  	_ =	swait.ge @!p0 [sflag:s9], $0x1000  }
0x167: {  	[sflag:s9] =	ssyncset.done @!p0 $0x0  }
0x168: {  	[sflag:s9] =	ssyncadd.s32 @!p0 $0xFFFFF000  }
0x169: {  	_ =	swait.ge [sflag:s21], $0x1000  }
0x16a: {  	[sflag:s21] =	ssyncset.done $0x0  }
0x16b: {  	[sflag:s21] =	ssyncadd.s32 $0xFFFFF000  }
0x16c: {  	_ =	swait.ge [sflag:s21], $0x1000  }
0x16d: {  	[sflag:s21] =	ssyncset.done $0x0  }
0x16e: {  	[sflag:s21] =	ssyncadd.s32 $0xFFFFF000  }
0x16f: {  	s31 =	simm.s32 $0xFFFFFFFC;
	_ =	swait.ge [sflag:s21], $0x1000  }
0x170: {  	s17 =	simm.s32 $0x14440;
	s11 =	simm.s32 $0x11440;
	[sflag:s21] =	ssyncset.done $0x0  }
0x171: {  	s12 =	simm.s32 $0x17440;
	s9 =	simm.s32 $0xE440;
	[sflag:s21] =	ssyncadd.s32 $0xFFFFF000  }
.LBB2_12:
0x172: {  	v0 =	vld [tilespmem:s17+$0xFFFFFFC0]  }
0x173: {  	v1 =	vld [tilespmem:s9+$0xFFFFFFC0];
	_ =	sdelay $0x1  }
0x174: {  	v2 =	vld [tilespmem:s11+$0xFFFFFFC0];
	_ =	sdelay $0x2  }
0x175: {  	v0 =	vadd.f32 v1, v0;
	_ =	sdelay $0x1  }
0x176: {  	v0 =	vadd.f32 v2, v0;
	_ =	sdelay $0x1  }
0x177: {  	v42 =	vsub.f32 $0.0e+00, v0;
	_ =	sdelay $0x1  }
0x178: {  	v1 =	vmul.f32 $1.442695020e+00, v42;
	_ =	sdelay $0x1  }
0x179: {  	(erf) = vpow2.f32 v1;
	_ =	sdelay $0x8  }
0x17a: {  	v1 =	vpop (erf)  }
0x17b: {  	v1 =	vadd.f32 $1.000000000e+00, v1;
	_ =	sdelay $0x1  }
0x17c: {  	(erf) = vrcp.f32 v1;
	_ =	sdelay $0x8  }
0x17d: {  	v1 =	vpop (erf)  }
0x17e: {  	v0 =	vmul.f32 v1, v0;
	_ =	sdelay $0x1  }
0x17f: {  	[tilespmem:s12+$0xFFFFFFC0] =	vst v0  }
0x180: {  	v0 =	vld [tilespmem:s17+$0xFFFFFFD0]  }
0x181: {  	v43 =	vld [tilespmem:s9+$0xFFFFFFD0];
	_ =	sdelay $0x1  }
0x182: {  	v44 =	vld [tilespmem:s11+$0xFFFFFFD0];
	_ =	sdelay $0x2  }
0x183: {  	v0 =	vadd.f32 v43, v0;
	_ =	sdelay $0x1  }
0x184: {  	v0 =	vadd.f32 v44, v0;
	_ =	sdelay $0x1  }
0x185: {  	v45 =	vsub.f32 $0.0e+00, v0;
	_ =	sdelay $0x1  }
0x186: {  	v1 =	vmul.f32 $1.442695020e+00, v45;
	_ =	sdelay $0x1  }
0x187: {  	(erf) = vpow2.f32 v1;
	_ =	sdelay $0x8  }
0x188: {  	v1 =	vpop (erf)  }
0x189: {  	v1 =	vadd.f32 $1.000000000e+00, v1;
	_ =	sdelay $0x1  }
0x18a: {  	(erf) = vrcp.f32 v1;
	_ =	sdelay $0x8  }
0x18b: {  	v1 =	vpop (erf)  }
0x18c: {  	v0 =	vmul.f32 v1, v0;
	_ =	sdelay $0x1  }
0x18d: {  	[tilespmem:s12+$0xFFFFFFD0] =	vst v0  }
0x18e: {  	v0 =	vld [tilespmem:s17+$0xFFFFFFE0]  }
0x18f: {  	v46 =	vld [tilespmem:s9+$0xFFFFFFE0];
	_ =	sdelay $0x1  }
0x190: {  	v47 =	vld [tilespmem:s11+$0xFFFFFFE0];
	_ =	sdelay $0x2  }
0x191: {  	v0 =	vadd.f32 v46, v0;
	_ =	sdelay $0x1  }
0x192: {  	v0 =	vadd.f32 v47, v0;
	_ =	sdelay $0x1  }
0x193: {  	v48 =	vsub.f32 $0.0e+00, v0;
	_ =	sdelay $0x1  }
0x194: {  	v1 =	vmul.f32 $1.442695020e+00, v48;
	_ =	sdelay $0x1  }
0x195: {  	(erf) = vpow2.f32 v1;
	_ =	sdelay $0x8  }
0x196: {  	v1 =	vpop (erf)  }
0x197: {  	v1 =	vadd.f32 $1.000000000e+00, v1;
	_ =	sdelay $0x1  }
0x198: {  	(erf) = vrcp.f32 v1;
	_ =	sdelay $0x8  }
0x199: {  	v1 =	vpop (erf)  }
0x19a: {  	v0 =	vmul.f32 v1, v0;
	_ =	sdelay $0x1  }
0x19b: {  	[tilespmem:s12+$0xFFFFFFE0] =	vst v0  }
0x19c: {  	v0 =	vld [tilespmem:s17+$0xFFFFFFF0]  }
0x19d: {  	v49 =	vld [tilespmem:s9+$0xFFFFFFF0];
	_ =	sdelay $0x1  }
0x19e: {  	v50 =	vld [tilespmem:s11+$0xFFFFFFF0];
	_ =	sdelay $0x2  }
0x19f: {  	v0 =	vadd.f32 v49, v0;
	_ =	sdelay $0x1  }
0x1a0: {  	v0 =	vadd.f32 v50, v0;
	_ =	sdelay $0x1  }
0x1a1: {  	v51 =	vsub.f32 $0.0e+00, v0;
	_ =	sdelay $0x1  }
0x1a2: {  	v1 =	vmul.f32 $1.442695020e+00, v51;
	_ =	sdelay $0x1  }
0x1a3: {  	(erf) = vpow2.f32 v1;
	_ =	sdelay $0x8  }
0x1a4: {  	v1 =	vpop (erf)  }
0x1a5: {  	v1 =	vadd.f32 $1.000000000e+00, v1;
	_ =	sdelay $0x1  }
0x1a6: {  	(erf) = vrcp.f32 v1;
	_ =	sdelay $0x8  }
0x1a7: {  	v1 =	vpop (erf)  }
0x1a8: {  	v0 =	vmul.f32 v1, v0;
	_ =	sdelay $0x1  }
0x1a9: {  	[tilespmem:s12+$0xFFFFFFF0] =	vst v0  }
0x1aa: {  	v0 =	vld [tilespmem:s17+$0x0]  }
0x1ab: {  	v52 =	vld [tilespmem:s9+$0x0];
	_ =	sdelay $0x1  }
0x1ac: {  	v53 =	vld [tilespmem:s11+$0x0];
	_ =	sdelay $0x2  }
0x1ad: {  	v0 =	vadd.f32 v52, v0;
	_ =	sdelay $0x1  }
0x1ae: {  	v0 =	vadd.f32 v53, v0;
	_ =	sdelay $0x1  }
0x1af: {  	v54 =	vsub.f32 $0.0e+00, v0;
	_ =	sdelay $0x1  }
0x1b0: {  	v1 =	vmul.f32 $1.442695020e+00, v54;
	_ =	sdelay $0x1  }
0x1b1: {  	(erf) = vpow2.f32 v1;
	_ =	sdelay $0x8  }
0x1b2: {  	v1 =	vpop (erf)  }
0x1b3: {  	v1 =	vadd.f32 $1.000000000e+00, v1;
	_ =	sdelay $0x1  }
0x1b4: {  	(erf) = vrcp.f32 v1;
	_ =	sdelay $0x8  }
0x1b5: {  	v1 =	vpop (erf)  }
0x1b6: {  	v0 =	vmul.f32 v1, v0;
	_ =	sdelay $0x1  }
0x1b7: {  	[tilespmem:s12+$0x0] =	vst v0  }
0x1b8: {  	v0 =	vld [tilespmem:s17+$0x10]  }
0x1b9: {  	v55 =	vld [tilespmem:s9+$0x10];
	_ =	sdelay $0x1  }
0x1ba: {  	v56 =	vld [tilespmem:s11+$0x10];
	_ =	sdelay $0x2  }
0x1bb: {  	v0 =	vadd.f32 v55, v0;
	_ =	sdelay $0x1  }
0x1bc: {  	v0 =	vadd.f32 v56, v0;
	_ =	sdelay $0x1  }
0x1bd: {  	v57 =	vsub.f32 $0.0e+00, v0;
	_ =	sdelay $0x1  }
0x1be: {  	v1 =	vmul.f32 $1.442695020e+00, v57;
	_ =	sdelay $0x1  }
0x1bf: {  	(erf) = vpow2.f32 v1;
	_ =	sdelay $0x8  }
0x1c0: {  	v1 =	vpop (erf)  }
0x1c1: {  	v1 =	vadd.f32 $1.000000000e+00, v1;
	_ =	sdelay $0x1  }
0x1c2: {  	(erf) = vrcp.f32 v1;
	_ =	sdelay $0x8  }
0x1c3: {  	v1 =	vpop (erf)  }
0x1c4: {  	v0 =	vmul.f32 v1, v0;
	_ =	sdelay $0x1  }
0x1c5: {  	[tilespmem:s12+$0x10] =	vst v0  }
0x1c6: {  	v0 =	vld [tilespmem:s17+$0x20]  }
0x1c7: {  	v58 =	vld [tilespmem:s9+$0x20];
	_ =	sdelay $0x1  }
0x1c8: {  	v59 =	vld [tilespmem:s11+$0x20];
	_ =	sdelay $0x2  }
0x1c9: {  	v0 =	vadd.f32 v58, v0;
	_ =	sdelay $0x1  }
0x1ca: {  	v0 =	vadd.f32 v59, v0;
	_ =	sdelay $0x1  }
0x1cb: {  	v60 =	vsub.f32 $0.0e+00, v0;
	_ =	sdelay $0x1  }
0x1cc: {  	v1 =	vmul.f32 $1.442695020e+00, v60;
	_ =	sdelay $0x1  }
0x1cd: {  	(erf) = vpow2.f32 v1;
	_ =	sdelay $0x8  }
0x1ce: {  	v1 =	vpop (erf)  }
0x1cf: {  	v1 =	vadd.f32 $1.000000000e+00, v1;
	_ =	sdelay $0x1  }
0x1d0: {  	(erf) = vrcp.f32 v1;
	_ =	sdelay $0x8  }
0x1d1: {  	v1 =	vpop (erf)  }
0x1d2: {  	v0 =	vmul.f32 v1, v0;
	_ =	sdelay $0x1  }
0x1d3: {  	[tilespmem:s12+$0x20] =	vst v0  }
0x1d4: {  	v0 =	vld [tilespmem:s17+$0x30]  }
0x1d5: {  	v61 =	vld [tilespmem:s9+$0x30];
	_ =	sdelay $0x1  }
0x1d6: {  	v62 =	vld [tilespmem:s11+$0x30];
	_ =	sdelay $0x2  }
0x1d7: {  	v0 =	vadd.f32 v61, v0;
	_ =	sdelay $0x1  }
0x1d8: {  	v0 =	vadd.f32 v62, v0;
	_ =	sdelay $0x1  }
0x1d9: {  	v63 =	vsub.f32 $0.0e+00, v0;
	_ =	sdelay $0x1  }
0x1da: {  	v1 =	vmul.f32 $1.442695020e+00, v63;
	_ =	sdelay $0x1  }
0x1db: {  	(erf) = vpow2.f32 v1;
	_ =	sdelay $0x8  }
0x1dc: {  	v1 =	vpop (erf)  }
0x1dd: {  	v1 =	vadd.f32 $1.000000000e+00, v1;
	_ =	sdelay $0x1  }
0x1de: {  	(erf) = vrcp.f32 v1;
	_ =	sdelay $0x5  }
0x1df: {  	s31 =	sadd.s32 $0x4, s31  }
0x1e0: {  	p0 =	slt.u32 s31, $0x7C  }
.Ltmp9:
0x1e1: {  	_ = 	snop;
	(pc) =	sbr.rel @p0 .LBB2_12-.Ltmp9, $4  }
0x1e2: {  	v1 =	vpop (erf)  }
0x1e3: {  	v0 =	vmul.f32 v1, v0  }
0x1e4: {  	s17 =	sadd.s32 $0x80, s17  }
0x1e5: {  	s9 =	sadd.s32 $0x80, s9;
	s11 =	sadd.s32 $0x80, s11;
	[tilespmem:s12+$0x30] =	vst v0;
	s12 =	sadd.s32 $0x80, s12  }
0x1e6: {  	s9 =	sshll.u32 s30, $0xC  }
0x1e7: {  	s9 =	sadd.s32 s14, s9  }
0x1e8: {  	s9 =	sshrl.u32 s9, $0x3  }
0x1e9: {  	s9 =	sadd.s32 s6, s9  }
0x1ea: {  	[hbm4b:s9+s2] =	stream.linear.scatter [tilespmem:s22], [sflag:$0x6], $0x1000, $0x38;
	[tilespmem:$0x18400] =	vst v63  }
0x1eb: {  	s9 =	sadd.s32 $0x5, s29  }
0x1ec: {  	p0 =	sge.u32 s9, s7  }
0x1ed: {  	s9 =	sshll.u32 @!p0 s9, $0x7;
	s11 =	simm.s32 @!p0 $0x80;
	s12 =	simm.s32 @!p0 $0xE400  }
0x1ee: {  	[tilespmem:s12], [sflag:$0x3] =	stream.indirect.gather @!p0 [hbm4b:s3+s11], $0x20, s9, s11, $0xb8;
	[tilespmem:$0x18400] =	vst v63  }
0x1ef: {  	s12 =	sadd.s32 @!p0 $0x6200, s9;
	s9 =	sadd.s32 @!p0 s8, s9  }
.Ltmp10:
0x1f0: {  	s17 =	simm.s32 @!p0 $0x11400;
	s9 =	sshll.u32 @!p0 s9, $0x2;
	(pc) =	sbr.rel .LBB2_14-.Ltmp10, $4  }
0x1f1: {  	[tilespmem:s17], [sflag:$0x3] =	stream.indirect.gather @!p0 [hbm4b:s4+s11], $0x20, s12, s11, $0xb8;
	[tilespmem:$0x18400] =	vst v63  }
0x1f2: {  	s9 =	sand.u32 @!p0 $0x1FFFFE00, s9  }
0x1f3: {  	s11 =	simm.s32 @!p0 $0x0;
	s12 =	simm.s32 @!p0 $0x14400;
	s9 =	sadd.s32 @!p0 s5, s9  }
0x1f4: {  	[tilespmem:s12], [sflag:$0x3] =	stream.linear.gather @!p0 [hbm4b:s9+s11], $0x1000, $0x38;
	[tilespmem:$0x18400] =	vst v63  }
.LBB2_16:
0x1f5: {  	_ =	sfence.sel $0x180000  }
0x1f6: {  	[bflag:$0x0] =	sbarrier.arrive $0xFFFF  }
0x1f7: {  	_ =	strace $0x90000050  }
0x1f8: {  	s0 =	stileid.u32;
	[bflag:$0x2] =	sbarrier.arrive $0xFFFF  }
0x1f9: {  	p0 =	sne.s32 s0, $0x0;
	s0 =	rddreg [dreg:$0x1]  }
0x1fa: {  	s0 =	sadd.s32 @!p0 $0x100000, s0  }
0x1fb: {  	[sflag:s0] =	ssyncadd.tile.s32 @!p0 $0x1;
	_ =	shalt  }
.Lfunc_end2:
_tile_overlayer_lowered:
.L_overlay_start_2:
0x1fc: {  	(tag) =	ssettag $0x2  }
0x1fd: {  	s0 =	rddreg [dreg:$0x0];
	s2 =	stileid.u32  }
0x1fe: {  	s1 =	rddreg [dreg:$0x1];
	p0 =	sne.s32 s2, $0x0  }
0x1ff: {  	s3 =	rddreg [dreg:$0x2];
	[bflag:$0x3] =	sbarrier.arrive $0xFFFF;
	s2 =	simm.s32 @!p0 $0x1C07  }
0x200: {  	[timem:s3], [sflag:s2] =	dma.local @!p0 [hbm:s0], s1  }
0x201: {  	s0 =	simm.s32 @!p0 $0x7  }
0x202: {  	_ =	swait.ge @!p0 [sflag:s0], s1  }
0x203: {  	s1 =	ssub.s32 @!p0 $0x0, s1;
	[sflag:s0] =	ssyncset.done @!p0 $0x0  }
0x204: {  	[sflag:s0] =	ssyncadd.s32 @!p0 s1  }
0x205: {  	[bflag:$0x3] =	sbarrier.arrive $0xFFFF  }
0x206: {  	_ =	shalt  }

// kernel: kernel.24.cloned.1.call-start
scs
__scs_entry_jumppad:
0x0: {  	(pc) =	sbr.rel $0x88, $3  }
0x1: {  	(tag) =	ssettag $0x0;
	lr =	simm.s32 $0x1  }
0x2: {  	[smem:$0x3F82] =	sst lr;
	_ =	strace $0xD0000000  }
0x3: {  	_ = 	snop  }
0x4: {  	_ = 	snop  }
0x5: {  	_ = 	snop  }
0x6: {  	_ = 	snop  }
0x7: {  	_ = 	snop  }
__scs_overlays_trampoline_lowered:
0x8: {  	[smem:$0x3F91] =	sst s0  }
0x9: {  	[smem:$0x3F92] =	sst s1  }
0xa: {  	[smem:$0x3F93] =	sst s2  }
0xb: {  	[smem:$0x3F94] =	sst s3  }
0xc: {  	[smem:$0x3F95] =	sst s4  }
0xd: {  	[smem:$0x3F96] =	sst s5  }
0xe: {  	[smem:$0x3F97] =	sst s6  }
0xf: {  	[smem:$0x3F98] =	sst s7  }
0x10: {  	[smem:$0x3F99] =	sst s8  }
0x11: {  	[smem:$0x3F9A] =	sst s9;
	s0 =	simm.s32 @!p0 $0x0  }
0x12: {  	s1 =	sld [smem:$0x3F80];
	s0 =	simm.s32 @p0 $0x1  }
0x13: {  	[smem:$0x3F9B] =	sst s0;
	s0 =	simm.s32 @!p1 $0x0  }
0x14: {  	s2 =	sld [smem:$0x3F7F];
	s0 =	simm.s32 @p1 $0x1  }
0x15: {  	[smem:$0x3F9C] =	sst s0;
	s0 =	simm.s32 @!p2 $0x0  }
0x16: {  	s3 =	sld [smem:$0x3FDB];
	s0 =	simm.s32 @p2 $0x1  }
0x17: {  	s4 =	simm.s32 $0x1BF5;
	[smem:$0x3F9E] =	sst s0  }
0x18: {  	s0 =	sld [smem:$0x3F81];
	_ =	swait.ge [sflag:s4], $0x0  }
0x19: {  	s7 =	sld [smem:$0x3F82]  }
0x1a: {  	s8 =	sadd.s32 $0xFFFFE003, lr  }
0x1b: {  	s9 =	sadd.s32 $0xFFFFFEF7, lr;
	s5 =	simm.s32 $0xFFFFFFFF;
	p2 =	slt.u32 s8, $0xFFFFF086  }
0x1c: {  	p1 =	slt.u32 s9, $0xF7A;
	s5 =	simm.s32 @!p2 $0x0  }
0x1d: {  	s5 =	simm.s32 @p1 $0x1;
	p0 =	seq.s32 s7, s2  }
0x1e: {  	s7 =	smul.u32 @!p0 $0xF7A, s2;
	p2 =	seq.s32 @!p0 s5, $0x0  }
0x1f: {  	s9 =	smul.u32 $0xF7A, s1;
	s8 =	simm.s32 @!p0 $0x1BF5;
	p2 =	por !p2, p0  }
0x20: {  	[sflag:s8] =	ssyncset.s32 @!p0 $0xFFFFF086;
	s6 =	sadd.s32 @!p0 s3, s7;
	s7 =	simm.s32 @!p0 $0x108  }
0x21: {  	s3 =	sadd.s32 s3, s9;
	s6 =	sadd.s32 @!p0 $0x88, s6;
	s7 =	simm.s32 @p2 $0x1082  }
0x22: {  	[simem:s7], [sflag:s8] =	dma.local @!p0 [hbm:s6], $0xF7A  }
0x23: {  	s9 =	sor.u32 $0xD0000000, s2;
	s6 =	simm.s32 $0x108;
	_ =	swait.ge @!p0 [sflag:s8], $0x0  }
0x24: {  	s3 =	sadd.s32 $0x88, s3;
	s6 =	simm.s32 @!p1 $0x1082;
	[sflag:s4] =	ssyncset.s32 $0xFFFFF086  }
0x25: {  	[simem:s6], [sflag:s4] =	dma.local [hbm:s3], $0xF7A  }
0x26: {  	[smem:$0x3F82] =	sst s1;
	(tag) =	ssettag s2;
	_ =	strace s9  }
0x27: {  	s1 =	sld [smem:$0x3F92]  }
0x28: {  	s2 =	sld [smem:$0x3F93]  }
0x29: {  	s4 =	sld [smem:$0x3F95]  }
0x2a: {  	p0 =	seq.s32 s5, $0x0;
	s5 =	sld [smem:$0x3F96]  }
0x2b: {  	s6 =	sld [smem:$0x3F97]  }
0x2c: {  	s7 =	sld [smem:$0x3F98]  }
0x2d: {  	s3 =	simm.s32 $0x108;
	s8 =	sld [smem:$0x3F99]  }
0x2e: {  	s3 =	simm.s32 @!p0 $0x1082;
	s9 =	sld [smem:$0x3F9A]  }
0x2f: {  	lr =	sadd.s32 s0, s3;
	s0 =	sld [smem:$0x3F91]  }
0x30: {  	s3 =	sld [smem:$0x3F94]  }
0x31: {  	[smem:$0x3F9D] =	sst s10  }
0x32: {  	s10 =	sld [smem:$0x3F9B];
	_ =	sdelay $0x3  }
0x33: {  	p0 =	seq.s32 s10, $0x1;
	s10 =	sld [smem:$0x3F9D];
	_ =	sdelay $0x3  }
0x34: {  	[smem:$0x3F9D] =	sst s10  }
0x35: {  	s10 =	sld [smem:$0x3F9C];
	_ =	sdelay $0x3  }
0x36: {  	p1 =	seq.s32 s10, $0x1;
	s10 =	sld [smem:$0x3F9D];
	_ =	sdelay $0x3  }
0x37: {  	[smem:$0x3F9D] =	sst s10  }
0x38: {  	s10 =	sld [smem:$0x3F9E]  }
0x39: {  	_ = 	snop;
	(pc) =	sbr.ind lr, $3  }
0x3a: {  	_ = 	snop  }
0x3b: {  	_ = 	snop  }
0x3c: {  	p2 =	seq.s32 s10, $0x1;
	s10 =	sld [smem:$0x3F9D]  }
0x3d: {  	_ =	shalt  }
0x3e: {  	_ =	shalt  }
0x3f: {  	_ =	shalt  }
0x40: {  	_ =	shalt  }
0x41: {  	_ =	shalt  }
0x42: {  	_ =	shalt  }
0x43: {  	_ =	shalt  }
0x44: {  	_ =	shalt  }
0x45: {  	_ =	shalt  }
0x46: {  	_ =	shalt  }
0x47: {  	_ =	shalt  }
0x48: {  	_ =	shalt  }
0x49: {  	_ =	shalt  }
0x4a: {  	_ =	shalt  }
0x4b: {  	_ =	shalt  }
0x4c: {  	_ =	shalt  }
0x4d: {  	_ =	shalt  }
0x4e: {  	_ =	shalt  }
0x4f: {  	_ =	shalt  }
0x50: {  	_ =	shalt  }
0x51: {  	_ =	shalt  }
0x52: {  	_ =	shalt  }
0x53: {  	_ =	shalt  }
0x54: {  	_ =	shalt  }
0x55: {  	_ =	shalt  }
0x56: {  	_ =	shalt  }
0x57: {  	_ =	shalt  }
0x58: {  	_ =	shalt  }
0x59: {  	_ =	shalt  }
0x5a: {  	_ =	shalt  }
0x5b: {  	_ =	shalt  }
0x5c: {  	_ =	shalt  }
0x5d: {  	_ =	shalt  }
0x5e: {  	_ =	shalt  }
0x5f: {  	_ =	shalt  }
0x60: {  	_ =	shalt  }
0x61: {  	_ =	shalt  }
0x62: {  	_ =	shalt  }
0x63: {  	_ =	shalt  }
0x64: {  	_ =	shalt  }
0x65: {  	_ =	shalt  }
0x66: {  	_ =	shalt  }
0x67: {  	_ =	shalt  }
0x68: {  	_ =	shalt  }
0x69: {  	_ =	shalt  }
0x6a: {  	_ =	shalt  }
0x6b: {  	_ =	shalt  }
0x6c: {  	_ =	shalt  }
0x6d: {  	_ =	shalt  }
0x6e: {  	_ =	shalt  }
0x6f: {  	_ =	shalt  }
0x70: {  	_ =	shalt  }
0x71: {  	_ =	shalt  }
0x72: {  	_ =	shalt  }
0x73: {  	_ =	shalt  }
0x74: {  	_ =	shalt  }
0x75: {  	_ =	shalt  }
0x76: {  	_ =	shalt  }
0x77: {  	_ =	shalt  }
0x78: {  	_ =	shalt  }
0x79: {  	_ =	shalt  }
0x7a: {  	_ =	shalt  }
0x7b: {  	_ =	shalt  }
0x7c: {  	_ =	shalt  }
0x7d: {  	_ =	shalt  }
0x7e: {  	_ =	shalt  }
0x7f: {  	_ =	shalt  }
0x80: {  	_ =	shalt  }
0x81: {  	_ =	shalt  }
0x82: {  	_ =	shalt  }
0x83: {  	_ =	shalt  }
0x84: {  	_ =	shalt  }
0x85: {  	_ =	shalt  }
0x86: {  	_ =	shalt  }
0x87: {  	_ =	shalt  }
.Lfunc_end0:
.L_simem_size_0:
called_computation.4_lowered:
.L_overlay_start_0:
0x88: {  	s2 =	sld [smem:$0x3FD9]  }
0x89: {  	s3 =	sld [smem:$0x3FFE];
	_ =	sdelay $0x1  }
0x8a: {  	s1 =	srdreg.scid  }
0x8b: {  	s0 =	sand.u32 $0x1, s1  }
0x8c: {  	s16 =	sshll.u32 s0, $0xA;
	s2 =	sadd.s32 s3, s2  }
0x8d: {  	s2 =	sadd.s32 s2, s16  }
0x8e: {  	[smem:$0x3FA9] =	sst s2  }
0x8f: {  	_ = 	snop  }
0x90: {  	(tm) =	ssettm $0x1  }
0x91: {  	s17 =	sld [smem:$0x3FFB];
	_ =	sdelay $0x3  }
0x92: {  	_ =	strace s17  }
0x93: {  	s2 =	sld [smem:$0x3FFC];
	_ =	sdelay $0x3  }
0x94: {  	_ =	strace s2  }
0x95: {  	s2 =	sld [smem:$0x3FFD];
	_ =	sdelay $0x3  }
0x96: {  	_ =	strace s2  }
0x97: {  	_ =	strace $0x8FFFFFFF  }
0x98: {  	s18 =	sld [smem:$0x3FDB];
	_ =	sdelay $0x1  }
0x99: {  	s19 =	simm.s32 $_scs_section_size  }
0x9a: {  	s4 =	simm.s32 $_size__tile_overlayer_lowered;
	s5 =	simm.s32 $_tile_overlayer_lowered  }
0x9b: {  	s22 =	simm.s32 $0x1BFF;
	s21 =	sshll.u32 s5, $0x1;
	s2 =	sadd.s32 s19, s18  }
0x9c: {  	s6 =	simm.s32 $0x0;
	s20 =	sshll.u32 s4, $0x1;
	s4 =	sadd.s32 s21, s2  }
0x9d: {  	[timem:s6], [sflag:s22] =	dma.local [hbm:s4], s20  }
0x9e: {  	_ =	swait.ge [sflag:s22], s20  }
0x9f: {  	s3 =	ssub.s32 $0x0, s20;
	[sflag:s22] =	ssyncset.done $0x0  }
0xa0: {  	[sflag:s22] =	ssyncadd.s32 s3;
	_ =	sdelay $0x1  }
0xa1: {  	s23 =	simm.s32 $0x1B8B  }
0xa2: {  	_ =	swait.ge [sflag:s23], $0x1  }
0xa3: {  	[sflag:s23] =	ssyncset.done $0x0  }
0xa4: {  	s25 =	simm.s32 $0x1B8E;
	s24 =	sld [smem:$0x3FFE];
	[sflag:s23] =	ssyncadd.s32 $0xFFFFFFFF  }
0xa5: {  	s26 =	simm.s32 $execute0_lowered;
	[smem:$0x3FD2] =	sst s25  }
0xa6: {  	s4 =	sshll.u32 s26, $0x1;
	_ =	strace $0x80000052;
	[dreg:$0x1] =	wrdreg $0xFFFFFFFF  }
0xa7: {  	s28 =	simm.s32 $_size_execute0_lowered;
	s2 =	sadd.s32 s2, s4;
	[dreg:$0x0] =	wrdreg $0x0  }
0xa8: {  	s4 =	sshll.u32 s28, $0x1;
	[dreg:$0x2] =	wrdreg s2  }
0xa9: {  	[dreg:$0x3] =	wrdreg s4  }
0xaa: {  	[dreg:$0x4] =	wrdreg $0xC0  }
0xab: {  	_ =	task [dreg:s6], $0x5FFFF  }
0xac: {  	[dreg:$0x1] =	wrdreg $0xFFFFFFFF  }
0xad: {  	[dreg:$0x0] =	wrdreg $0x60  }
0xae: {  	[dreg:$0x2] =	wrdreg s24  }
0xaf: {  	[dreg:$0x3] =	wrdreg $0x31800  }
0xb0: {  	[dreg:$0x4] =	wrdreg $0x9  }
0xb1: {  	_ =	task.clear_ibuf [dreg:s6], $0x5FFFF;
	_ =	strace $0x90000052  }
0xb2: {  	s29 =	simm.s32 $0x9;
	_ =	strace $0x80000054  }
0xb3: {  	_ =	swait.ge [sflag:s29], $0x1  }
0xb4: {  	[sflag:s29] =	ssyncadd.s32 $0xFFFFFFFF  }
0xb5: {  	_ =	strace $0x90000054  }
0xb6: {  	_ =	sfence  }
0xb7: {  	s30 =	sld [smem:$0x0];
	_ =	sdelay $0x2  }
0xb8: {  	s31 =	sshll.u32 s1, $0xD;
	s1 =	sshrl.u32 s1, $0x2  }
0xb9: {  	s3 =	sand.u32 $0x4000, s31;
	s1 =	sadd.s32 s1, s30  }
0xba: {  	s0 =	sor.u32 s3, s0;
	s1 =	sshll.u32 s1, $0x11  }
0xbb: {  	s0 =	sor.u32 s1, s0  }
0xbc: {  	s0 =	sadd.s32 $0x8F2B, s0  }
0xbd: {  	[sflag:s0] =	ssyncadd.remote.s32 $0x1  }
0xbe: {  	_ =	sfence.sel $0xFFFF  }
0xbf: {  	[dreg:$0x0] =	wrdreg $0xFFFFFFFF;
	(pc) =	sbr.abs _section_cstart, $3  }
0xc0: {  	[dreg:$0x1] =	wrdreg $0xFFFFFFFF  }
0xc1: {  	_ =	task.clear_ibuf [dreg:s6], $0x2FFFF;
	_ =	strace $0x9FFFFFFF  }
0xc2: {  	(tm) =	ssettm $0x7FFFFFFF  }
0xc3: {  	_ =	shalt  }
tec
execute0_lowered:
.L_overlay_start_1:
0x0: {  	(tag) =	ssettag $0x1  }
0x1: {  	s0 =	rddreg [dreg:$0x0]  }
0x2: {  	s1 =	rddreg [dreg:$0x1];
	s15 =	stileid.u32  }
0x3: {  	s3 =	srdreg.scid;
	s12 =	smul.u32 $0x188, s15  }
0x4: {  	s2 =	simm.s32 $0x0;
	s7 =	sand.u32 $0x1, s3;
	s18 =	smul.u32 $0x188000, s15  }
0x5: {  	s20 =	sshll.u32 s15, $0x1;
	[smem:$0x7FF] =	sst s2;
	s4 =	smul.u32 $0x30D40, s7  }
0x6: {  	s16 =	sadd.s32 $0xC3CC00, s0;
	s13 =	sadd.s32 $0x81C00, s0;
	s17 =	smul.u32 $0xC4, s7  }
0x7: {  	s21 =	sadd.s32 $0x7800, s0;
	s5 =	sor.u32 s7, s20;
	s19 =	smul.u32 $0xC4000, s7  }
0x8: {  	p0 =	sne.s32 s15, $0x0;
	_ =	strace $0x80000053;
	s6 =	smul.u32 $0xC4, s5  }
0x9: {  	[dreg:$0x3] =	wrdreg s21;
	s9 =	ssub.s32 $0x2, s7;
	s8 =	smul.u32 $0xC40, s5  }
0xa: {  	s10 =	smul.u32 $0x18800, s5;
	s22 =	sshrl.u32 s9, $0x1;
	s11 =	sadd.s32 s4, s0  }
0xb: {  	s14 =	ssub.s32 s9, s22;
	s0 =	sadd.s32 $0x81C10, s0;
	s12 =	sadd.s32 s17, s12  }
0xc: {  	s28 =	sadd.s32 s19, s18;
	s18 =	sshrl.u32 @!p0 s1, $0x3;
	s23 =	ssub.s32 $0x186A, s6  }
0xd: {  	s5 =	sadd.s32 s13, s8;
	s6 =	sadd.s32 s16, s10;
	s24 =	sadd.s32 s8, s0  }
0xe: {  	s11 =	sadd.s32 $0x9A400, s11;
	s29 =	sshll.u32 s12, $0x4;
	s19 =	sor.u32 $0x3000, s28  }
0xf: {  	s12 =	smax.u32 s14, $0x1;
	s31 =	sadd.s32 $0x5000, s28;
	s17 =	sadd.s32 $0x4000, s28  }
0x10: {  	s4 =	smin.u32 s23, $0xC4;
	[dreg:$0x4] =	wrdreg s24;
	s25 =	sadd.s32 $0x200, s6  }
0x11: {  	s26 =	sadd.s32 $0x20, s5;
	s10 =	sadd.s32 $0x400, s6;
	s13 =	sadd.s32 s29, s13  }
0x12: {  	s30 =	sshrl.u32 s19, $0x3;
	s0 =	sadd.s32 s0, s29;
	[dreg:$0x5] =	wrdreg s25  }
0x13: {  	s17 =	sshrl.u32 s17, $0x3;
	s24 =	simm.s32 $0x0;
	[dreg:$0x6] =	wrdreg s26  }
0x14: {  	s13 =	sadd.s32 $0x30, s13;
	s20 =	sadd.s32 $0x40, s0;
	s0 =	sshrl.u32 s31, $0x3  }
0x15: {  	s14 =	sadd.s32 s30, s16;
	s17 =	sadd.s32 s17, s16;
	s19 =	sadd.s32 s0, s16  }
.LBB2_1:
0x16: {  	s0 =	simm.s32 @!p0 $0x1C04;
	s3 =	rddreg [dreg:$0x3]  }
0x17: {  	[spmem:s18], [sflag:s0] =	dma.local @!p0 [hbm:s3], $0x30D40  }
0x18: {  	s0 =	simm.s32 @!p0 $0x4  }
0x19: {  	_ =	swait.ge @!p0 [sflag:s0], $0x30D40  }
0x1a: {  	[sflag:s0] =	ssyncset.done @!p0 $0x0  }
0x1b: {  	[sflag:s0] =	ssyncadd.s32 @!p0 $0xFFFCF2C0  }
0x1c: {  	[bflag:$0x0] =	sbarrier.arrive $0xFFFF  }
0x1d: {  	[tilespmem:s2], [sflag:$0x1] =	stream.linear.gather [hbm4b:s5+s2], $0x80, $0x38;
	[tilespmem:$0x1B820] =	vst v63  }
0x1e: {  	s9 =	simm.s32 $0x180  }
0x1f: {  	[tilespmem:s9], [sflag:$0x1] =	stream.linear.gather [hbm4b:s6+s2], $0x1000, $0x38;
	[tilespmem:$0x1B820] =	vst v63  }
0x20: {  	s16 =	simm.s32 $0x80;
	s15 =	rddreg [dreg:$0x4]  }
0x21: {  	[tilespmem:s16], [sflag:$0x2] =	stream.linear.gather [hbm4b:s15+s2], $0x80, $0x38;
	[tilespmem:$0x1B820] =	vst v63  }
0x22: {  	s22 =	simm.s32 $0x1180;
	s21 =	rddreg [dreg:$0x5]  }
0x23: {  	[tilespmem:s22], [sflag:$0x2] =	stream.linear.gather [hbm4b:s21+s2], $0x1000, $0x38;
	[tilespmem:$0x1B820] =	vst v63  }
0x24: {  	s25 =	simm.s32 $0x100;
	p1 =	sle.u32 s4, $0x0;
	s23 =	rddreg [dreg:$0x6]  }
0x25: {  	[tilespmem:s25], [sflag:$0x3] =	stream.linear.gather [hbm4b:s23+s2], $0x80, $0x38;
	[tilespmem:$0x1B820] =	vst v63  }
0x26: {  	s26 =	simm.s32 $0x2180;
	s0 =	simm.s32 @!p1 $0x1  }
0x27: {  	[tilespmem:s26], [sflag:$0x3] =	stream.linear.gather [hbm4b:s10+s2], $0x1000, $0x38;
	[tilespmem:$0x1B820] =	vst v63  }
0x28: {  	_ =	swait.ge @!p1 [sflag:s0], $0x80  }
0x29: {  	[sflag:s0] =	ssyncset.done @!p1 $0x0  }
0x2a: {  	[sflag:s0] =	ssyncadd.s32 @!p1 $0xFFFFFF80  }
0x2b: {  	_ =	swait.ge @!p1 [sflag:s0], $0x1000  }
0x2c: {  	s15 =	simm.s32 @!p1 $0x180;
	s16 =	simm.s32 @!p1 $0x4;
	[sflag:s0] =	ssyncset.done @!p1 $0x0  }
0x2d: {  	s21 =	simm.s32 @!p1 $0x80;
	s22 =	simm.s32 @!p1 $0x0;
	[sflag:s0] =	ssyncadd.s32 @!p1 $0xFFFFF000  }
0x2e: {  	[spmem:s1] =	stream.indirect.scatter.add.f32 @!p1 [tilespmem:s15], [sflag:$0x4], $0x20, s22, s21, $0xb8;
	[tilespmem:$0x1B820] =	vst v63  }
0x2f: {  	p2 =	sle.u32 @!p1 s4, $0x3;
	_ =	swait.ge @!p1 [sflag:s16], $0x1000  }
0x30: {  	p2 =	por p2, p1;
	[sflag:s16] =	ssyncset.done @!p1 $0x0  }
0x31: {  	s0 =	simm.s32 @!p2 $0x0;
	[sflag:s16] =	ssyncadd.s32 @!p1 $0xFFFFF000;
	p1 =	sle.u32 s4, $0x1  }
0x32: {  	[tilespmem:s0], [sflag:$0x1] =	stream.linear.gather @!p2 [hbm4b:s13+s0], $0x80, $0x38;
	[tilespmem:$0x1B820] =	vst v63  }
0x33: {  	s15 =	simm.s32 @!p2 $0x180;
	s16 =	simm.s32 @!p1 $0x2  }
0x34: {  	[tilespmem:s15], [sflag:$0x1] =	stream.linear.gather @!p2 [hbm4b:s14+s0], $0x1000, $0x38;
	[tilespmem:$0x1B820] =	vst v63  }
0x35: {  	_ =	swait.ge @!p1 [sflag:s16], $0x80  }
0x36: {  	[sflag:s16] =	ssyncset.done @!p1 $0x0  }
0x37: {  	[sflag:s16] =	ssyncadd.s32 @!p1 $0xFFFFFF80  }
0x38: {  	_ =	swait.ge @!p1 [sflag:s16], $0x1000  }
0x39: {  	s21 =	simm.s32 @!p1 $0x1180;
	p2 =	sle.u32 @!p1 s4, $0x4;
	[sflag:s16] =	ssyncset.done @!p1 $0x0  }
0x3a: {  	s0 =	simm.s32 @!p1 $0x4;
	s15 =	simm.s32 @!p1 $0x80;
	[sflag:s16] =	ssyncadd.s32 @!p1 $0xFFFFF000  }
0x3b: {  	[spmem:s1] =	stream.indirect.scatter.add.f32 @!p1 [tilespmem:s21], [sflag:$0x4], $0x20, s15, s15, $0xb8;
	[tilespmem:$0x1B820] =	vst v63  }
0x3c: {  	p2 =	por p2, p1;
	_ =	swait.ge @!p1 [sflag:s0], $0x1000  }
0x3d: {  	p3 =	sle.u32 s4, $0x2;
	s16 =	simm.s32 @!p2 $0x0;
	[sflag:s0] =	ssyncset.done @!p1 $0x0  }
0x3e: {  	s15 =	sadd.s32 @!p2 $0xFFFFFFF0, s20;
	[sflag:s0] =	ssyncadd.s32 @!p1 $0xFFFFF000;
	s0 =	simm.s32 @!p2 $0x80  }
0x3f: {  	[tilespmem:s0], [sflag:$0x2] =	stream.linear.gather @!p2 [hbm4b:s15+s16], $0x80, $0x38;
	[tilespmem:$0x1B820] =	vst v63  }
0x40: {  	s0 =	simm.s32 @!p2 $0x1180;
	s15 =	simm.s32 @!p3 $0x3  }
0x41: {  	[tilespmem:s0], [sflag:$0x2] =	stream.linear.gather @!p2 [hbm4b:s17+s16], $0x1000, $0x38;
	[tilespmem:$0x1B820] =	vst v63  }
0x42: {  	s29 =	sadd.s32 $0x600, s17;
	_ =	swait.ge @!p3 [sflag:s15], $0x80  }
0x43: {  	s30 =	sadd.s32 $0x600, s14;
	s28 =	sadd.s32 $0x30, s20;
	[sflag:s15] =	ssyncset.done @!p3 $0x0  }
0x44: {  	s31 =	sadd.s32 $0x30, s13;
	s25 =	sadd.s32 $0x600, s19;
	[sflag:s15] =	ssyncadd.s32 @!p3 $0xFFFFFF80  }
0x45: {  	s26 =	simm.s32 $0x8;
	s22 =	simm.s32 @!p3 $0x100;
	_ =	swait.ge @!p3 [sflag:s15], $0x1000  }
0x46: {  	s21 =	simm.s32 @!p3 $0x80;
	p1 =	sle.u32 @!p3 s4, $0x5;
	[sflag:s15] =	ssyncset.done @!p3 $0x0  }
0x47: {  	p4 =	por p1, p3;
	s16 =	simm.s32 @!p3 $0x2180;
	[sflag:s15] =	ssyncadd.s32 @!p3 $0xFFFFF000  }
0x48: {  	[spmem:s1] =	stream.indirect.scatter.add.f32 @!p3 [tilespmem:s16], [sflag:$0x4], $0x20, s22, s21, $0xb8;
	[tilespmem:$0x1B820] =	vst v63  }
0x49: {  	s0 =	simm.s32 $0xB;
	p2 =	sle.u32 s4, $0x3;
	s22 =	simm.s32 @!p3 $0x4  }
0x4a: {  	s15 =	smov.u32 s20;
	s16 =	smov.u32 s19;
	_ =	swait.ge @!p3 [sflag:s22], $0x1000  }
.LBB2_2:
0x4b: {  	[sflag:s22] =	ssyncset.done @!p3 $0x0  }
0x4c: {  	s23 =	simm.s32 @!p4 $0x0;
	s3 =	simm.s32 @!p4 $0x100;
	s21 =	smov.u32 s0  }
0x4d: {  	s0 =	sadd.s32 $0x3, s0;
	[sflag:s22] =	ssyncadd.s32 @!p3 $0xFFFFF000;
	s22 =	simm.s32 @!p4 $0x2180  }
0x4e: {  	[tilespmem:s3], [sflag:$0x3] =	stream.linear.gather @!p4 [hbm4b:s15+s23], $0x80, $0x38;
	[tilespmem:$0x1B820] =	vst v63  }
0x4f: {  	p1 =	sne.s32 s0, $0xCB;
	s3 =	simm.s32 @!p2 $0x1;
	s15 =	smov.u32 s28  }
0x50: {  	[tilespmem:s22], [sflag:$0x3] =	stream.linear.gather @!p4 [hbm4b:s16+s23], $0x1000, $0x38;
	[tilespmem:$0x1B820] =	vst v63  }
0x51: {  	s16 =	smov.u32 s25;
	_ =	swait.ge @!p2 [sflag:s3], $0x80  }
0x52: {  	[sflag:s3] =	ssyncset.done @!p2 $0x0  }
0x53: {  	s22 =	simm.s32 @!p2 $0x180;
	s23 =	simm.s32 @!p2 $0x4;
	[sflag:s3] =	ssyncadd.s32 @!p2 $0xFFFFFF80  }
0x54: {  	s7 =	simm.s32 @!p2 $0x80;
	s8 =	simm.s32 @!p2 $0x0;
	_ =	swait.ge @!p2 [sflag:s3], $0x1000  }
0x55: {  	s9 =	sadd.s32 @!p2 $0xFFFFFFFE, s26;
	[sflag:s3] =	ssyncset.done @!p2 $0x0  }
0x56: {  	p3 =	sge.u32 @!p2 s9, s4;
	[sflag:s3] =	ssyncadd.s32 @!p2 $0xFFFFF000  }
0x57: {  	[spmem:s1] =	stream.indirect.scatter.add.f32 @!p2 [tilespmem:s22], [sflag:$0x4], $0x20, s8, s7, $0xb8;
	[tilespmem:$0x1B820] =	vst v63  }
0x58: {  	p3 =	por p3, p2;
	s3 =	sadd.s32 $0xFFFFFFFC, s26;
	_ =	swait.ge @!p2 [sflag:s23], $0x1000  }
0x59: {  	s7 =	simm.s32 @!p3 $0x0;
	[sflag:s23] =	ssyncset.done @!p2 $0x0  }
0x5a: {  	[sflag:s23] =	ssyncadd.s32 @!p2 $0xFFFFF000;
	p2 =	sge.u32 s3, s4  }
0x5b: {  	[tilespmem:s7], [sflag:$0x1] =	stream.linear.gather @!p3 [hbm4b:s31+s7], $0x80, $0x38;
	[tilespmem:$0x1B820] =	vst v63  }
0x5c: {  	s3 =	simm.s32 @!p3 $0x180;
	s8 =	simm.s32 @!p2 $0x2;
	s9 =	sadd.s32 @!p2 $0xFFFFFFFF, s26  }
0x5d: {  	[tilespmem:s3], [sflag:$0x1] =	stream.linear.gather @!p3 [hbm4b:s30+s7], $0x1000, $0x38;
	[tilespmem:$0x1B820] =	vst v63  }
0x5e: {  	p3 =	sge.u32 @!p2 s9, s4;
	_ =	swait.ge @!p2 [sflag:s8], $0x80  }
0x5f: {  	[sflag:s8] =	ssyncset.done @!p2 $0x0  }
0x60: {  	[sflag:s8] =	ssyncadd.s32 @!p2 $0xFFFFFF80  }
0x61: {  	s3 =	simm.s32 @!p2 $0x4;
	_ =	swait.ge @!p2 [sflag:s8], $0x1000  }
0x62: {  	s7 =	simm.s32 @!p2 $0x80;
	s9 =	simm.s32 @!p2 $0x1180;
	[sflag:s8] =	ssyncset.done @!p2 $0x0  }
0x63: {  	[sflag:s8] =	ssyncadd.s32 @!p2 $0xFFFFF000  }
0x64: {  	[spmem:s1] =	stream.indirect.scatter.add.f32 @!p2 [tilespmem:s9], [sflag:$0x4], $0x20, s7, s7, $0xb8;
	[tilespmem:$0x1B820] =	vst v63  }
0x65: {  	p4 =	por p3, p2;
	_ =	swait.ge @!p2 [sflag:s3], $0x1000  }
0x66: {  	s8 =	simm.s32 @!p4 $0x0;
	s7 =	sadd.s32 @!p4 $0xFFFFFFF0, s28;
	[sflag:s3] =	ssyncset.done @!p2 $0x0  }
0x67: {  	s9 =	sadd.s32 $0xFFFFFFFD, s26;
	[sflag:s3] =	ssyncadd.s32 @!p2 $0xFFFFF000;
	s3 =	simm.s32 @!p4 $0x80  }
0x68: {  	[tilespmem:s3], [sflag:$0x2] =	stream.linear.gather @!p4 [hbm4b:s7+s8], $0x80, $0x38;
	[tilespmem:$0x1B820] =	vst v63  }
0x69: {  	p3 =	sge.u32 s9, s4;
	s3 =	simm.s32 @!p4 $0x1180  }
0x6a: {  	[tilespmem:s3], [sflag:$0x2] =	stream.linear.gather @!p4 [hbm4b:s29+s8], $0x1000, $0x38;
	[tilespmem:$0x1B820] =	vst v63  }
0x6b: {  	s3 =	simm.s32 @!p3 $0x3;
	p4 =	sge.u32 @!p3 s26, s4;
	s26 =	smov.u32 s21  }
0x6c: {  	s25 =	sadd.s32 $0x600, s25;
	_ =	swait.ge @!p3 [sflag:s3], $0x80  }
0x6d: {  	s31 =	sadd.s32 $0x30, s31;
	s29 =	sadd.s32 $0x600, s29;
	[sflag:s3] =	ssyncset.done @!p3 $0x0  }
0x6e: {  	s30 =	sadd.s32 $0x600, s30;
	s28 =	sadd.s32 $0x30, s28;
	[sflag:s3] =	ssyncadd.s32 @!p3 $0xFFFFFF80  }
.Ltmp0:
0x6f: {  	s7 =	simm.s32 @!p3 $0x2180;
	_ =	swait.ge @!p3 [sflag:s3], $0x1000;
	(pc) =	sbr.rel @p1 .LBB2_2-.Ltmp0, $4  }
0x70: {  	s9 =	simm.s32 @!p3 $0x100;
	s8 =	simm.s32 @!p3 $0x80;
	[sflag:s3] =	ssyncset.done @!p3 $0x0  }
0x71: {  	s22 =	simm.s32 @!p3 $0x4;
	s21 =	sadd.s32 $0xFFFFFFFB, s26;
	[sflag:s3] =	ssyncadd.s32 @!p3 $0xFFFFF000  }
0x72: {  	[spmem:s1] =	stream.indirect.scatter.add.f32 @!p3 [tilespmem:s7], [sflag:$0x4], $0x20, s9, s8, $0xb8;
	[tilespmem:$0x1B820] =	vst v63  }
0x73: {  	p4 =	por p4, p3;
	p2 =	sge.u32 s21, s4;
	_ =	swait.ge @!p3 [sflag:s22], $0x1000  }
0x74: {  	[sflag:s22] =	ssyncset.done @!p3 $0x0  }
0x75: {  	s0 =	simm.s32 @!p4 $0x0;
	s3 =	simm.s32 @!p4 $0x100;
	[sflag:s22] =	ssyncadd.s32 @!p3 $0xFFFFF000  }
0x76: {  	[tilespmem:s3], [sflag:$0x3] =	stream.linear.gather @!p4 [hbm4b:s15+s0], $0x80, $0x38;
	[tilespmem:$0x1B820] =	vst v63  }
0x77: {  	s7 =	simm.s32 @!p2 $0x1;
	s3 =	simm.s32 @!p4 $0x2180  }
0x78: {  	[tilespmem:s3], [sflag:$0x3] =	stream.linear.gather @!p4 [hbm4b:s16+s0], $0x1000, $0x38;
	[tilespmem:$0x1B820] =	vst v63  }
0x79: {  	_ =	swait.ge @!p2 [sflag:s7], $0x80  }
0x7a: {  	[sflag:s7] =	ssyncset.done @!p2 $0x0  }
0x7b: {  	[sflag:s7] =	ssyncadd.s32 @!p2 $0xFFFFFF80  }
0x7c: {  	s8 =	simm.s32 @!p2 $0x80;
	_ =	swait.ge @!p2 [sflag:s7], $0x1000  }
0x7d: {  	s9 =	simm.s32 @!p2 $0x0;
	s15 =	sadd.s32 @!p2 $0xFFFFFFFE, s26;
	[sflag:s7] =	ssyncset.done @!p2 $0x0  }
0x7e: {  	s0 =	simm.s32 @!p2 $0x180;
	s3 =	simm.s32 @!p2 $0x4;
	[sflag:s7] =	ssyncadd.s32 @!p2 $0xFFFFF000  }
0x7f: {  	[spmem:s1] =	stream.indirect.scatter.add.f32 @!p2 [tilespmem:s0], [sflag:$0x4], $0x20, s9, s8, $0xb8;
	[tilespmem:$0x1B820] =	vst v63  }
0x80: {  	p1 =	sge.u32 @!p2 s15, s4;
	_ =	swait.ge @!p2 [sflag:s3], $0x1000  }
0x81: {  	s23 =	sadd.s32 $0xFFFFFFFC, s26;
	p3 =	por p1, p2;
	[sflag:s3] =	ssyncset.done @!p2 $0x0  }
0x82: {  	p1 =	sge.u32 s23, s4;
	s7 =	simm.s32 @!p3 $0x0;
	[sflag:s3] =	ssyncadd.s32 @!p2 $0xFFFFF000  }
0x83: {  	[tilespmem:s7], [sflag:$0x1] =	stream.linear.gather @!p3 [hbm4b:s31+s7], $0x80, $0x38;
	[tilespmem:$0x1B820] =	vst v63  }
0x84: {  	s0 =	simm.s32 @!p3 $0x180;
	s3 =	simm.s32 @!p1 $0x2  }
0x85: {  	[tilespmem:s0], [sflag:$0x1] =	stream.linear.gather @!p3 [hbm4b:s30+s7], $0x1000, $0x38;
	[tilespmem:$0x1B820] =	vst v63  }
0x86: {  	_ =	swait.ge @!p1 [sflag:s3], $0x80  }
0x87: {  	[sflag:s3] =	ssyncset.done @!p1 $0x0  }
0x88: {  	[sflag:s3] =	ssyncadd.s32 @!p1 $0xFFFFFF80  }
0x89: {  	s8 =	simm.s32 @!p1 $0x1180;
	_ =	swait.ge @!p1 [sflag:s3], $0x1000  }
0x8a: {  	s0 =	sadd.s32 @!p1 $0xFFFFFFFF, s26;
	s7 =	simm.s32 @!p1 $0x80;
	[sflag:s3] =	ssyncset.done @!p1 $0x0  }
0x8b: {  	p2 =	sge.u32 @!p1 s0, s4;
	s0 =	simm.s32 @!p1 $0x4;
	[sflag:s3] =	ssyncadd.s32 @!p1 $0xFFFFF000  }
0x8c: {  	[spmem:s1] =	stream.indirect.scatter.add.f32 @!p1 [tilespmem:s8], [sflag:$0x4], $0x20, s7, s7, $0xb8;
	[tilespmem:$0x1B820] =	vst v63  }
0x8d: {  	p2 =	por p2, p1;
	_ =	swait.ge @!p1 [sflag:s0], $0x1000  }
0x8e: {  	s31 =	sadd.s32 $0xFFFFFFFD, s26;
	s3 =	sadd.s32 @!p2 $0xFFFFFFF0, s28;
	[sflag:s0] =	ssyncset.done @!p1 $0x0  }
0x8f: {  	s7 =	simm.s32 @!p2 $0x0;
	[sflag:s0] =	ssyncadd.s32 @!p1 $0xFFFFF000;
	s0 =	simm.s32 @!p2 $0x80  }
0x90: {  	[tilespmem:s0], [sflag:$0x2] =	stream.linear.gather @!p2 [hbm4b:s3+s7], $0x80, $0x38;
	[tilespmem:$0x1B820] =	vst v63  }
0x91: {  	p1 =	sge.u32 s31, s4;
	s0 =	simm.s32 @!p2 $0x1180  }
0x92: {  	[tilespmem:s0], [sflag:$0x2] =	stream.linear.gather @!p2 [hbm4b:s29+s7], $0x1000, $0x38;
	[tilespmem:$0x1B820] =	vst v63  }
0x93: {  	s0 =	simm.s32 @!p1 $0x3  }
0x94: {  	_ =	swait.ge @!p1 [sflag:s0], $0x80  }
0x95: {  	[sflag:s0] =	ssyncset.done @!p1 $0x0  }
0x96: {  	[sflag:s0] =	ssyncadd.s32 @!p1 $0xFFFFFF80  }
0x97: {  	_ =	swait.ge @!p1 [sflag:s0], $0x1000  }
0x98: {  	s3 =	simm.s32 @!p1 $0x2180;
	s8 =	simm.s32 @!p1 $0x100;
	[sflag:s0] =	ssyncset.done @!p1 $0x0  }
0x99: {  	s7 =	simm.s32 @!p1 $0x80;
	[sflag:s0] =	ssyncadd.s32 @!p1 $0xFFFFF000;
	s0 =	simm.s32 @!p1 $0x4  }
0x9a: {  	[spmem:s1] =	stream.indirect.scatter.add.f32 @!p1 [tilespmem:s3], [sflag:$0x4], $0x20, s8, s7, $0xb8;
	[tilespmem:$0x1B820] =	vst v63  }
0x9b: {  	p2 =	sge.u32 @!p1 s26, s4;
	_ =	swait.ge @!p1 [sflag:s0], $0x1000  }
0x9c: {  	p2 =	por p2, p1;
	[sflag:s0] =	ssyncset.done @!p1 $0x0  }
0x9d: {  	s3 =	simm.s32 @!p2 $0x0;
	s7 =	simm.s32 @!p2 $0x100;
	[sflag:s0] =	ssyncadd.s32 @!p1 $0xFFFFF000  }
0x9e: {  	[tilespmem:s7], [sflag:$0x3] =	stream.linear.gather @!p2 [hbm4b:s28+s3], $0x80, $0x38;
	[tilespmem:$0x1B820] =	vst v63  }
0x9f: {  	s24 =	sadd.s32 $0x1, s24;
	s0 =	simm.s32 @!p2 $0x2180  }
0xa0: {  	[tilespmem:s0], [sflag:$0x3] =	stream.linear.gather @!p2 [hbm4b:s25+s3], $0x1000, $0x38;
	[tilespmem:$0x1B820] =	vst v63  }
0xa1: {  	p1 =	sne.s32 s24, s12;
	s0 =	simm.s32 @!p0 $0x1C04;
	[bflag:$0x0] =	sbarrier.arrive $0xFFFF  }
0xa2: {  	[hbm:s11], [sflag:s0] =	dma.local @!p0 [spmem:s18], $0x30D40  }
.Ltmp1:
0xa3: {  	_ = 	snop;
	(pc) =	sbr.rel @p1 .LBB2_1-.Ltmp1, $4  }
0xa4: {  	s0 =	simm.s32 @!p0 $0x4  }
0xa5: {  	_ =	swait.ge @!p0 [sflag:s0], $0x30D40  }
0xa6: {  	[sflag:s0] =	ssyncset.done @!p0 $0x0  }
0xa7: {  	[sflag:s0] =	ssyncadd.s32 @!p0 $0xFFFCF2C0  }
0xa8: {  	_ =	sfence.sel $0x180000  }
0xa9: {  	[bflag:$0x0] =	sbarrier.arrive $0xFFFF  }
0xaa: {  	_ =	strace $0x90000053  }
0xab: {  	[bflag:$0x2] =	sbarrier.arrive $0xFFFF  }
0xac: {  	s0 =	rddreg [dreg:$0x2]  }
0xad: {  	s0 =	sadd.s32 @!p0 $0x100000, s0  }
0xae: {  	[sflag:s0] =	ssyncadd.tile.s32 @!p0 $0x1;
	_ =	shalt  }
.Lfunc_end2:
_tile_overlayer_lowered:
.L_overlay_start_2:
0xaf: {  	(tag) =	ssettag $0x2  }
0xb0: {  	s0 =	rddreg [dreg:$0x0];
	s2 =	stileid.u32  }
0xb1: {  	s1 =	rddreg [dreg:$0x1];
	p0 =	sne.s32 s2, $0x0  }
0xb2: {  	s3 =	rddreg [dreg:$0x2];
	[bflag:$0x3] =	sbarrier.arrive $0xFFFF;
	s2 =	simm.s32 @!p0 $0x1C04  }
0xb3: {  	[timem:s3], [sflag:s2] =	dma.local @!p0 [hbm:s0], s1  }
0xb4: {  	s0 =	simm.s32 @!p0 $0x4  }
0xb5: {  	_ =	swait.ge @!p0 [sflag:s0], s1  }
0xb6: {  	s1 =	ssub.s32 @!p0 $0x0, s1;
	[sflag:s0] =	ssyncset.done @!p0 $0x0  }
0xb7: {  	[sflag:s0] =	ssyncadd.s32 @!p0 s1  }
0xb8: {  	[bflag:$0x3] =	sbarrier.arrive $0xFFFF  }
0xb9: {  	_ =	shalt  }

</sc_bundles>
